<compile_context>
chip_gen: v7x
topology: tpu7x:2x2x1
jax: 0.10.2.dev20260603
libtpu: 0.0.44.dev20260713+nightly
codegen_flags: <defaults>
</compile_context>

<pallas_src>
import functools

import jax
import jax.numpy as jnp
from jax import lax
from jax.experimental import pallas as pl
from jax.experimental.pallas import tpu as pltpu
from jax.experimental.pallas import tpu_sc as plsc

N = 10000
E = 320000
D = 128
H = 4
B = 10
NPG = N // B

NC = 2
NS = 16
NW = NC * NS
GP = 1024
NP = B * GP
GPH = GP * H
FH = NP * H
EPT = E // NW
CE = 2000
NCHUNK = EPT // CE

_mesh = plsc.VectorSubcoreMesh(core_axis_name="c", subcore_axis_name="s")


def _remap(n):
    g = (n.astype(jnp.float32) * jnp.float32(0.001)).astype(jnp.int32)
    return n + g * jnp.int32(GP - NPG)


@functools.partial(
    pl.kernel,
    out_type=jax.ShapeDtypeStruct((NW, NP), jnp.float32),
    mesh=_mesh,
    compiler_params=pltpu.CompilerParams(needs_layout_passes=False),
    scratch_types=[
        pltpu.VMEM((EPT,), jnp.int32),
        pltpu.VMEM((EPT,), jnp.float32),
        pltpu.VMEM((NP,), jnp.float32),
        pltpu.SemaphoreType.DMA,
        pltpu.SemaphoreType.DMA,
    ],
)
def _deg_kernel(eflat_hbm, w_hbm, out_hbm, col_v, w_v, deg_v, sem1, sem2):
    cid = lax.axis_index("c")
    sid = lax.axis_index("s")
    wid = cid * NS + sid
    base = wid * EPT
    cp1 = pltpu.async_copy(eflat_hbm.at[pl.ds(E + base, EPT)], col_v, sem1)
    cp2 = pltpu.async_copy(w_hbm.at[pl.ds(base, EPT)], w_v, sem2)

    zeros = jnp.zeros((16,), jnp.float32)

    @plsc.parallel_loop(0, NP // 16, 1, unroll=8)
    def _zero_i(i):
        deg_v[pl.ds(i * 16, 16)] = zeros

    cp1.wait()
    cp2.wait()

    @plsc.parallel_loop(0, EPT // 16, 1, unroll=4)
    def _edge_i(i):
        s = pl.ds(i * 16, 16)
        plsc.addupdate_scatter(deg_v, [_remap(col_v[s])], w_v[s])

    pltpu.sync_copy(deg_v, out_hbm.at[wid])


def _lin_body(x_ref, w1_ref, xl0_ref, xl1_ref, xl2_ref, xl3_ref):
    xlt = lax.dot_general(w1_ref[...], x_ref[...],
                          dimension_numbers=(((0,), (1,)), ((), ())),
                          preferred_element_type=jnp.float32)
    ztail = jnp.zeros((GP - NPG,), jnp.float32)
    for c, ref in enumerate((xl0_ref, xl1_ref, xl2_ref, xl3_ref)):
        ref[:NPG] = xlt[c, :NPG]
        ref[NPG:GP] = ztail
        ref[GP:GP + NPG] = xlt[c, NPG:]
        ref[GP + NPG:] = ztail


_lin_call = pl.pallas_call(
    _lin_body,
    grid=(B // 2,),
    in_specs=[
        pl.BlockSpec((2 * NPG, D), lambda g: (g, 0)),
        pl.BlockSpec((D, H), lambda g: (0, 0)),
    ],
    out_specs=(
        pl.BlockSpec((2 * GP,), lambda g: (g,)),
        pl.BlockSpec((2 * GP,), lambda g: (g,)),
        pl.BlockSpec((2 * GP,), lambda g: (g,)),
        pl.BlockSpec((2 * GP,), lambda g: (g,)),
    ),
    out_shape=(
        jax.ShapeDtypeStruct((NP,), jnp.float32),
        jax.ShapeDtypeStruct((NP,), jnp.float32),
        jax.ShapeDtypeStruct((NP,), jnp.float32),
        jax.ShapeDtypeStruct((NP,), jnp.float32),
    ),
)


def _dis_body(degp_ref, dis_ref):
    deg = jnp.sum(degp_ref[...], axis=0) + 1.0
    dis_ref[...] = lax.rsqrt(deg)


_dis_call = pl.pallas_call(
    _dis_body,
    out_shape=jax.ShapeDtypeStruct((NP,), jnp.float32),
)


@functools.partial(
    pl.kernel,
    out_type=jax.ShapeDtypeStruct((NW, FH), jnp.float32),
    mesh=_mesh,
    compiler_params=pltpu.CompilerParams(needs_layout_passes=False),
    scratch_types=[
        pltpu.VMEM((CE,), jnp.int32),
        pltpu.VMEM((CE,), jnp.int32),
        pltpu.VMEM((CE,), jnp.int32),
        pltpu.VMEM((CE,), jnp.int32),
        pltpu.VMEM((CE,), jnp.float32),
        pltpu.VMEM((CE,), jnp.float32),
        pltpu.VMEM((FH,), jnp.float32),
        pltpu.VMEM((NP,), jnp.float32),
        pltpu.VMEM((FH,), jnp.float32),
        pltpu.SemaphoreType.DMA,
        pltpu.SemaphoreType.DMA,
        pltpu.SemaphoreType.DMA,
        pltpu.SemaphoreType.DMA,
        pltpu.SemaphoreType.DMA,
    ],
)
def _msg_kernel(eflat_hbm, w_hbm, xl0_hbm, xl1_hbm, xl2_hbm, xl3_hbm,
                dis_hbm, out_hbm,
                row_v0, row_v1, col_v0, col_v1, w_v0, w_v1, xl_v, dis_v, h_v,
                semr, semc, semw, semx, semd):
    row_b = (row_v0, row_v1)
    col_b = (col_v0, col_v1)
    w_b = (w_v0, w_v1)
    cid = lax.axis_index("c")
    sid = lax.axis_index("s")
    wid = cid * NS + sid
    base = wid * EPT

    cpx = [
        pltpu.async_copy(plane, xl_v.at[pl.ds(c * NP, NP)], semx)
        for c, plane in enumerate((xl0_hbm, xl1_hbm, xl2_hbm, xl3_hbm))
    ]
    cpd = pltpu.async_copy(dis_hbm, dis_v, semd)

    def issue(ck, buf):
        cb = base + ck * CE
        return (
            pltpu.async_copy(eflat_hbm.at[pl.ds(cb, CE)], row_b[buf], semr),
            pltpu.async_copy(eflat_hbm.at[pl.ds(E + cb, CE)], col_b[buf], semc),
            pltpu.async_copy(w_hbm.at[pl.ds(cb, CE)], w_b[buf], semw),
        )

    pend = issue(0, 0)

    zeros = jnp.zeros((16,), jnp.float32)

    @plsc.parallel_loop(0, FH // 16, 1, unroll=8)
    def _zero_i(i):
        h_v[pl.ds(i * 16, 16)] = zeros

    for cp in cpx:
        cp.wait()
    cpd.wait()

    four = jnp.int32(4)

    def run_edges(buf):
        rv, cv, wvr = row_b[buf], col_b[buf], w_b[buf]

        @plsc.parallel_loop(0, CE // 16, 1, unroll=4)
        def _edge_i(i):
            s = pl.ds(i * 16, 16)
            r = _remap(rv[s])
            c = _remap(cv[s])
            wv = wvr[s]
            dr = plsc.load_gather(dis_v, [r])
            dc = plsc.load_gather(dis_v, [c])
            nrm = dr * wv * dc
            cb = c * four
            for comp in range(H):
                xv = plsc.load_gather(xl_v, [r + jnp.int32(comp * NP)])
                plsc.addupdate_scatter(h_v, [cb + comp], xv * nrm)

    for ck in range(NCHUNK):
        for cp in pend:
            cp.wait()
        if ck + 1 < NCHUNK:
            nxt = issue(ck + 1, (ck + 1) % 2)
        run_edges(ck % 2)
        if ck + 1 < NCHUNK:
            pend = nxt

    fb = sid * (FH // NS)
    iota = lax.iota(jnp.int32, 16)
    three = jnp.int32(3)

    @pl.when(cid == 0)
    def _selfloop():
        @plsc.parallel_loop(0, FH // NS // 16, 1, unroll=4)
        def _loop_j(j):
            off = fb + j * 16
            flat = off + iota
            node = flat >> 2
            comp = flat & three
            d = plsc.load_gather(dis_v, [node])
            xv = plsc.load_gather(xl_v, [node + comp * jnp.int32(NP)])
            s = pl.ds(off, 16)
            h_v[s] = h_v[s] + d * d * xv

    pltpu.sync_copy(h_v, out_hbm.at[wid])


def _head_body(hp_ref, b1_ref, wfc1_ref, bfc1_ref, wfc2_ref, bfc2_ref,
               out_ref, wp_ref):
    wp_ref[:NPG * H, :] = wfc1_ref[...]
    wp_ref[NPG * H:, :] = jnp.zeros((GPH - NPG * H, 32), jnp.float32)
    wsum = jnp.sum(wfc1_ref[...].reshape(NPG, H, 32), axis=0)
    beff = (jnp.dot(b1_ref[...], wsum, preferred_element_type=jnp.float32)
            + bfc1_ref[...])

    h = jnp.concatenate(
        [jnp.sum(hp_ref[:, g * GPH:(g + 1) * GPH], axis=0, keepdims=True)
         for g in range(B)], axis=0)
    a = jnp.dot(h, wp_ref[...], preferred_element_type=jnp.float32)
    a = jnp.maximum(a + beff, 0.0)
    out_ref[...] = jnp.dot(a, wfc2_ref[...],
                           preferred_element_type=jnp.float32) + bfc2_ref[...]


_head_call = pl.pallas_call(
    _head_body,
    out_shape=jax.ShapeDtypeStruct((B, 2), jnp.float32),
    scratch_shapes=[
        pltpu.VMEM((GPH, 32), jnp.float32),
    ],
)


def kernel(x, edge_index, edge_attr, y, adj, W1, b1, Wfc1, bfc1, Wfc2, bfc2):
    eflat = edge_index.reshape(2 * E)
    deg_p = _deg_kernel(eflat, edge_attr)
    xl0, xl1, xl2, xl3 = _lin_call(x, W1)
    dis = _dis_call(deg_p)
    h_p = _msg_kernel(eflat, edge_attr, xl0, xl1, xl2, xl3, dis)

    logits = _head_call(h_p, b1.reshape(1, H), Wfc1, bfc1.reshape(1, 32),
                        Wfc2, bfc2.reshape(1, 2))
    reg = jnp.zeros((1,), dtype=jnp.float32)
    return (logits, reg)

# --- scband reference (transcript-rebuilt; emitter-appended) ---
"""Pipeline reference for scband-sgcn-56805237457082 (READ-ONLY COPY).

The authoritative reference and input builder live on the scoring server;
editing this copy changes nothing except your own understanding.
"""

import jax, jax.numpy as jnp
import numpy as np

N = 10000
E = 320000
D = 128
H = 4
B = 10
NPG = N // B  # 1000 nodes per graph


def setup_inputs(seed: int = 0) -> dict:
    key = jax.random.key(seed)
    ks = jax.random.split(key, 12)
    x = jax.random.normal(ks[0], (N, D), dtype=jnp.float32)
    edge_index = jax.random.randint(ks[1], (2, E), 0, N, dtype=jnp.int32)
    edge_attr = jax.random.uniform(ks[2], (E,), dtype=jnp.float32)
    y = jax.random.randint(ks[3], (B,), 0, 2, dtype=jnp.int32)
    adj = jnp.zeros((NPG, NPG), dtype=jnp.float32)
    # GCNConv(D, 4): linear weight (no bias in lin), separate bias param
    W1 = jax.random.normal(ks[4], (D, H), dtype=jnp.float32) * 0.1
    b1 = jnp.zeros((H,), dtype=jnp.float32)
    # fc1: Linear(NPG*4, 32)
    Wfc1 = jax.random.normal(ks[5], (NPG * H, 32), dtype=jnp.float32) * 0.02
    bfc1 = jnp.zeros((32,), dtype=jnp.float32)
    # fc2: Linear(32, 2)
    Wfc2 = jax.random.normal(ks[6], (32, 2), dtype=jnp.float32) * 0.1
    bfc2 = jnp.zeros((2,), dtype=jnp.float32)
    return {"x": x, "edge_index": edge_index, "edge_attr": edge_attr, "y": y,
            "adj": adj, "W1": W1, "b1": b1, "Wfc1": Wfc1, "bfc1": bfc1,
            "Wfc2": Wfc2, "bfc2": bfc2}


def reference(x, edge_index, edge_attr, y, adj, W1, b1, Wfc1, bfc1, Wfc2, bfc2):
    # --- GCNConv(D, 4) with edge weights, add_self_loops=True, symmetric norm ---
    row = edge_index[0]
    col = edge_index[1]
    loop = jnp.arange(N, dtype=row.dtype)
    row2 = jnp.concatenate([row, loop])
    col2 = jnp.concatenate([col, loop])
    w2 = jnp.concatenate([edge_attr, jnp.ones((N,), dtype=edge_attr.dtype)])
    deg = jnp.zeros((N,), dtype=jnp.float32).at[col2].add(w2)
    deg_inv_sqrt = jnp.where(deg > 0, 1.0 / jnp.sqrt(deg), 0.0)
    norm = deg_inv_sqrt[row2] * w2 * deg_inv_sqrt[col2]
    x_lin = x @ W1                      # [N, 4]
    msg = x_lin[row2] * norm[:, None]   # gather over src nodes
    h = jnp.zeros((N, H), dtype=jnp.float32).at[col2].add(msg)  # scatter-add at dst
    h = h + b1
    # --- readout: view(B, -1) -> fc1 -> relu -> fc2 (dropout p=0 is identity) ---
    h = h.reshape(B, NPG * H)
    h = jax.nn.relu(h @ Wfc1 + bfc1)
    logits = h @ Wfc2 + bfc2
    reg = jnp.zeros((1,), dtype=jnp.float32)
    return (logits, reg)

if __name__ == "__main__":
    import jax
    _d = setup_inputs()
    print(jax.jit(kernel)(*tuple(_d.values())))

</pallas_src>

<mosaic_0001>
#map = affine_map<(d0, d1) -> (0)>
#map1 = affine_map<(d0, d1) -> (0, 0)>
module attributes {stable_mosaic.version = 14 : i64} {
  func.func @_deg_kernel(%arg0: i32, %arg1: i32, %arg2: memref<640000xi32, #tpu.memory_space<hbm>>, %arg3: memref<320000xf32, #tpu.memory_space<hbm>>, %arg4: memref<32x10240xf32, #tpu.memory_space<hbm>>, %arg5: memref<10000xi32, #tpu.memory_space<vmem>>, %arg6: memref<10000xf32, #tpu.memory_space<vmem>>, %arg7: memref<10240xf32, #tpu.memory_space<vmem>>, %arg8: memref<!tpu.dma_semaphore, #tpu.memory_space<semaphore_mem>>, %arg9: memref<!tpu.dma_semaphore, #tpu.memory_space<semaphore_mem>>) attributes {dimension_semantics = [#tpu.dimension_semantics<core_parallel>, #tpu.dimension_semantics<subcore_parallel>], iteration_bounds = array<i64: 2, 16>, scalar_prefetch = 0 : i64, scratch_operands = 5 : i64, tpu.core_type = #tpu.core_type<sc_vector_subcore>, window_params = [{transform_indices = #map}, {transform_indices = #map}, {transform_indices = #map1}]} {
    %mul3A = arith.constant 16 : i32
    %mul3A_0 = arith.muli %arg0, %mul3A : i32
    %add3A = arith.addi %mul3A_0, %arg1 : i32
    %mul3A_1 = arith.constant 10000 : i32
    %mul3A_2 = arith.muli %add3A, %mul3A_1 : i32
    %add3A_3 = arith.constant 320000 : i32
    %add3A_4 = arith.addi %add3A_3, %mul3A_2 : i32
    %dma_start3A = tpu.memref_slice %arg2[%add3A_4] : memref<640000xi32, #tpu.memory_space<hbm>> -> memref<10000xi32, #tpu.memory_space<hbm>>
    %dma_start3A_5 = tpu.memref_slice %arg2[%add3A_4] : memref<640000xi32, #tpu.memory_space<hbm>> -> memref<10000xi32, #tpu.memory_space<hbm>>
    tpu.enqueue_dma source(%dma_start3A_5 : memref<10000xi32, #tpu.memory_space<hbm>>) target(%arg5 : memref<10000xi32, #tpu.memory_space<vmem>>) target_semaphore(%arg8 : memref<!tpu.dma_semaphore, #tpu.memory_space<semaphore_mem>>)
    %dma_start3A_6 = tpu.memref_slice %arg3[%mul3A_2] : memref<320000xf32, #tpu.memory_space<hbm>> -> memref<10000xf32, #tpu.memory_space<hbm>>
    %dma_start3A_7 = tpu.memref_slice %arg3[%mul3A_2] : memref<320000xf32, #tpu.memory_space<hbm>> -> memref<10000xf32, #tpu.memory_space<hbm>>
    tpu.enqueue_dma source(%dma_start3A_7 : memref<10000xf32, #tpu.memory_space<hbm>>) target(%arg6 : memref<10000xf32, #tpu.memory_space<vmem>>) target_semaphore(%arg9 : memref<!tpu.dma_semaphore, #tpu.memory_space<semaphore_mem>>)
    %broadcast_in_dim3A = arith.constant 0.000000e+00 : f32
    %broadcast_in_dim3A_8 = vector.broadcast %broadcast_in_dim3A : f32 to vector<16xf32>
    %parallel_loop3A = arith.constant 0 : i32
    %parallel_loop3A_9 = arith.constant 640 : i32
    %parallel_loop3A_10 = arith.constant 1 : i32
    scf.for %parallel_loop3A_17 = %parallel_loop3A to %parallel_loop3A_9 step %parallel_loop3A_10  : i32 {
      %parallel_loop3A_18 = arith.constant 16 : i32
      %parallel_loop3A_19 = arith.muli %parallel_loop3A_17, %parallel_loop3A_18 : i32
      %parallel_loop3A_20 = arith.index_cast %parallel_loop3A_19 : i32 to index
      %parallel_loop3A_21 = tpu.vector_load %arg7[%parallel_loop3A_20] {strides = array<i32>} : memref<10240xf32, #tpu.memory_space<vmem>>, vector<16xf32>,
      tpu.vector_store %arg7[%parallel_loop3A_20], %broadcast_in_dim3A_8 {strides = array<i32>} : memref<10240xf32, #tpu.memory_space<vmem>>, vector<16xf32>,
    } {sc.loop_unroll_factor = 8 : i64, sc.parallel_access}
    %dma_wait3A = tpu.memref_slice %arg2[%add3A_4] : memref<640000xi32, #tpu.memory_space<hbm>> -> memref<10000xi32, #tpu.memory_space<hbm>>
    %dma_wait3A_11 = tpu.memref_slice %arg2[%add3A_4] : memref<640000xi32, #tpu.memory_space<hbm>> -> memref<10000xi32, #tpu.memory_space<hbm>>
    tpu.wait_dma2 semaphore(%arg8 : memref<!tpu.dma_semaphore, #tpu.memory_space<semaphore_mem>>) src(%dma_wait3A_11 : memref<10000xi32, #tpu.memory_space<hbm>>) dst(%arg5 : memref<10000xi32, #tpu.memory_space<vmem>>)
    %dma_wait3A_12 = tpu.memref_slice %arg3[%mul3A_2] : memref<320000xf32, #tpu.memory_space<hbm>> -> memref<10000xf32, #tpu.memory_space<hbm>>
    %dma_wait3A_13 = tpu.memref_slice %arg3[%mul3A_2] : memref<320000xf32, #tpu.memory_space<hbm>> -> memref<10000xf32, #tpu.memory_space<hbm>>
    tpu.wait_dma2 semaphore(%arg9 : memref<!tpu.dma_semaphore, #tpu.memory_space<semaphore_mem>>) src(%dma_wait3A_13 : memref<10000xf32, #tpu.memory_space<hbm>>) dst(%arg6 : memref<10000xf32, #tpu.memory_space<vmem>>)
    %parallel_loop3A_14 = arith.constant 0 : i32
    %parallel_loop3A_15 = arith.constant 625 : i32
    %parallel_loop3A_16 = arith.constant 1 : i32
    scf.for %parallel_loop3A_17 = %parallel_loop3A_14 to %parallel_loop3A_15 step %parallel_loop3A_16  : i32 {
      %parallel_loop3A_18 = arith.constant 16 : i32
      %parallel_loop3A_19 = arith.muli %parallel_loop3A_17, %parallel_loop3A_18 : i32
      %parallel_loop3A_20 = arith.index_cast %parallel_loop3A_19 : i32 to index
      %parallel_loop3A_21 = tpu.vector_load %arg5[%parallel_loop3A_20] {strides = array<i32>} : memref<10000xi32, #tpu.memory_space<vmem>>, vector<16xi32>,
      %parallel_loop3A_22 = arith.sitofp %parallel_loop3A_21 : vector<16xi32> to vector<16xf32>
      %parallel_loop3A_23 = arith.constant 1.000000e-03 : f32
      %parallel_loop3A_24 = vector.broadcast %parallel_loop3A_23 : f32 to vector<16xf32>
      %parallel_loop3A_25 = arith.mulf %parallel_loop3A_22, %parallel_loop3A_24 : vector<16xf32>
      %parallel_loop3A_26 = arith.fptosi %parallel_loop3A_25 : vector<16xf32> to vector<16xi32>
      %parallel_loop3A_27 = arith.constant 24 : i32
      %parallel_loop3A_28 = vector.broadcast %parallel_loop3A_27 : i32 to vector<16xi32>
      %parallel_loop3A_29 = arith.muli %parallel_loop3A_26, %parallel_loop3A_28 : vector<16xi32>
      %parallel_loop3A_30 = arith.addi %parallel_loop3A_21, %parallel_loop3A_29 : vector<16xi32>
      %parallel_loop3A_31 = arith.index_cast %parallel_loop3A_19 : i32 to index
      %parallel_loop3A_32 = tpu.vector_load %arg6[%parallel_loop3A_31] {strides = array<i32>} : memref<10000xf32, #tpu.memory_space<vmem>>, vector<16xf32>,
      tpu.vector_store_idx %arg7[%parallel_loop3A_30], %parallel_loop3A_32 {add = true} : memref<10240xf32, #tpu.memory_space<vmem>>[vector<16xi32>], vector<16xf32>,
    } {sc.loop_unroll_factor = 4 : i64, sc.parallel_access}
    "tpu.region"() ({
      %run_scoped3A = tpu.sem_alloc : memref<!tpu.dma_semaphore, #tpu.memory_space<semaphore_mem>>
      %dma_start3A_17 = arith.constant 0 : i32
      %dma_start3A_18 = tpu.memref_slice %arg4[%add3A, %dma_start3A_17] : memref<32x10240xf32, #tpu.memory_space<hbm>> -> memref<1x10240xf32, #tpu.memory_space<hbm>>
      %dma_start3A_19 = tpu.memref_squeeze %dma_start3A_18 : memref<1x10240xf32, #tpu.memory_space<hbm>> -> memref<10240xf32, #tpu.memory_space<hbm>>
      %dma_start3A_20 = arith.constant 0 : i32
      %dma_start3A_21 = tpu.memref_slice %arg4[%add3A, %dma_start3A_20] : memref<32x10240xf32, #tpu.memory_space<hbm>> -> memref<1x10240xf32, #tpu.memory_space<hbm>>
      %dma_start3A_22 = tpu.memref_squeeze %dma_start3A_21 : memref<1x10240xf32, #tpu.memory_space<hbm>> -> memref<10240xf32, #tpu.memory_space<hbm>>
      tpu.enqueue_dma source(%arg7 : memref<10240xf32, #tpu.memory_space<vmem>>) target(%dma_start3A_22 : memref<10240xf32, #tpu.memory_space<hbm>>) target_semaphore(%run_scoped3A : memref<!tpu.dma_semaphore, #tpu.memory_space<semaphore_mem>>)
      %dma_wait3A_23 = arith.constant 0 : i32
      %dma_wait3A_24 = tpu.memref_slice %arg4[%add3A, %dma_wait3A_23] : memref<32x10240xf32, #tpu.memory_space<hbm>> -> memref<1x10240xf32, #tpu.memory_space<hbm>>
      %dma_wait3A_25 = tpu.memref_squeeze %dma_wait3A_24 : memref<1x10240xf32, #tpu.memory_space<hbm>> -> memref<10240xf32, #tpu.memory_space<hbm>>
      %dma_wait3A_26 = arith.constant 0 : i32
      %dma_wait3A_27 = tpu.memref_slice %arg4[%add3A, %dma_wait3A_26] : memref<32x10240xf32, #tpu.memory_space<hbm>> -> memref<1x10240xf32, #tpu.memory_space<hbm>>
      %dma_wait3A_28 = tpu.memref_squeeze %dma_wait3A_27 : memref<1x10240xf32, #tpu.memory_space<hbm>> -> memref<10240xf32, #tpu.memory_space<hbm>>
      tpu.wait_dma2 semaphore(%run_scoped3A : memref<!tpu.dma_semaphore, #tpu.memory_space<semaphore_mem>>) src(%arg7 : memref<10240xf32, #tpu.memory_space<vmem>>) dst(%dma_wait3A_28 : memref<10240xf32, #tpu.memory_space<hbm>>)
      tpu.yield
    }) : () -> ()
    return
  }
}

#map = affine_map<(d0, d1) -> (0)>
#map1 = affine_map<(d0, d1) -> (0, 0)>
module attributes {stable_mosaic.version = 14 : i64} {
  func.func @_msg_kernel(%arg0: i32, %arg1: i32, %arg2: memref<640000xi32, #tpu.memory_space<hbm>>, %arg3: memref<320000xf32, #tpu.memory_space<hbm>>, %arg4: memref<10240xf32, #tpu.memory_space<hbm>>, %arg5: memref<10240xf32, #tpu.memory_space<hbm>>, %arg6: memref<10240xf32, #tpu.memory_space<hbm>>, %arg7: memref<10240xf32, #tpu.memory_space<hbm>>, %arg8: memref<10240xf32, #tpu.memory_space<hbm>>, %arg9: memref<32x40960xf32, #tpu.memory_space<hbm>>, %arg10: memref<2000xi32, #tpu.memory_space<vmem>>, %arg11: memref<2000xi32, #tpu.memory_space<vmem>>, %arg12: memref<2000xi32, #tpu.memory_space<vmem>>, %arg13: memref<2000xi32, #tpu.memory_space<vmem>>, %arg14: memref<2000xf32, #tpu.memory_space<vmem>>, %arg15: memref<2000xf32, #tpu.memory_space<vmem>>, %arg16: memref<40960xf32, #tpu.memory_space<vmem>>, %arg17: memref<10240xf32, #tpu.memory_space<vmem>>, %arg18: memref<40960xf32, #tpu.memory_space<vmem>>, %arg19: memref<!tpu.dma_semaphore, #tpu.memory_space<semaphore_mem>>, %arg20: memref<!tpu.dma_semaphore, #tpu.memory_space<semaphore_mem>>, %arg21: memref<!tpu.dma_semaphore, #tpu.memory_space<semaphore_mem>>, %arg22: memref<!tpu.dma_semaphore, #tpu.memory_space<semaphore_mem>>, %arg23: memref<!tpu.dma_semaphore, #tpu.memory_space<semaphore_mem>>) attributes {dimension_semantics = [#tpu.dimension_semantics<core_parallel>, #tpu.dimension_semantics<subcore_parallel>], iteration_bounds = array<i64: 2, 16>, scalar_prefetch = 0 : i64, scratch_operands = 14 : i64, tpu.core_type = #tpu.core_type<sc_vector_subcore>, window_params = [{transform_indices = #map}, {transform_indices = #map}, {transform_indices = #map}, {transform_indices = #map}, {transform_indices = #map}, {transform_indices = #map}, {transform_indices = #map}, {transform_indices = #map1}]} {
    %mul3A = arith.constant 16 : i32
    %mul3A_0 = arith.muli %arg0, %mul3A : i32
    %add3A = arith.addi %mul3A_0, %arg1 : i32
    %mul3A_1 = arith.constant 10000 : i32
    %mul3A_2 = arith.muli %add3A, %mul3A_1 : i32
    %dma_start3A = arith.constant 0 : i32
    %dma_start3A_3 = tpu.memref_slice %arg16[%dma_start3A] : memref<40960xf32, #tpu.memory_space<vmem>> -> memref<10240xf32, #tpu.memory_space<vmem>>
    %dma_start3A_4 = arith.constant 0 : i32
    %dma_start3A_5 = tpu.memref_slice %arg16[%dma_start3A_4] : memref<40960xf32, #tpu.memory_space<vmem>> -> memref<10240xf32, #tpu.memory_space<vmem>>
    tpu.enqueue_dma source(%arg4 : memref<10240xf32, #tpu.memory_space<hbm>>) target(%dma_start3A_5 : memref<10240xf32, #tpu.memory_space<vmem>>) target_semaphore(%arg22 : memref<!tpu.dma_semaphore, #tpu.memory_space<semaphore_mem>>)
    %dma_start3A_6 = arith.constant 10240 : i32
    %dma_start3A_7 = tpu.memref_slice %arg16[%dma_start3A_6] : memref<40960xf32, #tpu.memory_space<vmem>> -> memref<10240xf32, #tpu.memory_space<vmem>>
    %dma_start3A_8 = arith.constant 10240 : i32
    %dma_start3A_9 = tpu.memref_slice %arg16[%dma_start3A_8] : memref<40960xf32, #tpu.memory_space<vmem>> -> memref<10240xf32, #tpu.memory_space<vmem>>
    tpu.enqueue_dma source(%arg5 : memref<10240xf32, #tpu.memory_space<hbm>>) target(%dma_start3A_9 : memref<10240xf32, #tpu.memory_space<vmem>>) target_semaphore(%arg22 : memref<!tpu.dma_semaphore, #tpu.memory_space<semaphore_mem>>)
    %dma_start3A_10 = arith.constant 20480 : i32
    %dma_start3A_11 = tpu.memref_slice %arg16[%dma_start3A_10] : memref<40960xf32, #tpu.memory_space<vmem>> -> memref<10240xf32, #tpu.memory_space<vmem>>
    %dma_start3A_12 = arith.constant 20480 : i32
    %dma_start3A_13 = tpu.memref_slice %arg16[%dma_start3A_12] : memref<40960xf32, #tpu.memory_space<vmem>> -> memref<10240xf32, #tpu.memory_space<vmem>>
    tpu.enqueue_dma source(%arg6 : memref<10240xf32, #tpu.memory_space<hbm>>) target(%dma_start3A_13 : memref<10240xf32, #tpu.memory_space<vmem>>) target_semaphore(%arg22 : memref<!tpu.dma_semaphore, #tpu.memory_space<semaphore_mem>>)
    %dma_start3A_14 = arith.constant 30720 : i32
    %dma_start3A_15 = tpu.memref_slice %arg16[%dma_start3A_14] : memref<40960xf32, #tpu.memory_space<vmem>> -> memref<10240xf32, #tpu.memory_space<vmem>>
    %dma_start3A_16 = arith.constant 30720 : i32
    %dma_start3A_17 = tpu.memref_slice %arg16[%dma_start3A_16] : memref<40960xf32, #tpu.memory_space<vmem>> -> memref<10240xf32, #tpu.memory_space<vmem>>
    tpu.enqueue_dma source(%arg7 : memref<10240xf32, #tpu.memory_space<hbm>>) target(%dma_start3A_17 : memref<10240xf32, #tpu.memory_space<vmem>>) target_semaphore(%arg22 : memref<!tpu.dma_semaphore, #tpu.memory_space<semaphore_mem>>)
    tpu.enqueue_dma source(%arg8 : memref<10240xf32, #tpu.memory_space<hbm>>) target(%arg17 : memref<10240xf32, #tpu.memory_space<vmem>>) target_semaphore(%arg23 : memref<!tpu.dma_semaphore, #tpu.memory_space<semaphore_mem>>)
    %add3A_18 = arith.constant 0 : i32
    %add3A_19 = arith.addi %mul3A_2, %add3A_18 : i32
    %dma_start3A_20 = tpu.memref_slice %arg2[%add3A_19] : memref<640000xi32, #tpu.memory_space<hbm>> -> memref<2000xi32, #tpu.memory_space<hbm>>
    %dma_start3A_21 = tpu.memref_slice %arg2[%add3A_19] : memref<640000xi32, #tpu.memory_space<hbm>> -> memref<2000xi32, #tpu.memory_space<hbm>>
    tpu.enqueue_dma source(%dma_start3A_21 : memref<2000xi32, #tpu.memory_space<hbm>>) target(%arg10 : memref<2000xi32, #tpu.memory_space<vmem>>) target_semaphore(%arg19 : memref<!tpu.dma_semaphore, #tpu.memory_space<semaphore_mem>>)
    %add3A_22 = arith.constant 320000 : i32
    %add3A_23 = arith.addi %add3A_22, %add3A_19 : i32
    %dma_start3A_24 = tpu.memref_slice %arg2[%add3A_23] : memref<640000xi32, #tpu.memory_space<hbm>> -> memref<2000xi32, #tpu.memory_space<hbm>>
    %dma_start3A_25 = tpu.memref_slice %arg2[%add3A_23] : memref<640000xi32, #tpu.memory_space<hbm>> -> memref<2000xi32, #tpu.memory_space<hbm>>
    tpu.enqueue_dma source(%dma_start3A_25 : memref<2000xi32, #tpu.memory_space<hbm>>) target(%arg12 : memref<2000xi32, #tpu.memory_space<vmem>>) target_semaphore(%arg20 : memref<!tpu.dma_semaphore, #tpu.memory_space<semaphore_mem>>)
    %dma_start3A_26 = tpu.memref_slice %arg3[%add3A_19] : memref<320000xf32, #tpu.memory_space<hbm>> -> memref<2000xf32, #tpu.memory_space<hbm>>
    %dma_start3A_27 = tpu.memref_slice %arg3[%add3A_19] : memref<320000xf32, #tpu.memory_space<hbm>> -> memref<2000xf32, #tpu.memory_space<hbm>>
    tpu.enqueue_dma source(%dma_start3A_27 : memref<2000xf32, #tpu.memory_space<hbm>>) target(%arg14 : memref<2000xf32, #tpu.memory_space<vmem>>) target_semaphore(%arg21 : memref<!tpu.dma_semaphore, #tpu.memory_space<semaphore_mem>>)
    %broadcast_in_dim3A = arith.constant 0.000000e+00 : f32
    %broadcast_in_dim3A_28 = vector.broadcast %broadcast_in_dim3A : f32 to vector<16xf32>
    %parallel_loop3A = arith.constant 0 : i32
    %parallel_loop3A_29 = arith.constant 2560 : i32
    %parallel_loop3A_30 = arith.constant 1 : i32
    scf.for %parallel_loop3A_141 = %parallel_loop3A to %parallel_loop3A_29 step %parallel_loop3A_30  : i32 {
      %parallel_loop3A_142 = arith.constant 16 : i32
      %parallel_loop3A_143 = arith.muli %parallel_loop3A_141, %parallel_loop3A_142 : i32
      %parallel_loop3A_144 = arith.index_cast %parallel_loop3A_143 : i32 to index
      %parallel_loop3A_145 = tpu.vector_load %arg18[%parallel_loop3A_144] {strides = array<i32>} : memref<40960xf32, #tpu.memory_space<vmem>>, vector<16xf32>,
      tpu.vector_store %arg18[%parallel_loop3A_144], %broadcast_in_dim3A_28 {strides = array<i32>} : memref<40960xf32, #tpu.memory_space<vmem>>, vector<16xf32>,
    } {sc.loop_unroll_factor = 8 : i64, sc.parallel_access}
    %dma_wait3A = arith.constant 0 : i32
    %dma_wait3A_31 = tpu.memref_slice %arg16[%dma_wait3A] : memref<40960xf32, #tpu.memory_space<vmem>> -> memref<10240xf32, #tpu.memory_space<vmem>>
    %dma_wait3A_32 = arith.constant 0 : i32
    %dma_wait3A_33 = tpu.memref_slice %arg16[%dma_wait3A_32] : memref<40960xf32, #tpu.memory_space<vmem>> -> memref<10240xf32, #tpu.memory_space<vmem>>
    tpu.wait_dma2 semaphore(%arg22 : memref<!tpu.dma_semaphore, #tpu.memory_space<semaphore_mem>>) src(%arg4 : memref<10240xf32, #tpu.memory_space<hbm>>) dst(%dma_wait3A_33 : memref<10240xf32, #tpu.memory_space<vmem>>)
    %dma_wait3A_34 = arith.constant 10240 : i32
    %dma_wait3A_35 = tpu.memref_slice %arg16[%dma_wait3A_34] : memref<40960xf32, #tpu.memory_space<vmem>> -> memref<10240xf32, #tpu.memory_space<vmem>>
    %dma_wait3A_36 = arith.constant 10240 : i32
    %dma_wait3A_37 = tpu.memref_slice %arg16[%dma_wait3A_36] : memref<40960xf32, #tpu.memory_space<vmem>> -> memref<10240xf32, #tpu.memory_space<vmem>>
    tpu.wait_dma2 semaphore(%arg22 : memref<!tpu.dma_semaphore, #tpu.memory_space<semaphore_mem>>) src(%arg5 : memref<10240xf32, #tpu.memory_space<hbm>>) dst(%dma_wait3A_37 : memref<10240xf32, #tpu.memory_space<vmem>>)
    %dma_wait3A_38 = arith.constant 20480 : i32
    %dma_wait3A_39 = tpu.memref_slice %arg16[%dma_wait3A_38] : memref<40960xf32, #tpu.memory_space<vmem>> -> memref<10240xf32, #tpu.memory_space<vmem>>
    %dma_wait3A_40 = arith.constant 20480 : i32
    %dma_wait3A_41 = tpu.memref_slice %arg16[%dma_wait3A_40] : memref<40960xf32, #tpu.memory_space<vmem>> -> memref<10240xf32, #tpu.memory_space<vmem>>
    tpu.wait_dma2 semaphore(%arg22 : memref<!tpu.dma_semaphore, #tpu.memory_space<semaphore_mem>>) src(%arg6 : memref<10240xf32, #tpu.memory_space<hbm>>) dst(%dma_wait3A_41 : memref<10240xf32, #tpu.memory_space<vmem>>)
    %dma_wait3A_42 = arith.constant 30720 : i32
    %dma_wait3A_43 = tpu.memref_slice %arg16[%dma_wait3A_42] : memref<40960xf32, #tpu.memory_space<vmem>> -> memref<10240xf32, #tpu.memory_space<vmem>>
    %dma_wait3A_44 = arith.constant 30720 : i32
    %dma_wait3A_45 = tpu.memref_slice %arg16[%dma_wait3A_44] : memref<40960xf32, #tpu.memory_space<vmem>> -> memref<10240xf32, #tpu.memory_space<vmem>>
    tpu.wait_dma2 semaphore(%arg22 : memref<!tpu.dma_semaphore, #tpu.memory_space<semaphore_mem>>) src(%arg7 : memref<10240xf32, #tpu.memory_space<hbm>>) dst(%dma_wait3A_45 : memref<10240xf32, #tpu.memory_space<vmem>>)
    tpu.wait_dma2 semaphore(%arg23 : memref<!tpu.dma_semaphore, #tpu.memory_space<semaphore_mem>>) src(%arg8 : memref<10240xf32, #tpu.memory_space<hbm>>) dst(%arg17 : memref<10240xf32, #tpu.memory_space<vmem>>)
    %dma_wait3A_46 = tpu.memref_slice %arg2[%add3A_19] : memref<640000xi32, #tpu.memory_space<hbm>> -> memref<2000xi32, #tpu.memory_space<hbm>>
    %dma_wait3A_47 = tpu.memref_slice %arg2[%add3A_19] : memref<640000xi32, #tpu.memory_space<hbm>> -> memref<2000xi32, #tpu.memory_space<hbm>>
    tpu.wait_dma2 semaphore(%arg19 : memref<!tpu.dma_semaphore, #tpu.memory_space<semaphore_mem>>) src(%dma_wait3A_47 : memref<2000xi32, #tpu.memory_space<hbm>>) dst(%arg10 : memref<2000xi32, #tpu.memory_space<vmem>>)
    %dma_wait3A_48 = tpu.memref_slice %arg2[%add3A_23] : memref<640000xi32, #tpu.memory_space<hbm>> -> memref<2000xi32, #tpu.memory_space<hbm>>
    %dma_wait3A_49 = tpu.memref_slice %arg2[%add3A_23] : memref<640000xi32, #tpu.memory_space<hbm>> -> memref<2000xi32, #tpu.memory_space<hbm>>
    tpu.wait_dma2 semaphore(%arg20 : memref<!tpu.dma_semaphore, #tpu.memory_space<semaphore_mem>>) src(%dma_wait3A_49 : memref<2000xi32, #tpu.memory_space<hbm>>) dst(%arg12 : memref<2000xi32, #tpu.memory_space<vmem>>)
    %dma_wait3A_50 = tpu.memref_slice %arg3[%add3A_19] : memref<320000xf32, #tpu.memory_space<hbm>> -> memref<2000xf32, #tpu.memory_space<hbm>>
    %dma_wait3A_51 = tpu.memref_slice %arg3[%add3A_19] : memref<320000xf32, #tpu.memory_space<hbm>> -> memref<2000xf32, #tpu.memory_space<hbm>>
    tpu.wait_dma2 semaphore(%arg21 : memref<!tpu.dma_semaphore, #tpu.memory_space<semaphore_mem>>) src(%dma_wait3A_51 : memref<2000xf32, #tpu.memory_space<hbm>>) dst(%arg14 : memref<2000xf32, #tpu.memory_space<vmem>>)
    %add3A_52 = arith.constant 2000 : i32
    %add3A_53 = arith.addi %mul3A_2, %add3A_52 : i32
    %dma_start3A_54 = tpu.memref_slice %arg2[%add3A_53] : memref<640000xi32, #tpu.memory_space<hbm>> -> memref<2000xi32, #tpu.memory_space<hbm>>
    %dma_start3A_55 = tpu.memref_slice %arg2[%add3A_53] : memref<640000xi32, #tpu.memory_space<hbm>> -> memref<2000xi32, #tpu.memory_space<hbm>>
    tpu.enqueue_dma source(%dma_start3A_55 : memref<2000xi32, #tpu.memory_space<hbm>>) target(%arg11 : memref<2000xi32, #tpu.memory_space<vmem>>) target_semaphore(%arg19 : memref<!tpu.dma_semaphore, #tpu.memory_space<semaphore_mem>>)
    %add3A_56 = arith.constant 320000 : i32
    %add3A_57 = arith.addi %add3A_56, %add3A_53 : i32
    %dma_start3A_58 = tpu.memref_slice %arg2[%add3A_57] : memref<640000xi32, #tpu.memory_space<hbm>> -> memref<2000xi32, #tpu.memory_space<hbm>>
    %dma_start3A_59 = tpu.memref_slice %arg2[%add3A_57] : memref<640000xi32, #tpu.memory_space<hbm>> -> memref<2000xi32, #tpu.memory_space<hbm>>
    tpu.enqueue_dma source(%dma_start3A_59 : memref<2000xi32, #tpu.memory_space<hbm>>) target(%arg13 : memref<2000xi32, #tpu.memory_space<vmem>>) target_semaphore(%arg20 : memref<!tpu.dma_semaphore, #tpu.memory_space<semaphore_mem>>)
    %dma_start3A_60 = tpu.memref_slice %arg3[%add3A_53] : memref<320000xf32, #tpu.memory_space<hbm>> -> memref<2000xf32, #tpu.memory_space<hbm>>
    %dma_start3A_61 = tpu.memref_slice %arg3[%add3A_53] : memref<320000xf32, #tpu.memory_space<hbm>> -> memref<2000xf32, #tpu.memory_space<hbm>>
    tpu.enqueue_dma source(%dma_start3A_61 : memref<2000xf32, #tpu.memory_space<hbm>>) target(%arg15 : memref<2000xf32, #tpu.memory_space<vmem>>) target_semaphore(%arg21 : memref<!tpu.dma_semaphore, #tpu.memory_space<semaphore_mem>>)
    %parallel_loop3A_62 = arith.constant 0 : i32
    %parallel_loop3A_63 = arith.constant 125 : i32
    %parallel_loop3A_64 = arith.constant 1 : i32
    %parallel_loop3A_65 = arith.constant 4 : i32
    scf.for %parallel_loop3A_141 = %parallel_loop3A_62 to %parallel_loop3A_63 step %parallel_loop3A_64  : i32 {
      %parallel_loop3A_142 = arith.constant 16 : i32
      %parallel_loop3A_143 = arith.muli %parallel_loop3A_141, %parallel_loop3A_142 : i32
      %parallel_loop3A_144 = arith.index_cast %parallel_loop3A_143 : i32 to index
      %parallel_loop3A_145 = tpu.vector_load %arg10[%parallel_loop3A_144] {strides = array<i32>} : memref<2000xi32, #tpu.memory_space<vmem>>, vector<16xi32>,
      %parallel_loop3A_146 = arith.sitofp %parallel_loop3A_145 : vector<16xi32> to vector<16xf32>
      %parallel_loop3A_147 = arith.constant 1.000000e-03 : f32
      %parallel_loop3A_148 = vector.broadcast %parallel_loop3A_147 : f32 to vector<16xf32>
      %parallel_loop3A_149 = arith.mulf %parallel_loop3A_146, %parallel_loop3A_148 : vector<16xf32>
      %parallel_loop3A_150 = arith.fptosi %parallel_loop3A_149 : vector<16xf32> to vector<16xi32>
      %parallel_loop3A_151 = arith.constant 24 : i32
      %parallel_loop3A_152 = vector.broadcast %parallel_loop3A_151 : i32 to vector<16xi32>
      %parallel_loop3A_153 = arith.muli %parallel_loop3A_150, %parallel_loop3A_152 : vector<16xi32>
      %parallel_loop3A_154 = arith.addi %parallel_loop3A_145, %parallel_loop3A_153 : vector<16xi32>
      %parallel_loop3A_155 = arith.index_cast %parallel_loop3A_143 : i32 to index
      %parallel_loop3A_156 = tpu.vector_load %arg12[%parallel_loop3A_155] {strides = array<i32>} : memref<2000xi32, #tpu.memory_space<vmem>>, vector<16xi32>,
      %parallel_loop3A_157 = arith.sitofp %parallel_loop3A_156 : vector<16xi32> to vector<16xf32>
      %parallel_loop3A_158 = arith.constant 1.000000e-03 : f32
      %parallel_loop3A_159 = vector.broadcast %parallel_loop3A_158 : f32 to vector<16xf32>
      %parallel_loop3A_160 = arith.mulf %parallel_loop3A_157, %parallel_loop3A_159 : vector<16xf32>
      %parallel_loop3A_161 = arith.fptosi %parallel_loop3A_160 : vector<16xf32> to vector<16xi32>
      %parallel_loop3A_162 = arith.constant 24 : i32
      %parallel_loop3A_163 = vector.broadcast %parallel_loop3A_162 : i32 to vector<16xi32>
      %parallel_loop3A_164 = arith.muli %parallel_loop3A_161, %parallel_loop3A_163 : vector<16xi32>
      %parallel_loop3A_165 = arith.addi %parallel_loop3A_156, %parallel_loop3A_164 : vector<16xi32>
      %parallel_loop3A_166 = arith.index_cast %parallel_loop3A_143 : i32 to index
      %parallel_loop3A_167 = tpu.vector_load %arg14[%parallel_loop3A_166] {strides = array<i32>} : memref<2000xf32, #tpu.memory_space<vmem>>, vector<16xf32>,
      %parallel_loop3A_168 = tpu.vector_load_idx %arg17[%parallel_loop3A_154] : memref<10240xf32, #tpu.memory_space<vmem>>[vector<16xi32>], vector<16xf32>,
      %parallel_loop3A_169 = tpu.vector_load_idx %arg17[%parallel_loop3A_165] : memref<10240xf32, #tpu.memory_space<vmem>>[vector<16xi32>], vector<16xf32>,
      %parallel_loop3A_170 = arith.mulf %parallel_loop3A_168, %parallel_loop3A_167 : vector<16xf32>
      %parallel_loop3A_171 = arith.mulf %parallel_loop3A_170, %parallel_loop3A_169 : vector<16xf32>
      %parallel_loop3A_172 = vector.broadcast %parallel_loop3A_65 : i32 to vector<16xi32>
      %parallel_loop3A_173 = arith.muli %parallel_loop3A_165, %parallel_loop3A_172 : vector<16xi32>
      %parallel_loop3A_174 = arith.constant 0 : i32
      %parallel_loop3A_175 = vector.broadcast %parallel_loop3A_174 : i32 to vector<16xi32>
      %parallel_loop3A_176 = arith.addi %parallel_loop3A_154, %parallel_loop3A_175 : vector<16xi32>
      %parallel_loop3A_177 = tpu.vector_load_idx %arg16[%parallel_loop3A_176] : memref<40960xf32, #tpu.memory_space<vmem>>[vector<16xi32>], vector<16xf32>,
      %parallel_loop3A_178 = arith.constant 0 : i32
      %parallel_loop3A_179 = vector.broadcast %parallel_loop3A_178 : i32 to vector<16xi32>
      %parallel_loop3A_180 = arith.addi %parallel_loop3A_173, %parallel_loop3A_179 : vector<16xi32>
      %parallel_loop3A_181 = arith.mulf %parallel_loop3A_177, %parallel_loop3A_171 : vector<16xf32>
      tpu.vector_store_idx %arg18[%parallel_loop3A_180], %parallel_loop3A_181 {add = true} : memref<40960xf32, #tpu.memory_space<vmem>>[vector<16xi32>], vector<16xf32>,
      %parallel_loop3A_182 = arith.constant 10240 : i32
      %parallel_loop3A_183 = vector.broadcast %parallel_loop3A_182 : i32 to vector<16xi32>
      %parallel_loop3A_184 = arith.addi %parallel_loop3A_154, %parallel_loop3A_183 : vector<16xi32>
      %parallel_loop3A_185 = tpu.vector_load_idx %arg16[%parallel_loop3A_184] : memref<40960xf32, #tpu.memory_space<vmem>>[vector<16xi32>], vector<16xf32>,
      %parallel_loop3A_186 = arith.constant 1 : i32
      %parallel_loop3A_187 = vector.broadcast %parallel_loop3A_186 : i32 to vector<16xi32>
      %parallel_loop3A_188 = arith.addi %parallel_loop3A_173, %parallel_loop3A_187 : vector<16xi32>
      %parallel_loop3A_189 = arith.mulf %parallel_loop3A_185, %parallel_loop3A_171 : vector<16xf32>
      tpu.vector_store_idx %arg18[%parallel_loop3A_188], %parallel_loop3A_189 {add = true} : memref<40960xf32, #tpu.memory_space<vmem>>[vector<16xi32>], vector<16xf32>,
      %parallel_loop3A_190 = arith.constant 20480 : i32
      %parallel_loop3A_191 = vector.broadcast %parallel_loop3A_190 : i32 to vector<16xi32>
      %parallel_loop3A_192 = arith.addi %parallel_loop3A_154, %parallel_loop3A_191 : vector<16xi32>
      %parallel_loop3A_193 = tpu.vector_load_idx %arg16[%parallel_loop3A_192] : memref<40960xf32, #tpu.memory_space<vmem>>[vector<16xi32>], vector<16xf32>,
      %parallel_loop3A_194 = arith.constant 2 : i32
      %parallel_loop3A_195 = vector.broadcast %parallel_loop3A_194 : i32 to vector<16xi32>
      %parallel_loop3A_196 = arith.addi %parallel_loop3A_173, %parallel_loop3A_195 : vector<16xi32>
      %parallel_loop3A_197 = arith.mulf %parallel_loop3A_193, %parallel_loop3A_171 : vector<16xf32>
      tpu.vector_store_idx %arg18[%parallel_loop3A_196], %parallel_loop3A_197 {add = true} : memref<40960xf32, #tpu.memory_space<vmem>>[vector<16xi32>], vector<16xf32>,
      %parallel_loop3A_198 = arith.constant 30720 : i32
      %parallel_loop3A_199 = vector.broadcast %parallel_loop3A_198 : i32 to vector<16xi32>
      %parallel_loop3A_200 = arith.addi %parallel_loop3A_154, %parallel_loop3A_199 : vector<16xi32>
      %parallel_loop3A_201 = tpu.vector_load_idx %arg16[%parallel_loop3A_200] : memref<40960xf32, #tpu.memory_space<vmem>>[vector<16xi32>], vector<16xf32>,
      %parallel_loop3A_202 = arith.constant 3 : i32
      %parallel_loop3A_203 = vector.broadcast %parallel_loop3A_202 : i32 to vector<16xi32>
      %parallel_loop3A_204 = arith.addi %parallel_loop3A_173, %parallel_loop3A_203 : vector<16xi32>
      %parallel_loop3A_205 = arith.mulf %parallel_loop3A_201, %parallel_loop3A_171 : vector<16xf32>
      tpu.vector_store_idx %arg18[%parallel_loop3A_204], %parallel_loop3A_205 {add = true} : memref<40960xf32, #tpu.memory_space<vmem>>[vector<16xi32>], vector<16xf32>,
    } {sc.loop_unroll_factor = 4 : i64, sc.parallel_access}
    %dma_wait3A_66 = tpu.memref_slice %arg2[%add3A_53] : memref<640000xi32, #tpu.memory_space<hbm>> -> memref<2000xi32, #tpu.memory_space<hbm>>
    %dma_wait3A_67 = tpu.memref_slice %arg2[%add3A_53] : memref<640000xi32, #tpu.memory_space<hbm>> -> memref<2000xi32, #tpu.memory_space<hbm>>
    tpu.wait_dma2 semaphore(%arg19 : memref<!tpu.dma_semaphore, #tpu.memory_space<semaphore_mem>>) src(%dma_wait3A_67 : memref<2000xi32, #tpu.memory_space<hbm>>) dst(%arg11 : memref<2000xi32, #tpu.memory_space<vmem>>)
    %dma_wait3A_68 = tpu.memref_slice %arg2[%add3A_57] : memref<640000xi32, #tpu.memory_space<hbm>> -> memref<2000xi32, #tpu.memory_space<hbm>>
    %dma_wait3A_69 = tpu.memref_slice %arg2[%add3A_57] : memref<640000xi32, #tpu.memory_space<hbm>> -> memref<2000xi32, #tpu.memory_space<hbm>>
    tpu.wait_dma2 semaphore(%arg20 : memref<!tpu.dma_semaphore, #tpu.memory_space<semaphore_mem>>) src(%dma_wait3A_69 : memref<2000xi32, #tpu.memory_space<hbm>>) dst(%arg13 : memref<2000xi32, #tpu.memory_space<vmem>>)
    %dma_wait3A_70 = tpu.memref_slice %arg3[%add3A_53] : memref<320000xf32, #tpu.memory_space<hbm>> -> memref<2000xf32, #tpu.memory_space<hbm>>
    %dma_wait3A_71 = tpu.memref_slice %arg3[%add3A_53] : memref<320000xf32, #tpu.memory_space<hbm>> -> memref<2000xf32, #tpu.memory_space<hbm>>
    tpu.wait_dma2 semaphore(%arg21 : memref<!tpu.dma_semaphore, #tpu.memory_space<semaphore_mem>>) src(%dma_wait3A_71 : memref<2000xf32, #tpu.memory_space<hbm>>) dst(%arg15 : memref<2000xf32, #tpu.memory_space<vmem>>)
    %add3A_72 = arith.constant 4000 : i32
    %add3A_73 = arith.addi %mul3A_2, %add3A_72 : i32
    %dma_start3A_74 = tpu.memref_slice %arg2[%add3A_73] : memref<640000xi32, #tpu.memory_space<hbm>> -> memref<2000xi32, #tpu.memory_space<hbm>>
    %dma_start3A_75 = tpu.memref_slice %arg2[%add3A_73] : memref<640000xi32, #tpu.memory_space<hbm>> -> memref<2000xi32, #tpu.memory_space<hbm>>
    tpu.enqueue_dma source(%dma_start3A_75 : memref<2000xi32, #tpu.memory_space<hbm>>) target(%arg10 : memref<2000xi32, #tpu.memory_space<vmem>>) target_semaphore(%arg19 : memref<!tpu.dma_semaphore, #tpu.memory_space<semaphore_mem>>)
    %add3A_76 = arith.constant 320000 : i32
    %add3A_77 = arith.addi %add3A_76, %add3A_73 : i32
    %dma_start3A_78 = tpu.memref_slice %arg2[%add3A_77] : memref<640000xi32, #tpu.memory_space<hbm>> -> memref<2000xi32, #tpu.memory_space<hbm>>
    %dma_start3A_79 = tpu.memref_slice %arg2[%add3A_77] : memref<640000xi32, #tpu.memory_space<hbm>> -> memref<2000xi32, #tpu.memory_space<hbm>>
    tpu.enqueue_dma source(%dma_start3A_79 : memref<2000xi32, #tpu.memory_space<hbm>>) target(%arg12 : memref<2000xi32, #tpu.memory_space<vmem>>) target_semaphore(%arg20 : memref<!tpu.dma_semaphore, #tpu.memory_space<semaphore_mem>>)
    %dma_start3A_80 = tpu.memref_slice %arg3[%add3A_73] : memref<320000xf32, #tpu.memory_space<hbm>> -> memref<2000xf32, #tpu.memory_space<hbm>>
    %dma_start3A_81 = tpu.memref_slice %arg3[%add3A_73] : memref<320000xf32, #tpu.memory_space<hbm>> -> memref<2000xf32, #tpu.memory_space<hbm>>
    tpu.enqueue_dma source(%dma_start3A_81 : memref<2000xf32, #tpu.memory_space<hbm>>) target(%arg14 : memref<2000xf32, #tpu.memory_space<vmem>>) target_semaphore(%arg21 : memref<!tpu.dma_semaphore, #tpu.memory_space<semaphore_mem>>)
    %parallel_loop3A_82 = arith.constant 0 : i32
    %parallel_loop3A_83 = arith.constant 125 : i32
    %parallel_loop3A_84 = arith.constant 1 : i32
    %parallel_loop3A_85 = arith.constant 4 : i32
    scf.for %parallel_loop3A_141 = %parallel_loop3A_82 to %parallel_loop3A_83 step %parallel_loop3A_84  : i32 {
      %parallel_loop3A_142 = arith.constant 16 : i32
      %parallel_loop3A_143 = arith.muli %parallel_loop3A_141, %parallel_loop3A_142 : i32
      %parallel_loop3A_144 = arith.index_cast %parallel_loop3A_143 : i32 to index
      %parallel_loop3A_145 = tpu.vector_load %arg11[%parallel_loop3A_144] {strides = array<i32>} : memref<2000xi32, #tpu.memory_space<vmem>>, vector<16xi32>,
      %parallel_loop3A_146 = arith.sitofp %parallel_loop3A_145 : vector<16xi32> to vector<16xf32>
      %parallel_loop3A_147 = arith.constant 1.000000e-03 : f32
      %parallel_loop3A_148 = vector.broadcast %parallel_loop3A_147 : f32 to vector<16xf32>
      %parallel_loop3A_149 = arith.mulf %parallel_loop3A_146, %parallel_loop3A_148 : vector<16xf32>
      %parallel_loop3A_150 = arith.fptosi %parallel_loop3A_149 : vector<16xf32> to vector<16xi32>
      %parallel_loop3A_151 = arith.constant 24 : i32
      %parallel_loop3A_152 = vector.broadcast %parallel_loop3A_151 : i32 to vector<16xi32>
      %parallel_loop3A_153 = arith.muli %parallel_loop3A_150, %parallel_loop3A_152 : vector<16xi32>
      %parallel_loop3A_154 = arith.addi %parallel_loop3A_145, %parallel_loop3A_153 : vector<16xi32>
      %parallel_loop3A_155 = arith.index_cast %parallel_loop3A_143 : i32 to index
      %parallel_loop3A_156 = tpu.vector_load %arg13[%parallel_loop3A_155] {strides = array<i32>} : memref<2000xi32, #tpu.memory_space<vmem>>, vector<16xi32>,
      %parallel_loop3A_157 = arith.sitofp %parallel_loop3A_156 : vector<16xi32> to vector<16xf32>
      %parallel_loop3A_158 = arith.constant 1.000000e-03 : f32
      %parallel_loop3A_159 = vector.broadcast %parallel_loop3A_158 : f32 to vector<16xf32>
      %parallel_loop3A_160 = arith.mulf %parallel_loop3A_157, %parallel_loop3A_159 : vector<16xf32>
      %parallel_loop3A_161 = arith.fptosi %parallel_loop3A_160 : vector<16xf32> to vector<16xi32>
      %parallel_loop3A_162 = arith.constant 24 : i32
      %parallel_loop3A_163 = vector.broadcast %parallel_loop3A_162 : i32 to vector<16xi32>
      %parallel_loop3A_164 = arith.muli %parallel_loop3A_161, %parallel_loop3A_163 : vector<16xi32>
      %parallel_loop3A_165 = arith.addi %parallel_loop3A_156, %parallel_loop3A_164 : vector<16xi32>
      %parallel_loop3A_166 = arith.index_cast %parallel_loop3A_143 : i32 to index
      %parallel_loop3A_167 = tpu.vector_load %arg15[%parallel_loop3A_166] {strides = array<i32>} : memref<2000xf32, #tpu.memory_space<vmem>>, vector<16xf32>,
      %parallel_loop3A_168 = tpu.vector_load_idx %arg17[%parallel_loop3A_154] : memref<10240xf32, #tpu.memory_space<vmem>>[vector<16xi32>], vector<16xf32>,
      %parallel_loop3A_169 = tpu.vector_load_idx %arg17[%parallel_loop3A_165] : memref<10240xf32, #tpu.memory_space<vmem>>[vector<16xi32>], vector<16xf32>,
      %parallel_loop3A_170 = arith.mulf %parallel_loop3A_168, %parallel_loop3A_167 : vector<16xf32>
      %parallel_loop3A_171 = arith.mulf %parallel_loop3A_170, %parallel_loop3A_169 : vector<16xf32>
      %parallel_loop3A_172 = vector.broadcast %parallel_loop3A_85 : i32 to vector<16xi32>
      %parallel_loop3A_173 = arith.muli %parallel_loop3A_165, %parallel_loop3A_172 : vector<16xi32>
      %parallel_loop3A_174 = arith.constant 0 : i32
      %parallel_loop3A_175 = vector.broadcast %parallel_loop3A_174 : i32 to vector<16xi32>
      %parallel_loop3A_176 = arith.addi %parallel_loop3A_154, %parallel_loop3A_175 : vector<16xi32>
      %parallel_loop3A_177 = tpu.vector_load_idx %arg16[%parallel_loop3A_176] : memref<40960xf32, #tpu.memory_space<vmem>>[vector<16xi32>], vector<16xf32>,
      %parallel_loop3A_178 = arith.constant 0 : i32
      %parallel_loop3A_179 = vector.broadcast %parallel_loop3A_178 : i32 to vector<16xi32>
      %parallel_loop3A_180 = arith.addi %parallel_loop3A_173, %parallel_loop3A_179 : vector<16xi32>
      %parallel_loop3A_181 = arith.mulf %parallel_loop3A_177, %parallel_loop3A_171 : vector<16xf32>
      tpu.vector_store_idx %arg18[%parallel_loop3A_180], %parallel_loop3A_181 {add = true} : memref<40960xf32, #tpu.memory_space<vmem>>[vector<16xi32>], vector<16xf32>,
      %parallel_loop3A_182 = arith.constant 10240 : i32
      %parallel_loop3A_183 = vector.broadcast %parallel_loop3A_182 : i32 to vector<16xi32>
      %parallel_loop3A_184 = arith.addi %parallel_loop3A_154, %parallel_loop3A_183 : vector<16xi32>
      %parallel_loop3A_185 = tpu.vector_load_idx %arg16[%parallel_loop3A_184] : memref<40960xf32, #tpu.memory_space<vmem>>[vector<16xi32>], vector<16xf32>,
      %parallel_loop3A_186 = arith.constant 1 : i32
      %parallel_loop3A_187 = vector.broadcast %parallel_loop3A_186 : i32 to vector<16xi32>
      %parallel_loop3A_188 = arith.addi %parallel_loop3A_173, %parallel_loop3A_187 : vector<16xi32>
      %parallel_loop3A_189 = arith.mulf %parallel_loop3A_185, %parallel_loop3A_171 : vector<16xf32>
      tpu.vector_store_idx %arg18[%parallel_loop3A_188], %parallel_loop3A_189 {add = true} : memref<40960xf32, #tpu.memory_space<vmem>>[vector<16xi32>], vector<16xf32>,
      %parallel_loop3A_190 = arith.constant 20480 : i32
      %parallel_loop3A_191 = vector.broadcast %parallel_loop3A_190 : i32 to vector<16xi32>
      %parallel_loop3A_192 = arith.addi %parallel_loop3A_154, %parallel_loop3A_191 : vector<16xi32>
      %parallel_loop3A_193 = tpu.vector_load_idx %arg16[%parallel_loop3A_192] : memref<40960xf32, #tpu.memory_space<vmem>>[vector<16xi32>], vector<16xf32>,
      %parallel_loop3A_194 = arith.constant 2 : i32
      %parallel_loop3A_195 = vector.broadcast %parallel_loop3A_194 : i32 to vector<16xi32>
      %parallel_loop3A_196 = arith.addi %parallel_loop3A_173, %parallel_loop3A_195 : vector<16xi32>
      %parallel_loop3A_197 = arith.mulf %parallel_loop3A_193, %parallel_loop3A_171 : vector<16xf32>
      tpu.vector_store_idx %arg18[%parallel_loop3A_196], %parallel_loop3A_197 {add = true} : memref<40960xf32, #tpu.memory_space<vmem>>[vector<16xi32>], vector<16xf32>,
      %parallel_loop3A_198 = arith.constant 30720 : i32
      %parallel_loop3A_199 = vector.broadcast %parallel_loop3A_198 : i32 to vector<16xi32>
      %parallel_loop3A_200 = arith.addi %parallel_loop3A_154, %parallel_loop3A_199 : vector<16xi32>
      %parallel_loop3A_201 = tpu.vector_load_idx %arg16[%parallel_loop3A_200] : memref<40960xf32, #tpu.memory_space<vmem>>[vector<16xi32>], vector<16xf32>,
      %parallel_loop3A_202 = arith.constant 3 : i32
      %parallel_loop3A_203 = vector.broadcast %parallel_loop3A_202 : i32 to vector<16xi32>
      %parallel_loop3A_204 = arith.addi %parallel_loop3A_173, %parallel_loop3A_203 : vector<16xi32>
      %parallel_loop3A_205 = arith.mulf %parallel_loop3A_201, %parallel_loop3A_171 : vector<16xf32>
      tpu.vector_store_idx %arg18[%parallel_loop3A_204], %parallel_loop3A_205 {add = true} : memref<40960xf32, #tpu.memory_space<vmem>>[vector<16xi32>], vector<16xf32>,
    } {sc.loop_unroll_factor = 4 : i64, sc.parallel_access}
    %dma_wait3A_86 = tpu.memref_slice %arg2[%add3A_73] : memref<640000xi32, #tpu.memory_space<hbm>> -> memref<2000xi32, #tpu.memory_space<hbm>>
    %dma_wait3A_87 = tpu.memref_slice %arg2[%add3A_73] : memref<640000xi32, #tpu.memory_space<hbm>> -> memref<2000xi32, #tpu.memory_space<hbm>>
    tpu.wait_dma2 semaphore(%arg19 : memref<!tpu.dma_semaphore, #tpu.memory_space<semaphore_mem>>) src(%dma_wait3A_87 : memref<2000xi32, #tpu.memory_space<hbm>>) dst(%arg10 : memref<2000xi32, #tpu.memory_space<vmem>>)
    %dma_wait3A_88 = tpu.memref_slice %arg2[%add3A_77] : memref<640000xi32, #tpu.memory_space<hbm>> -> memref<2000xi32, #tpu.memory_space<hbm>>
    %dma_wait3A_89 = tpu.memref_slice %arg2[%add3A_77] : memref<640000xi32, #tpu.memory_space<hbm>> -> memref<2000xi32, #tpu.memory_space<hbm>>
    tpu.wait_dma2 semaphore(%arg20 : memref<!tpu.dma_semaphore, #tpu.memory_space<semaphore_mem>>) src(%dma_wait3A_89 : memref<2000xi32, #tpu.memory_space<hbm>>) dst(%arg12 : memref<2000xi32, #tpu.memory_space<vmem>>)
    %dma_wait3A_90 = tpu.memref_slice %arg3[%add3A_73] : memref<320000xf32, #tpu.memory_space<hbm>> -> memref<2000xf32, #tpu.memory_space<hbm>>
    %dma_wait3A_91 = tpu.memref_slice %arg3[%add3A_73] : memref<320000xf32, #tpu.memory_space<hbm>> -> memref<2000xf32, #tpu.memory_space<hbm>>
    tpu.wait_dma2 semaphore(%arg21 : memref<!tpu.dma_semaphore, #tpu.memory_space<semaphore_mem>>) src(%dma_wait3A_91 : memref<2000xf32, #tpu.memory_space<hbm>>) dst(%arg14 : memref<2000xf32, #tpu.memory_space<vmem>>)
    %add3A_92 = arith.constant 6000 : i32
    %add3A_93 = arith.addi %mul3A_2, %add3A_92 : i32
    %dma_start3A_94 = tpu.memref_slice %arg2[%add3A_93] : memref<640000xi32, #tpu.memory_space<hbm>> -> memref<2000xi32, #tpu.memory_space<hbm>>
    %dma_start3A_95 = tpu.memref_slice %arg2[%add3A_93] : memref<640000xi32, #tpu.memory_space<hbm>> -> memref<2000xi32, #tpu.memory_space<hbm>>
    tpu.enqueue_dma source(%dma_start3A_95 : memref<2000xi32, #tpu.memory_space<hbm>>) target(%arg11 : memref<2000xi32, #tpu.memory_space<vmem>>) target_semaphore(%arg19 : memref<!tpu.dma_semaphore, #tpu.memory_space<semaphore_mem>>)
    %add3A_96 = arith.constant 320000 : i32
    %add3A_97 = arith.addi %add3A_96, %add3A_93 : i32
    %dma_start3A_98 = tpu.memref_slice %arg2[%add3A_97] : memref<640000xi32, #tpu.memory_space<hbm>> -> memref<2000xi32, #tpu.memory_space<hbm>>
    %dma_start3A_99 = tpu.memref_slice %arg2[%add3A_97] : memref<640000xi32, #tpu.memory_space<hbm>> -> memref<2000xi32, #tpu.memory_space<hbm>>
    tpu.enqueue_dma source(%dma_start3A_99 : memref<2000xi32, #tpu.memory_space<hbm>>) target(%arg13 : memref<2000xi32, #tpu.memory_space<vmem>>) target_semaphore(%arg20 : memref<!tpu.dma_semaphore, #tpu.memory_space<semaphore_mem>>)
    %dma_start3A_100 = tpu.memref_slice %arg3[%add3A_93] : memref<320000xf32, #tpu.memory_space<hbm>> -> memref<2000xf32, #tpu.memory_space<hbm>>
    %dma_start3A_101 = tpu.memref_slice %arg3[%add3A_93] : memref<320000xf32, #tpu.memory_space<hbm>> -> memref<2000xf32, #tpu.memory_space<hbm>>
    tpu.enqueue_dma source(%dma_start3A_101 : memref<2000xf32, #tpu.memory_space<hbm>>) target(%arg15 : memref<2000xf32, #tpu.memory_space<vmem>>) target_semaphore(%arg21 : memref<!tpu.dma_semaphore, #tpu.memory_space<semaphore_mem>>)
    %parallel_loop3A_102 = arith.constant 0 : i32
    %parallel_loop3A_103 = arith.constant 125 : i32
    %parallel_loop3A_104 = arith.constant 1 : i32
    %parallel_loop3A_105 = arith.constant 4 : i32
    scf.for %parallel_loop3A_141 = %parallel_loop3A_102 to %parallel_loop3A_103 step %parallel_loop3A_104  : i32 {
      %parallel_loop3A_142 = arith.constant 16 : i32
      %parallel_loop3A_143 = arith.muli %parallel_loop3A_141, %parallel_loop3A_142 : i32
      %parallel_loop3A_144 = arith.index_cast %parallel_loop3A_143 : i32 to index
      %parallel_loop3A_145 = tpu.vector_load %arg10[%parallel_loop3A_144] {strides = array<i32>} : memref<2000xi32, #tpu.memory_space<vmem>>, vector<16xi32>,
      %parallel_loop3A_146 = arith.sitofp %parallel_loop3A_145 : vector<16xi32> to vector<16xf32>
      %parallel_loop3A_147 = arith.constant 1.000000e-03 : f32
      %parallel_loop3A_148 = vector.broadcast %parallel_loop3A_147 : f32 to vector<16xf32>
      %parallel_loop3A_149 = arith.mulf %parallel_loop3A_146, %parallel_loop3A_148 : vector<16xf32>
      %parallel_loop3A_150 = arith.fptosi %parallel_loop3A_149 : vector<16xf32> to vector<16xi32>
      %parallel_loop3A_151 = arith.constant 24 : i32
      %parallel_loop3A_152 = vector.broadcast %parallel_loop3A_151 : i32 to vector<16xi32>
      %parallel_loop3A_153 = arith.muli %parallel_loop3A_150, %parallel_loop3A_152 : vector<16xi32>
      %parallel_loop3A_154 = arith.addi %parallel_loop3A_145, %parallel_loop3A_153 : vector<16xi32>
      %parallel_loop3A_155 = arith.index_cast %parallel_loop3A_143 : i32 to index
      %parallel_loop3A_156 = tpu.vector_load %arg12[%parallel_loop3A_155] {strides = array<i32>} : memref<2000xi32, #tpu.memory_space<vmem>>, vector<16xi32>,
      %parallel_loop3A_157 = arith.sitofp %parallel_loop3A_156 : vector<16xi32> to vector<16xf32>
      %parallel_loop3A_158 = arith.constant 1.000000e-03 : f32
      %parallel_loop3A_159 = vector.broadcast %parallel_loop3A_158 : f32 to vector<16xf32>
      %parallel_loop3A_160 = arith.mulf %parallel_loop3A_157, %parallel_loop3A_159 : vector<16xf32>
      %parallel_loop3A_161 = arith.fptosi %parallel_loop3A_160 : vector<16xf32> to vector<16xi32>
      %parallel_loop3A_162 = arith.constant 24 : i32
      %parallel_loop3A_163 = vector.broadcast %parallel_loop3A_162 : i32 to vector<16xi32>
      %parallel_loop3A_164 = arith.muli %parallel_loop3A_161, %parallel_loop3A_163 : vector<16xi32>
      %parallel_loop3A_165 = arith.addi %parallel_loop3A_156, %parallel_loop3A_164 : vector<16xi32>
      %parallel_loop3A_166 = arith.index_cast %parallel_loop3A_143 : i32 to index
      %parallel_loop3A_167 = tpu.vector_load %arg14[%parallel_loop3A_166] {strides = array<i32>} : memref<2000xf32, #tpu.memory_space<vmem>>, vector<16xf32>,
      %parallel_loop3A_168 = tpu.vector_load_idx %arg17[%parallel_loop3A_154] : memref<10240xf32, #tpu.memory_space<vmem>>[vector<16xi32>], vector<16xf32>,
      %parallel_loop3A_169 = tpu.vector_load_idx %arg17[%parallel_loop3A_165] : memref<10240xf32, #tpu.memory_space<vmem>>[vector<16xi32>], vector<16xf32>,
      %parallel_loop3A_170 = arith.mulf %parallel_loop3A_168, %parallel_loop3A_167 : vector<16xf32>
      %parallel_loop3A_171 = arith.mulf %parallel_loop3A_170, %parallel_loop3A_169 : vector<16xf32>
      %parallel_loop3A_172 = vector.broadcast %parallel_loop3A_105 : i32 to vector<16xi32>
      %parallel_loop3A_173 = arith.muli %parallel_loop3A_165, %parallel_loop3A_172 : vector<16xi32>
      %parallel_loop3A_174 = arith.constant 0 : i32
      %parallel_loop3A_175 = vector.broadcast %parallel_loop3A_174 : i32 to vector<16xi32>
      %parallel_loop3A_176 = arith.addi %parallel_loop3A_154, %parallel_loop3A_175 : vector<16xi32>
      %parallel_loop3A_177 = tpu.vector_load_idx %arg16[%parallel_loop3A_176] : memref<40960xf32, #tpu.memory_space<vmem>>[vector<16xi32>], vector<16xf32>,
      %parallel_loop3A_178 = arith.constant 0 : i32
      %parallel_loop3A_179 = vector.broadcast %parallel_loop3A_178 : i32 to vector<16xi32>
      %parallel_loop3A_180 = arith.addi %parallel_loop3A_173, %parallel_loop3A_179 : vector<16xi32>
      %parallel_loop3A_181 = arith.mulf %parallel_loop3A_177, %parallel_loop3A_171 : vector<16xf32>
      tpu.vector_store_idx %arg18[%parallel_loop3A_180], %parallel_loop3A_181 {add = true} : memref<40960xf32, #tpu.memory_space<vmem>>[vector<16xi32>], vector<16xf32>,
      %parallel_loop3A_182 = arith.constant 10240 : i32
      %parallel_loop3A_183 = vector.broadcast %parallel_loop3A_182 : i32 to vector<16xi32>
      %parallel_loop3A_184 = arith.addi %parallel_loop3A_154, %parallel_loop3A_183 : vector<16xi32>
      %parallel_loop3A_185 = tpu.vector_load_idx %arg16[%parallel_loop3A_184] : memref<40960xf32, #tpu.memory_space<vmem>>[vector<16xi32>], vector<16xf32>,
      %parallel_loop3A_186 = arith.constant 1 : i32
      %parallel_loop3A_187 = vector.broadcast %parallel_loop3A_186 : i32 to vector<16xi32>
      %parallel_loop3A_188 = arith.addi %parallel_loop3A_173, %parallel_loop3A_187 : vector<16xi32>
      %parallel_loop3A_189 = arith.mulf %parallel_loop3A_185, %parallel_loop3A_171 : vector<16xf32>
      tpu.vector_store_idx %arg18[%parallel_loop3A_188], %parallel_loop3A_189 {add = true} : memref<40960xf32, #tpu.memory_space<vmem>>[vector<16xi32>], vector<16xf32>,
      %parallel_loop3A_190 = arith.constant 20480 : i32
      %parallel_loop3A_191 = vector.broadcast %parallel_loop3A_190 : i32 to vector<16xi32>
      %parallel_loop3A_192 = arith.addi %parallel_loop3A_154, %parallel_loop3A_191 : vector<16xi32>
      %parallel_loop3A_193 = tpu.vector_load_idx %arg16[%parallel_loop3A_192] : memref<40960xf32, #tpu.memory_space<vmem>>[vector<16xi32>], vector<16xf32>,
      %parallel_loop3A_194 = arith.constant 2 : i32
      %parallel_loop3A_195 = vector.broadcast %parallel_loop3A_194 : i32 to vector<16xi32>
      %parallel_loop3A_196 = arith.addi %parallel_loop3A_173, %parallel_loop3A_195 : vector<16xi32>
      %parallel_loop3A_197 = arith.mulf %parallel_loop3A_193, %parallel_loop3A_171 : vector<16xf32>
      tpu.vector_store_idx %arg18[%parallel_loop3A_196], %parallel_loop3A_197 {add = true} : memref<40960xf32, #tpu.memory_space<vmem>>[vector<16xi32>], vector<16xf32>,
      %parallel_loop3A_198 = arith.constant 30720 : i32
      %parallel_loop3A_199 = vector.broadcast %parallel_loop3A_198 : i32 to vector<16xi32>
      %parallel_loop3A_200 = arith.addi %parallel_loop3A_154, %parallel_loop3A_199 : vector<16xi32>
      %parallel_loop3A_201 = tpu.vector_load_idx %arg16[%parallel_loop3A_200] : memref<40960xf32, #tpu.memory_space<vmem>>[vector<16xi32>], vector<16xf32>,
      %parallel_loop3A_202 = arith.constant 3 : i32
      %parallel_loop3A_203 = vector.broadcast %parallel_loop3A_202 : i32 to vector<16xi32>
      %parallel_loop3A_204 = arith.addi %parallel_loop3A_173, %parallel_loop3A_203 : vector<16xi32>
      %parallel_loop3A_205 = arith.mulf %parallel_loop3A_201, %parallel_loop3A_171 : vector<16xf32>
      tpu.vector_store_idx %arg18[%parallel_loop3A_204], %parallel_loop3A_205 {add = true} : memref<40960xf32, #tpu.memory_space<vmem>>[vector<16xi32>], vector<16xf32>,
    } {sc.loop_unroll_factor = 4 : i64, sc.parallel_access}
    %dma_wait3A_106 = tpu.memref_slice %arg2[%add3A_93] : memref<640000xi32, #tpu.memory_space<hbm>> -> memref<2000xi32, #tpu.memory_space<hbm>>
    %dma_wait3A_107 = tpu.memref_slice %arg2[%add3A_93] : memref<640000xi32, #tpu.memory_space<hbm>> -> memref<2000xi32, #tpu.memory_space<hbm>>
    tpu.wait_dma2 semaphore(%arg19 : memref<!tpu.dma_semaphore, #tpu.memory_space<semaphore_mem>>) src(%dma_wait3A_107 : memref<2000xi32, #tpu.memory_space<hbm>>) dst(%arg11 : memref<2000xi32, #tpu.memory_space<vmem>>)
    %dma_wait3A_108 = tpu.memref_slice %arg2[%add3A_97] : memref<640000xi32, #tpu.memory_space<hbm>> -> memref<2000xi32, #tpu.memory_space<hbm>>
    %dma_wait3A_109 = tpu.memref_slice %arg2[%add3A_97] : memref<640000xi32, #tpu.memory_space<hbm>> -> memref<2000xi32, #tpu.memory_space<hbm>>
    tpu.wait_dma2 semaphore(%arg20 : memref<!tpu.dma_semaphore, #tpu.memory_space<semaphore_mem>>) src(%dma_wait3A_109 : memref<2000xi32, #tpu.memory_space<hbm>>) dst(%arg13 : memref<2000xi32, #tpu.memory_space<vmem>>)
    %dma_wait3A_110 = tpu.memref_slice %arg3[%add3A_93] : memref<320000xf32, #tpu.memory_space<hbm>> -> memref<2000xf32, #tpu.memory_space<hbm>>
    %dma_wait3A_111 = tpu.memref_slice %arg3[%add3A_93] : memref<320000xf32, #tpu.memory_space<hbm>> -> memref<2000xf32, #tpu.memory_space<hbm>>
    tpu.wait_dma2 semaphore(%arg21 : memref<!tpu.dma_semaphore, #tpu.memory_space<semaphore_mem>>) src(%dma_wait3A_111 : memref<2000xf32, #tpu.memory_space<hbm>>) dst(%arg15 : memref<2000xf32, #tpu.memory_space<vmem>>)
    %add3A_112 = arith.constant 8000 : i32
    %add3A_113 = arith.addi %mul3A_2, %add3A_112 : i32
    %dma_start3A_114 = tpu.memref_slice %arg2[%add3A_113] : memref<640000xi32, #tpu.memory_space<hbm>> -> memref<2000xi32, #tpu.memory_space<hbm>>
    %dma_start3A_115 = tpu.memref_slice %arg2[%add3A_113] : memref<640000xi32, #tpu.memory_space<hbm>> -> memref<2000xi32, #tpu.memory_space<hbm>>
    tpu.enqueue_dma source(%dma_start3A_115 : memref<2000xi32, #tpu.memory_space<hbm>>) target(%arg10 : memref<2000xi32, #tpu.memory_space<vmem>>) target_semaphore(%arg19 : memref<!tpu.dma_semaphore, #tpu.memory_space<semaphore_mem>>)
    %add3A_116 = arith.constant 320000 : i32
    %add3A_117 = arith.addi %add3A_116, %add3A_113 : i32
    %dma_start3A_118 = tpu.memref_slice %arg2[%add3A_117] : memref<640000xi32, #tpu.memory_space<hbm>> -> memref<2000xi32, #tpu.memory_space<hbm>>
    %dma_start3A_119 = tpu.memref_slice %arg2[%add3A_117] : memref<640000xi32, #tpu.memory_space<hbm>> -> memref<2000xi32, #tpu.memory_space<hbm>>
    tpu.enqueue_dma source(%dma_start3A_119 : memref<2000xi32, #tpu.memory_space<hbm>>) target(%arg12 : memref<2000xi32, #tpu.memory_space<vmem>>) target_semaphore(%arg20 : memref<!tpu.dma_semaphore, #tpu.memory_space<semaphore_mem>>)
    %dma_start3A_120 = tpu.memref_slice %arg3[%add3A_113] : memref<320000xf32, #tpu.memory_space<hbm>> -> memref<2000xf32, #tpu.memory_space<hbm>>
    %dma_start3A_121 = tpu.memref_slice %arg3[%add3A_113] : memref<320000xf32, #tpu.memory_space<hbm>> -> memref<2000xf32, #tpu.memory_space<hbm>>
    tpu.enqueue_dma source(%dma_start3A_121 : memref<2000xf32, #tpu.memory_space<hbm>>) target(%arg14 : memref<2000xf32, #tpu.memory_space<vmem>>) target_semaphore(%arg21 : memref<!tpu.dma_semaphore, #tpu.memory_space<semaphore_mem>>)
    %parallel_loop3A_122 = arith.constant 0 : i32
    %parallel_loop3A_123 = arith.constant 125 : i32
    %parallel_loop3A_124 = arith.constant 1 : i32
    %parallel_loop3A_125 = arith.constant 4 : i32
    scf.for %parallel_loop3A_141 = %parallel_loop3A_122 to %parallel_loop3A_123 step %parallel_loop3A_124  : i32 {
      %parallel_loop3A_142 = arith.constant 16 : i32
      %parallel_loop3A_143 = arith.muli %parallel_loop3A_141, %parallel_loop3A_142 : i32
      %parallel_loop3A_144 = arith.index_cast %parallel_loop3A_143 : i32 to index
      %parallel_loop3A_145 = tpu.vector_load %arg11[%parallel_loop3A_144] {strides = array<i32>} : memref<2000xi32, #tpu.memory_space<vmem>>, vector<16xi32>,
      %parallel_loop3A_146 = arith.sitofp %parallel_loop3A_145 : vector<16xi32> to vector<16xf32>
      %parallel_loop3A_147 = arith.constant 1.000000e-03 : f32
      %parallel_loop3A_148 = vector.broadcast %parallel_loop3A_147 : f32 to vector<16xf32>
      %parallel_loop3A_149 = arith.mulf %parallel_loop3A_146, %parallel_loop3A_148 : vector<16xf32>
      %parallel_loop3A_150 = arith.fptosi %parallel_loop3A_149 : vector<16xf32> to vector<16xi32>
      %parallel_loop3A_151 = arith.constant 24 : i32
      %parallel_loop3A_152 = vector.broadcast %parallel_loop3A_151 : i32 to vector<16xi32>
      %parallel_loop3A_153 = arith.muli %parallel_loop3A_150, %parallel_loop3A_152 : vector<16xi32>
      %parallel_loop3A_154 = arith.addi %parallel_loop3A_145, %parallel_loop3A_153 : vector<16xi32>
      %parallel_loop3A_155 = arith.index_cast %parallel_loop3A_143 : i32 to index
      %parallel_loop3A_156 = tpu.vector_load %arg13[%parallel_loop3A_155] {strides = array<i32>} : memref<2000xi32, #tpu.memory_space<vmem>>, vector<16xi32>,
      %parallel_loop3A_157 = arith.sitofp %parallel_loop3A_156 : vector<16xi32> to vector<16xf32>
      %parallel_loop3A_158 = arith.constant 1.000000e-03 : f32
      %parallel_loop3A_159 = vector.broadcast %parallel_loop3A_158 : f32 to vector<16xf32>
      %parallel_loop3A_160 = arith.mulf %parallel_loop3A_157, %parallel_loop3A_159 : vector<16xf32>
      %parallel_loop3A_161 = arith.fptosi %parallel_loop3A_160 : vector<16xf32> to vector<16xi32>
      %parallel_loop3A_162 = arith.constant 24 : i32
      %parallel_loop3A_163 = vector.broadcast %parallel_loop3A_162 : i32 to vector<16xi32>
      %parallel_loop3A_164 = arith.muli %parallel_loop3A_161, %parallel_loop3A_163 : vector<16xi32>
      %parallel_loop3A_165 = arith.addi %parallel_loop3A_156, %parallel_loop3A_164 : vector<16xi32>
      %parallel_loop3A_166 = arith.index_cast %parallel_loop3A_143 : i32 to index
      %parallel_loop3A_167 = tpu.vector_load %arg15[%parallel_loop3A_166] {strides = array<i32>} : memref<2000xf32, #tpu.memory_space<vmem>>, vector<16xf32>,
      %parallel_loop3A_168 = tpu.vector_load_idx %arg17[%parallel_loop3A_154] : memref<10240xf32, #tpu.memory_space<vmem>>[vector<16xi32>], vector<16xf32>,
      %parallel_loop3A_169 = tpu.vector_load_idx %arg17[%parallel_loop3A_165] : memref<10240xf32, #tpu.memory_space<vmem>>[vector<16xi32>], vector<16xf32>,
      %parallel_loop3A_170 = arith.mulf %parallel_loop3A_168, %parallel_loop3A_167 : vector<16xf32>
      %parallel_loop3A_171 = arith.mulf %parallel_loop3A_170, %parallel_loop3A_169 : vector<16xf32>
      %parallel_loop3A_172 = vector.broadcast %parallel_loop3A_125 : i32 to vector<16xi32>
      %parallel_loop3A_173 = arith.muli %parallel_loop3A_165, %parallel_loop3A_172 : vector<16xi32>
      %parallel_loop3A_174 = arith.constant 0 : i32
      %parallel_loop3A_175 = vector.broadcast %parallel_loop3A_174 : i32 to vector<16xi32>
      %parallel_loop3A_176 = arith.addi %parallel_loop3A_154, %parallel_loop3A_175 : vector<16xi32>
      %parallel_loop3A_177 = tpu.vector_load_idx %arg16[%parallel_loop3A_176] : memref<40960xf32, #tpu.memory_space<vmem>>[vector<16xi32>], vector<16xf32>,
      %parallel_loop3A_178 = arith.constant 0 : i32
      %parallel_loop3A_179 = vector.broadcast %parallel_loop3A_178 : i32 to vector<16xi32>
      %parallel_loop3A_180 = arith.addi %parallel_loop3A_173, %parallel_loop3A_179 : vector<16xi32>
      %parallel_loop3A_181 = arith.mulf %parallel_loop3A_177, %parallel_loop3A_171 : vector<16xf32>
      tpu.vector_store_idx %arg18[%parallel_loop3A_180], %parallel_loop3A_181 {add = true} : memref<40960xf32, #tpu.memory_space<vmem>>[vector<16xi32>], vector<16xf32>,
      %parallel_loop3A_182 = arith.constant 10240 : i32
      %parallel_loop3A_183 = vector.broadcast %parallel_loop3A_182 : i32 to vector<16xi32>
      %parallel_loop3A_184 = arith.addi %parallel_loop3A_154, %parallel_loop3A_183 : vector<16xi32>
      %parallel_loop3A_185 = tpu.vector_load_idx %arg16[%parallel_loop3A_184] : memref<40960xf32, #tpu.memory_space<vmem>>[vector<16xi32>], vector<16xf32>,
      %parallel_loop3A_186 = arith.constant 1 : i32
      %parallel_loop3A_187 = vector.broadcast %parallel_loop3A_186 : i32 to vector<16xi32>
      %parallel_loop3A_188 = arith.addi %parallel_loop3A_173, %parallel_loop3A_187 : vector<16xi32>
      %parallel_loop3A_189 = arith.mulf %parallel_loop3A_185, %parallel_loop3A_171 : vector<16xf32>
      tpu.vector_store_idx %arg18[%parallel_loop3A_188], %parallel_loop3A_189 {add = true} : memref<40960xf32, #tpu.memory_space<vmem>>[vector<16xi32>], vector<16xf32>,
      %parallel_loop3A_190 = arith.constant 20480 : i32
      %parallel_loop3A_191 = vector.broadcast %parallel_loop3A_190 : i32 to vector<16xi32>
      %parallel_loop3A_192 = arith.addi %parallel_loop3A_154, %parallel_loop3A_191 : vector<16xi32>
      %parallel_loop3A_193 = tpu.vector_load_idx %arg16[%parallel_loop3A_192] : memref<40960xf32, #tpu.memory_space<vmem>>[vector<16xi32>], vector<16xf32>,
      %parallel_loop3A_194 = arith.constant 2 : i32
      %parallel_loop3A_195 = vector.broadcast %parallel_loop3A_194 : i32 to vector<16xi32>
      %parallel_loop3A_196 = arith.addi %parallel_loop3A_173, %parallel_loop3A_195 : vector<16xi32>
      %parallel_loop3A_197 = arith.mulf %parallel_loop3A_193, %parallel_loop3A_171 : vector<16xf32>
      tpu.vector_store_idx %arg18[%parallel_loop3A_196], %parallel_loop3A_197 {add = true} : memref<40960xf32, #tpu.memory_space<vmem>>[vector<16xi32>], vector<16xf32>,
      %parallel_loop3A_198 = arith.constant 30720 : i32
      %parallel_loop3A_199 = vector.broadcast %parallel_loop3A_198 : i32 to vector<16xi32>
      %parallel_loop3A_200 = arith.addi %parallel_loop3A_154, %parallel_loop3A_199 : vector<16xi32>
      %parallel_loop3A_201 = tpu.vector_load_idx %arg16[%parallel_loop3A_200] : memref<40960xf32, #tpu.memory_space<vmem>>[vector<16xi32>], vector<16xf32>,
      %parallel_loop3A_202 = arith.constant 3 : i32
      %parallel_loop3A_203 = vector.broadcast %parallel_loop3A_202 : i32 to vector<16xi32>
      %parallel_loop3A_204 = arith.addi %parallel_loop3A_173, %parallel_loop3A_203 : vector<16xi32>
      %parallel_loop3A_205 = arith.mulf %parallel_loop3A_201, %parallel_loop3A_171 : vector<16xf32>
      tpu.vector_store_idx %arg18[%parallel_loop3A_204], %parallel_loop3A_205 {add = true} : memref<40960xf32, #tpu.memory_space<vmem>>[vector<16xi32>], vector<16xf32>,
    } {sc.loop_unroll_factor = 4 : i64, sc.parallel_access}
    %dma_wait3A_126 = tpu.memref_slice %arg2[%add3A_113] : memref<640000xi32, #tpu.memory_space<hbm>> -> memref<2000xi32, #tpu.memory_space<hbm>>
    %dma_wait3A_127 = tpu.memref_slice %arg2[%add3A_113] : memref<640000xi32, #tpu.memory_space<hbm>> -> memref<2000xi32, #tpu.memory_space<hbm>>
    tpu.wait_dma2 semaphore(%arg19 : memref<!tpu.dma_semaphore, #tpu.memory_space<semaphore_mem>>) src(%dma_wait3A_127 : memref<2000xi32, #tpu.memory_space<hbm>>) dst(%arg10 : memref<2000xi32, #tpu.memory_space<vmem>>)
    %dma_wait3A_128 = tpu.memref_slice %arg2[%add3A_117] : memref<640000xi32, #tpu.memory_space<hbm>> -> memref<2000xi32, #tpu.memory_space<hbm>>
    %dma_wait3A_129 = tpu.memref_slice %arg2[%add3A_117] : memref<640000xi32, #tpu.memory_space<hbm>> -> memref<2000xi32, #tpu.memory_space<hbm>>
    tpu.wait_dma2 semaphore(%arg20 : memref<!tpu.dma_semaphore, #tpu.memory_space<semaphore_mem>>) src(%dma_wait3A_129 : memref<2000xi32, #tpu.memory_space<hbm>>) dst(%arg12 : memref<2000xi32, #tpu.memory_space<vmem>>)
    %dma_wait3A_130 = tpu.memref_slice %arg3[%add3A_113] : memref<320000xf32, #tpu.memory_space<hbm>> -> memref<2000xf32, #tpu.memory_space<hbm>>
    %dma_wait3A_131 = tpu.memref_slice %arg3[%add3A_113] : memref<320000xf32, #tpu.memory_space<hbm>> -> memref<2000xf32, #tpu.memory_space<hbm>>
    tpu.wait_dma2 semaphore(%arg21 : memref<!tpu.dma_semaphore, #tpu.memory_space<semaphore_mem>>) src(%dma_wait3A_131 : memref<2000xf32, #tpu.memory_space<hbm>>) dst(%arg14 : memref<2000xf32, #tpu.memory_space<vmem>>)
    %parallel_loop3A_132 = arith.constant 0 : i32
    %parallel_loop3A_133 = arith.constant 125 : i32
    %parallel_loop3A_134 = arith.constant 1 : i32
    %parallel_loop3A_135 = arith.constant 4 : i32
    scf.for %parallel_loop3A_141 = %parallel_loop3A_132 to %parallel_loop3A_133 step %parallel_loop3A_134  : i32 {
      %parallel_loop3A_142 = arith.constant 16 : i32
      %parallel_loop3A_143 = arith.muli %parallel_loop3A_141, %parallel_loop3A_142 : i32
      %parallel_loop3A_144 = arith.index_cast %parallel_loop3A_143 : i32 to index
      %parallel_loop3A_145 = tpu.vector_load %arg10[%parallel_loop3A_144] {strides = array<i32>} : memref<2000xi32, #tpu.memory_space<vmem>>, vector<16xi32>,
      %parallel_loop3A_146 = arith.sitofp %parallel_loop3A_145 : vector<16xi32> to vector<16xf32>
      %parallel_loop3A_147 = arith.constant 1.000000e-03 : f32
      %parallel_loop3A_148 = vector.broadcast %parallel_loop3A_147 : f32 to vector<16xf32>
      %parallel_loop3A_149 = arith.mulf %parallel_loop3A_146, %parallel_loop3A_148 : vector<16xf32>
      %parallel_loop3A_150 = arith.fptosi %parallel_loop3A_149 : vector<16xf32> to vector<16xi32>
      %parallel_loop3A_151 = arith.constant 24 : i32
      %parallel_loop3A_152 = vector.broadcast %parallel_loop3A_151 : i32 to vector<16xi32>
      %parallel_loop3A_153 = arith.muli %parallel_loop3A_150, %parallel_loop3A_152 : vector<16xi32>
      %parallel_loop3A_154 = arith.addi %parallel_loop3A_145, %parallel_loop3A_153 : vector<16xi32>
      %parallel_loop3A_155 = arith.index_cast %parallel_loop3A_143 : i32 to index
      %parallel_loop3A_156 = tpu.vector_load %arg12[%parallel_loop3A_155] {strides = array<i32>} : memref<2000xi32, #tpu.memory_space<vmem>>, vector<16xi32>,
      %parallel_loop3A_157 = arith.sitofp %parallel_loop3A_156 : vector<16xi32> to vector<16xf32>
      %parallel_loop3A_158 = arith.constant 1.000000e-03 : f32
      %parallel_loop3A_159 = vector.broadcast %parallel_loop3A_158 : f32 to vector<16xf32>
      %parallel_loop3A_160 = arith.mulf %parallel_loop3A_157, %parallel_loop3A_159 : vector<16xf32>
      %parallel_loop3A_161 = arith.fptosi %parallel_loop3A_160 : vector<16xf32> to vector<16xi32>
      %parallel_loop3A_162 = arith.constant 24 : i32
      %parallel_loop3A_163 = vector.broadcast %parallel_loop3A_162 : i32 to vector<16xi32>
      %parallel_loop3A_164 = arith.muli %parallel_loop3A_161, %parallel_loop3A_163 : vector<16xi32>
      %parallel_loop3A_165 = arith.addi %parallel_loop3A_156, %parallel_loop3A_164 : vector<16xi32>
      %parallel_loop3A_166 = arith.index_cast %parallel_loop3A_143 : i32 to index
      %parallel_loop3A_167 = tpu.vector_load %arg14[%parallel_loop3A_166] {strides = array<i32>} : memref<2000xf32, #tpu.memory_space<vmem>>, vector<16xf32>,
      %parallel_loop3A_168 = tpu.vector_load_idx %arg17[%parallel_loop3A_154] : memref<10240xf32, #tpu.memory_space<vmem>>[vector<16xi32>], vector<16xf32>,
      %parallel_loop3A_169 = tpu.vector_load_idx %arg17[%parallel_loop3A_165] : memref<10240xf32, #tpu.memory_space<vmem>>[vector<16xi32>], vector<16xf32>,
      %parallel_loop3A_170 = arith.mulf %parallel_loop3A_168, %parallel_loop3A_167 : vector<16xf32>
      %parallel_loop3A_171 = arith.mulf %parallel_loop3A_170, %parallel_loop3A_169 : vector<16xf32>
      %parallel_loop3A_172 = vector.broadcast %parallel_loop3A_135 : i32 to vector<16xi32>
      %parallel_loop3A_173 = arith.muli %parallel_loop3A_165, %parallel_loop3A_172 : vector<16xi32>
      %parallel_loop3A_174 = arith.constant 0 : i32
      %parallel_loop3A_175 = vector.broadcast %parallel_loop3A_174 : i32 to vector<16xi32>
      %parallel_loop3A_176 = arith.addi %parallel_loop3A_154, %parallel_loop3A_175 : vector<16xi32>
      %parallel_loop3A_177 = tpu.vector_load_idx %arg16[%parallel_loop3A_176] : memref<40960xf32, #tpu.memory_space<vmem>>[vector<16xi32>], vector<16xf32>,
      %parallel_loop3A_178 = arith.constant 0 : i32
      %parallel_loop3A_179 = vector.broadcast %parallel_loop3A_178 : i32 to vector<16xi32>
      %parallel_loop3A_180 = arith.addi %parallel_loop3A_173, %parallel_loop3A_179 : vector<16xi32>
      %parallel_loop3A_181 = arith.mulf %parallel_loop3A_177, %parallel_loop3A_171 : vector<16xf32>
      tpu.vector_store_idx %arg18[%parallel_loop3A_180], %parallel_loop3A_181 {add = true} : memref<40960xf32, #tpu.memory_space<vmem>>[vector<16xi32>], vector<16xf32>,
      %parallel_loop3A_182 = arith.constant 10240 : i32
      %parallel_loop3A_183 = vector.broadcast %parallel_loop3A_182 : i32 to vector<16xi32>
      %parallel_loop3A_184 = arith.addi %parallel_loop3A_154, %parallel_loop3A_183 : vector<16xi32>
      %parallel_loop3A_185 = tpu.vector_load_idx %arg16[%parallel_loop3A_184] : memref<40960xf32, #tpu.memory_space<vmem>>[vector<16xi32>], vector<16xf32>,
      %parallel_loop3A_186 = arith.constant 1 : i32
      %parallel_loop3A_187 = vector.broadcast %parallel_loop3A_186 : i32 to vector<16xi32>
      %parallel_loop3A_188 = arith.addi %parallel_loop3A_173, %parallel_loop3A_187 : vector<16xi32>
      %parallel_loop3A_189 = arith.mulf %parallel_loop3A_185, %parallel_loop3A_171 : vector<16xf32>
      tpu.vector_store_idx %arg18[%parallel_loop3A_188], %parallel_loop3A_189 {add = true} : memref<40960xf32, #tpu.memory_space<vmem>>[vector<16xi32>], vector<16xf32>,
      %parallel_loop3A_190 = arith.constant 20480 : i32
      %parallel_loop3A_191 = vector.broadcast %parallel_loop3A_190 : i32 to vector<16xi32>
      %parallel_loop3A_192 = arith.addi %parallel_loop3A_154, %parallel_loop3A_191 : vector<16xi32>
      %parallel_loop3A_193 = tpu.vector_load_idx %arg16[%parallel_loop3A_192] : memref<40960xf32, #tpu.memory_space<vmem>>[vector<16xi32>], vector<16xf32>,
      %parallel_loop3A_194 = arith.constant 2 : i32
      %parallel_loop3A_195 = vector.broadcast %parallel_loop3A_194 : i32 to vector<16xi32>
      %parallel_loop3A_196 = arith.addi %parallel_loop3A_173, %parallel_loop3A_195 : vector<16xi32>
      %parallel_loop3A_197 = arith.mulf %parallel_loop3A_193, %parallel_loop3A_171 : vector<16xf32>
      tpu.vector_store_idx %arg18[%parallel_loop3A_196], %parallel_loop3A_197 {add = true} : memref<40960xf32, #tpu.memory_space<vmem>>[vector<16xi32>], vector<16xf32>,
      %parallel_loop3A_198 = arith.constant 30720 : i32
      %parallel_loop3A_199 = vector.broadcast %parallel_loop3A_198 : i32 to vector<16xi32>
      %parallel_loop3A_200 = arith.addi %parallel_loop3A_154, %parallel_loop3A_199 : vector<16xi32>
      %parallel_loop3A_201 = tpu.vector_load_idx %arg16[%parallel_loop3A_200] : memref<40960xf32, #tpu.memory_space<vmem>>[vector<16xi32>], vector<16xf32>,
      %parallel_loop3A_202 = arith.constant 3 : i32
      %parallel_loop3A_203 = vector.broadcast %parallel_loop3A_202 : i32 to vector<16xi32>
      %parallel_loop3A_204 = arith.addi %parallel_loop3A_173, %parallel_loop3A_203 : vector<16xi32>
      %parallel_loop3A_205 = arith.mulf %parallel_loop3A_201, %parallel_loop3A_171 : vector<16xf32>
      tpu.vector_store_idx %arg18[%parallel_loop3A_204], %parallel_loop3A_205 {add = true} : memref<40960xf32, #tpu.memory_space<vmem>>[vector<16xi32>], vector<16xf32>,
    } {sc.loop_unroll_factor = 4 : i64, sc.parallel_access}
    %mul3A_136 = arith.constant 2560 : i32
    %mul3A_137 = arith.muli %arg1, %mul3A_136 : i32
    %iota3A = tpu.iota {dimensions = array<i32: 0>} : vector<16xi32>
    %eq3A = arith.constant 0 : i32
    %eq3A_138 = arith.cmpi eq, %arg0, %eq3A : i32
    %convert_element_type3A = arith.extui %eq3A_138 : i1 to i32
    %cond3A = arith.constant 3 : i32
    %cond3A_139 = arith.constant 0 : i32
    %cond3A_140 = arith.cmpi ne, %convert_element_type3A, %cond3A_139 : i32
    scf.if %cond3A_140 {
      %parallel_loop3A_141 = arith.constant 0 : i32
      %parallel_loop3A_142 = arith.constant 160 : i32
      %parallel_loop3A_143 = arith.constant 1 : i32
      scf.for %parallel_loop3A_144 = %parallel_loop3A_141 to %parallel_loop3A_142 step %parallel_loop3A_143  : i32 {
        %parallel_loop3A_145 = arith.constant 16 : i32
        %parallel_loop3A_146 = arith.muli %parallel_loop3A_144, %parallel_loop3A_145 : i32
        %parallel_loop3A_147 = arith.addi %mul3A_137, %parallel_loop3A_146 : i32
        %parallel_loop3A_148 = vector.broadcast %parallel_loop3A_147 : i32 to vector<16xi32>
        %parallel_loop3A_149 = arith.addi %parallel_loop3A_148, %iota3A : vector<16xi32>
        %parallel_loop3A_150 = arith.constant 2 : i32
        %parallel_loop3A_151 = vector.broadcast %parallel_loop3A_150 : i32 to vector<16xi32>
        %parallel_loop3A_152 = arith.shrsi %parallel_loop3A_149, %parallel_loop3A_151 : vector<16xi32>
        %parallel_loop3A_153 = vector.broadcast %cond3A : i32 to vector<16xi32>
        %parallel_loop3A_154 = arith.andi %parallel_loop3A_149, %parallel_loop3A_153 : vector<16xi32>
        %parallel_loop3A_155 = tpu.vector_load_idx %arg17[%parallel_loop3A_152] : memref<10240xf32, #tpu.memory_space<vmem>>[vector<16xi32>], vector<16xf32>,
        %parallel_loop3A_156 = arith.constant 10240 : i32
        %parallel_loop3A_157 = vector.broadcast %parallel_loop3A_156 : i32 to vector<16xi32>
        %parallel_loop3A_158 = arith.muli %parallel_loop3A_154, %parallel_loop3A_157 : vector<16xi32>
        %parallel_loop3A_159 = arith.addi %parallel_loop3A_152, %parallel_loop3A_158 : vector<16xi32>
        %parallel_loop3A_160 = tpu.vector_load_idx %arg16[%parallel_loop3A_159] : memref<40960xf32, #tpu.memory_space<vmem>>[vector<16xi32>], vector<16xf32>,
        %parallel_loop3A_161 = arith.index_cast %parallel_loop3A_147 : i32 to index
        %parallel_loop3A_162 = tpu.vector_load %arg18[%parallel_loop3A_161] {strides = array<i32>} : memref<40960xf32, #tpu.memory_space<vmem>>, vector<16xf32>,
        %parallel_loop3A_163 = arith.mulf %parallel_loop3A_155, %parallel_loop3A_155 : vector<16xf32>
        %parallel_loop3A_164 = arith.mulf %parallel_loop3A_163, %parallel_loop3A_160 : vector<16xf32>
        %parallel_loop3A_165 = arith.addf %parallel_loop3A_162, %parallel_loop3A_164 : vector<16xf32>
        %parallel_loop3A_166 = arith.index_cast %parallel_loop3A_147 : i32 to index
        %parallel_loop3A_167 = tpu.vector_load %arg18[%parallel_loop3A_166] {strides = array<i32>} : memref<40960xf32, #tpu.memory_space<vmem>>, vector<16xf32>,
        tpu.vector_store %arg18[%parallel_loop3A_166], %parallel_loop3A_165 {strides = array<i32>} : memref<40960xf32, #tpu.memory_space<vmem>>, vector<16xf32>,
      } {sc.loop_unroll_factor = 4 : i64, sc.parallel_access}
    } else {
    }
    "tpu.region"() ({
      %run_scoped3A = tpu.sem_alloc : memref<!tpu.dma_semaphore, #tpu.memory_space<semaphore_mem>>
      %dma_start3A_141 = arith.constant 0 : i32
      %dma_start3A_142 = tpu.memref_slice %arg9[%add3A, %dma_start3A_141] : memref<32x40960xf32, #tpu.memory_space<hbm>> -> memref<1x40960xf32, #tpu.memory_space<hbm>>
      %dma_start3A_143 = tpu.memref_squeeze %dma_start3A_142 : memref<1x40960xf32, #tpu.memory_space<hbm>> -> memref<40960xf32, #tpu.memory_space<hbm>>
      %dma_start3A_144 = arith.constant 0 : i32
      %dma_start3A_145 = tpu.memref_slice %arg9[%add3A, %dma_start3A_144] : memref<32x40960xf32, #tpu.memory_space<hbm>> -> memref<1x40960xf32, #tpu.memory_space<hbm>>
      %dma_start3A_146 = tpu.memref_squeeze %dma_start3A_145 : memref<1x40960xf32, #tpu.memory_space<hbm>> -> memref<40960xf32, #tpu.memory_space<hbm>>
      tpu.enqueue_dma source(%arg18 : memref<40960xf32, #tpu.memory_space<vmem>>) target(%dma_start3A_146 : memref<40960xf32, #tpu.memory_space<hbm>>) target_semaphore(%run_scoped3A : memref<!tpu.dma_semaphore, #tpu.memory_space<semaphore_mem>>)
      %dma_wait3A_147 = arith.constant 0 : i32
      %dma_wait3A_148 = tpu.memref_slice %arg9[%add3A, %dma_wait3A_147] : memref<32x40960xf32, #tpu.memory_space<hbm>> -> memref<1x40960xf32, #tpu.memory_space<hbm>>
      %dma_wait3A_149 = tpu.memref_squeeze %dma_wait3A_148 : memref<1x40960xf32, #tpu.memory_space<hbm>> -> memref<40960xf32, #tpu.memory_space<hbm>>
      %dma_wait3A_150 = arith.constant 0 : i32
      %dma_wait3A_151 = tpu.memref_slice %arg9[%add3A, %dma_wait3A_150] : memref<32x40960xf32, #tpu.memory_space<hbm>> -> memref<1x40960xf32, #tpu.memory_space<hbm>>
      %dma_wait3A_152 = tpu.memref_squeeze %dma_wait3A_151 : memref<1x40960xf32, #tpu.memory_space<hbm>> -> memref<40960xf32, #tpu.memory_space<hbm>>
      tpu.wait_dma2 semaphore(%run_scoped3A : memref<!tpu.dma_semaphore, #tpu.memory_space<semaphore_mem>>) src(%arg18 : memref<40960xf32, #tpu.memory_space<vmem>>) dst(%dma_wait3A_152 : memref<40960xf32, #tpu.memory_space<hbm>>)
      tpu.yield
    }) : () -> ()
    return
  }
}

module attributes {stable_mosaic.version = 14 : i64} {
  func.func @_dis_body(%arg0: memref<32x10240xf32, #tpu.memory_space<vmem>>, %arg1: memref<10240xf32, #tpu.memory_space<vmem>>) attributes {dimension_semantics = [], scalar_prefetch = 0 : i64, scratch_operands = 0 : i64, tpu.core_type = #tpu.core_type<tc>} {
    %get3A = arith.constant 0 : index
    %get3A_0 = arith.constant 0 : index
    %get3A_1 = vector.load %arg0[%get3A, %get3A_0] : memref<32x10240xf32, #tpu.memory_space<vmem>>, vector<32x10240xf32>
    %reduce_sum3A = arith.constant dense<0.000000e+00> : vector<10240xf32>
    %reduce_sum3A_2 = vector.multi_reduction <add>, %get3A_1, %reduce_sum3A [0] : vector<32x10240xf32> to vector<10240xf32>
    %add3A = arith.constant 1.000000e+00 : f32
    %add3A_3 = vector.broadcast %add3A : f32 to vector<10240xf32>
    %add3A_4 = arith.addf %reduce_sum3A_2, %add3A_3 : vector<10240xf32>
    %rsqrt3A = math.rsqrt %add3A_4 : vector<10240xf32>
    %swap3A = arith.constant 0 : index
    %swap3A_5 = vector.load %arg1[%swap3A] : memref<10240xf32, #tpu.memory_space<vmem>>, vector<10240xf32>
    tpu.vector_store %arg1[%swap3A], %rsqrt3A {strides = array<i32>} : memref<10240xf32, #tpu.memory_space<vmem>>, vector<10240xf32>,
    return
  }
}

module attributes {stable_mosaic.version = 14 : i64} {
  func.func @_lin_body(%arg0: i32, %arg1: memref<2000x128xf32, #tpu.memory_space<vmem>>, %arg2: memref<128x4xf32, #tpu.memory_space<vmem>>, %arg3: memref<2048xf32, #tpu.memory_space<vmem>>, %arg4: memref<2048xf32, #tpu.memory_space<vmem>>, %arg5: memref<2048xf32, #tpu.memory_space<vmem>>, %arg6: memref<2048xf32, #tpu.memory_space<vmem>>) attributes {dimension_semantics = [#tpu.dimension_semantics<arbitrary>], iteration_bounds = array<i64: 5>, scalar_prefetch = 0 : i64, scratch_operands = 0 : i64, tpu.core_type = #tpu.core_type<tc>, window_params = [{transform_indices = @transform_0, window_bounds = array<i64: 2000, 128>}, {pipeline_mode = #tpu.pipeline_mode<synchronous>, transform_indices = @transform_1, window_bounds = array<i64: 128, 4>}, {transform_indices = @transform_2, window_bounds = array<i64: 2048>}, {transform_indices = @transform_3, window_bounds = array<i64: 2048>}, {transform_indices = @transform_4, window_bounds = array<i64: 2048>}, {transform_indices = @transform_5, window_bounds = array<i64: 2048>}]} {
    %get3A = arith.constant 0 : index
    %get3A_0 = arith.constant 0 : index
    %get3A_1 = vector.load %arg2[%get3A, %get3A_0] : memref<128x4xf32, #tpu.memory_space<vmem>>, vector<128x4xf32>
    %get3A_2 = arith.constant 0 : index
    %get3A_3 = arith.constant 0 : index
    %get3A_4 = vector.load %arg1[%get3A_2, %get3A_3] : memref<2000x128xf32, #tpu.memory_space<vmem>>, vector<2000x128xf32>
    %dot_general3A = arith.constant dense<0.000000e+00> : vector<4x2000xf32>
    %dot_general3A_5 = tpu.matmul %get3A_1, %get3A_4, %dot_general3A {dimension_numbers = #tpu.dot_dimension_numbers<[0], [1], [1], [0], [0, 1, 1, 0], [], []>, transpose_lhs_hint = false} : vector<128x4xf32>, vector<2000x128xf32>, vector<4x2000xf32> -> vector<4x2000xf32>
    %broadcast_in_dim3A = arith.constant 0.000000e+00 : f32
    %broadcast_in_dim3A_6 = vector.broadcast %broadcast_in_dim3A : f32 to vector<24xf32>
    %slice3A = vector.extract_strided_slice %dot_general3A_5 {offsets = [0, 0], sizes = [1, 1000], strides = [1, 1]} : vector<4x2000xf32> to vector<1x1000xf32>
    %squeeze3A = vector.shape_cast %slice3A : vector<1x1000xf32> to vector<1000xf32>
    %swap3A = arith.constant 0 : index
    %swap3A_7 = vector.load %arg3[%swap3A] : memref<2048xf32, #tpu.memory_space<vmem>>, vector<1000xf32>
    tpu.vector_store %arg3[%swap3A], %squeeze3A {strides = array<i32>} : memref<2048xf32, #tpu.memory_space<vmem>>, vector<1000xf32>,
    %swap3A_8 = arith.constant 1000 : index
    %swap3A_9 = vector.load %arg3[%swap3A_8] : memref<2048xf32, #tpu.memory_space<vmem>>, vector<24xf32>
    tpu.vector_store %arg3[%swap3A_8], %broadcast_in_dim3A_6 {strides = array<i32>} : memref<2048xf32, #tpu.memory_space<vmem>>, vector<24xf32>,
    %slice3A_10 = vector.extract_strided_slice %dot_general3A_5 {offsets = [0, 1000], sizes = [1, 1000], strides = [1, 1]} : vector<4x2000xf32> to vector<1x1000xf32>
    %squeeze3A_11 = vector.shape_cast %slice3A_10 : vector<1x1000xf32> to vector<1000xf32>
    %swap3A_12 = arith.constant 1024 : index
    %swap3A_13 = vector.load %arg3[%swap3A_12] : memref<2048xf32, #tpu.memory_space<vmem>>, vector<1000xf32>
    tpu.vector_store %arg3[%swap3A_12], %squeeze3A_11 {strides = array<i32>} : memref<2048xf32, #tpu.memory_space<vmem>>, vector<1000xf32>,
    %swap3A_14 = arith.constant 2024 : index
    %swap3A_15 = vector.load %arg3[%swap3A_14] : memref<2048xf32, #tpu.memory_space<vmem>>, vector<24xf32>
    tpu.vector_store %arg3[%swap3A_14], %broadcast_in_dim3A_6 {strides = array<i32>} : memref<2048xf32, #tpu.memory_space<vmem>>, vector<24xf32>,
    %slice3A_16 = vector.extract_strided_slice %dot_general3A_5 {offsets = [1, 0], sizes = [1, 1000], strides = [1, 1]} : vector<4x2000xf32> to vector<1x1000xf32>
    %squeeze3A_17 = vector.shape_cast %slice3A_16 : vector<1x1000xf32> to vector<1000xf32>
    %swap3A_18 = arith.constant 0 : index
    %swap3A_19 = vector.load %arg4[%swap3A_18] : memref<2048xf32, #tpu.memory_space<vmem>>, vector<1000xf32>
    tpu.vector_store %arg4[%swap3A_18], %squeeze3A_17 {strides = array<i32>} : memref<2048xf32, #tpu.memory_space<vmem>>, vector<1000xf32>,
    %swap3A_20 = arith.constant 1000 : index
    %swap3A_21 = vector.load %arg4[%swap3A_20] : memref<2048xf32, #tpu.memory_space<vmem>>, vector<24xf32>
    tpu.vector_store %arg4[%swap3A_20], %broadcast_in_dim3A_6 {strides = array<i32>} : memref<2048xf32, #tpu.memory_space<vmem>>, vector<24xf32>,
    %slice3A_22 = vector.extract_strided_slice %dot_general3A_5 {offsets = [1, 1000], sizes = [1, 1000], strides = [1, 1]} : vector<4x2000xf32> to vector<1x1000xf32>
    %squeeze3A_23 = vector.shape_cast %slice3A_22 : vector<1x1000xf32> to vector<1000xf32>
    %swap3A_24 = arith.constant 1024 : index
    %swap3A_25 = vector.load %arg4[%swap3A_24] : memref<2048xf32, #tpu.memory_space<vmem>>, vector<1000xf32>
    tpu.vector_store %arg4[%swap3A_24], %squeeze3A_23 {strides = array<i32>} : memref<2048xf32, #tpu.memory_space<vmem>>, vector<1000xf32>,
    %swap3A_26 = arith.constant 2024 : index
    %swap3A_27 = vector.load %arg4[%swap3A_26] : memref<2048xf32, #tpu.memory_space<vmem>>, vector<24xf32>
    tpu.vector_store %arg4[%swap3A_26], %broadcast_in_dim3A_6 {strides = array<i32>} : memref<2048xf32, #tpu.memory_space<vmem>>, vector<24xf32>,
    %slice3A_28 = vector.extract_strided_slice %dot_general3A_5 {offsets = [2, 0], sizes = [1, 1000], strides = [1, 1]} : vector<4x2000xf32> to vector<1x1000xf32>
    %squeeze3A_29 = vector.shape_cast %slice3A_28 : vector<1x1000xf32> to vector<1000xf32>
    %swap3A_30 = arith.constant 0 : index
    %swap3A_31 = vector.load %arg5[%swap3A_30] : memref<2048xf32, #tpu.memory_space<vmem>>, vector<1000xf32>
    tpu.vector_store %arg5[%swap3A_30], %squeeze3A_29 {strides = array<i32>} : memref<2048xf32, #tpu.memory_space<vmem>>, vector<1000xf32>,
    %swap3A_32 = arith.constant 1000 : index
    %swap3A_33 = vector.load %arg5[%swap3A_32] : memref<2048xf32, #tpu.memory_space<vmem>>, vector<24xf32>
    tpu.vector_store %arg5[%swap3A_32], %broadcast_in_dim3A_6 {strides = array<i32>} : memref<2048xf32, #tpu.memory_space<vmem>>, vector<24xf32>,
    %slice3A_34 = vector.extract_strided_slice %dot_general3A_5 {offsets = [2, 1000], sizes = [1, 1000], strides = [1, 1]} : vector<4x2000xf32> to vector<1x1000xf32>
    %squeeze3A_35 = vector.shape_cast %slice3A_34 : vector<1x1000xf32> to vector<1000xf32>
    %swap3A_36 = arith.constant 1024 : index
    %swap3A_37 = vector.load %arg5[%swap3A_36] : memref<2048xf32, #tpu.memory_space<vmem>>, vector<1000xf32>
    tpu.vector_store %arg5[%swap3A_36], %squeeze3A_35 {strides = array<i32>} : memref<2048xf32, #tpu.memory_space<vmem>>, vector<1000xf32>,
    %swap3A_38 = arith.constant 2024 : index
    %swap3A_39 = vector.load %arg5[%swap3A_38] : memref<2048xf32, #tpu.memory_space<vmem>>, vector<24xf32>
    tpu.vector_store %arg5[%swap3A_38], %broadcast_in_dim3A_6 {strides = array<i32>} : memref<2048xf32, #tpu.memory_space<vmem>>, vector<24xf32>,
    %slice3A_40 = vector.extract_strided_slice %dot_general3A_5 {offsets = [3, 0], sizes = [1, 1000], strides = [1, 1]} : vector<4x2000xf32> to vector<1x1000xf32>
    %squeeze3A_41 = vector.shape_cast %slice3A_40 : vector<1x1000xf32> to vector<1000xf32>
    %swap3A_42 = arith.constant 0 : index
    %swap3A_43 = vector.load %arg6[%swap3A_42] : memref<2048xf32, #tpu.memory_space<vmem>>, vector<1000xf32>
    tpu.vector_store %arg6[%swap3A_42], %squeeze3A_41 {strides = array<i32>} : memref<2048xf32, #tpu.memory_space<vmem>>, vector<1000xf32>,
    %swap3A_44 = arith.constant 1000 : index
    %swap3A_45 = vector.load %arg6[%swap3A_44] : memref<2048xf32, #tpu.memory_space<vmem>>, vector<24xf32>
    tpu.vector_store %arg6[%swap3A_44], %broadcast_in_dim3A_6 {strides = array<i32>} : memref<2048xf32, #tpu.memory_space<vmem>>, vector<24xf32>,
    %slice3A_46 = vector.extract_strided_slice %dot_general3A_5 {offsets = [3, 1000], sizes = [1, 1000], strides = [1, 1]} : vector<4x2000xf32> to vector<1x1000xf32>
    %squeeze3A_47 = vector.shape_cast %slice3A_46 : vector<1x1000xf32> to vector<1000xf32>
    %swap3A_48 = arith.constant 1024 : index
    %swap3A_49 = vector.load %arg6[%swap3A_48] : memref<2048xf32, #tpu.memory_space<vmem>>, vector<1000xf32>
    tpu.vector_store %arg6[%swap3A_48], %squeeze3A_47 {strides = array<i32>} : memref<2048xf32, #tpu.memory_space<vmem>>, vector<1000xf32>,
    %swap3A_50 = arith.constant 2024 : index
    %swap3A_51 = vector.load %arg6[%swap3A_50] : memref<2048xf32, #tpu.memory_space<vmem>>, vector<24xf32>
    tpu.vector_store %arg6[%swap3A_50], %broadcast_in_dim3A_6 {strides = array<i32>} : memref<2048xf32, #tpu.memory_space<vmem>>, vector<24xf32>,
    return
  }
  func.func @transform_0(%arg0: i32) -> (i32, i32) {
    %c0_i32 = arith.constant 0 : i32
    %c0_i32_0 = arith.constant 0 : i32
    return %arg0, %c0_i32 : i32, i32
  }
  func.func @transform_1(%arg0: i32) -> (i32, i32) {
    %c0_i32 = arith.constant 0 : i32
    %c0_i32_0 = arith.constant 0 : i32
    %c0_i32_1 = arith.constant 0 : i32
    return %c0_i32, %c0_i32_0 : i32, i32
  }
  func.func @transform_2(%arg0: i32) -> i32 {
    %c0_i32 = arith.constant 0 : i32
    return %arg0 : i32
  }
  func.func @transform_3(%arg0: i32) -> i32 {
    %c0_i32 = arith.constant 0 : i32
    return %arg0 : i32
  }
  func.func @transform_4(%arg0: i32) -> i32 {
    %c0_i32 = arith.constant 0 : i32
    return %arg0 : i32
  }
  func.func @transform_5(%arg0: i32) -> i32 {
    %c0_i32 = arith.constant 0 : i32
    return %arg0 : i32
  }
}

module attributes {stable_mosaic.version = 14 : i64} {
  func.func @_head_body(%arg0: memref<32x40960xf32, #tpu.memory_space<vmem>>, %arg1: memref<1x4xf32, #tpu.memory_space<vmem>>, %arg2: memref<4000x32xf32, #tpu.memory_space<vmem>>, %arg3: memref<1x32xf32, #tpu.memory_space<vmem>>, %arg4: memref<32x2xf32, #tpu.memory_space<vmem>>, %arg5: memref<1x2xf32, #tpu.memory_space<vmem>>, %arg6: memref<10x2xf32, #tpu.memory_space<vmem>>, %arg7: memref<4096x32xf32, #tpu.memory_space<vmem>>) attributes {dimension_semantics = [], scalar_prefetch = 0 : i64, scratch_operands = 1 : i64, tpu.core_type = #tpu.core_type<tc>} {
    %get3A = arith.constant 0 : index
    %get3A_0 = arith.constant 0 : index
    %get3A_1 = vector.load %arg2[%get3A, %get3A_0] : memref<4000x32xf32, #tpu.memory_space<vmem>>, vector<4000x32xf32>
    %swap3A = arith.constant 0 : index
    %swap3A_2 = arith.constant 0 : index
    %swap3A_3 = vector.load %arg7[%swap3A, %swap3A_2] : memref<4096x32xf32, #tpu.memory_space<vmem>>, vector<4000x32xf32>
    tpu.vector_store %arg7[%swap3A, %swap3A_2], %get3A_1 {strides = array<i32>} : memref<4096x32xf32, #tpu.memory_space<vmem>>, vector<4000x32xf32>,
    %broadcast_in_dim3A = arith.constant 0.000000e+00 : f32
    %broadcast_in_dim3A_4 = vector.broadcast %broadcast_in_dim3A : f32 to vector<96x32xf32>
    %swap3A_5 = arith.constant 4000 : index
    %swap3A_6 = arith.constant 0 : index
    %swap3A_7 = vector.load %arg7[%swap3A_5, %swap3A_6] : memref<4096x32xf32, #tpu.memory_space<vmem>>, vector<96x32xf32>
    tpu.vector_store %arg7[%swap3A_5, %swap3A_6], %broadcast_in_dim3A_4 {strides = array<i32>} : memref<4096x32xf32, #tpu.memory_space<vmem>>, vector<96x32xf32>,
    %get3A_8 = arith.constant 0 : index
    %get3A_9 = arith.constant 0 : index
    %get3A_10 = vector.load %arg2[%get3A_8, %get3A_9] : memref<4000x32xf32, #tpu.memory_space<vmem>>, vector<4000x32xf32>
    %reshape3A = vector.shape_cast %get3A_10 : vector<4000x32xf32> to vector<1000x4x32xf32>
    %reduce_sum3A = arith.constant dense<0.000000e+00> : vector<4x32xf32>
    %reduce_sum3A_11 = vector.multi_reduction <add>, %reshape3A, %reduce_sum3A [0] : vector<1000x4x32xf32> to vector<4x32xf32>
    %get3A_12 = arith.constant 0 : index
    %get3A_13 = arith.constant 0 : index
    %get3A_14 = vector.load %arg1[%get3A_12, %get3A_13] : memref<1x4xf32, #tpu.memory_space<vmem>>, vector<1x4xf32>
    %dot_general3A = arith.constant dense<0.000000e+00> : vector<1x32xf32>
    %dot_general3A_15 = tpu.matmul %get3A_14, %reduce_sum3A_11, %dot_general3A {dimension_numbers = #tpu.dot_dimension_numbers<[1], [0], [0], [1], [0, 0, 1, 1], [], []>, transpose_lhs_hint = false} : vector<1x4xf32>, vector<4x32xf32>, vector<1x32xf32> -> vector<1x32xf32>
    %get3A_16 = arith.constant 0 : index
    %get3A_17 = arith.constant 0 : index
    %get3A_18 = vector.load %arg3[%get3A_16, %get3A_17] : memref<1x32xf32, #tpu.memory_space<vmem>>, vector<1x32xf32>
    %add3A = arith.addf %dot_general3A_15, %get3A_18 : vector<1x32xf32>
    %get3A_19 = arith.constant 0 : index
    %get3A_20 = arith.constant 0 : index
    %get3A_21 = vector.load %arg0[%get3A_19, %get3A_20] : memref<32x40960xf32, #tpu.memory_space<vmem>>, vector<32x4096xf32>
    %reduce_sum3A_22 = arith.constant dense<0.000000e+00> : vector<4096xf32>
    %reduce_sum3A_23 = vector.multi_reduction <add>, %get3A_21, %reduce_sum3A_22 [0] : vector<32x4096xf32> to vector<4096xf32>
    %broadcast_in_dim3A_24 = vector.shape_cast %reduce_sum3A_23 : vector<4096xf32> to vector<1x4096xf32>
    %get3A_25 = arith.constant 0 : index
    %get3A_26 = arith.constant 4096 : index
    %get3A_27 = vector.load %arg0[%get3A_25, %get3A_26] : memref<32x40960xf32, #tpu.memory_space<vmem>>, vector<32x4096xf32>
    %reduce_sum3A_28 = arith.constant dense<0.000000e+00> : vector<4096xf32>
    %reduce_sum3A_29 = vector.multi_reduction <add>, %get3A_27, %reduce_sum3A_28 [0] : vector<32x4096xf32> to vector<4096xf32>
    %broadcast_in_dim3A_30 = vector.shape_cast %reduce_sum3A_29 : vector<4096xf32> to vector<1x4096xf32>
    %get3A_31 = arith.constant 0 : index
    %get3A_32 = arith.constant 8192 : index
    %get3A_33 = vector.load %arg0[%get3A_31, %get3A_32] : memref<32x40960xf32, #tpu.memory_space<vmem>>, vector<32x4096xf32>
    %reduce_sum3A_34 = arith.constant dense<0.000000e+00> : vector<4096xf32>
    %reduce_sum3A_35 = vector.multi_reduction <add>, %get3A_33, %reduce_sum3A_34 [0] : vector<32x4096xf32> to vector<4096xf32>
    %broadcast_in_dim3A_36 = vector.shape_cast %reduce_sum3A_35 : vector<4096xf32> to vector<1x4096xf32>
    %get3A_37 = arith.constant 0 : index
    %get3A_38 = arith.constant 12288 : index
    %get3A_39 = vector.load %arg0[%get3A_37, %get3A_38] : memref<32x40960xf32, #tpu.memory_space<vmem>>, vector<32x4096xf32>
    %reduce_sum3A_40 = arith.constant dense<0.000000e+00> : vector<4096xf32>
    %reduce_sum3A_41 = vector.multi_reduction <add>, %get3A_39, %reduce_sum3A_40 [0] : vector<32x4096xf32> to vector<4096xf32>
    %broadcast_in_dim3A_42 = vector.shape_cast %reduce_sum3A_41 : vector<4096xf32> to vector<1x4096xf32>
    %get3A_43 = arith.constant 0 : index
    %get3A_44 = arith.constant 16384 : index
    %get3A_45 = vector.load %arg0[%get3A_43, %get3A_44] : memref<32x40960xf32, #tpu.memory_space<vmem>>, vector<32x4096xf32>
    %reduce_sum3A_46 = arith.constant dense<0.000000e+00> : vector<4096xf32>
    %reduce_sum3A_47 = vector.multi_reduction <add>, %get3A_45, %reduce_sum3A_46 [0] : vector<32x4096xf32> to vector<4096xf32>
    %broadcast_in_dim3A_48 = vector.shape_cast %reduce_sum3A_47 : vector<4096xf32> to vector<1x4096xf32>
    %get3A_49 = arith.constant 0 : index
    %get3A_50 = arith.constant 20480 : index
    %get3A_51 = vector.load %arg0[%get3A_49, %get3A_50] : memref<32x40960xf32, #tpu.memory_space<vmem>>, vector<32x4096xf32>
    %reduce_sum3A_52 = arith.constant dense<0.000000e+00> : vector<4096xf32>
    %reduce_sum3A_53 = vector.multi_reduction <add>, %get3A_51, %reduce_sum3A_52 [0] : vector<32x4096xf32> to vector<4096xf32>
    %broadcast_in_dim3A_54 = vector.shape_cast %reduce_sum3A_53 : vector<4096xf32> to vector<1x4096xf32>
    %get3A_55 = arith.constant 0 : index
    %get3A_56 = arith.constant 24576 : index
    %get3A_57 = vector.load %arg0[%get3A_55, %get3A_56] : memref<32x40960xf32, #tpu.memory_space<vmem>>, vector<32x4096xf32>
    %reduce_sum3A_58 = arith.constant dense<0.000000e+00> : vector<4096xf32>
    %reduce_sum3A_59 = vector.multi_reduction <add>, %get3A_57, %reduce_sum3A_58 [0] : vector<32x4096xf32> to vector<4096xf32>
    %broadcast_in_dim3A_60 = vector.shape_cast %reduce_sum3A_59 : vector<4096xf32> to vector<1x4096xf32>
    %get3A_61 = arith.constant 0 : index
    %get3A_62 = arith.constant 28672 : index
    %get3A_63 = vector.load %arg0[%get3A_61, %get3A_62] : memref<32x40960xf32, #tpu.memory_space<vmem>>, vector<32x4096xf32>
    %reduce_sum3A_64 = arith.constant dense<0.000000e+00> : vector<4096xf32>
    %reduce_sum3A_65 = vector.multi_reduction <add>, %get3A_63, %reduce_sum3A_64 [0] : vector<32x4096xf32> to vector<4096xf32>
    %broadcast_in_dim3A_66 = vector.shape_cast %reduce_sum3A_65 : vector<4096xf32> to vector<1x4096xf32>
    %get3A_67 = arith.constant 0 : index
    %get3A_68 = arith.constant 32768 : index
    %get3A_69 = vector.load %arg0[%get3A_67, %get3A_68] : memref<32x40960xf32, #tpu.memory_space<vmem>>, vector<32x4096xf32>
    %reduce_sum3A_70 = arith.constant dense<0.000000e+00> : vector<4096xf32>
    %reduce_sum3A_71 = vector.multi_reduction <add>, %get3A_69, %reduce_sum3A_70 [0] : vector<32x4096xf32> to vector<4096xf32>
    %broadcast_in_dim3A_72 = vector.shape_cast %reduce_sum3A_71 : vector<4096xf32> to vector<1x4096xf32>
    %get3A_73 = arith.constant 0 : index
    %get3A_74 = arith.constant 36864 : index
    %get3A_75 = vector.load %arg0[%get3A_73, %get3A_74] : memref<32x40960xf32, #tpu.memory_space<vmem>>, vector<32x4096xf32>
    %reduce_sum3A_76 = arith.constant dense<0.000000e+00> : vector<4096xf32>
    %reduce_sum3A_77 = vector.multi_reduction <add>, %get3A_75, %reduce_sum3A_76 [0] : vector<32x4096xf32> to vector<4096xf32>
    %broadcast_in_dim3A_78 = vector.shape_cast %reduce_sum3A_77 : vector<4096xf32> to vector<1x4096xf32>
    %concatenate3A = tpu.concatenate %broadcast_in_dim3A_24, %broadcast_in_dim3A_30, %broadcast_in_dim3A_36, %broadcast_in_dim3A_42, %broadcast_in_dim3A_48, %broadcast_in_dim3A_54, %broadcast_in_dim3A_60, %broadcast_in_dim3A_66, %broadcast_in_dim3A_72, %broadcast_in_dim3A_78 in 0 : vector<1x4096xf32>, vector<1x4096xf32>, vector<1x4096xf32>, vector<1x4096xf32>, vector<1x4096xf32>, vector<1x4096xf32>, vector<1x4096xf32>, vector<1x4096xf32>, vector<1x4096xf32>, vector<1x4096xf32> -> vector<10x4096xf32>
    %get3A_79 = arith.constant 0 : index
    %get3A_80 = arith.constant 0 : index
    %get3A_81 = vector.load %arg7[%get3A_79, %get3A_80] : memref<4096x32xf32, #tpu.memory_space<vmem>>, vector<4096x32xf32>
    %dot_general3A_82 = arith.constant dense<0.000000e+00> : vector<10x32xf32>
    %dot_general3A_83 = tpu.matmul %concatenate3A, %get3A_81, %dot_general3A_82 {dimension_numbers = #tpu.dot_dimension_numbers<[1], [0], [0], [1], [0, 0, 1, 1], [], []>, transpose_lhs_hint = false} : vector<10x4096xf32>, vector<4096x32xf32>, vector<10x32xf32> -> vector<10x32xf32>
    %add3A_84 = vector.broadcast %add3A : vector<1x32xf32> to vector<10x32xf32>
    %add3A_85 = arith.addf %dot_general3A_83, %add3A_84 : vector<10x32xf32>
    %max3A = arith.constant 0.000000e+00 : f32
    %max3A_86 = vector.broadcast %max3A : f32 to vector<10x32xf32>
    %max3A_87 = arith.maximumf %add3A_85, %max3A_86 : vector<10x32xf32>
    %get3A_88 = arith.constant 0 : index
    %get3A_89 = arith.constant 0 : index
    %get3A_90 = vector.load %arg4[%get3A_88, %get3A_89] : memref<32x2xf32, #tpu.memory_space<vmem>>, vector<32x2xf32>
    %dot_general3A_91 = arith.constant dense<0.000000e+00> : vector<10x2xf32>
    %dot_general3A_92 = tpu.matmul %max3A_87, %get3A_90, %dot_general3A_91 {dimension_numbers = #tpu.dot_dimension_numbers<[1], [0], [0], [1], [0, 0, 1, 1], [], []>, transpose_lhs_hint = false} : vector<10x32xf32>, vector<32x2xf32>, vector<10x2xf32> -> vector<10x2xf32>
    %get3A_93 = arith.constant 0 : index
    %get3A_94 = arith.constant 0 : index
    %get3A_95 = vector.load %arg5[%get3A_93, %get3A_94] : memref<1x2xf32, #tpu.memory_space<vmem>>, vector<1x2xf32>
    %add3A_96 = vector.broadcast %get3A_95 : vector<1x2xf32> to vector<10x2xf32>
    %add3A_97 = arith.addf %dot_general3A_92, %add3A_96 : vector<10x2xf32>
    %swap3A_98 = arith.constant 0 : index
    %swap3A_99 = arith.constant 0 : index
    %swap3A_100 = vector.load %arg6[%swap3A_98, %swap3A_99] : memref<10x2xf32, #tpu.memory_space<vmem>>, vector<10x2xf32>
    tpu.vector_store %arg6[%swap3A_98, %swap3A_99], %add3A_97 {strides = array<i32>} : memref<10x2xf32, #tpu.memory_space<vmem>>, vector<10x2xf32>,
    return
  }
}

</mosaic_0001>

<sc_bundles>
// kernel: kernel.10.cloned.1.call-start
scs
__scs_entry_jumppad:
0x0: {  	(pc) =	sbr.rel $0x88, $3  }
0x1: {  	(tag) =	ssettag $0x0;
	lr =	simm.s32 $0x1  }
0x2: {  	[smem:$0x3F98] =	sst lr;
	_ =	strace $0xD0000000  }
0x3: {  	_ = 	snop  }
0x4: {  	_ = 	snop  }
0x5: {  	_ = 	snop  }
0x6: {  	_ = 	snop  }
0x7: {  	_ = 	snop  }
__scs_overlays_trampoline_lowered:
0x8: {  	[smem:$0x3FA7] =	sst s0  }
0x9: {  	[smem:$0x3FA8] =	sst s1  }
0xa: {  	[smem:$0x3FA9] =	sst s2  }
0xb: {  	[smem:$0x3FAA] =	sst s3  }
0xc: {  	[smem:$0x3FAB] =	sst s4  }
0xd: {  	[smem:$0x3FAC] =	sst s5  }
0xe: {  	[smem:$0x3FAD] =	sst s6  }
0xf: {  	[smem:$0x3FAE] =	sst s7  }
0x10: {  	[smem:$0x3FAF] =	sst s8  }
0x11: {  	[smem:$0x3FB0] =	sst s9;
	s0 =	simm.s32 @!p0 $0x0  }
0x12: {  	s1 =	sld [smem:$0x3F96];
	s0 =	simm.s32 @p0 $0x1  }
0x13: {  	[smem:$0x3FB1] =	sst s0;
	s0 =	simm.s32 @!p1 $0x0  }
0x14: {  	s2 =	sld [smem:$0x3F95];
	s0 =	simm.s32 @p1 $0x1  }
0x15: {  	[smem:$0x3FB2] =	sst s0;
	s0 =	simm.s32 @!p2 $0x0  }
0x16: {  	s3 =	sld [smem:$0x3FDB];
	s0 =	simm.s32 @p2 $0x1  }
0x17: {  	s4 =	simm.s32 $0x1BF5;
	[smem:$0x3FB4] =	sst s0  }
0x18: {  	s0 =	sld [smem:$0x3F97];
	_ =	swait.ge [sflag:s4], $0x0  }
0x19: {  	s7 =	sld [smem:$0x3F98]  }
0x1a: {  	s8 =	sadd.s32 $0xFFFFE003, lr  }
0x1b: {  	s9 =	sadd.s32 $0xFFFFFEF7, lr;
	s5 =	simm.s32 $0xFFFFFFFF;
	p2 =	slt.u32 s8, $0xFFFFF086  }
0x1c: {  	p1 =	slt.u32 s9, $0xF7A;
	s5 =	simm.s32 @!p2 $0x0  }
0x1d: {  	s5 =	simm.s32 @p1 $0x1;
	p0 =	seq.s32 s7, s2  }
0x1e: {  	s7 =	smul.u32 @!p0 $0xF7A, s2;
	p2 =	seq.s32 @!p0 s5, $0x0  }
0x1f: {  	s9 =	smul.u32 $0xF7A, s1;
	s8 =	simm.s32 @!p0 $0x1BF5;
	p2 =	por !p2, p0  }
0x20: {  	[sflag:s8] =	ssyncset.s32 @!p0 $0xFFFFF086;
	s6 =	sadd.s32 @!p0 s3, s7;
	s7 =	simm.s32 @!p0 $0x108  }
0x21: {  	s3 =	sadd.s32 s3, s9;
	s6 =	sadd.s32 @!p0 $0x88, s6;
	s7 =	simm.s32 @p2 $0x1082  }
0x22: {  	[simem:s7], [sflag:s8] =	dma.local @!p0 [hbm:s6], $0xF7A  }
0x23: {  	s9 =	sor.u32 $0xD0000000, s2;
	s6 =	simm.s32 $0x108;
	_ =	swait.ge @!p0 [sflag:s8], $0x0  }
0x24: {  	s3 =	sadd.s32 $0x88, s3;
	s6 =	simm.s32 @!p1 $0x1082;
	[sflag:s4] =	ssyncset.s32 $0xFFFFF086  }
0x25: {  	[simem:s6], [sflag:s4] =	dma.local [hbm:s3], $0xF7A  }
0x26: {  	[smem:$0x3F98] =	sst s1;
	(tag) =	ssettag s2;
	_ =	strace s9  }
0x27: {  	s1 =	sld [smem:$0x3FA8]  }
0x28: {  	s2 =	sld [smem:$0x3FA9]  }
0x29: {  	s4 =	sld [smem:$0x3FAB]  }
0x2a: {  	p0 =	seq.s32 s5, $0x0;
	s5 =	sld [smem:$0x3FAC]  }
0x2b: {  	s6 =	sld [smem:$0x3FAD]  }
0x2c: {  	s7 =	sld [smem:$0x3FAE]  }
0x2d: {  	s3 =	simm.s32 $0x108;
	s8 =	sld [smem:$0x3FAF]  }
0x2e: {  	s3 =	simm.s32 @!p0 $0x1082;
	s9 =	sld [smem:$0x3FB0]  }
0x2f: {  	lr =	sadd.s32 s0, s3;
	s0 =	sld [smem:$0x3FA7]  }
0x30: {  	s3 =	sld [smem:$0x3FAA]  }
0x31: {  	[smem:$0x3FB3] =	sst s10  }
0x32: {  	s10 =	sld [smem:$0x3FB1];
	_ =	sdelay $0x3  }
0x33: {  	p0 =	seq.s32 s10, $0x1;
	s10 =	sld [smem:$0x3FB3];
	_ =	sdelay $0x3  }
0x34: {  	[smem:$0x3FB3] =	sst s10  }
0x35: {  	s10 =	sld [smem:$0x3FB2];
	_ =	sdelay $0x3  }
0x36: {  	p1 =	seq.s32 s10, $0x1;
	s10 =	sld [smem:$0x3FB3];
	_ =	sdelay $0x3  }
0x37: {  	[smem:$0x3FB3] =	sst s10  }
0x38: {  	s10 =	sld [smem:$0x3FB4]  }
0x39: {  	_ = 	snop;
	(pc) =	sbr.ind lr, $3  }
0x3a: {  	_ = 	snop  }
0x3b: {  	_ = 	snop  }
0x3c: {  	p2 =	seq.s32 s10, $0x1;
	s10 =	sld [smem:$0x3FB3]  }
0x3d: {  	_ =	shalt  }
0x3e: {  	_ =	shalt  }
0x3f: {  	_ =	shalt  }
0x40: {  	_ =	shalt  }
0x41: {  	_ =	shalt  }
0x42: {  	_ =	shalt  }
0x43: {  	_ =	shalt  }
0x44: {  	_ =	shalt  }
0x45: {  	_ =	shalt  }
0x46: {  	_ =	shalt  }
0x47: {  	_ =	shalt  }
0x48: {  	_ =	shalt  }
0x49: {  	_ =	shalt  }
0x4a: {  	_ =	shalt  }
0x4b: {  	_ =	shalt  }
0x4c: {  	_ =	shalt  }
0x4d: {  	_ =	shalt  }
0x4e: {  	_ =	shalt  }
0x4f: {  	_ =	shalt  }
0x50: {  	_ =	shalt  }
0x51: {  	_ =	shalt  }
0x52: {  	_ =	shalt  }
0x53: {  	_ =	shalt  }
0x54: {  	_ =	shalt  }
0x55: {  	_ =	shalt  }
0x56: {  	_ =	shalt  }
0x57: {  	_ =	shalt  }
0x58: {  	_ =	shalt  }
0x59: {  	_ =	shalt  }
0x5a: {  	_ =	shalt  }
0x5b: {  	_ =	shalt  }
0x5c: {  	_ =	shalt  }
0x5d: {  	_ =	shalt  }
0x5e: {  	_ =	shalt  }
0x5f: {  	_ =	shalt  }
0x60: {  	_ =	shalt  }
0x61: {  	_ =	shalt  }
0x62: {  	_ =	shalt  }
0x63: {  	_ =	shalt  }
0x64: {  	_ =	shalt  }
0x65: {  	_ =	shalt  }
0x66: {  	_ =	shalt  }
0x67: {  	_ =	shalt  }
0x68: {  	_ =	shalt  }
0x69: {  	_ =	shalt  }
0x6a: {  	_ =	shalt  }
0x6b: {  	_ =	shalt  }
0x6c: {  	_ =	shalt  }
0x6d: {  	_ =	shalt  }
0x6e: {  	_ =	shalt  }
0x6f: {  	_ =	shalt  }
0x70: {  	_ =	shalt  }
0x71: {  	_ =	shalt  }
0x72: {  	_ =	shalt  }
0x73: {  	_ =	shalt  }
0x74: {  	_ =	shalt  }
0x75: {  	_ =	shalt  }
0x76: {  	_ =	shalt  }
0x77: {  	_ =	shalt  }
0x78: {  	_ =	shalt  }
0x79: {  	_ =	shalt  }
0x7a: {  	_ =	shalt  }
0x7b: {  	_ =	shalt  }
0x7c: {  	_ =	shalt  }
0x7d: {  	_ =	shalt  }
0x7e: {  	_ =	shalt  }
0x7f: {  	_ =	shalt  }
0x80: {  	_ =	shalt  }
0x81: {  	_ =	shalt  }
0x82: {  	_ =	shalt  }
0x83: {  	_ =	shalt  }
0x84: {  	_ =	shalt  }
0x85: {  	_ =	shalt  }
0x86: {  	_ =	shalt  }
0x87: {  	_ =	shalt  }
.Lfunc_end0:
.L_simem_size_0:
called_computation.1_lowered:
.L_overlay_start_0:
0x88: {  	s2 =	sld [smem:$0x3FD9]  }
0x89: {  	s3 =	sld [smem:$0x3FFE];
	_ =	sdelay $0x1  }
0x8a: {  	s1 =	srdreg.scid  }
0x8b: {  	s0 =	sand.u32 $0x1, s1  }
0x8c: {  	s17 =	sshll.u32 s0, $0xA;
	s2 =	sadd.s32 s3, s2  }
0x8d: {  	s2 =	sadd.s32 s2, s17  }
0x8e: {  	[smem:$0x3FBF] =	sst s2  }
0x8f: {  	_ = 	snop  }
0x90: {  	s2 =	sld [smem:$0x3FC7];
	(tm) =	ssettm $0x1  }
0x91: {  	s18 =	sld [smem:$0x3FFB];
	_ =	sdelay $0x3  }
0x92: {  	_ =	strace s18  }
0x93: {  	s3 =	sld [smem:$0x3FFC];
	_ =	sdelay $0x3  }
0x94: {  	_ =	strace s3  }
0x95: {  	s3 =	sld [smem:$0x3FFD];
	_ =	sdelay $0x3  }
0x96: {  	_ =	strace s3  }
0x97: {  	_ =	strace $0x8FFFFFFF  }
0x98: {  	s19 =	sld [smem:$0x3FDB];
	_ =	sdelay $0x1  }
0x99: {  	s4 =	simm.s32 $_scs_section_size  }
0x9a: {  	s5 =	simm.s32 $_size__tile_overlayer_lowered;
	s6 =	simm.s32 $_tile_overlayer_lowered  }
0x9b: {  	s22 =	simm.s32 $0x1BFF;
	s21 =	sshll.u32 s6, $0x1;
	s3 =	sadd.s32 s4, s19  }
0x9c: {  	s7 =	simm.s32 $0x0;
	s20 =	sshll.u32 s5, $0x1;
	s5 =	sadd.s32 s21, s3  }
0x9d: {  	[timem:s7], [sflag:s22] =	dma.local [hbm:s5], s20  }
0x9e: {  	_ =	swait.ge [sflag:s22], s20  }
0x9f: {  	s4 =	ssub.s32 $0x0, s20;
	[sflag:s22] =	ssyncset.done $0x0  }
0xa0: {  	[sflag:s22] =	ssyncadd.s32 s4;
	_ =	sdelay $0x1  }
0xa1: {  	s23 =	simm.s32 $0x1B8B  }
0xa2: {  	_ =	swait.ge [sflag:s23], $0x1  }
0xa3: {  	[sflag:s23] =	ssyncset.done $0x0  }
0xa4: {  	s25 =	simm.s32 $0x1B8E;
	s24 =	sld [smem:$0x3FFE];
	[sflag:s23] =	ssyncadd.s32 $0xFFFFFFFF  }
0xa5: {  	s26 =	simm.s32 $execute0_lowered;
	[smem:$0x3FD2] =	sst s25  }
0xa6: {  	s5 =	sshll.u32 s26, $0x1;
	_ =	strace $0x80000049;
	[dreg:$0x1] =	wrdreg $0xFFFFFFFF  }
0xa7: {  	s28 =	simm.s32 $_size_execute0_lowered;
	s3 =	sadd.s32 s3, s5;
	[dreg:$0x0] =	wrdreg $0x0  }
0xa8: {  	s5 =	sshll.u32 s28, $0x1;
	[dreg:$0x2] =	wrdreg s3  }
0xa9: {  	[dreg:$0x3] =	wrdreg s5  }
0xaa: {  	[dreg:$0x4] =	wrdreg $0xC0  }
0xab: {  	_ =	task [dreg:s7], $0x5FFFF  }
0xac: {  	[dreg:$0x1] =	wrdreg $0xFFFFFFFF  }
0xad: {  	[dreg:$0x0] =	wrdreg $0x60  }
0xae: {  	[dreg:$0x2] =	wrdreg s24  }
0xaf: {  	[dreg:$0x3] =	wrdreg s2  }
0xb0: {  	[dreg:$0x4] =	wrdreg $0x9  }
0xb1: {  	_ =	task.clear_ibuf [dreg:s7], $0x5FFFF;
	_ =	strace $0x90000049  }
0xb2: {  	s29 =	simm.s32 $0x9;
	_ =	strace $0x8000004B  }
0xb3: {  	_ =	swait.ge [sflag:s29], $0x1  }
0xb4: {  	[sflag:s29] =	ssyncadd.s32 $0xFFFFFFFF  }
0xb5: {  	_ =	strace $0x9000004B  }
0xb6: {  	_ =	sfence  }
0xb7: {  	s30 =	sld [smem:$0x0];
	_ =	sdelay $0x2  }
0xb8: {  	s31 =	sshll.u32 s1, $0xD;
	s1 =	sshrl.u32 s1, $0x2  }
0xb9: {  	s3 =	sand.u32 $0x4000, s31;
	s1 =	sadd.s32 s1, s30  }
0xba: {  	s0 =	sor.u32 s3, s0;
	s1 =	sshll.u32 s1, $0x11  }
0xbb: {  	s0 =	sor.u32 s1, s0  }
0xbc: {  	s0 =	sadd.s32 $0x8F2B, s0  }
0xbd: {  	[sflag:s0] =	ssyncadd.remote.s32 $0x1  }
0xbe: {  	_ =	sfence.sel $0xFFFF  }
0xbf: {  	[dreg:$0x0] =	wrdreg $0xFFFFFFFF;
	(pc) =	sbr.abs _section_cstart, $3  }
0xc0: {  	[dreg:$0x1] =	wrdreg $0xFFFFFFFF  }
0xc1: {  	_ =	task.clear_ibuf [dreg:s7], $0x2FFFF;
	_ =	strace $0x9FFFFFFF  }
0xc2: {  	(tm) =	ssettm $0x7FFFFFFF  }
0xc3: {  	_ =	shalt  }
tec
execute0_lowered:
.L_overlay_start_1:
0x0: {  	(tag) =	ssettag $0x1  }
0x1: {  	s0 =	rddreg [dreg:$0x0]  }
0x2: {  	s1 =	rddreg [dreg:$0x1]  }
0x3: {  	s3 =	srdreg.scid;
	s2 =	simm.s32 $0x0;
	s10 =	stileid.u32  }
0x4: {  	s31 =	simm.s32 $0xD000;
	s3 =	sand.u32 $0x1, s3;
	[smem:$0x7FF] =	sst s2  }
0x5: {  	s5 =	sadd.s32 $0x2C00, s0;
	s13 =	sadd.s32 $0x20600, s0;
	s14 =	sadd.s32 $0x20C00, s0  }
0x6: {  	s15 =	sadd.s32 $0x21200, s0;
	s7 =	sshll.u32 s10, $0x7;
	s4 =	sshll.u32 s3, $0x4  }
0x7: {  	s16 =	sadd.s32 $0x21800, s0;
	s23 =	smul.u32 $0xA00, s10;
	s4 =	sor.u32 s10, s4  }
0x8: {  	s17 =	sadd.s32 $0x16600, s0;
	s6 =	sshrl.u32 s4, $0x3;
	s4 =	smul.u32 $0x2710, s4  }
0x9: {  	_ =	strace $0x8000004A;
	s7 =	sand.u32 $0x380, s7;
	s11 =	ssub.s32 $0x2, s3  }
0xa: {  	p0 =	sne.s32 s3, $0x0;
	s8 =	sshrl.u32 s11, $0x1;
	s4 =	sshrl.u32 s4, $0x3  }
0xb: {  	s12 =	ssub.s32 s11, s8;
	s6 =	smul.u32 $0x50000, s6;
	s8 =	sadd.s32 s5, s4  }
0xc: {  	s19 =	sadd.s32 s1, s4;
	s25 =	sadd.s32 $0xFA, s4;
	s9 =	sadd.s32 $0x1F4, s4  }
0xd: {  	s26 =	sadd.s32 $0x2EE, s4;
	s4 =	sadd.s32 $0x3E8, s4;
	s20 =	sadd.s32 s5, s25  }
0xe: {  	s24 =	sadd.s32 s5, s9;
	s29 =	sadd.s32 s5, s26;
	s5 =	sadd.s32 s5, s4  }
0xf: {  	s6 =	sor.u32 s7, s6;
	s28 =	sadd.s32 s1, s9;
	[dreg:$0x7] =	wrdreg s5  }
0x10: {  	s10 =	simm.s32 $0x0;
	s6 =	sshrl.u32 s6, $0x3;
	[dreg:$0x3] =	wrdreg s28  }
0x11: {  	s18 =	sadd.s32 $0x9C40, s8;
	s30 =	sadd.s32 $0x9F2E, s8;
	[dreg:$0x4] =	wrdreg s29  }
0x12: {  	s22 =	sadd.s32 s1, s25;
	s7 =	sadd.s32 s1, s26;
	[dreg:$0x5] =	wrdreg s30  }
.Ltmp0:
0x13: {  	s1 =	sadd.s32 s1, s4;
	[dreg:$0x6] =	wrdreg s7;
	(pc) =	sbr.rel .LBB2_1-.Ltmp0, $4  }
0x14: {  	s21 =	sadd.s32 $0x9D3A, s8;
	s4 =	sadd.s32 $0xA028, s8;
	[dreg:$0x8] =	wrdreg s1  }
0x15: {  	s0 =	sadd.s32 s6, s0;
	s6 =	smax.u32 s12, $0x1;
	[dreg:$0x9] =	wrdreg s4  }
0x16: {  	s25 =	sadd.s32 $0x9E34, s8;
	s3 =	sadd.s32 $0x21E00, s0;
	[dreg:$0xb] =	wrdreg s6  }
0x17: {  	v0 =	vimm.f32 $0.0e+00;
	v1 =	vlaneseq.u32;
	s26 =	simm.s32 $0x3000;
	s5 =	simm.s32 $0xF800;
	[dreg:$0xa] =	wrdreg s3  }
.LBB2_16:
0x18: {  	_ =	sdelay $0x3  }
0x19: {  	v2 =	vld.idx.msk [tilespmem:v11+s31+$0x0], $0xffff  }
0x1a: {  	v10 =	vld.idx.msk [tilespmem:v10+s26+$0x0], $0xffff  }
0x1b: {  	s15 =	sor.u32 s18, s17;
	v9 =	vld.idx.msk [tilespmem:v9+s26+$0x0], $0xffff  }
0x1c: {  	v60 =	vld [tilespmem:s15+$0xF800]  }
0x1d: {  	v12 =	vmul.f32 v12, v12;
	v8 =	vld.idx.msk [tilespmem:v8+s26+$0x0], $0xffff  }
0x1e: {  	v4 =	vmul.f32 v4, v4  }
0x1f: {  	v61 =	vld [tilespmem:s14+$0xF800];
	v7 =	vmul.f32 v7, v7;
	v12 =	vmul.f32 v13, v12  }
0x20: {  	v5 =	vadd.f32 v15, v5;
	[tilespmem:s11+$0xF800] =	vst v16;
	v2 =	vmul.f32 v2, v2;
	v4 =	vmul.f32 v10, v4  }
0x21: {  	[tilespmem:s9+$0xF800] =	vst v14;
	v7 =	vmul.f32 v9, v7;
	v62 =	vadd.f32 v12, v60  }
0x22: {  	[tilespmem:s13+$0xF800] =	vst v5;
	v2 =	vmul.f32 v8, v2;
	v3 =	vadd.f32 v4, v3  }
0x23: {  	v63 =	vadd.f32 v7, v6;
	[tilespmem:s15+$0xF800] =	vst v62  }
0x24: {  	v2 =	vadd.f32 v2, v61;
	[tilespmem:s10+$0xF800] =	vst v3  }
0x25: {  	[tilespmem:s12+$0xF800] =	vst v63  }
0x26: {  	[tilespmem:s14+$0xF800] =	vst v2  }
0x27: {  	s19 =	smov.u32 s28;
	s28 =	rddreg [dreg:$0x3]  }
0x28: {  	s15 =	smov.u32 s8;
	s8 =	smov.u32 s29;
	s29 =	rddreg [dreg:$0x4]  }
0x29: {  	s21 =	smov.u32 s30;
	s30 =	rddreg [dreg:$0x5]  }
0x2a: {  	s20 =	smov.u32 s7;
	s7 =	rddreg [dreg:$0x6]  }
0x2b: {  	s17 =	smov.u32 s1;
	s1 =	rddreg [dreg:$0x8]  }
0x2c: {  	s13 =	smov.u32 s24;
	s24 =	smov.u32 s4;
	s4 =	rddreg [dreg:$0x9]  }
0x2d: {  	s16 =	smov.u32 s0;
	s22 =	smov.u32 s3;
	s3 =	rddreg [dreg:$0xa]  }
0x2e: {  	s18 =	smov.u32 s6;
	s14 =	smov.u32 s25;
	s6 =	rddreg [dreg:$0xb]  }
0x2f: {  	s25 =	smov.u32 s2;
	s2 =	simm.s32 $0x0;
	s10 =	rddreg [dreg:$0xc]  }
.LBB2_17:
0x30: {  	s10 =	sadd.s32 $0x1, s10  }
0x31: {  	s0 =	simm.s32 $0x80;
	p1 =	sne.s32 s10, s6  }
.Ltmp1:
0x32: {  	s9 =	simm.s32 $0x400;
	s12 =	simm.s32 $0x6;
	(pc) =	sbr.rel @!p1 .LBB2_18-.Ltmp1, $4  }
0x33: {  	[hbm4b:s3+s0] =	stream.strided.scatter [tilespmem:s5], [sflag:$0x6], $0xA000, s9, s0, $0x38;
	[tilespmem:$0x19800] =	vst v63  }
0x34: {  	_ =	swait.ge [sflag:s12], $0xA000  }
0x35: {  	[sflag:s12] =	ssyncset.done $0x0  }
0x36: {  	[sflag:s12] =	ssyncadd.s32 $0xFFFF6000  }
.LBB2_1:
0x37: {  	[tilespmem:s26], [sflag:$0x4] =	stream.linear.gather [hbm4b:s13+s2], $0x2800, $0x38;
	[tilespmem:$0x19800] =	vst v63  }
0x38: {  	s0 =	simm.s32 $0x5800  }
0x39: {  	[tilespmem:s0], [sflag:$0x4] =	stream.linear.gather [hbm4b:s14+s2], $0x2800, $0x38;
	[tilespmem:$0x19800] =	vst v63  }
0x3a: {  	s9 =	simm.s32 $0x8000  }
0x3b: {  	[tilespmem:s9], [sflag:$0x4] =	stream.linear.gather [hbm4b:s15+s2], $0x2800, $0x38;
	[tilespmem:$0x19800] =	vst v63  }
0x3c: {  	[dreg:$0xc] =	wrdreg s10;
	s10 =	simm.s32 $0xA800  }
0x3d: {  	[tilespmem:s10], [sflag:$0x4] =	stream.linear.gather [hbm4b:s16+s2], $0x2800, $0x38;
	[tilespmem:$0x19800] =	vst v63  }
0x3e: {  	_ = 	snop  }
0x3f: {  	[tilespmem:s31], [sflag:$0x5] =	stream.linear.gather [hbm4b:s17+s2], $0x2800, $0x38;
	[tilespmem:$0x19800] =	vst v63  }
0x40: {  	_ = 	snop  }
0x41: {  	[tilespmem:s2], [sflag:$0x1] =	stream.linear.gather [hbm4b:s8+s2], $0x7D0, $0x38;
	[tilespmem:$0x19800] =	vst v63  }
0x42: {  	s11 =	simm.s32 $0x1000  }
0x43: {  	[tilespmem:s11], [sflag:$0x2] =	stream.linear.gather [hbm4b:s18+s2], $0x7D0, $0x38;
	[tilespmem:$0x19800] =	vst v63  }
0x44: {  	s12 =	simm.s32 $0x2000;
	s9 =	simm.s32 $0xF840  }
0x45: {  	[tilespmem:s12], [sflag:$0x3] =	stream.linear.gather [hbm4b:s19+s2], $0x7D0, $0x38;
	[tilespmem:$0x19800] =	vst v63  }
0x46: {  	[tilespmem:s9+$0xFFFFFFC0] =	vst v0  }
0x47: {  	[tilespmem:s9+$0x30] =	vst v0  }
0x48: {  	[tilespmem:s9+$0x20] =	vst v0  }
0x49: {  	[tilespmem:s9+$0x10] =	vst v0  }
0x4a: {  	[tilespmem:s9+$0x0] =	vst v0  }
0x4b: {  	[tilespmem:s9+$0xFFFFFFF0] =	vst v0  }
0x4c: {  	s10 =	simm.s32 $0x0;
	[tilespmem:s9+$0xFFFFFFE0] =	vst v0  }
.LBB2_2:
0x4d: {  	s10 =	sadd.s32 $0x8, s10;
	[tilespmem:s9+$0xFFFFFFD0] =	vst v0;
	s9 =	sadd.s32 $0x80, s9  }
0x4e: {  	[tilespmem:s9+$0xFFFFFFC0] =	vst v0;
	p1 =	slt.u32 s10, $0x9F8  }
0x4f: {  	[tilespmem:s9+$0x30] =	vst v0  }
.Ltmp2:
0x50: {  	[tilespmem:s9+$0x20] =	vst v0;
	(pc) =	sbr.rel @p1 .LBB2_2-.Ltmp2, $4  }
0x51: {  	[tilespmem:s9+$0x10] =	vst v0  }
0x52: {  	[tilespmem:s9+$0x0] =	vst v0  }
0x53: {  	[tilespmem:s9+$0xFFFFFFF0] =	vst v0  }
0x54: {  	[tilespmem:s9+$0xFFFFFFE0] =	vst v0  }
0x55: {  	[tilespmem:s9+$0xFFFFFFD0] =	vst v0;
	s0 =	simm.s32 $0x4  }
0x56: {  	_ =	swait.ge [sflag:s0], $0x2800  }
0x57: {  	[sflag:s0] =	ssyncset.done $0x0  }
0x58: {  	[sflag:s0] =	ssyncadd.s32 $0xFFFFD800  }
0x59: {  	_ =	swait.ge [sflag:s0], $0x2800  }
0x5a: {  	[sflag:s0] =	ssyncset.done $0x0  }
0x5b: {  	[sflag:s0] =	ssyncadd.s32 $0xFFFFD800  }
0x5c: {  	_ =	swait.ge [sflag:s0], $0x2800  }
0x5d: {  	[sflag:s0] =	ssyncset.done $0x0  }
0x5e: {  	[sflag:s0] =	ssyncadd.s32 $0xFFFFD800  }
0x5f: {  	_ =	swait.ge [sflag:s0], $0x2800  }
0x60: {  	[sflag:s0] =	ssyncset.done $0x0  }
0x61: {  	s10 =	simm.s32 $0x5;
	[sflag:s0] =	ssyncadd.s32 $0xFFFFD800  }
0x62: {  	_ =	swait.ge [sflag:s10], $0x2800  }
0x63: {  	[sflag:s10] =	ssyncset.done $0x0  }
0x64: {  	s11 =	simm.s32 $0x1;
	[sflag:s10] =	ssyncadd.s32 $0xFFFFD800  }
0x65: {  	_ =	swait.ge [sflag:s11], $0x7D0  }
0x66: {  	[sflag:s11] =	ssyncset.done $0x0  }
0x67: {  	s12 =	simm.s32 $0x2;
	[sflag:s11] =	ssyncadd.s32 $0xFFFFF830  }
0x68: {  	_ =	swait.ge [sflag:s12], $0x7D0  }
0x69: {  	[sflag:s12] =	ssyncset.done $0x0  }
0x6a: {  	s9 =	simm.s32 $0x3;
	[sflag:s12] =	ssyncadd.s32 $0xFFFFF830  }
0x6b: {  	_ =	swait.ge [sflag:s9], $0x7D0  }
0x6c: {  	[sflag:s9] =	ssyncset.done $0x0  }
0x6d: {  	s10 =	simm.s32 $0x800;
	[sflag:s9] =	ssyncadd.s32 $0xFFFFF830  }
0x6e: {  	[tilespmem:s10], [sflag:$0x1] =	stream.linear.gather [hbm4b:s20+s2], $0x7D0, $0x38;
	[tilespmem:$0x19800] =	vst v63  }
0x6f: {  	s11 =	simm.s32 $0x1800  }
0x70: {  	[tilespmem:s11], [sflag:$0x2] =	stream.linear.gather [hbm4b:s21+s2], $0x7D0, $0x38;
	[tilespmem:$0x19800] =	vst v63  }
0x71: {  	s0 =	simm.s32 $0x20;
	s12 =	simm.s32 $0x2800  }
0x72: {  	[tilespmem:s12], [sflag:$0x3] =	stream.linear.gather [hbm4b:s22+s2], $0x7D0, $0x38;
	[tilespmem:$0x19800] =	vst v63  }
0x73: {  	s10 =	simm.s32 $0x1020;
	v2 =	vld [tilespmem:s0+$0x10]  }
0x74: {  	v3 =	vld [tilespmem:s10+$0x10]  }
0x75: {  	v5 =	vld [tilespmem:s0+$0xFFFFFFF0]  }
0x76: {  	v6 =	vld [tilespmem:s0+$0x0]  }
0x77: {  	v7 =	vld [tilespmem:s0+$0xFFFFFFE0]  }
0x78: {  	v12 =	vld [tilespmem:s10+$0xFFFFFFF0]  }
0x79: {  	v13 =	vld [tilespmem:s10+$0x0];
	_ =	sdelay $0x1  }
0x7a: {  	v4 =	vcvt.s32.f32 v2;
	v8 =	vcvt.s32.f32 v3  }
0x7b: {  	v9 =	vcvt.s32.f32 v5;
	v11 =	vcvt.s32.f32 v6  }
0x7c: {  	v14 =	vcvt.s32.f32 v7;
	v4 =	vmul.f32 $1.000000050e-03, v4  }
0x7d: {  	v15 =	vcvt.s32.f32 v12;
	v16 =	vcvt.s32.f32 v13  }
0x7e: {  	v8 =	vmul.f32 $1.000000050e-03, v8;
	v4 =	vtrunc.f32 v4  }
0x7f: {  	v10 =	vld [tilespmem:s10+$0xFFFFFFE0];
	v9 =	vmul.f32 $1.000000050e-03, v9;
	v4 =	vcvt.f32.s32 v4  }
0x80: {  	v11 =	vmul.f32 $1.000000050e-03, v11;
	v8 =	vtrunc.f32 v8  }
0x81: {  	v9 =	vtrunc.f32 v9;
	v8 =	vcvt.f32.s32 v8;
	v4 =	vmul.u32 $0x18, v4  }
0x82: {  	v11 =	vtrunc.f32 v11;
	v9 =	vcvt.f32.s32 v9  }
0x83: {  	v11 =	vcvt.f32.s32 v11;
	v8 =	vmul.u32 $0x18, v8;
	v2 =	vadd.s32 v2, v4  }
0x84: {  	v4 =	vmul.f32 $1.000000050e-03, v14;
	v14 =	vcvt.s32.f32 v10  }
0x85: {  	v16 =	vmul.f32 $1.000000050e-03, v16;
	v9 =	vmul.u32 $0x18, v9;
	v3 =	vadd.s32 v3, v8  }
0x86: {  	s11 =	simm.s32 $0x2020;
	v19 =	vmul.u32 $0x18, v11;
	v4 =	vtrunc.f32 v4;
	v8 =	vmul.f32 $1.000000050e-03, v14  }
0x87: {  	v17 =	vld [tilespmem:s11+$0x10];
	v11 =	vadd.s32 v5, v9;
	v5 =	vtrunc.f32 v16;
	v4 =	vcvt.f32.s32 v4  }
0x88: {  	v9 =	vadd.s32 v6, v19;
	v5 =	vcvt.f32.s32 v5;
	v8 =	vtrunc.f32 v8;
	v14 =	vld.idx.msk [tilespmem:v2+s31+$0x0], $0xffff  }
0x89: {  	v18 =	vmul.f32 $1.000000050e-03, v15;
	v4 =	vmul.u32 $0x18, v4;
	v8 =	vcvt.f32.s32 v8  }
0x8a: {  	v5 =	vmul.u32 $0x18, v5;
	v20 =	vld.idx.msk [tilespmem:v3+s31+$0x0], $0xffff  }
0x8b: {  	v16 =	vld [tilespmem:s11+$0xFFFFFFF0];
	v15 =	vadd.s32 v7, v4;
	v4 =	vtrunc.f32 v18;
	v8 =	vmul.u32 $0x18, v8  }
0x8c: {  	v6 =	vld.idx.msk [tilespmem:v2+s26+$0x0], $0xffff;
	v4 =	vcvt.f32.s32 v4  }
0x8d: {  	v5 =	vadd.s32 v13, v5;
	v13 =	vld.idx.msk [tilespmem:v9+s31+$0x0], $0xffff;
	v8 =	vadd.s32 v10, v8;
	v10 =	vmul.f32 v14, v17  }
0x8e: {  	v3 =	vshll.u32 v3, $0x2;
	v7 =	vld [tilespmem:s11+$0xFFFFFFE0];
	v4 =	vmul.u32 $0x18, v4  }
0x8f: {  	v14 =	vld [tilespmem:s11+$0x0];
	v18 =	vmul.f32 v20, v10;
	v10 =	vadd.s32 $0x2800, v2  }
0x90: {  	v17 =	vld.idx.msk [tilespmem:v15+s31+$0x0], $0xffff;
	v4 =	vadd.s32 v12, v4  }
0x91: {  	v12 =	vld.idx.msk [tilespmem:v11+s31+$0x0], $0xffff;
	v6 =	vmul.f32 v18, v6  }
0x92: {  	v19 =	vld.idx.msk [tilespmem:v8+s31+$0x0], $0xffff  }
0x93: {  	[tilespmem:v3+s5+$0x0] =	vst.idx.add.f32.msk $0xffff, v6  }
0x94: {  	v6 =	vld.idx.msk [tilespmem:v10+s26+$0x0], $0xffff  }
0x95: {  	v20 =	vld.idx.msk [tilespmem:v4+s31+$0x0], $0xffff  }
0x96: {  	v23 =	vor.u32 $0x1, v3;
	v21 =	vld.idx.msk [tilespmem:v5+s31+$0x0], $0xffff  }
0x97: {  	v22 =	vld.idx.msk [tilespmem:v15+s26+$0x0], $0xffff;
	v13 =	vmul.f32 v13, v14  }
0x98: {  	v25 =	vadd.s32 $0x5000, v2;
	v24 =	vld.idx.msk [tilespmem:v11+s26+$0x0], $0xffff;
	v17 =	vmul.f32 v17, v7;
	v12 =	vmul.f32 v12, v16  }
0x99: {  	s0 =	simm.s32 $0x1060;
	v14 =	vld.idx.msk [tilespmem:v9+s26+$0x0], $0xffff;
	v10 =	vshll.u32 v8, $0x2;
	v7 =	vshll.u32 v4, $0x2;
	v4 =	vmul.f32 v6, v18  }
0x9a: {  	v8 =	vshll.u32 v5, $0x2;
	v16 =	vmul.f32 v19, v17;
	v5 =	vmul.f32 v20, v12;
	v20 =	vld [tilespmem:s0+$0x10]  }
0x9b: {  	s12 =	simm.s32 $0x60;
	[tilespmem:v23+s5+$0x0] =	vst.idx.add.f32.msk $0xffff, v4  }
0x9c: {  	v6 =	vmul.f32 v21, v13;
	v4 =	vmul.f32 v16, v22;
	v22 =	vld [tilespmem:s12+$0x0]  }
0x9d: {  	v12 =	vadd.s32 $0x2800, v15;
	v17 =	vmul.f32 v5, v24;
	v13 =	vld.idx.msk [tilespmem:v25+s26+$0x0], $0xffff  }
0x9e: {  	v19 =	vadd.s32 $0x2800, v11;
	[tilespmem:v10+s5+$0x0] =	vst.idx.add.f32.msk $0xffff, v4;
	v4 =	vmul.f32 v6, v14  }
0x9f: {  	v14 =	vadd.s32 $0x2800, v9;
	[tilespmem:v7+s5+$0x0] =	vst.idx.add.f32.msk $0xffff, v17  }
0xa0: {  	[tilespmem:v8+s5+$0x0] =	vst.idx.add.f32.msk $0xffff, v4;
	v4 =	vor.u32 $0x2, v3  }
0xa1: {  	v2 =	vadd.s32 $0x7800, v2;
	v17 =	vld [tilespmem:s12+$0x10]  }
0xa2: {  	v12 =	vld.idx.msk [tilespmem:v12+s26+$0x0], $0xffff  }
0xa3: {  	v19 =	vld.idx.msk [tilespmem:v19+s26+$0x0], $0xffff;
	v13 =	vmul.f32 v13, v18  }
0xa4: {  	v24 =	vcvt.s32.f32 v20;
	v14 =	vld.idx.msk [tilespmem:v14+s26+$0x0], $0xffff  }
0xa5: {  	[tilespmem:v4+s5+$0x0] =	vst.idx.add.f32.msk $0xffff, v13  }
0xa6: {  	v24 =	vmul.f32 $1.000000050e-03, v24;
	v2 =	vld.idx.msk [tilespmem:v2+s26+$0x0], $0xffff  }
0xa7: {  	v28 =	vld [tilespmem:s0+$0xFFFFFFF0];
	v4 =	vcvt.s32.f32 v17;
	v13 =	vor.u32 $0x1, v10  }
0xa8: {  	v21 =	vld [tilespmem:s12+$0xFFFFFFF0];
	v3 =	vor.u32 $0x3, v3;
	v31 =	vcvt.s32.f32 v22;
	v24 =	vtrunc.f32 v24  }
0xa9: {  	v29 =	vor.u32 $0x1, v8;
	v23 =	vld [tilespmem:s12+$0xFFFFFFE0];
	v12 =	vmul.f32 v12, v16;
	v4 =	vmul.f32 $1.000000050e-03, v4  }
0xaa: {  	v26 =	vld [tilespmem:s0+$0xFFFFFFE0];
	v32 =	vadd.s32 $0x5000, v11;
	v19 =	vmul.f32 v19, v5;
	v14 =	vmul.f32 v14, v6  }
0xab: {  	v30 =	vld [tilespmem:s0+$0x0];
	v25 =	vor.u32 $0x1, v7;
	v4 =	vtrunc.f32 v4;
	v2 =	vmul.f32 v2, v18  }
0xac: {  	v27 =	vadd.s32 $0x5000, v15;
	v4 =	vcvt.f32.s32 v4;
	[tilespmem:v13+s5+$0x0] =	vst.idx.add.f32.msk $0xffff, v12;
	v12 =	vmul.f32 $1.000000050e-03, v31  }
0xad: {  	v13 =	vadd.s32 $0x5000, v9;
	v18 =	vcvt.s32.f32 v21;
	[tilespmem:v3+s5+$0x0] =	vst.idx.add.f32.msk $0xffff, v2;
	v3 =	vcvt.f32.s32 v24  }
0xae: {  	s9 =	simm.s32 $0x10A0;
	[tilespmem:v29+s5+$0x0] =	vst.idx.add.f32.msk $0xffff, v14;
	v14 =	vcvt.s32.f32 v28;
	v4 =	vmul.u32 $0x18, v4;
	v2 =	vcvt.s32.f32 v23  }
0xaf: {  	v51 =	vld [tilespmem:s9+$0xFFFFFFE0];
	v12 =	vtrunc.f32 v12;
	v18 =	vmul.f32 $1.000000050e-03, v18;
	v3 =	vmul.u32 $0x18, v3  }
0xb0: {  	[tilespmem:v25+s5+$0x0] =	vst.idx.add.f32.msk $0xffff, v19;
	v24 =	vadd.s32 v17, v4;
	v4 =	vcvt.s32.f32 v26;
	v2 =	vmul.f32 $1.000000050e-03, v2  }
0xb1: {  	s11 =	simm.s32 $0x2060;
	v19 =	vld.idx.msk [tilespmem:v27+s26+$0x0], $0xffff;
	v12 =	vcvt.f32.s32 v12;
	v17 =	vcvt.s32.f32 v30;
	v3 =	vadd.s32 v20, v3  }
0xb2: {  	v27 =	vld [tilespmem:s11+$0x10];
	v4 =	vmul.f32 $1.000000050e-03, v4;
	v2 =	vtrunc.f32 v2  }
0xb3: {  	v33 =	vor.u32 $0x2, v7;
	v18 =	vtrunc.f32 v18;
	v29 =	vld.idx.msk [tilespmem:v13+s26+$0x0], $0xffff;
	v2 =	vcvt.f32.s32 v2  }
0xb4: {  	v12 =	vmul.u32 $0x18, v12;
	v18 =	vcvt.f32.s32 v18;
	v20 =	vld.idx.msk [tilespmem:v32+s26+$0x0], $0xffff;
	v4 =	vtrunc.f32 v4  }
0xb5: {  	v17 =	vmul.f32 $1.000000050e-03, v17;
	v25 =	vld.idx.msk [tilespmem:v24+s31+$0x0], $0xffff;
	v4 =	vcvt.f32.s32 v4;
	v2 =	vmul.u32 $0x18, v2  }
0xb6: {  	v14 =	vmul.f32 $1.000000050e-03, v14;
	v12 =	vadd.s32 v22, v12;
	v18 =	vmul.u32 $0x18, v18;
	v31 =	vld.idx.msk [tilespmem:v3+s31+$0x0], $0xffff  }
0xb7: {  	v17 =	vtrunc.f32 v17;
	v4 =	vmul.u32 $0x18, v4;
	v13 =	vadd.s32 v23, v2;
	v23 =	vld [tilespmem:s11+$0xFFFFFFE0]  }
0xb8: {  	v17 =	vcvt.f32.s32 v17;
	v2 =	vtrunc.f32 v14;
	v14 =	vadd.s32 v21, v18;
	v18 =	vld.idx.msk [tilespmem:v24+s26+$0x0], $0xffff  }
0xb9: {  	v21 =	vld [tilespmem:s11+$0xFFFFFFF0];
	v20 =	vmul.f32 v20, v5;
	v2 =	vcvt.f32.s32 v2;
	v4 =	vadd.s32 v26, v4  }
0xba: {  	v26 =	vshll.u32 v3, $0x2;
	v3 =	vmul.u32 $0x18, v17;
	v22 =	vmul.f32 v25, v27;
	v25 =	vld [tilespmem:s11+$0x0]  }
0xbb: {  	[tilespmem:v33+s5+$0x0] =	vst.idx.add.f32.msk $0xffff, v20  }
0xbc: {  	v2 =	vmul.u32 $0x18, v2;
	v3 =	vadd.s32 v30, v3;
	v30 =	vld.idx.msk [tilespmem:v12+s31+$0x0], $0xffff  }
0xbd: {  	v27 =	vadd.s32 $0x2800, v24;
	v17 =	vld.idx.msk [tilespmem:v13+s31+$0x0], $0xffff;
	v22 =	vmul.f32 v31, v22  }
0xbe: {  	v2 =	vadd.s32 v28, v2;
	v28 =	vld.idx.msk [tilespmem:v14+s31+$0x0], $0xffff  }
0xbf: {  	v35 =	vld.idx.msk [tilespmem:v13+s26+$0x0], $0xffff;
	v18 =	vmul.f32 v22, v18  }
0xc0: {  	v31 =	vld.idx.msk [tilespmem:v4+s31+$0x0], $0xffff  }
0xc1: {  	[tilespmem:v26+s5+$0x0] =	vst.idx.add.f32.msk $0xffff, v18  }
0xc2: {  	v39 =	vor.u32 $0x2, v8;
	v18 =	vld.idx.msk [tilespmem:v27+s26+$0x0], $0xffff  }
0xc3: {  	v27 =	vor.u32 $0x2, v10;
	v49 =	vld.idx.msk [tilespmem:v2+s31+$0x0], $0xffff  }
0xc4: {  	v36 =	vor.u32 $0x1, v26;
	v37 =	vld.idx.msk [tilespmem:v14+s26+$0x0], $0xffff  }
0xc5: {  	v38 =	vadd.s32 $0x5000, v24;
	v20 =	vmul.f32 v29, v6;
	v34 =	vld.idx.msk [tilespmem:v3+s31+$0x0], $0xffff;
	v23 =	vmul.f32 v17, v23  }
0xc6: {  	v19 =	vmul.f32 v19, v16;
	v40 =	vld.idx.msk [tilespmem:v12+s26+$0x0], $0xffff;
	v17 =	vshll.u32 v4, $0x2;
	v21 =	vmul.f32 v28, v21  }
0xc7: {  	[tilespmem:v39+s5+$0x0] =	vst.idx.add.f32.msk $0xffff, v20;
	v4 =	vmul.f32 v31, v23;
	v28 =	vmul.f32 v18, v22;
	v18 =	vshll.u32 v2, $0x2  }
0xc8: {  	v15 =	vadd.s32 $0x7800, v15;
	v25 =	vmul.f32 v30, v25;
	[tilespmem:v27+s5+$0x0] =	vst.idx.add.f32.msk $0xffff, v19;
	v2 =	vmul.f32 v49, v21  }
0xc9: {  	v23 =	vmul.f32 v4, v35;
	v19 =	vshll.u32 v3, $0x2;
	[tilespmem:v36+s5+$0x0] =	vst.idx.add.f32.msk $0xffff, v28  }
0xca: {  	v21 =	vadd.s32 $0x2800, v13;
	v3 =	vmul.f32 v34, v25;
	v28 =	vmul.f32 v2, v37;
	v25 =	vld.idx.msk [tilespmem:v38+s26+$0x0], $0xffff  }
0xcb: {  	v27 =	vadd.s32 $0x2800, v14;
	[tilespmem:v17+s5+$0x0] =	vst.idx.add.f32.msk $0xffff, v23  }
0xcc: {  	v23 =	vmul.f32 v3, v40;
	[tilespmem:v18+s5+$0x0] =	vst.idx.add.f32.msk $0xffff, v28;
	v28 =	vor.u32 $0x2, v26  }
0xcd: {  	v15 =	vld.idx.msk [tilespmem:v15+s26+$0x0], $0xffff  }
0xce: {  	[tilespmem:v19+s5+$0x0] =	vst.idx.add.f32.msk $0xffff, v23  }
0xcf: {  	v23 =	vadd.s32 $0x7800, v24;
	v21 =	vld.idx.msk [tilespmem:v21+s26+$0x0], $0xffff;
	v25 =	vmul.f32 v25, v22  }
0xd0: {  	v20 =	vadd.s32 $0x2800, v12;
	v24 =	vld.idx.msk [tilespmem:v27+s26+$0x0], $0xffff  }
0xd1: {  	s12 =	simm.s32 $0xA0;
	[tilespmem:v28+s5+$0x0] =	vst.idx.add.f32.msk $0xffff, v25  }
0xd2: {  	v25 =	vld [tilespmem:s12+$0x10]  }
0xd3: {  	v28 =	vld [tilespmem:s12+$0xFFFFFFF0]  }
0xd4: {  	v23 =	vld.idx.msk [tilespmem:v23+s26+$0x0], $0xffff  }
0xd5: {  	v20 =	vld.idx.msk [tilespmem:v20+s26+$0x0], $0xffff  }
0xd6: {  	v11 =	vadd.s32 $0x7800, v11;
	v26 =	vor.u32 $0x3, v26;
	v27 =	vld [tilespmem:s9+$0x10]  }
0xd7: {  	v53 =	vld [tilespmem:s9+$0xFFFFFFF0];
	v9 =	vadd.s32 $0x7800, v9;
	v15 =	vmul.f32 v15, v16;
	v21 =	vmul.f32 v21, v4  }
0xd8: {  	v55 =	vld [tilespmem:s9+$0x0];
	v10 =	vor.u32 $0x3, v10;
	v30 =	vcvt.s32.f32 v25;
	v16 =	vcvt.s32.f32 v28  }
0xd9: {  	v29 =	vld [tilespmem:s12+$0x0];
	v31 =	vor.u32 $0x1, v17;
	v24 =	vmul.f32 v24, v2;
	v22 =	vmul.f32 v23, v22  }
0xda: {  	v50 =	vld [tilespmem:s12+$0xFFFFFFE0];
	v23 =	vor.u32 $0x1, v18;
	v30 =	vmul.f32 $1.000000050e-03, v30;
	v16 =	vmul.f32 $1.000000050e-03, v16  }
0xdb: {  	v52 =	vor.u32 $0x1, v19;
	v20 =	vmul.f32 v20, v3;
	[tilespmem:v26+s5+$0x0] =	vst.idx.add.f32.msk $0xffff, v22;
	v22 =	vcvt.s32.f32 v27  }
0xdc: {  	v56 =	vadd.s32 $0x5000, v12;
	v57 =	vld.idx.msk [tilespmem:v11+s26+$0x0], $0xffff;
	v30 =	vtrunc.f32 v30;
	v16 =	vtrunc.f32 v16  }
0xdd: {  	[tilespmem:v10+s5+$0x0] =	vst.idx.add.f32.msk $0xffff, v15;
	v26 =	vadd.s32 $0x5000, v13;
	v22 =	vmul.f32 $1.000000050e-03, v22;
	v30 =	vcvt.f32.s32 v30  }
0xde: {  	v54 =	vadd.s32 $0x5000, v14;
	[tilespmem:v31+s5+$0x0] =	vst.idx.add.f32.msk $0xffff, v21;
	v21 =	vcvt.s32.f32 v29;
	v16 =	vcvt.f32.s32 v16  }
0xdf: {  	[tilespmem:v23+s5+$0x0] =	vst.idx.add.f32.msk $0xffff, v24;
	v24 =	vcvt.s32.f32 v50;
	v22 =	vtrunc.f32 v22;
	v23 =	vmul.u32 $0x18, v30  }
0xe0: {  	v31 =	vcvt.s32.f32 v55;
	[tilespmem:v52+s5+$0x0] =	vst.idx.add.f32.msk $0xffff, v20;
	v20 =	vcvt.f32.s32 v22  }
0xe1: {  	v34 =	vld.idx.msk [tilespmem:v56+s26+$0x0], $0xffff;
	v15 =	vmul.u32 $0x18, v16;
	v24 =	vmul.f32 $1.000000050e-03, v24;
	v23 =	vadd.s32 v25, v23  }
0xe2: {  	v21 =	vmul.f32 $1.000000050e-03, v21;
	v22 =	vld.idx.msk [tilespmem:v26+s26+$0x0], $0xffff;
	v25 =	vcvt.s32.f32 v51;
	v20 =	vmul.u32 $0x18, v20  }
0xe3: {  	v30 =	vcvt.s32.f32 v53;
	v26 =	vld.idx.msk [tilespmem:v54+s26+$0x0], $0xffff;
	v28 =	vadd.s32 v28, v15;
	v24 =	vtrunc.f32 v24  }
0xe4: {  	s10 =	simm.s32 $0x20A0;
	v11 =	vadd.s32 v27, v20;
	v20 =	vmul.f32 $1.000000050e-03, v25;
	v25 =	vld.idx.msk [tilespmem:v9+s26+$0x0], $0xffff;
	v9 =	vcvt.f32.s32 v24  }
0xe5: {  	v21 =	vtrunc.f32 v21;
	v16 =	vmul.f32 $1.000000050e-03, v31;
	v27 =	vld [tilespmem:s10+$0x10]  }
0xe6: {  	v21 =	vcvt.f32.s32 v21;
	v30 =	vmul.f32 $1.000000050e-03, v30;
	v24 =	vld.idx.msk [tilespmem:v23+s31+$0x0], $0xffff;
	v9 =	vmul.u32 $0x18, v9  }
0xe7: {  	v15 =	vtrunc.f32 v16;
	v20 =	vtrunc.f32 v20;
	v16 =	vld.idx.msk [tilespmem:v23+s26+$0x0], $0xffff  }
0xe8: {  	v43 =	vld.idx.msk [tilespmem:v28+s26+$0x0], $0xffff;
	v10 =	vcvt.f32.s32 v20;
	v58 =	vadd.s32 v50, v9  }
0xe9: {  	v15 =	vcvt.f32.s32 v15;
	v20 =	vmul.u32 $0x18, v21;
	v9 =	vtrunc.f32 v30;
	v30 =	vld [tilespmem:s10+$0xFFFFFFE0]  }
0xea: {  	v31 =	vld.idx.msk [tilespmem:v11+s31+$0x0], $0xffff;
	v10 =	vmul.u32 $0x18, v10  }
0xeb: {  	v21 =	vshll.u32 v11, $0x2;
	v59 =	vadd.s32 v29, v20;
	v29 =	vld [tilespmem:s10+$0xFFFFFFF0];
	v11 =	vmul.u32 $0x18, v15  }
0xec: {  	v9 =	vcvt.f32.s32 v9;
	v10 =	vadd.s32 v51, v10;
	v20 =	vmul.f32 v24, v27;
	v24 =	vld [tilespmem:s10+$0x0]  }
0xed: {  	v11 =	vadd.s32 v55, v11;
	v15 =	vld.idx.msk [tilespmem:v58+s31+$0x0], $0xffff  }
0xee: {  	v9 =	vmul.u32 $0x18, v9;
	v41 =	vld.idx.msk [tilespmem:v58+s26+$0x0], $0xffff  }
0xef: {  	v27 =	vadd.s32 $0x2800, v23;
	v20 =	vmul.f32 v31, v20;
	v31 =	vld.idx.msk [tilespmem:v28+s31+$0x0], $0xffff  }
0xf0: {  	v9 =	vadd.s32 v53, v9;
	v60 =	vld.idx.msk [tilespmem:v59+s31+$0x0], $0xffff  }
0xf1: {  	v16 =	vmul.f32 v20, v16;
	v33 =	vld.idx.msk [tilespmem:v10+s31+$0x0], $0xffff  }
0xf2: {  	v61 =	vor.u32 $0x2, v18;
	v37 =	vld.idx.msk [tilespmem:v11+s31+$0x0], $0xffff  }
0xf3: {  	v45 =	vor.u32 $0x2, v19;
	[tilespmem:v21+s5+$0x0] =	vst.idx.add.f32.msk $0xffff, v16  }
0xf4: {  	v44 =	vadd.s32 $0x5000, v23;
	v15 =	vmul.f32 v15, v30;
	v16 =	vld.idx.msk [tilespmem:v27+s26+$0x0], $0xffff;
	v27 =	vor.u32 $0x2, v17  }
0xf5: {  	v26 =	vmul.f32 v26, v2;
	v42 =	vor.u32 $0x1, v21;
	v46 =	vshll.u32 v10, $0x2;
	v35 =	vld.idx.msk [tilespmem:v9+s31+$0x0], $0xffff  }
0xf6: {  	v48 =	vshll.u32 v11, $0x2;
	v11 =	vmul.f32 v34, v3;
	v30 =	vld.idx.msk [tilespmem:v59+s26+$0x0], $0xffff;
	v33 =	vmul.f32 v33, v15  }
0xf7: {  	v22 =	vmul.f32 v22, v4;
	[tilespmem:v61+s5+$0x0] =	vst.idx.add.f32.msk $0xffff, v26;
	v47 =	vshll.u32 v9, $0x2;
	v9 =	vmul.f32 v60, v24  }
0xf8: {  	[tilespmem:v45+s5+$0x0] =	vst.idx.add.f32.msk $0xffff, v11;
	v10 =	vmul.f32 v31, v29;
	v15 =	vmul.f32 v33, v41  }
0xf9: {  	v62 =	vadd.s32 $0x7800, v13;
	v9 =	vmul.f32 v37, v9;
	v16 =	vmul.f32 v16, v20;
	[tilespmem:v27+s5+$0x0] =	vst.idx.add.f32.msk $0xffff, v22  }
0xfa: {  	v7 =	vor.u32 $0x3, v7;
	v8 =	vor.u32 $0x3, v8;
	v13 =	vadd.s32 $0x7800, v14;
	[tilespmem:v46+s5+$0x0] =	vst.idx.add.f32.msk $0xffff, v15  }
0xfb: {  	v10 =	vmul.f32 v35, v10;
	v29 =	vmul.f32 v9, v30;
	[tilespmem:v42+s5+$0x0] =	vst.idx.add.f32.msk $0xffff, v16;
	v16 =	vadd.s32 $0x2800, v58  }
0xfc: {  	v14 =	vor.u32 $0x3, v17;
	v63 =	vadd.s32 $0x7800, v23;
	v24 =	vadd.s32 $0x2800, v28;
	v22 =	vld.idx.msk [tilespmem:v44+s26+$0x0], $0xffff  }
0xfd: {  	v6 =	vmul.f32 v25, v6;
	v27 =	vadd.s32 $0x2800, v59;
	v26 =	vmul.f32 v10, v43;
	[tilespmem:v48+s5+$0x0] =	vst.idx.add.f32.msk $0xffff, v29  }
0xfe: {  	v23 =	vadd.s32 $0x5000, v28;
	v32 =	vor.u32 $0x1, v48;
	v31 =	vor.u32 $0x2, v21;
	v37 =	vld.idx.msk [tilespmem:v62+s26+$0x0], $0xffff  }
0xff: {  	v25 =	vor.u32 $0x3, v47;
	v11 =	vor.u32 $0x3, v19;
	v19 =	vadd.s32 $0x7800, v58;
	[tilespmem:v47+s5+$0x0] =	vst.idx.add.f32.msk $0xffff, v26  }
0x100: {  	v17 =	vor.u32 $0x2, v46;
	v28 =	vadd.s32 $0x7800, v28;
	v30 =	vor.u32 $0x1, v46;
	v34 =	vld.idx.msk [tilespmem:v16+s26+$0x0], $0xffff  }
0x101: {  	v15 =	vadd.s32 $0x7800, v12;
	v12 =	vor.u32 $0x3, v18;
	v35 =	vld.idx.msk [tilespmem:v24+s26+$0x0], $0xffff;
	v22 =	vmul.f32 v22, v20  }
0x102: {  	v29 =	vor.u32 $0x1, v47;
	v18 =	vor.u32 $0x2, v48;
	v26 =	vadd.s32 $0x5000, v58;
	v36 =	vld.idx.msk [tilespmem:v27+s26+$0x0], $0xffff  }
0x103: {  	v24 =	vadd.s32 $0x5000, v59;
	v27 =	vadd.s32 $0x7800, v59;
	v16 =	vor.u32 $0x2, v47;
	[tilespmem:v31+s5+$0x0] =	vst.idx.add.f32.msk $0xffff, v22  }
0x104: {  	s11 =	simm.s32 $0x8;
	s12 =	simm.s32 $0xE0;
	v22 =	vmul.f32 v57, v5;
	v31 =	vor.u32 $0x3, v46;
	v5 =	vor.u32 $0x3, v48;
	v38 =	vld.idx.msk [tilespmem:v63+s26+$0x0], $0xffff  }
.LBB2_4:
0x105: {  	v39 =	vld [tilespmem:s12+$0x10];
	s11 =	sadd.s32 $0x4, s11;
	v34 =	vmul.f32 v34, v33  }
0x106: {  	v35 =	vmul.f32 v35, v10;
	v21 =	vor.u32 $0x3, v21;
	s9 =	sadd.s32 $0x40, s9;
	v40 =	vld [tilespmem:s12+$0xFFFFFFF0];
	p1 =	slt.u32 s11, $0x78  }
0x107: {  	v36 =	vmul.f32 v36, v9;
	v41 =	vld [tilespmem:s9+$0x10]  }
0x108: {  	v42 =	vld [tilespmem:s12+$0x0]  }
0x109: {  	v20 =	vmul.f32 v38, v20;
	v43 =	vld [tilespmem:s12+$0xFFFFFFE0]  }
0x10a: {  	v37 =	vmul.f32 v37, v4;
	v4 =	vmov v33;
	v38 =	vld [tilespmem:s9+$0xFFFFFFE0];
	v44 =	vcvt.s32.f32 v39  }
0x10b: {  	v33 =	vcvt.s32.f32 v40;
	[tilespmem:v21+s5+$0x0] =	vst.idx.add.f32.msk $0xffff, v20  }
0x10c: {  	v20 =	vld [tilespmem:s9+$0xFFFFFFF0];
	v21 =	vmul.f32 $1.000000050e-03, v44;
	v44 =	vcvt.s32.f32 v41  }
0x10d: {  	v33 =	vmul.f32 $1.000000050e-03, v33;
	v45 =	vcvt.s32.f32 v42;
	v46 =	vld [tilespmem:s9+$0x0]  }
0x10e: {  	v21 =	vtrunc.f32 v21;
	v44 =	vmul.f32 $1.000000050e-03, v44;
	[tilespmem:v30+s5+$0x0] =	vst.idx.add.f32.msk $0xffff, v34  }
0x10f: {  	v30 =	vcvt.s32.f32 v43;
	v21 =	vcvt.f32.s32 v21;
	[tilespmem:v29+s5+$0x0] =	vst.idx.add.f32.msk $0xffff, v35  }
0x110: {  	v29 =	vmul.f32 $1.000000050e-03, v45;
	v34 =	vtrunc.f32 v44;
	[tilespmem:v32+s5+$0x0] =	vst.idx.add.f32.msk $0xffff, v36  }
0x111: {  	v30 =	vmul.f32 $1.000000050e-03, v30;
	v21 =	vmul.u32 $0x18, v21;
	v32 =	vcvt.f32.s32 v34;
	v35 =	vld.idx.msk [tilespmem:v26+s26+$0x0], $0xffff  }
0x112: {  	v26 =	vcvt.s32.f32 v38;
	v36 =	vcvt.s32.f32 v20;
	v44 =	vld.idx.msk [tilespmem:v23+s26+$0x0], $0xffff  }
0x113: {  	v23 =	vcvt.s32.f32 v46;
	v34 =	vadd.s32 v39, v21;
	v21 =	vmul.u32 $0x18, v32;
	v39 =	vld.idx.msk [tilespmem:v24+s26+$0x0], $0xffff  }
0x114: {  	v24 =	vtrunc.f32 v30;
	v30 =	vtrunc.f32 v33;
	v33 =	vld.idx.msk [tilespmem:v13+s26+$0x0], $0xffff;
	v13 =	vmov v28  }
0x115: {  	v26 =	vmul.f32 $1.000000050e-03, v26;
	v28 =	vtrunc.f32 v29;
	v21 =	vadd.s32 v41, v21;
	v41 =	vld.idx.msk [tilespmem:v15+s26+$0x0], $0xffff;
	v15 =	vmovc v27  }
0x116: {  	v23 =	vmul.f32 $1.000000050e-03, v23;
	v27 =	vmul.f32 $1.000000050e-03, v36;
	[tilespmem:v14+s5+$0x0] =	vst.idx.add.f32.msk $0xffff, v37;
	v14 =	vmov v31  }
0x117: {  	v24 =	vcvt.f32.s32 v24;
	v29 =	vcvt.f32.s32 v30;
	[tilespmem:v7+s5+$0x0] =	vst.idx.add.f32.msk $0xffff, v22;
	v7 =	vmovc v12;
	v12 =	vmov v25  }
0x118: {  	s10 =	sadd.s32 $0x40, s10;
	v22 =	vtrunc.f32 v26;
	v25 =	vcvt.f32.s32 v28;
	v26 =	vld.idx.msk [tilespmem:v34+s31+$0x0], $0xffff  }
0x119: {  	v24 =	vmul.u32 $0x18, v24;
	v23 =	vtrunc.f32 v23;
	v27 =	vtrunc.f32 v27;
	v28 =	vld [tilespmem:s10+$0x10]  }
0x11a: {  	v29 =	vmul.u32 $0x18, v29;
	v22 =	vcvt.f32.s32 v22;
	v25 =	vmul.u32 $0x18, v25;
	v30 =	vld.idx.msk [tilespmem:v21+s31+$0x0], $0xffff  }
0x11b: {  	v23 =	vcvt.f32.s32 v23;
	v31 =	vadd.s32 v43, v24;
	v24 =	vcvt.f32.s32 v27;
	v36 =	vld [tilespmem:s10+$0xFFFFFFE0]  }
0x11c: {  	v37 =	vadd.s32 v40, v29;
	v22 =	vmul.u32 $0x18, v22;
	v40 =	vadd.s32 v42, v25;
	v25 =	vld.idx.msk [tilespmem:v34+s26+$0x0], $0xffff  }
0x11d: {  	v23 =	vmul.u32 $0x18, v23;
	v24 =	vmul.u32 $0x18, v24;
	v42 =	vadd.s32 $0x2800, v31;
	v27 =	vld [tilespmem:s10+$0xFFFFFFF0]  }
0x11e: {  	v22 =	vadd.s32 v38, v22;
	v38 =	vadd.s32 $0x2800, v37;
	v43 =	vld [tilespmem:s10+$0x0];
	v26 =	vmul.f32 v26, v28  }
0x11f: {  	v21 =	vshll.u32 v21, $0x2;
	v45 =	vadd.s32 v46, v23;
	v28 =	vadd.s32 v20, v24;
	[tilespmem:v8+s5+$0x0] =	vst.idx.add.f32.msk $0xffff, v6  }
0x120: {  	v47 =	vadd.s32 $0x2800, v34;
	v46 =	vshll.u32 v22, $0x2;
	v8 =	vmovc v11;
	v11 =	vmovc v5;
	v6 =	vld.idx.msk [tilespmem:v31+s31+$0x0], $0xffff;
	v20 =	vmul.f32 v30, v26  }
0x121: {  	v49 =	vshll.u32 v45, $0x2;
	v50 =	vadd.s32 $0x2800, v40;
	v48 =	vshll.u32 v28, $0x2;
	v5 =	vld.idx.msk [tilespmem:v37+s31+$0x0], $0xffff  }
0x122: {  	v30 =	vor.u32 $0x1, v46;
	v29 =	vor.u32 $0x1, v48;
	v51 =	vld.idx.msk [tilespmem:v40+s31+$0x0], $0xffff;
	v25 =	vmul.f32 v20, v25  }
0x123: {  	v23 =	vadd.s32 $0x5000, v37;
	v32 =	vor.u32 $0x1, v49;
	v26 =	vadd.s32 $0x5000, v31;
	v52 =	vld.idx.msk [tilespmem:v22+s31+$0x0], $0xffff  }
0x124: {  	v35 =	vmul.f32 v35, v4;
	v44 =	vmul.f32 v44, v10;
	v24 =	vadd.s32 $0x5000, v40;
	[tilespmem:v21+s5+$0x0] =	vst.idx.add.f32.msk $0xffff, v25  }
0x125: {  	v39 =	vmul.f32 v39, v9;
	v53 =	vor.u32 $0x2, v46;
	v54 =	vor.u32 $0x2, v48;
	v47 =	vld.idx.msk [tilespmem:v47+s26+$0x0], $0xffff  }
0x126: {  	v55 =	vadd.s32 $0x7800, v31;
	v56 =	vor.u32 $0x2, v49;
	v6 =	vmul.f32 v6, v36;
	v36 =	vld.idx.msk [tilespmem:v28+s31+$0x0], $0xffff  }
0x127: {  	v57 =	vmul.f32 v5, v27;
	v28 =	vadd.s32 $0x7800, v37;
	v27 =	vadd.s32 $0x7800, v40;
	v45 =	vld.idx.msk [tilespmem:v45+s31+$0x0], $0xffff  }
0x128: {  	v22 =	vmul.f32 v33, v2;
	v2 =	vmovc v10;
	v43 =	vmul.f32 v51, v43;
	v51 =	vor.u32 $0x1, v21;
	v58 =	vld.idx.msk [tilespmem:v31+s26+$0x0], $0xffff  }
0x129: {  	v33 =	vmul.f32 v52, v6;
	v52 =	vadd.s32 $0x5000, v34;
	v6 =	vmul.f32 v41, v3;
	v3 =	vmovc v9;
	v37 =	vld.idx.msk [tilespmem:v37+s26+$0x0], $0xffff  }
0x12a: {  	v25 =	vor.u32 $0x3, v48;
	v5 =	vor.u32 $0x3, v49;
	v31 =	vor.u32 $0x3, v46;
	v40 =	vld.idx.msk [tilespmem:v40+s26+$0x0], $0xffff  }
0x12b: {  	v41 =	vmul.f32 v47, v20;
	[tilespmem:v17+s5+$0x0] =	vst.idx.add.f32.msk $0xffff, v35;
	v17 =	vmov v53  }
0x12c: {  	v10 =	vmul.f32 v36, v57;
	[tilespmem:v16+s5+$0x0] =	vst.idx.add.f32.msk $0xffff, v44;
	v16 =	vmov v54  }
0x12d: {  	v9 =	vmul.f32 v45, v43;
	[tilespmem:v51+s5+$0x0] =	vst.idx.add.f32.msk $0xffff, v41  }
0x12e: {  	v35 =	vmul.f32 v33, v58;
	v36 =	vld.idx.msk [tilespmem:v52+s26+$0x0], $0xffff  }
0x12f: {  	v37 =	vmul.f32 v10, v37;
	[tilespmem:v18+s5+$0x0] =	vst.idx.add.f32.msk $0xffff, v39;
	v18 =	vmov v56  }
0x130: {  	[tilespmem:v46+s5+$0x0] =	vst.idx.add.f32.msk $0xffff, v35;
	v35 =	vmul.f32 v9, v40  }
0x131: {  	[tilespmem:v48+s5+$0x0] =	vst.idx.add.f32.msk $0xffff, v37;
	v37 =	vor.u32 $0x2, v21  }
0x132: {  	v39 =	vadd.s32 $0x7800, v34;
	[tilespmem:v49+s5+$0x0] =	vst.idx.add.f32.msk $0xffff, v35  }
0x133: {  	v34 =	vld.idx.msk [tilespmem:v42+s26+$0x0], $0xffff  }
.Ltmp3:
0x134: {  	v35 =	vld.idx.msk [tilespmem:v38+s26+$0x0], $0xffff;
	v38 =	vmul.f32 v36, v20;
	(pc) =	sbr.rel @p1 .LBB2_4-.Ltmp3, $4  }
0x135: {  	v36 =	vld.idx.msk [tilespmem:v50+s26+$0x0], $0xffff  }
0x136: {  	[tilespmem:v37+s5+$0x0] =	vst.idx.add.f32.msk $0xffff, v38  }
0x137: {  	v38 =	vld.idx.msk [tilespmem:v39+s26+$0x0], $0xffff  }
0x138: {  	s12 =	sadd.s32 $0x40, s12;
	v37 =	vld.idx.msk [tilespmem:v19+s26+$0x0], $0xffff;
	v19 =	vmov v55  }
0x139: {  	_ = 	snop  }
0x13a: {  	v21 =	vor.u32 $0x3, v21  }
0x13b: {  	v34 =	vmul.f32 v34, v33  }
0x13c: {  	v35 =	vmul.f32 v35, v10  }
0x13d: {  	[tilespmem:v30+s5+$0x0] =	vst.idx.add.f32.msk $0xffff, v34;
	v20 =	vmul.f32 v38, v20  }
0x13e: {  	[tilespmem:v29+s5+$0x0] =	vst.idx.add.f32.msk $0xffff, v35  }
0x13f: {  	[tilespmem:v21+s5+$0x0] =	vst.idx.add.f32.msk $0xffff, v20;
	v20 =	vmul.f32 v36, v9  }
0x140: {  	v21 =	vld.idx.msk [tilespmem:v26+s26+$0x0], $0xffff  }
0x141: {  	[tilespmem:v32+s5+$0x0] =	vst.idx.add.f32.msk $0xffff, v20  }
0x142: {  	v20 =	vld.idx.msk [tilespmem:v23+s26+$0x0], $0xffff  }
0x143: {  	v23 =	vld.idx.msk [tilespmem:v24+s26+$0x0], $0xffff  }
0x144: {  	v13 =	vld.idx.msk [tilespmem:v13+s26+$0x0], $0xffff;
	v4 =	vmul.f32 v37, v4  }
0x145: {  	v15 =	vld.idx.msk [tilespmem:v15+s26+$0x0], $0xffff;
	v21 =	vmul.f32 v21, v33  }
0x146: {  	[tilespmem:v14+s5+$0x0] =	vst.idx.add.f32.msk $0xffff, v4  }
0x147: {  	v4 =	vmul.f32 v20, v10;
	[tilespmem:v17+s5+$0x0] =	vst.idx.add.f32.msk $0xffff, v21  }
0x148: {  	v14 =	vmul.f32 v23, v9;
	v17 =	vld.idx.msk [tilespmem:v19+s26+$0x0], $0xffff  }
0x149: {  	[tilespmem:v16+s5+$0x0] =	vst.idx.add.f32.msk $0xffff, v4  }
0x14a: {  	[tilespmem:v18+s5+$0x0] =	vst.idx.add.f32.msk $0xffff, v14  }
0x14b: {  	v4 =	vld.idx.msk [tilespmem:v28+s26+$0x0], $0xffff  }
0x14c: {  	v14 =	vld.idx.msk [tilespmem:v27+s26+$0x0], $0xffff  }
0x14d: {  	[tilespmem:v7+s5+$0x0] =	vst.idx.add.f32.msk $0xffff, v22;
	v2 =	vmul.f32 v13, v2  }
0x14e: {  	[tilespmem:v8+s5+$0x0] =	vst.idx.add.f32.msk $0xffff, v6;
	v3 =	vmul.f32 v15, v3  }
0x14f: {  	[tilespmem:v12+s5+$0x0] =	vst.idx.add.f32.msk $0xffff, v2;
	v7 =	vmul.f32 v17, v33  }
0x150: {  	[tilespmem:v11+s5+$0x0] =	vst.idx.add.f32.msk $0xffff, v3;
	v2 =	vmul.f32 v4, v10  }
0x151: {  	[tilespmem:v31+s5+$0x0] =	vst.idx.add.f32.msk $0xffff, v7;
	v3 =	vmul.f32 v14, v9  }
0x152: {  	[tilespmem:v25+s5+$0x0] =	vst.idx.add.f32.msk $0xffff, v2  }
0x153: {  	[tilespmem:v5+s5+$0x0] =	vst.idx.add.f32.msk $0xffff, v3  }
0x154: {  	v2 =	vld [tilespmem:$0x7C0];
	_ =	sdelay $0x1  }
0x155: {  	v3 =	vld [tilespmem:$0x17C0];
	_ =	sdelay $0x2  }
0x156: {  	v4 =	vcvt.s32.f32 v2;
	_ =	sdelay $0x1  }
0x157: {  	v5 =	vcvt.s32.f32 v3;
	v4 =	vmul.f32 $1.000000050e-03, v4;
	_ =	sdelay $0x1  }
0x158: {  	v5 =	vmul.f32 $1.000000050e-03, v5;
	v4 =	vtrunc.f32 v4  }
0x159: {  	v4 =	vcvt.f32.s32 v4  }
0x15a: {  	v5 =	vtrunc.f32 v5  }
0x15b: {  	v5 =	vcvt.f32.s32 v5;
	v4 =	vmul.u32 $0x18, v4;
	_ =	sdelay $0x1  }
0x15c: {  	v2 =	vadd.s32 v2, v4;
	v4 =	vmul.u32 $0x18, v5;
	_ =	sdelay $0x1  }
0x15d: {  	v3 =	vadd.s32 v3, v4;
	_ =	sdelay $0x1  }
0x15e: {  	v4 =	vld [tilespmem:$0x27C0]  }
0x15f: {  	v5 =	vld.idx.msk [tilespmem:v2+s31+$0x0], $0xffff;
	_ =	sdelay $0x1  }
0x160: {  	v6 =	vld.idx.msk [tilespmem:v3+s31+$0x0], $0xffff;
	_ =	sdelay $0x1  }
0x161: {  	v7 =	vld.idx.msk [tilespmem:v2+s26+$0x0], $0xffff  }
0x162: {  	v4 =	vmul.f32 v5, v4  }
0x163: {  	v3 =	vshll.u32 v3, $0x2  }
0x164: {  	v5 =	vadd.s32 $0x2800, v2;
	v4 =	vmul.f32 v6, v4;
	_ =	sdelay $0x1  }
0x165: {  	v6 =	vmul.f32 v4, v7;
	_ =	sdelay $0x1  }
0x166: {  	[tilespmem:v3+s5+$0x0] =	vst.idx.add.f32.msk $0xffff, v6  }
0x167: {  	v5 =	vld.idx.msk [tilespmem:v5+s26+$0x0], $0xffff;
	_ =	sdelay $0x1  }
0x168: {  	v6 =	vor.u32 $0x1, v3  }
0x169: {  	v7 =	vadd.s32 $0x5000, v2;
	_ =	sdelay $0x1  }
0x16a: {  	v5 =	vmul.f32 v5, v4;
	_ =	sdelay $0x1  }
0x16b: {  	[tilespmem:v6+s5+$0x0] =	vst.idx.add.f32.msk $0xffff, v5  }
0x16c: {  	v5 =	vld.idx.msk [tilespmem:v7+s26+$0x0], $0xffff;
	_ =	sdelay $0x1  }
0x16d: {  	v6 =	vor.u32 $0x2, v3  }
0x16e: {  	v2 =	vadd.s32 $0x7800, v2;
	_ =	sdelay $0x1  }
0x16f: {  	v5 =	vmul.f32 v5, v4;
	_ =	sdelay $0x1  }
0x170: {  	[tilespmem:v6+s5+$0x0] =	vst.idx.add.f32.msk $0xffff, v5  }
0x171: {  	v2 =	vld.idx.msk [tilespmem:v2+s26+$0x0], $0xffff;
	_ =	sdelay $0x1  }
0x172: {  	v3 =	vor.u32 $0x3, v3;
	_ =	sdelay $0x2  }
0x173: {  	v2 =	vmul.f32 v2, v4;
	_ =	sdelay $0x1  }
0x174: {  	s0 =	simm.s32 $0x1;
	[tilespmem:v3+s5+$0x0] =	vst.idx.add.f32.msk $0xffff, v2  }
0x175: {  	_ =	swait.ge [sflag:s0], $0x7D0  }
0x176: {  	[sflag:s0] =	ssyncset.done $0x0  }
0x177: {  	s11 =	simm.s32 $0x2;
	[sflag:s0] =	ssyncadd.s32 $0xFFFFF830  }
0x178: {  	_ =	swait.ge [sflag:s11], $0x7D0  }
0x179: {  	[sflag:s11] =	ssyncset.done $0x0  }
0x17a: {  	s12 =	simm.s32 $0x3;
	[sflag:s11] =	ssyncadd.s32 $0xFFFFF830  }
0x17b: {  	_ =	swait.ge [sflag:s12], $0x7D0  }
0x17c: {  	[sflag:s12] =	ssyncset.done $0x0  }
0x17d: {  	[sflag:s12] =	ssyncadd.s32 $0xFFFFF830  }
0x17e: {  	[tilespmem:s2], [sflag:$0x1] =	stream.linear.gather [hbm4b:s24+s2], $0x7D0, $0x38;
	[tilespmem:$0x19800] =	vst v63  }
0x17f: {  	s9 =	simm.s32 $0x1000  }
0x180: {  	[tilespmem:s9], [sflag:$0x2] =	stream.linear.gather [hbm4b:s25+s2], $0x7D0, $0x38;
	[tilespmem:$0x19800] =	vst v63  }
0x181: {  	s10 =	simm.s32 $0x2000;
	s9 =	simm.s32 $0x820  }
0x182: {  	[tilespmem:s10], [sflag:$0x3] =	stream.linear.gather [hbm4b:s28+s2], $0x7D0, $0x38;
	[tilespmem:$0x19800] =	vst v63  }
0x183: {  	s10 =	simm.s32 $0x1820;
	v2 =	vld [tilespmem:s9+$0x10]  }
0x184: {  	v3 =	vld [tilespmem:s10+$0x10]  }
0x185: {  	v5 =	vld [tilespmem:s9+$0xFFFFFFF0]  }
0x186: {  	v6 =	vld [tilespmem:s9+$0x0]  }
0x187: {  	v7 =	vld [tilespmem:s9+$0xFFFFFFE0]  }
0x188: {  	v12 =	vld [tilespmem:s10+$0xFFFFFFF0]  }
0x189: {  	v13 =	vld [tilespmem:s10+$0x0];
	_ =	sdelay $0x1  }
0x18a: {  	v4 =	vcvt.s32.f32 v2;
	v8 =	vcvt.s32.f32 v3  }
0x18b: {  	v9 =	vcvt.s32.f32 v5;
	v11 =	vcvt.s32.f32 v6  }
0x18c: {  	v14 =	vcvt.s32.f32 v7;
	v4 =	vmul.f32 $1.000000050e-03, v4  }
0x18d: {  	v15 =	vcvt.s32.f32 v12;
	v16 =	vcvt.s32.f32 v13  }
0x18e: {  	v8 =	vmul.f32 $1.000000050e-03, v8;
	v4 =	vtrunc.f32 v4  }
0x18f: {  	v10 =	vld [tilespmem:s10+$0xFFFFFFE0];
	v9 =	vmul.f32 $1.000000050e-03, v9;
	v4 =	vcvt.f32.s32 v4  }
0x190: {  	v11 =	vmul.f32 $1.000000050e-03, v11;
	v8 =	vtrunc.f32 v8  }
0x191: {  	v9 =	vtrunc.f32 v9;
	v8 =	vcvt.f32.s32 v8;
	v4 =	vmul.u32 $0x18, v4  }
0x192: {  	v11 =	vtrunc.f32 v11;
	v9 =	vcvt.f32.s32 v9  }
0x193: {  	v11 =	vcvt.f32.s32 v11;
	v8 =	vmul.u32 $0x18, v8;
	v2 =	vadd.s32 v2, v4  }
0x194: {  	v4 =	vmul.f32 $1.000000050e-03, v14;
	v14 =	vcvt.s32.f32 v10  }
0x195: {  	v16 =	vmul.f32 $1.000000050e-03, v16;
	v9 =	vmul.u32 $0x18, v9;
	v3 =	vadd.s32 v3, v8  }
0x196: {  	s11 =	simm.s32 $0x2820;
	v19 =	vmul.u32 $0x18, v11;
	v4 =	vtrunc.f32 v4;
	v8 =	vmul.f32 $1.000000050e-03, v14  }
0x197: {  	v17 =	vld [tilespmem:s11+$0x10];
	v11 =	vadd.s32 v5, v9;
	v5 =	vtrunc.f32 v16;
	v4 =	vcvt.f32.s32 v4  }
0x198: {  	v9 =	vadd.s32 v6, v19;
	v5 =	vcvt.f32.s32 v5;
	v8 =	vtrunc.f32 v8;
	v14 =	vld.idx.msk [tilespmem:v2+s31+$0x0], $0xffff  }
0x199: {  	v18 =	vmul.f32 $1.000000050e-03, v15;
	v4 =	vmul.u32 $0x18, v4;
	v8 =	vcvt.f32.s32 v8  }
0x19a: {  	v5 =	vmul.u32 $0x18, v5;
	v20 =	vld.idx.msk [tilespmem:v3+s31+$0x0], $0xffff  }
0x19b: {  	v16 =	vld [tilespmem:s11+$0xFFFFFFF0];
	v15 =	vadd.s32 v7, v4;
	v4 =	vtrunc.f32 v18;
	v8 =	vmul.u32 $0x18, v8  }
0x19c: {  	v6 =	vld.idx.msk [tilespmem:v2+s26+$0x0], $0xffff;
	v4 =	vcvt.f32.s32 v4  }
0x19d: {  	v5 =	vadd.s32 v13, v5;
	v13 =	vld.idx.msk [tilespmem:v9+s31+$0x0], $0xffff;
	v8 =	vadd.s32 v10, v8;
	v10 =	vmul.f32 v14, v17  }
0x19e: {  	v3 =	vshll.u32 v3, $0x2;
	v7 =	vld [tilespmem:s11+$0xFFFFFFE0];
	v4 =	vmul.u32 $0x18, v4  }
0x19f: {  	v14 =	vld [tilespmem:s11+$0x0];
	v18 =	vmul.f32 v20, v10;
	v10 =	vadd.s32 $0x2800, v2  }
0x1a0: {  	v17 =	vld.idx.msk [tilespmem:v15+s31+$0x0], $0xffff;
	v4 =	vadd.s32 v12, v4  }
0x1a1: {  	v12 =	vld.idx.msk [tilespmem:v11+s31+$0x0], $0xffff;
	v6 =	vmul.f32 v18, v6  }
0x1a2: {  	v19 =	vld.idx.msk [tilespmem:v8+s31+$0x0], $0xffff  }
0x1a3: {  	[tilespmem:v3+s5+$0x0] =	vst.idx.add.f32.msk $0xffff, v6  }
0x1a4: {  	v6 =	vld.idx.msk [tilespmem:v10+s26+$0x0], $0xffff  }
0x1a5: {  	v20 =	vld.idx.msk [tilespmem:v4+s31+$0x0], $0xffff  }
0x1a6: {  	v23 =	vor.u32 $0x1, v3;
	v21 =	vld.idx.msk [tilespmem:v5+s31+$0x0], $0xffff  }
0x1a7: {  	v22 =	vld.idx.msk [tilespmem:v15+s26+$0x0], $0xffff;
	v13 =	vmul.f32 v13, v14  }
0x1a8: {  	v25 =	vadd.s32 $0x5000, v2;
	v24 =	vld.idx.msk [tilespmem:v11+s26+$0x0], $0xffff;
	v17 =	vmul.f32 v17, v7;
	v12 =	vmul.f32 v12, v16  }
0x1a9: {  	s0 =	simm.s32 $0x1860;
	v14 =	vld.idx.msk [tilespmem:v9+s26+$0x0], $0xffff;
	v10 =	vshll.u32 v8, $0x2;
	v7 =	vshll.u32 v4, $0x2;
	v4 =	vmul.f32 v6, v18  }
0x1aa: {  	v8 =	vshll.u32 v5, $0x2;
	v16 =	vmul.f32 v19, v17;
	v5 =	vmul.f32 v20, v12;
	v20 =	vld [tilespmem:s0+$0x10]  }
0x1ab: {  	s12 =	simm.s32 $0x860;
	[tilespmem:v23+s5+$0x0] =	vst.idx.add.f32.msk $0xffff, v4  }
0x1ac: {  	v6 =	vmul.f32 v21, v13;
	v4 =	vmul.f32 v16, v22;
	v22 =	vld [tilespmem:s12+$0x0]  }
0x1ad: {  	v12 =	vadd.s32 $0x2800, v15;
	v17 =	vmul.f32 v5, v24;
	v13 =	vld.idx.msk [tilespmem:v25+s26+$0x0], $0xffff  }
0x1ae: {  	v19 =	vadd.s32 $0x2800, v11;
	[tilespmem:v10+s5+$0x0] =	vst.idx.add.f32.msk $0xffff, v4;
	v4 =	vmul.f32 v6, v14  }
0x1af: {  	v14 =	vadd.s32 $0x2800, v9;
	[tilespmem:v7+s5+$0x0] =	vst.idx.add.f32.msk $0xffff, v17  }
0x1b0: {  	[tilespmem:v8+s5+$0x0] =	vst.idx.add.f32.msk $0xffff, v4;
	v4 =	vor.u32 $0x2, v3  }
0x1b1: {  	v2 =	vadd.s32 $0x7800, v2;
	v17 =	vld [tilespmem:s12+$0x10]  }
0x1b2: {  	v12 =	vld.idx.msk [tilespmem:v12+s26+$0x0], $0xffff  }
0x1b3: {  	v19 =	vld.idx.msk [tilespmem:v19+s26+$0x0], $0xffff;
	v13 =	vmul.f32 v13, v18  }
0x1b4: {  	v24 =	vcvt.s32.f32 v20;
	v14 =	vld.idx.msk [tilespmem:v14+s26+$0x0], $0xffff  }
0x1b5: {  	[tilespmem:v4+s5+$0x0] =	vst.idx.add.f32.msk $0xffff, v13  }
0x1b6: {  	v24 =	vmul.f32 $1.000000050e-03, v24;
	v2 =	vld.idx.msk [tilespmem:v2+s26+$0x0], $0xffff  }
0x1b7: {  	v28 =	vld [tilespmem:s0+$0xFFFFFFF0];
	v4 =	vcvt.s32.f32 v17;
	v13 =	vor.u32 $0x1, v10  }
0x1b8: {  	v21 =	vld [tilespmem:s12+$0xFFFFFFF0];
	v3 =	vor.u32 $0x3, v3;
	v31 =	vcvt.s32.f32 v22;
	v24 =	vtrunc.f32 v24  }
0x1b9: {  	v29 =	vor.u32 $0x1, v8;
	v23 =	vld [tilespmem:s12+$0xFFFFFFE0];
	v12 =	vmul.f32 v12, v16;
	v4 =	vmul.f32 $1.000000050e-03, v4  }
0x1ba: {  	v26 =	vld [tilespmem:s0+$0xFFFFFFE0];
	v62 =	vadd.s32 $0x5000, v11;
	v19 =	vmul.f32 v19, v5;
	v14 =	vmul.f32 v14, v6  }
0x1bb: {  	v30 =	vld [tilespmem:s0+$0x0];
	v25 =	vor.u32 $0x1, v7;
	v4 =	vtrunc.f32 v4;
	v2 =	vmul.f32 v2, v18  }
0x1bc: {  	v27 =	vadd.s32 $0x5000, v15;
	v4 =	vcvt.f32.s32 v4;
	[tilespmem:v13+s5+$0x0] =	vst.idx.add.f32.msk $0xffff, v12;
	v12 =	vmul.f32 $1.000000050e-03, v31  }
0x1bd: {  	v13 =	vadd.s32 $0x5000, v9;
	v18 =	vcvt.s32.f32 v21;
	[tilespmem:v3+s5+$0x0] =	vst.idx.add.f32.msk $0xffff, v2;
	v3 =	vcvt.f32.s32 v24  }
0x1be: {  	s9 =	simm.s32 $0x18A0;
	[tilespmem:v29+s5+$0x0] =	vst.idx.add.f32.msk $0xffff, v14;
	v14 =	vcvt.s32.f32 v28;
	v4 =	vmul.u32 $0x18, v4;
	v2 =	vcvt.s32.f32 v23  }
0x1bf: {  	v51 =	vld [tilespmem:s9+$0xFFFFFFE0];
	v12 =	vtrunc.f32 v12;
	v18 =	vmul.f32 $1.000000050e-03, v18;
	v3 =	vmul.u32 $0x18, v3  }
0x1c0: {  	[tilespmem:v25+s5+$0x0] =	vst.idx.add.f32.msk $0xffff, v19;
	v24 =	vadd.s32 v17, v4;
	v4 =	vcvt.s32.f32 v26;
	v2 =	vmul.f32 $1.000000050e-03, v2  }
0x1c1: {  	s11 =	simm.s32 $0x2860;
	v19 =	vld.idx.msk [tilespmem:v27+s26+$0x0], $0xffff;
	v12 =	vcvt.f32.s32 v12;
	v17 =	vcvt.s32.f32 v30;
	v3 =	vadd.s32 v20, v3  }
0x1c2: {  	v27 =	vld [tilespmem:s11+$0x10];
	v4 =	vmul.f32 $1.000000050e-03, v4;
	v2 =	vtrunc.f32 v2  }
0x1c3: {  	v44 =	vor.u32 $0x2, v7;
	v18 =	vtrunc.f32 v18;
	v29 =	vld.idx.msk [tilespmem:v13+s26+$0x0], $0xffff;
	v2 =	vcvt.f32.s32 v2  }
0x1c4: {  	v12 =	vmul.u32 $0x18, v12;
	v18 =	vcvt.f32.s32 v18;
	v20 =	vld.idx.msk [tilespmem:v62+s26+$0x0], $0xffff;
	v4 =	vtrunc.f32 v4  }
0x1c5: {  	v17 =	vmul.f32 $1.000000050e-03, v17;
	v25 =	vld.idx.msk [tilespmem:v24+s31+$0x0], $0xffff;
	v4 =	vcvt.f32.s32 v4;
	v2 =	vmul.u32 $0x18, v2  }
0x1c6: {  	v14 =	vmul.f32 $1.000000050e-03, v14;
	v12 =	vadd.s32 v22, v12;
	v18 =	vmul.u32 $0x18, v18;
	v31 =	vld.idx.msk [tilespmem:v3+s31+$0x0], $0xffff  }
0x1c7: {  	v17 =	vtrunc.f32 v17;
	v4 =	vmul.u32 $0x18, v4;
	v13 =	vadd.s32 v23, v2;
	v23 =	vld [tilespmem:s11+$0xFFFFFFE0]  }
0x1c8: {  	v17 =	vcvt.f32.s32 v17;
	v2 =	vtrunc.f32 v14;
	v14 =	vadd.s32 v21, v18;
	v18 =	vld.idx.msk [tilespmem:v24+s26+$0x0], $0xffff  }
0x1c9: {  	v21 =	vld [tilespmem:s11+$0xFFFFFFF0];
	v20 =	vmul.f32 v20, v5;
	v2 =	vcvt.f32.s32 v2;
	v4 =	vadd.s32 v26, v4  }
0x1ca: {  	v26 =	vshll.u32 v3, $0x2;
	v3 =	vmul.u32 $0x18, v17;
	v22 =	vmul.f32 v25, v27;
	v25 =	vld [tilespmem:s11+$0x0]  }
0x1cb: {  	[tilespmem:v44+s5+$0x0] =	vst.idx.add.f32.msk $0xffff, v20  }
0x1cc: {  	v2 =	vmul.u32 $0x18, v2;
	v3 =	vadd.s32 v30, v3;
	v30 =	vld.idx.msk [tilespmem:v12+s31+$0x0], $0xffff  }
0x1cd: {  	v27 =	vadd.s32 $0x2800, v24;
	v17 =	vld.idx.msk [tilespmem:v13+s31+$0x0], $0xffff;
	v22 =	vmul.f32 v31, v22  }
0x1ce: {  	v2 =	vadd.s32 v28, v2;
	v28 =	vld.idx.msk [tilespmem:v14+s31+$0x0], $0xffff  }
0x1cf: {  	v46 =	vld.idx.msk [tilespmem:v13+s26+$0x0], $0xffff;
	v18 =	vmul.f32 v22, v18  }
0x1d0: {  	v31 =	vld.idx.msk [tilespmem:v4+s31+$0x0], $0xffff  }
0x1d1: {  	[tilespmem:v26+s5+$0x0] =	vst.idx.add.f32.msk $0xffff, v18  }
0x1d2: {  	v39 =	vor.u32 $0x2, v8;
	v18 =	vld.idx.msk [tilespmem:v27+s26+$0x0], $0xffff  }
0x1d3: {  	v27 =	vor.u32 $0x2, v10;
	v63 =	vld.idx.msk [tilespmem:v2+s31+$0x0], $0xffff  }
0x1d4: {  	v47 =	vor.u32 $0x1, v26;
	v48 =	vld.idx.msk [tilespmem:v14+s26+$0x0], $0xffff  }
0x1d5: {  	v49 =	vadd.s32 $0x5000, v24;
	v20 =	vmul.f32 v29, v6;
	v45 =	vld.idx.msk [tilespmem:v3+s31+$0x0], $0xffff;
	v23 =	vmul.f32 v17, v23  }
0x1d6: {  	v19 =	vmul.f32 v19, v16;
	v40 =	vld.idx.msk [tilespmem:v12+s26+$0x0], $0xffff;
	v17 =	vshll.u32 v4, $0x2;
	v21 =	vmul.f32 v28, v21  }
0x1d7: {  	[tilespmem:v39+s5+$0x0] =	vst.idx.add.f32.msk $0xffff, v20;
	v4 =	vmul.f32 v31, v23;
	v28 =	vmul.f32 v18, v22;
	v18 =	vshll.u32 v2, $0x2  }
0x1d8: {  	v15 =	vadd.s32 $0x7800, v15;
	v25 =	vmul.f32 v30, v25;
	[tilespmem:v27+s5+$0x0] =	vst.idx.add.f32.msk $0xffff, v19;
	v2 =	vmul.f32 v63, v21  }
0x1d9: {  	v23 =	vmul.f32 v4, v46;
	v19 =	vshll.u32 v3, $0x2;
	[tilespmem:v47+s5+$0x0] =	vst.idx.add.f32.msk $0xffff, v28  }
0x1da: {  	v21 =	vadd.s32 $0x2800, v13;
	v3 =	vmul.f32 v45, v25;
	v28 =	vmul.f32 v2, v48;
	v25 =	vld.idx.msk [tilespmem:v49+s26+$0x0], $0xffff  }
0x1db: {  	v27 =	vadd.s32 $0x2800, v14;
	[tilespmem:v17+s5+$0x0] =	vst.idx.add.f32.msk $0xffff, v23  }
0x1dc: {  	v23 =	vmul.f32 v3, v40;
	[tilespmem:v18+s5+$0x0] =	vst.idx.add.f32.msk $0xffff, v28;
	v28 =	vor.u32 $0x2, v26  }
0x1dd: {  	v15 =	vld.idx.msk [tilespmem:v15+s26+$0x0], $0xffff  }
0x1de: {  	[tilespmem:v19+s5+$0x0] =	vst.idx.add.f32.msk $0xffff, v23  }
0x1df: {  	v23 =	vadd.s32 $0x7800, v24;
	v21 =	vld.idx.msk [tilespmem:v21+s26+$0x0], $0xffff;
	v25 =	vmul.f32 v25, v22  }
0x1e0: {  	v20 =	vadd.s32 $0x2800, v12;
	v24 =	vld.idx.msk [tilespmem:v27+s26+$0x0], $0xffff  }
0x1e1: {  	s12 =	simm.s32 $0x8A0;
	[tilespmem:v28+s5+$0x0] =	vst.idx.add.f32.msk $0xffff, v25  }
0x1e2: {  	v25 =	vld [tilespmem:s12+$0x10]  }
0x1e3: {  	v28 =	vld [tilespmem:s12+$0xFFFFFFF0]  }
0x1e4: {  	v23 =	vld.idx.msk [tilespmem:v23+s26+$0x0], $0xffff  }
0x1e5: {  	v20 =	vld.idx.msk [tilespmem:v20+s26+$0x0], $0xffff  }
0x1e6: {  	v11 =	vadd.s32 $0x7800, v11;
	v26 =	vor.u32 $0x3, v26;
	v27 =	vld [tilespmem:s9+$0x10]  }
0x1e7: {  	v53 =	vld [tilespmem:s9+$0xFFFFFFF0];
	v9 =	vadd.s32 $0x7800, v9;
	v15 =	vmul.f32 v15, v16;
	v21 =	vmul.f32 v21, v4  }
0x1e8: {  	v55 =	vld [tilespmem:s9+$0x0];
	v10 =	vor.u32 $0x3, v10;
	v30 =	vcvt.s32.f32 v25;
	v16 =	vcvt.s32.f32 v28  }
0x1e9: {  	v29 =	vld [tilespmem:s12+$0x0];
	v31 =	vor.u32 $0x1, v17;
	v24 =	vmul.f32 v24, v2;
	v22 =	vmul.f32 v23, v22  }
0x1ea: {  	v50 =	vld [tilespmem:s12+$0xFFFFFFE0];
	v23 =	vor.u32 $0x1, v18;
	v30 =	vmul.f32 $1.000000050e-03, v30;
	v16 =	vmul.f32 $1.000000050e-03, v16  }
0x1eb: {  	v52 =	vor.u32 $0x1, v19;
	v20 =	vmul.f32 v20, v3;
	[tilespmem:v26+s5+$0x0] =	vst.idx.add.f32.msk $0xffff, v22;
	v22 =	vcvt.s32.f32 v27  }
0x1ec: {  	v56 =	vadd.s32 $0x5000, v12;
	v57 =	vld.idx.msk [tilespmem:v11+s26+$0x0], $0xffff;
	v30 =	vtrunc.f32 v30;
	v16 =	vtrunc.f32 v16  }
0x1ed: {  	[tilespmem:v10+s5+$0x0] =	vst.idx.add.f32.msk $0xffff, v15;
	v26 =	vadd.s32 $0x5000, v13;
	v22 =	vmul.f32 $1.000000050e-03, v22;
	v30 =	vcvt.f32.s32 v30  }
0x1ee: {  	v54 =	vadd.s32 $0x5000, v14;
	[tilespmem:v31+s5+$0x0] =	vst.idx.add.f32.msk $0xffff, v21;
	v21 =	vcvt.s32.f32 v29;
	v16 =	vcvt.f32.s32 v16  }
0x1ef: {  	[tilespmem:v23+s5+$0x0] =	vst.idx.add.f32.msk $0xffff, v24;
	v24 =	vcvt.s32.f32 v50;
	v22 =	vtrunc.f32 v22;
	v23 =	vmul.u32 $0x18, v30  }
0x1f0: {  	v31 =	vcvt.s32.f32 v55;
	[tilespmem:v52+s5+$0x0] =	vst.idx.add.f32.msk $0xffff, v20;
	v20 =	vcvt.f32.s32 v22  }
0x1f1: {  	v34 =	vld.idx.msk [tilespmem:v56+s26+$0x0], $0xffff;
	v15 =	vmul.u32 $0x18, v16;
	v24 =	vmul.f32 $1.000000050e-03, v24;
	v23 =	vadd.s32 v25, v23  }
0x1f2: {  	v21 =	vmul.f32 $1.000000050e-03, v21;
	v22 =	vld.idx.msk [tilespmem:v26+s26+$0x0], $0xffff;
	v25 =	vcvt.s32.f32 v51;
	v20 =	vmul.u32 $0x18, v20  }
0x1f3: {  	v30 =	vcvt.s32.f32 v53;
	v26 =	vld.idx.msk [tilespmem:v54+s26+$0x0], $0xffff;
	v28 =	vadd.s32 v28, v15;
	v24 =	vtrunc.f32 v24  }
0x1f4: {  	s10 =	simm.s32 $0x28A0;
	v11 =	vadd.s32 v27, v20;
	v20 =	vmul.f32 $1.000000050e-03, v25;
	v25 =	vld.idx.msk [tilespmem:v9+s26+$0x0], $0xffff;
	v9 =	vcvt.f32.s32 v24  }
0x1f5: {  	v21 =	vtrunc.f32 v21;
	v16 =	vmul.f32 $1.000000050e-03, v31;
	v27 =	vld [tilespmem:s10+$0x10]  }
0x1f6: {  	v21 =	vcvt.f32.s32 v21;
	v30 =	vmul.f32 $1.000000050e-03, v30;
	v24 =	vld.idx.msk [tilespmem:v23+s31+$0x0], $0xffff;
	v9 =	vmul.u32 $0x18, v9  }
0x1f7: {  	v15 =	vtrunc.f32 v16;
	v20 =	vtrunc.f32 v20;
	v16 =	vld.idx.msk [tilespmem:v23+s26+$0x0], $0xffff  }
0x1f8: {  	v43 =	vld.idx.msk [tilespmem:v28+s26+$0x0], $0xffff;
	v10 =	vcvt.f32.s32 v20;
	v58 =	vadd.s32 v50, v9  }
0x1f9: {  	v15 =	vcvt.f32.s32 v15;
	v20 =	vmul.u32 $0x18, v21;
	v9 =	vtrunc.f32 v30;
	v30 =	vld [tilespmem:s10+$0xFFFFFFE0]  }
0x1fa: {  	v31 =	vld.idx.msk [tilespmem:v11+s31+$0x0], $0xffff;
	v10 =	vmul.u32 $0x18, v10  }
0x1fb: {  	v21 =	vshll.u32 v11, $0x2;
	v59 =	vadd.s32 v29, v20;
	v29 =	vld [tilespmem:s10+$0xFFFFFFF0];
	v11 =	vmul.u32 $0x18, v15  }
0x1fc: {  	v9 =	vcvt.f32.s32 v9;
	v10 =	vadd.s32 v51, v10;
	v20 =	vmul.f32 v24, v27;
	v24 =	vld [tilespmem:s10+$0x0]  }
0x1fd: {  	v11 =	vadd.s32 v55, v11;
	v15 =	vld.idx.msk [tilespmem:v58+s31+$0x0], $0xffff  }
0x1fe: {  	v9 =	vmul.u32 $0x18, v9;
	v41 =	vld.idx.msk [tilespmem:v58+s26+$0x0], $0xffff  }
0x1ff: {  	v27 =	vadd.s32 $0x2800, v23;
	v20 =	vmul.f32 v31, v20;
	v31 =	vld.idx.msk [tilespmem:v28+s31+$0x0], $0xffff  }
0x200: {  	v9 =	vadd.s32 v53, v9;
	v60 =	vld.idx.msk [tilespmem:v59+s31+$0x0], $0xffff  }
0x201: {  	v16 =	vmul.f32 v20, v16;
	v33 =	vld.idx.msk [tilespmem:v10+s31+$0x0], $0xffff  }
0x202: {  	v61 =	vor.u32 $0x2, v18;
	v37 =	vld.idx.msk [tilespmem:v11+s31+$0x0], $0xffff  }
0x203: {  	v45 =	vor.u32 $0x2, v19;
	[tilespmem:v21+s5+$0x0] =	vst.idx.add.f32.msk $0xffff, v16  }
0x204: {  	v44 =	vadd.s32 $0x5000, v23;
	v15 =	vmul.f32 v15, v30;
	v16 =	vld.idx.msk [tilespmem:v27+s26+$0x0], $0xffff;
	v27 =	vor.u32 $0x2, v17  }
0x205: {  	v26 =	vmul.f32 v26, v2;
	v42 =	vor.u32 $0x1, v21;
	v46 =	vshll.u32 v10, $0x2;
	v35 =	vld.idx.msk [tilespmem:v9+s31+$0x0], $0xffff  }
0x206: {  	v48 =	vshll.u32 v11, $0x2;
	v11 =	vmul.f32 v34, v3;
	v30 =	vld.idx.msk [tilespmem:v59+s26+$0x0], $0xffff;
	v33 =	vmul.f32 v33, v15  }
0x207: {  	v22 =	vmul.f32 v22, v4;
	[tilespmem:v61+s5+$0x0] =	vst.idx.add.f32.msk $0xffff, v26;
	v47 =	vshll.u32 v9, $0x2;
	v9 =	vmul.f32 v60, v24  }
0x208: {  	[tilespmem:v45+s5+$0x0] =	vst.idx.add.f32.msk $0xffff, v11;
	v10 =	vmul.f32 v31, v29;
	v15 =	vmul.f32 v33, v41  }
0x209: {  	v62 =	vadd.s32 $0x7800, v13;
	v9 =	vmul.f32 v37, v9;
	v16 =	vmul.f32 v16, v20;
	[tilespmem:v27+s5+$0x0] =	vst.idx.add.f32.msk $0xffff, v22  }
0x20a: {  	v7 =	vor.u32 $0x3, v7;
	v8 =	vor.u32 $0x3, v8;
	v13 =	vadd.s32 $0x7800, v14;
	[tilespmem:v46+s5+$0x0] =	vst.idx.add.f32.msk $0xffff, v15  }
0x20b: {  	v10 =	vmul.f32 v35, v10;
	v29 =	vmul.f32 v9, v30;
	[tilespmem:v42+s5+$0x0] =	vst.idx.add.f32.msk $0xffff, v16;
	v16 =	vadd.s32 $0x2800, v58  }
0x20c: {  	v14 =	vor.u32 $0x3, v17;
	v63 =	vadd.s32 $0x7800, v23;
	v24 =	vadd.s32 $0x2800, v28;
	v22 =	vld.idx.msk [tilespmem:v44+s26+$0x0], $0xffff  }
0x20d: {  	v6 =	vmul.f32 v25, v6;
	v27 =	vadd.s32 $0x2800, v59;
	v26 =	vmul.f32 v10, v43;
	[tilespmem:v48+s5+$0x0] =	vst.idx.add.f32.msk $0xffff, v29  }
0x20e: {  	v23 =	vadd.s32 $0x5000, v28;
	v32 =	vor.u32 $0x1, v48;
	v31 =	vor.u32 $0x2, v21;
	v37 =	vld.idx.msk [tilespmem:v62+s26+$0x0], $0xffff  }
0x20f: {  	v25 =	vor.u32 $0x3, v47;
	v11 =	vor.u32 $0x3, v19;
	v19 =	vadd.s32 $0x7800, v58;
	[tilespmem:v47+s5+$0x0] =	vst.idx.add.f32.msk $0xffff, v26  }
0x210: {  	v17 =	vor.u32 $0x2, v46;
	v28 =	vadd.s32 $0x7800, v28;
	v30 =	vor.u32 $0x1, v46;
	v34 =	vld.idx.msk [tilespmem:v16+s26+$0x0], $0xffff  }
0x211: {  	v15 =	vadd.s32 $0x7800, v12;
	v12 =	vor.u32 $0x3, v18;
	v35 =	vld.idx.msk [tilespmem:v24+s26+$0x0], $0xffff;
	v22 =	vmul.f32 v22, v20  }
0x212: {  	v29 =	vor.u32 $0x1, v47;
	v18 =	vor.u32 $0x2, v48;
	v26 =	vadd.s32 $0x5000, v58;
	v36 =	vld.idx.msk [tilespmem:v27+s26+$0x0], $0xffff  }
0x213: {  	v24 =	vadd.s32 $0x5000, v59;
	v27 =	vadd.s32 $0x7800, v59;
	v16 =	vor.u32 $0x2, v47;
	[tilespmem:v31+s5+$0x0] =	vst.idx.add.f32.msk $0xffff, v22  }
0x214: {  	s11 =	simm.s32 $0x8;
	s12 =	simm.s32 $0x8E0;
	v22 =	vmul.f32 v57, v5;
	v31 =	vor.u32 $0x3, v46;
	v5 =	vor.u32 $0x3, v48;
	v38 =	vld.idx.msk [tilespmem:v63+s26+$0x0], $0xffff  }
.LBB2_6:
0x215: {  	v39 =	vld [tilespmem:s12+$0x10];
	s11 =	sadd.s32 $0x4, s11;
	v34 =	vmul.f32 v34, v33  }
0x216: {  	v35 =	vmul.f32 v35, v10;
	v21 =	vor.u32 $0x3, v21;
	s9 =	sadd.s32 $0x40, s9;
	v40 =	vld [tilespmem:s12+$0xFFFFFFF0];
	p1 =	slt.u32 s11, $0x78  }
0x217: {  	v36 =	vmul.f32 v36, v9;
	v41 =	vld [tilespmem:s9+$0x10]  }
0x218: {  	v42 =	vld [tilespmem:s12+$0x0]  }
0x219: {  	v20 =	vmul.f32 v38, v20;
	v43 =	vld [tilespmem:s12+$0xFFFFFFE0]  }
0x21a: {  	v37 =	vmul.f32 v37, v4;
	v4 =	vmov v33;
	v38 =	vld [tilespmem:s9+$0xFFFFFFE0];
	v44 =	vcvt.s32.f32 v39  }
0x21b: {  	v33 =	vcvt.s32.f32 v40;
	[tilespmem:v21+s5+$0x0] =	vst.idx.add.f32.msk $0xffff, v20  }
0x21c: {  	v20 =	vld [tilespmem:s9+$0xFFFFFFF0];
	v21 =	vmul.f32 $1.000000050e-03, v44;
	v44 =	vcvt.s32.f32 v41  }
0x21d: {  	v33 =	vmul.f32 $1.000000050e-03, v33;
	v45 =	vcvt.s32.f32 v42;
	v46 =	vld [tilespmem:s9+$0x0]  }
0x21e: {  	v21 =	vtrunc.f32 v21;
	v44 =	vmul.f32 $1.000000050e-03, v44;
	[tilespmem:v30+s5+$0x0] =	vst.idx.add.f32.msk $0xffff, v34  }
0x21f: {  	v30 =	vcvt.s32.f32 v43;
	v21 =	vcvt.f32.s32 v21;
	[tilespmem:v29+s5+$0x0] =	vst.idx.add.f32.msk $0xffff, v35  }
0x220: {  	v29 =	vmul.f32 $1.000000050e-03, v45;
	v34 =	vtrunc.f32 v44;
	[tilespmem:v32+s5+$0x0] =	vst.idx.add.f32.msk $0xffff, v36  }
0x221: {  	v30 =	vmul.f32 $1.000000050e-03, v30;
	v21 =	vmul.u32 $0x18, v21;
	v32 =	vcvt.f32.s32 v34;
	v35 =	vld.idx.msk [tilespmem:v26+s26+$0x0], $0xffff  }
0x222: {  	v26 =	vcvt.s32.f32 v38;
	v36 =	vcvt.s32.f32 v20;
	v44 =	vld.idx.msk [tilespmem:v23+s26+$0x0], $0xffff  }
0x223: {  	v23 =	vcvt.s32.f32 v46;
	v34 =	vadd.s32 v39, v21;
	v21 =	vmul.u32 $0x18, v32;
	v39 =	vld.idx.msk [tilespmem:v24+s26+$0x0], $0xffff  }
0x224: {  	v24 =	vtrunc.f32 v30;
	v30 =	vtrunc.f32 v33;
	v33 =	vld.idx.msk [tilespmem:v13+s26+$0x0], $0xffff;
	v13 =	vmov v28  }
0x225: {  	v26 =	vmul.f32 $1.000000050e-03, v26;
	v28 =	vtrunc.f32 v29;
	v21 =	vadd.s32 v41, v21;
	v41 =	vld.idx.msk [tilespmem:v15+s26+$0x0], $0xffff;
	v15 =	vmovc v27  }
0x226: {  	v23 =	vmul.f32 $1.000000050e-03, v23;
	v27 =	vmul.f32 $1.000000050e-03, v36;
	[tilespmem:v14+s5+$0x0] =	vst.idx.add.f32.msk $0xffff, v37;
	v14 =	vmov v31  }
0x227: {  	v24 =	vcvt.f32.s32 v24;
	v29 =	vcvt.f32.s32 v30;
	[tilespmem:v7+s5+$0x0] =	vst.idx.add.f32.msk $0xffff, v22;
	v7 =	vmovc v12;
	v12 =	vmov v25  }
0x228: {  	s10 =	sadd.s32 $0x40, s10;
	v22 =	vtrunc.f32 v26;
	v25 =	vcvt.f32.s32 v28;
	v26 =	vld.idx.msk [tilespmem:v34+s31+$0x0], $0xffff  }
0x229: {  	v24 =	vmul.u32 $0x18, v24;
	v23 =	vtrunc.f32 v23;
	v27 =	vtrunc.f32 v27;
	v28 =	vld [tilespmem:s10+$0x10]  }
0x22a: {  	v29 =	vmul.u32 $0x18, v29;
	v22 =	vcvt.f32.s32 v22;
	v25 =	vmul.u32 $0x18, v25;
	v30 =	vld.idx.msk [tilespmem:v21+s31+$0x0], $0xffff  }
0x22b: {  	v23 =	vcvt.f32.s32 v23;
	v31 =	vadd.s32 v43, v24;
	v24 =	vcvt.f32.s32 v27;
	v36 =	vld [tilespmem:s10+$0xFFFFFFE0]  }
0x22c: {  	v37 =	vadd.s32 v40, v29;
	v22 =	vmul.u32 $0x18, v22;
	v40 =	vadd.s32 v42, v25;
	v25 =	vld.idx.msk [tilespmem:v34+s26+$0x0], $0xffff  }
0x22d: {  	v23 =	vmul.u32 $0x18, v23;
	v24 =	vmul.u32 $0x18, v24;
	v42 =	vadd.s32 $0x2800, v31;
	v27 =	vld [tilespmem:s10+$0xFFFFFFF0]  }
0x22e: {  	v22 =	vadd.s32 v38, v22;
	v38 =	vadd.s32 $0x2800, v37;
	v43 =	vld [tilespmem:s10+$0x0];
	v26 =	vmul.f32 v26, v28  }
0x22f: {  	v21 =	vshll.u32 v21, $0x2;
	v45 =	vadd.s32 v46, v23;
	v28 =	vadd.s32 v20, v24;
	[tilespmem:v8+s5+$0x0] =	vst.idx.add.f32.msk $0xffff, v6  }
0x230: {  	v47 =	vadd.s32 $0x2800, v34;
	v46 =	vshll.u32 v22, $0x2;
	v8 =	vmovc v11;
	v11 =	vmovc v5;
	v6 =	vld.idx.msk [tilespmem:v31+s31+$0x0], $0xffff;
	v20 =	vmul.f32 v30, v26  }
0x231: {  	v49 =	vshll.u32 v45, $0x2;
	v50 =	vadd.s32 $0x2800, v40;
	v48 =	vshll.u32 v28, $0x2;
	v5 =	vld.idx.msk [tilespmem:v37+s31+$0x0], $0xffff  }
0x232: {  	v30 =	vor.u32 $0x1, v46;
	v29 =	vor.u32 $0x1, v48;
	v51 =	vld.idx.msk [tilespmem:v40+s31+$0x0], $0xffff;
	v25 =	vmul.f32 v20, v25  }
0x233: {  	v23 =	vadd.s32 $0x5000, v37;
	v32 =	vor.u32 $0x1, v49;
	v26 =	vadd.s32 $0x5000, v31;
	v52 =	vld.idx.msk [tilespmem:v22+s31+$0x0], $0xffff  }
0x234: {  	v35 =	vmul.f32 v35, v4;
	v44 =	vmul.f32 v44, v10;
	v24 =	vadd.s32 $0x5000, v40;
	[tilespmem:v21+s5+$0x0] =	vst.idx.add.f32.msk $0xffff, v25  }
0x235: {  	v39 =	vmul.f32 v39, v9;
	v53 =	vor.u32 $0x2, v46;
	v54 =	vor.u32 $0x2, v48;
	v47 =	vld.idx.msk [tilespmem:v47+s26+$0x0], $0xffff  }
0x236: {  	v55 =	vadd.s32 $0x7800, v31;
	v56 =	vor.u32 $0x2, v49;
	v6 =	vmul.f32 v6, v36;
	v36 =	vld.idx.msk [tilespmem:v28+s31+$0x0], $0xffff  }
0x237: {  	v57 =	vmul.f32 v5, v27;
	v28 =	vadd.s32 $0x7800, v37;
	v27 =	vadd.s32 $0x7800, v40;
	v45 =	vld.idx.msk [tilespmem:v45+s31+$0x0], $0xffff  }
0x238: {  	v22 =	vmul.f32 v33, v2;
	v2 =	vmovc v10;
	v43 =	vmul.f32 v51, v43;
	v51 =	vor.u32 $0x1, v21;
	v58 =	vld.idx.msk [tilespmem:v31+s26+$0x0], $0xffff  }
0x239: {  	v33 =	vmul.f32 v52, v6;
	v52 =	vadd.s32 $0x5000, v34;
	v6 =	vmul.f32 v41, v3;
	v3 =	vmovc v9;
	v37 =	vld.idx.msk [tilespmem:v37+s26+$0x0], $0xffff  }
0x23a: {  	v25 =	vor.u32 $0x3, v48;
	v5 =	vor.u32 $0x3, v49;
	v31 =	vor.u32 $0x3, v46;
	v40 =	vld.idx.msk [tilespmem:v40+s26+$0x0], $0xffff  }
0x23b: {  	v41 =	vmul.f32 v47, v20;
	[tilespmem:v17+s5+$0x0] =	vst.idx.add.f32.msk $0xffff, v35;
	v17 =	vmov v53  }
0x23c: {  	v10 =	vmul.f32 v36, v57;
	[tilespmem:v16+s5+$0x0] =	vst.idx.add.f32.msk $0xffff, v44;
	v16 =	vmov v54  }
0x23d: {  	v9 =	vmul.f32 v45, v43;
	[tilespmem:v51+s5+$0x0] =	vst.idx.add.f32.msk $0xffff, v41  }
0x23e: {  	v35 =	vmul.f32 v33, v58;
	v36 =	vld.idx.msk [tilespmem:v52+s26+$0x0], $0xffff  }
0x23f: {  	v37 =	vmul.f32 v10, v37;
	[tilespmem:v18+s5+$0x0] =	vst.idx.add.f32.msk $0xffff, v39;
	v18 =	vmov v56  }
0x240: {  	[tilespmem:v46+s5+$0x0] =	vst.idx.add.f32.msk $0xffff, v35;
	v35 =	vmul.f32 v9, v40  }
0x241: {  	[tilespmem:v48+s5+$0x0] =	vst.idx.add.f32.msk $0xffff, v37;
	v37 =	vor.u32 $0x2, v21  }
0x242: {  	v39 =	vadd.s32 $0x7800, v34;
	[tilespmem:v49+s5+$0x0] =	vst.idx.add.f32.msk $0xffff, v35  }
0x243: {  	v34 =	vld.idx.msk [tilespmem:v42+s26+$0x0], $0xffff  }
.Ltmp4:
0x244: {  	v35 =	vld.idx.msk [tilespmem:v38+s26+$0x0], $0xffff;
	v38 =	vmul.f32 v36, v20;
	(pc) =	sbr.rel @p1 .LBB2_6-.Ltmp4, $4  }
0x245: {  	v36 =	vld.idx.msk [tilespmem:v50+s26+$0x0], $0xffff  }
0x246: {  	[tilespmem:v37+s5+$0x0] =	vst.idx.add.f32.msk $0xffff, v38  }
0x247: {  	v38 =	vld.idx.msk [tilespmem:v39+s26+$0x0], $0xffff  }
0x248: {  	s12 =	sadd.s32 $0x40, s12;
	v37 =	vld.idx.msk [tilespmem:v19+s26+$0x0], $0xffff;
	v19 =	vmov v55  }
0x249: {  	_ = 	snop  }
0x24a: {  	v21 =	vor.u32 $0x3, v21  }
0x24b: {  	v34 =	vmul.f32 v34, v33  }
0x24c: {  	v35 =	vmul.f32 v35, v10  }
0x24d: {  	[tilespmem:v30+s5+$0x0] =	vst.idx.add.f32.msk $0xffff, v34;
	v20 =	vmul.f32 v38, v20  }
0x24e: {  	[tilespmem:v29+s5+$0x0] =	vst.idx.add.f32.msk $0xffff, v35  }
0x24f: {  	[tilespmem:v21+s5+$0x0] =	vst.idx.add.f32.msk $0xffff, v20;
	v20 =	vmul.f32 v36, v9  }
0x250: {  	v21 =	vld.idx.msk [tilespmem:v26+s26+$0x0], $0xffff  }
0x251: {  	[tilespmem:v32+s5+$0x0] =	vst.idx.add.f32.msk $0xffff, v20  }
0x252: {  	v20 =	vld.idx.msk [tilespmem:v23+s26+$0x0], $0xffff  }
0x253: {  	v23 =	vld.idx.msk [tilespmem:v24+s26+$0x0], $0xffff  }
0x254: {  	v13 =	vld.idx.msk [tilespmem:v13+s26+$0x0], $0xffff;
	v4 =	vmul.f32 v37, v4  }
0x255: {  	v15 =	vld.idx.msk [tilespmem:v15+s26+$0x0], $0xffff;
	v21 =	vmul.f32 v21, v33  }
0x256: {  	[tilespmem:v14+s5+$0x0] =	vst.idx.add.f32.msk $0xffff, v4  }
0x257: {  	v4 =	vmul.f32 v20, v10;
	[tilespmem:v17+s5+$0x0] =	vst.idx.add.f32.msk $0xffff, v21  }
0x258: {  	v14 =	vmul.f32 v23, v9;
	v17 =	vld.idx.msk [tilespmem:v19+s26+$0x0], $0xffff  }
0x259: {  	[tilespmem:v16+s5+$0x0] =	vst.idx.add.f32.msk $0xffff, v4  }
0x25a: {  	[tilespmem:v18+s5+$0x0] =	vst.idx.add.f32.msk $0xffff, v14  }
0x25b: {  	v4 =	vld.idx.msk [tilespmem:v28+s26+$0x0], $0xffff  }
0x25c: {  	v14 =	vld.idx.msk [tilespmem:v27+s26+$0x0], $0xffff  }
0x25d: {  	[tilespmem:v7+s5+$0x0] =	vst.idx.add.f32.msk $0xffff, v22;
	v2 =	vmul.f32 v13, v2  }
0x25e: {  	[tilespmem:v8+s5+$0x0] =	vst.idx.add.f32.msk $0xffff, v6;
	v3 =	vmul.f32 v15, v3  }
0x25f: {  	[tilespmem:v12+s5+$0x0] =	vst.idx.add.f32.msk $0xffff, v2;
	v7 =	vmul.f32 v17, v33  }
0x260: {  	[tilespmem:v11+s5+$0x0] =	vst.idx.add.f32.msk $0xffff, v3;
	v2 =	vmul.f32 v4, v10  }
0x261: {  	[tilespmem:v31+s5+$0x0] =	vst.idx.add.f32.msk $0xffff, v7;
	v3 =	vmul.f32 v14, v9  }
0x262: {  	[tilespmem:v25+s5+$0x0] =	vst.idx.add.f32.msk $0xffff, v2  }
0x263: {  	[tilespmem:v5+s5+$0x0] =	vst.idx.add.f32.msk $0xffff, v3  }
0x264: {  	v2 =	vld [tilespmem:$0xFC0];
	_ =	sdelay $0x1  }
0x265: {  	v3 =	vld [tilespmem:$0x1FC0];
	_ =	sdelay $0x2  }
0x266: {  	v4 =	vcvt.s32.f32 v2;
	_ =	sdelay $0x1  }
0x267: {  	v5 =	vcvt.s32.f32 v3;
	v4 =	vmul.f32 $1.000000050e-03, v4;
	_ =	sdelay $0x1  }
0x268: {  	v5 =	vmul.f32 $1.000000050e-03, v5;
	v4 =	vtrunc.f32 v4  }
0x269: {  	v4 =	vcvt.f32.s32 v4  }
0x26a: {  	v5 =	vtrunc.f32 v5  }
0x26b: {  	v5 =	vcvt.f32.s32 v5;
	v4 =	vmul.u32 $0x18, v4;
	_ =	sdelay $0x1  }
0x26c: {  	v2 =	vadd.s32 v2, v4;
	v4 =	vmul.u32 $0x18, v5;
	_ =	sdelay $0x1  }
0x26d: {  	v3 =	vadd.s32 v3, v4;
	_ =	sdelay $0x1  }
0x26e: {  	v4 =	vld [tilespmem:$0x2FC0]  }
0x26f: {  	v5 =	vld.idx.msk [tilespmem:v2+s31+$0x0], $0xffff;
	_ =	sdelay $0x1  }
0x270: {  	v6 =	vld.idx.msk [tilespmem:v3+s31+$0x0], $0xffff;
	_ =	sdelay $0x1  }
0x271: {  	v7 =	vld.idx.msk [tilespmem:v2+s26+$0x0], $0xffff  }
0x272: {  	v4 =	vmul.f32 v5, v4  }
0x273: {  	v3 =	vshll.u32 v3, $0x2  }
0x274: {  	v5 =	vadd.s32 $0x2800, v2;
	v4 =	vmul.f32 v6, v4;
	_ =	sdelay $0x1  }
0x275: {  	v6 =	vmul.f32 v4, v7;
	_ =	sdelay $0x1  }
0x276: {  	[tilespmem:v3+s5+$0x0] =	vst.idx.add.f32.msk $0xffff, v6  }
0x277: {  	v5 =	vld.idx.msk [tilespmem:v5+s26+$0x0], $0xffff;
	_ =	sdelay $0x1  }
0x278: {  	v6 =	vor.u32 $0x1, v3  }
0x279: {  	v7 =	vadd.s32 $0x5000, v2;
	_ =	sdelay $0x1  }
0x27a: {  	v5 =	vmul.f32 v5, v4;
	_ =	sdelay $0x1  }
0x27b: {  	[tilespmem:v6+s5+$0x0] =	vst.idx.add.f32.msk $0xffff, v5  }
0x27c: {  	v5 =	vld.idx.msk [tilespmem:v7+s26+$0x0], $0xffff;
	_ =	sdelay $0x1  }
0x27d: {  	v6 =	vor.u32 $0x2, v3  }
0x27e: {  	v2 =	vadd.s32 $0x7800, v2;
	_ =	sdelay $0x1  }
0x27f: {  	v5 =	vmul.f32 v5, v4;
	_ =	sdelay $0x1  }
0x280: {  	[tilespmem:v6+s5+$0x0] =	vst.idx.add.f32.msk $0xffff, v5  }
0x281: {  	v2 =	vld.idx.msk [tilespmem:v2+s26+$0x0], $0xffff;
	_ =	sdelay $0x1  }
0x282: {  	v3 =	vor.u32 $0x3, v3;
	_ =	sdelay $0x2  }
0x283: {  	v2 =	vmul.f32 v2, v4;
	_ =	sdelay $0x1  }
0x284: {  	s0 =	simm.s32 $0x1;
	[tilespmem:v3+s5+$0x0] =	vst.idx.add.f32.msk $0xffff, v2  }
0x285: {  	_ =	swait.ge [sflag:s0], $0x7D0  }
0x286: {  	[sflag:s0] =	ssyncset.done $0x0  }
0x287: {  	s10 =	simm.s32 $0x2;
	[sflag:s0] =	ssyncadd.s32 $0xFFFFF830  }
0x288: {  	_ =	swait.ge [sflag:s10], $0x7D0  }
0x289: {  	[sflag:s10] =	ssyncset.done $0x0  }
0x28a: {  	s11 =	simm.s32 $0x3;
	[sflag:s10] =	ssyncadd.s32 $0xFFFFF830  }
0x28b: {  	_ =	swait.ge [sflag:s11], $0x7D0  }
0x28c: {  	[sflag:s11] =	ssyncset.done $0x0  }
0x28d: {  	s12 =	simm.s32 $0x800;
	[sflag:s11] =	ssyncadd.s32 $0xFFFFF830  }
0x28e: {  	[tilespmem:s12], [sflag:$0x1] =	stream.linear.gather [hbm4b:s29+s2], $0x7D0, $0x38;
	[tilespmem:$0x19800] =	vst v63  }
0x28f: {  	s9 =	simm.s32 $0x1800  }
0x290: {  	[tilespmem:s9], [sflag:$0x2] =	stream.linear.gather [hbm4b:s30+s2], $0x7D0, $0x38;
	[tilespmem:$0x19800] =	vst v63  }
0x291: {  	s10 =	simm.s32 $0x2800;
	s9 =	simm.s32 $0x20  }
0x292: {  	[tilespmem:s10], [sflag:$0x3] =	stream.linear.gather [hbm4b:s7+s2], $0x7D0, $0x38;
	[tilespmem:$0x19800] =	vst v63  }
0x293: {  	s10 =	simm.s32 $0x1020;
	v2 =	vld [tilespmem:s9+$0x10]  }
0x294: {  	v3 =	vld [tilespmem:s10+$0x10]  }
0x295: {  	v5 =	vld [tilespmem:s9+$0xFFFFFFF0]  }
0x296: {  	v6 =	vld [tilespmem:s9+$0x0]  }
0x297: {  	v7 =	vld [tilespmem:s9+$0xFFFFFFE0]  }
0x298: {  	v12 =	vld [tilespmem:s10+$0xFFFFFFF0]  }
0x299: {  	v13 =	vld [tilespmem:s10+$0x0];
	_ =	sdelay $0x1  }
0x29a: {  	v4 =	vcvt.s32.f32 v2;
	v8 =	vcvt.s32.f32 v3  }
0x29b: {  	v9 =	vcvt.s32.f32 v5;
	v11 =	vcvt.s32.f32 v6  }
0x29c: {  	v14 =	vcvt.s32.f32 v7;
	v4 =	vmul.f32 $1.000000050e-03, v4  }
0x29d: {  	v15 =	vcvt.s32.f32 v12;
	v16 =	vcvt.s32.f32 v13  }
0x29e: {  	v8 =	vmul.f32 $1.000000050e-03, v8;
	v4 =	vtrunc.f32 v4  }
0x29f: {  	v10 =	vld [tilespmem:s10+$0xFFFFFFE0];
	v9 =	vmul.f32 $1.000000050e-03, v9;
	v4 =	vcvt.f32.s32 v4  }
0x2a0: {  	v11 =	vmul.f32 $1.000000050e-03, v11;
	v8 =	vtrunc.f32 v8  }
0x2a1: {  	v9 =	vtrunc.f32 v9;
	v8 =	vcvt.f32.s32 v8;
	v4 =	vmul.u32 $0x18, v4  }
0x2a2: {  	v11 =	vtrunc.f32 v11;
	v9 =	vcvt.f32.s32 v9  }
0x2a3: {  	v11 =	vcvt.f32.s32 v11;
	v8 =	vmul.u32 $0x18, v8;
	v2 =	vadd.s32 v2, v4  }
0x2a4: {  	v4 =	vmul.f32 $1.000000050e-03, v14;
	v14 =	vcvt.s32.f32 v10  }
0x2a5: {  	v16 =	vmul.f32 $1.000000050e-03, v16;
	v9 =	vmul.u32 $0x18, v9;
	v3 =	vadd.s32 v3, v8  }
0x2a6: {  	s11 =	simm.s32 $0x2020;
	v19 =	vmul.u32 $0x18, v11;
	v4 =	vtrunc.f32 v4;
	v8 =	vmul.f32 $1.000000050e-03, v14  }
0x2a7: {  	v17 =	vld [tilespmem:s11+$0x10];
	v11 =	vadd.s32 v5, v9;
	v5 =	vtrunc.f32 v16;
	v4 =	vcvt.f32.s32 v4  }
0x2a8: {  	v9 =	vadd.s32 v6, v19;
	v5 =	vcvt.f32.s32 v5;
	v8 =	vtrunc.f32 v8;
	v14 =	vld.idx.msk [tilespmem:v2+s31+$0x0], $0xffff  }
0x2a9: {  	v18 =	vmul.f32 $1.000000050e-03, v15;
	v4 =	vmul.u32 $0x18, v4;
	v8 =	vcvt.f32.s32 v8  }
0x2aa: {  	v5 =	vmul.u32 $0x18, v5;
	v20 =	vld.idx.msk [tilespmem:v3+s31+$0x0], $0xffff  }
0x2ab: {  	v16 =	vld [tilespmem:s11+$0xFFFFFFF0];
	v15 =	vadd.s32 v7, v4;
	v4 =	vtrunc.f32 v18;
	v8 =	vmul.u32 $0x18, v8  }
0x2ac: {  	v6 =	vld.idx.msk [tilespmem:v2+s26+$0x0], $0xffff;
	v4 =	vcvt.f32.s32 v4  }
0x2ad: {  	v5 =	vadd.s32 v13, v5;
	v13 =	vld.idx.msk [tilespmem:v9+s31+$0x0], $0xffff;
	v8 =	vadd.s32 v10, v8;
	v10 =	vmul.f32 v14, v17  }
0x2ae: {  	v3 =	vshll.u32 v3, $0x2;
	v7 =	vld [tilespmem:s11+$0xFFFFFFE0];
	v4 =	vmul.u32 $0x18, v4  }
0x2af: {  	v14 =	vld [tilespmem:s11+$0x0];
	v18 =	vmul.f32 v20, v10;
	v10 =	vadd.s32 $0x2800, v2  }
0x2b0: {  	v17 =	vld.idx.msk [tilespmem:v15+s31+$0x0], $0xffff;
	v4 =	vadd.s32 v12, v4  }
0x2b1: {  	v12 =	vld.idx.msk [tilespmem:v11+s31+$0x0], $0xffff;
	v6 =	vmul.f32 v18, v6  }
0x2b2: {  	v19 =	vld.idx.msk [tilespmem:v8+s31+$0x0], $0xffff  }
0x2b3: {  	[tilespmem:v3+s5+$0x0] =	vst.idx.add.f32.msk $0xffff, v6  }
0x2b4: {  	v6 =	vld.idx.msk [tilespmem:v10+s26+$0x0], $0xffff  }
0x2b5: {  	v20 =	vld.idx.msk [tilespmem:v4+s31+$0x0], $0xffff  }
0x2b6: {  	v23 =	vor.u32 $0x1, v3;
	v21 =	vld.idx.msk [tilespmem:v5+s31+$0x0], $0xffff  }
0x2b7: {  	v22 =	vld.idx.msk [tilespmem:v15+s26+$0x0], $0xffff;
	v13 =	vmul.f32 v13, v14  }
0x2b8: {  	v25 =	vadd.s32 $0x5000, v2;
	v24 =	vld.idx.msk [tilespmem:v11+s26+$0x0], $0xffff;
	v17 =	vmul.f32 v17, v7;
	v12 =	vmul.f32 v12, v16  }
0x2b9: {  	s0 =	simm.s32 $0x1060;
	v14 =	vld.idx.msk [tilespmem:v9+s26+$0x0], $0xffff;
	v10 =	vshll.u32 v8, $0x2;
	v7 =	vshll.u32 v4, $0x2;
	v4 =	vmul.f32 v6, v18  }
0x2ba: {  	v8 =	vshll.u32 v5, $0x2;
	v16 =	vmul.f32 v19, v17;
	v5 =	vmul.f32 v20, v12;
	v20 =	vld [tilespmem:s0+$0x10]  }
0x2bb: {  	s12 =	simm.s32 $0x60;
	[tilespmem:v23+s5+$0x0] =	vst.idx.add.f32.msk $0xffff, v4  }
0x2bc: {  	v6 =	vmul.f32 v21, v13;
	v4 =	vmul.f32 v16, v22;
	v22 =	vld [tilespmem:s12+$0x0]  }
0x2bd: {  	v12 =	vadd.s32 $0x2800, v15;
	v17 =	vmul.f32 v5, v24;
	v13 =	vld.idx.msk [tilespmem:v25+s26+$0x0], $0xffff  }
0x2be: {  	v19 =	vadd.s32 $0x2800, v11;
	[tilespmem:v10+s5+$0x0] =	vst.idx.add.f32.msk $0xffff, v4;
	v4 =	vmul.f32 v6, v14  }
0x2bf: {  	v14 =	vadd.s32 $0x2800, v9;
	[tilespmem:v7+s5+$0x0] =	vst.idx.add.f32.msk $0xffff, v17  }
0x2c0: {  	[tilespmem:v8+s5+$0x0] =	vst.idx.add.f32.msk $0xffff, v4;
	v4 =	vor.u32 $0x2, v3  }
0x2c1: {  	v2 =	vadd.s32 $0x7800, v2;
	v17 =	vld [tilespmem:s12+$0x10]  }
0x2c2: {  	v12 =	vld.idx.msk [tilespmem:v12+s26+$0x0], $0xffff  }
0x2c3: {  	v19 =	vld.idx.msk [tilespmem:v19+s26+$0x0], $0xffff;
	v13 =	vmul.f32 v13, v18  }
0x2c4: {  	v24 =	vcvt.s32.f32 v20;
	v14 =	vld.idx.msk [tilespmem:v14+s26+$0x0], $0xffff  }
0x2c5: {  	[tilespmem:v4+s5+$0x0] =	vst.idx.add.f32.msk $0xffff, v13  }
0x2c6: {  	v24 =	vmul.f32 $1.000000050e-03, v24;
	v2 =	vld.idx.msk [tilespmem:v2+s26+$0x0], $0xffff  }
0x2c7: {  	v28 =	vld [tilespmem:s0+$0xFFFFFFF0];
	v4 =	vcvt.s32.f32 v17;
	v13 =	vor.u32 $0x1, v10  }
0x2c8: {  	v21 =	vld [tilespmem:s12+$0xFFFFFFF0];
	v3 =	vor.u32 $0x3, v3;
	v31 =	vcvt.s32.f32 v22;
	v24 =	vtrunc.f32 v24  }
0x2c9: {  	v29 =	vor.u32 $0x1, v8;
	v23 =	vld [tilespmem:s12+$0xFFFFFFE0];
	v12 =	vmul.f32 v12, v16;
	v4 =	vmul.f32 $1.000000050e-03, v4  }
0x2ca: {  	v26 =	vld [tilespmem:s0+$0xFFFFFFE0];
	v62 =	vadd.s32 $0x5000, v11;
	v19 =	vmul.f32 v19, v5;
	v14 =	vmul.f32 v14, v6  }
0x2cb: {  	v30 =	vld [tilespmem:s0+$0x0];
	v25 =	vor.u32 $0x1, v7;
	v4 =	vtrunc.f32 v4;
	v2 =	vmul.f32 v2, v18  }
0x2cc: {  	v27 =	vadd.s32 $0x5000, v15;
	v4 =	vcvt.f32.s32 v4;
	[tilespmem:v13+s5+$0x0] =	vst.idx.add.f32.msk $0xffff, v12;
	v12 =	vmul.f32 $1.000000050e-03, v31  }
0x2cd: {  	v13 =	vadd.s32 $0x5000, v9;
	v18 =	vcvt.s32.f32 v21;
	[tilespmem:v3+s5+$0x0] =	vst.idx.add.f32.msk $0xffff, v2;
	v3 =	vcvt.f32.s32 v24  }
0x2ce: {  	s9 =	simm.s32 $0x10A0;
	[tilespmem:v29+s5+$0x0] =	vst.idx.add.f32.msk $0xffff, v14;
	v14 =	vcvt.s32.f32 v28;
	v4 =	vmul.u32 $0x18, v4;
	v2 =	vcvt.s32.f32 v23  }
0x2cf: {  	v51 =	vld [tilespmem:s9+$0xFFFFFFE0];
	v12 =	vtrunc.f32 v12;
	v18 =	vmul.f32 $1.000000050e-03, v18;
	v3 =	vmul.u32 $0x18, v3  }
0x2d0: {  	[tilespmem:v25+s5+$0x0] =	vst.idx.add.f32.msk $0xffff, v19;
	v24 =	vadd.s32 v17, v4;
	v4 =	vcvt.s32.f32 v26;
	v2 =	vmul.f32 $1.000000050e-03, v2  }
0x2d1: {  	s11 =	simm.s32 $0x2060;
	v19 =	vld.idx.msk [tilespmem:v27+s26+$0x0], $0xffff;
	v12 =	vcvt.f32.s32 v12;
	v17 =	vcvt.s32.f32 v30;
	v3 =	vadd.s32 v20, v3  }
0x2d2: {  	v27 =	vld [tilespmem:s11+$0x10];
	v4 =	vmul.f32 $1.000000050e-03, v4;
	v2 =	vtrunc.f32 v2  }
0x2d3: {  	v44 =	vor.u32 $0x2, v7;
	v18 =	vtrunc.f32 v18;
	v29 =	vld.idx.msk [tilespmem:v13+s26+$0x0], $0xffff;
	v2 =	vcvt.f32.s32 v2  }
0x2d4: {  	v12 =	vmul.u32 $0x18, v12;
	v18 =	vcvt.f32.s32 v18;
	v20 =	vld.idx.msk [tilespmem:v62+s26+$0x0], $0xffff;
	v4 =	vtrunc.f32 v4  }
0x2d5: {  	v17 =	vmul.f32 $1.000000050e-03, v17;
	v25 =	vld.idx.msk [tilespmem:v24+s31+$0x0], $0xffff;
	v4 =	vcvt.f32.s32 v4;
	v2 =	vmul.u32 $0x18, v2  }
0x2d6: {  	v14 =	vmul.f32 $1.000000050e-03, v14;
	v12 =	vadd.s32 v22, v12;
	v18 =	vmul.u32 $0x18, v18;
	v31 =	vld.idx.msk [tilespmem:v3+s31+$0x0], $0xffff  }
0x2d7: {  	v17 =	vtrunc.f32 v17;
	v4 =	vmul.u32 $0x18, v4;
	v13 =	vadd.s32 v23, v2;
	v23 =	vld [tilespmem:s11+$0xFFFFFFE0]  }
0x2d8: {  	v17 =	vcvt.f32.s32 v17;
	v2 =	vtrunc.f32 v14;
	v14 =	vadd.s32 v21, v18;
	v18 =	vld.idx.msk [tilespmem:v24+s26+$0x0], $0xffff  }
0x2d9: {  	v21 =	vld [tilespmem:s11+$0xFFFFFFF0];
	v20 =	vmul.f32 v20, v5;
	v2 =	vcvt.f32.s32 v2;
	v4 =	vadd.s32 v26, v4  }
0x2da: {  	v26 =	vshll.u32 v3, $0x2;
	v3 =	vmul.u32 $0x18, v17;
	v22 =	vmul.f32 v25, v27;
	v25 =	vld [tilespmem:s11+$0x0]  }
0x2db: {  	[tilespmem:v44+s5+$0x0] =	vst.idx.add.f32.msk $0xffff, v20  }
0x2dc: {  	v2 =	vmul.u32 $0x18, v2;
	v3 =	vadd.s32 v30, v3;
	v30 =	vld.idx.msk [tilespmem:v12+s31+$0x0], $0xffff  }
0x2dd: {  	v27 =	vadd.s32 $0x2800, v24;
	v17 =	vld.idx.msk [tilespmem:v13+s31+$0x0], $0xffff;
	v22 =	vmul.f32 v31, v22  }
0x2de: {  	v2 =	vadd.s32 v28, v2;
	v28 =	vld.idx.msk [tilespmem:v14+s31+$0x0], $0xffff  }
0x2df: {  	v46 =	vld.idx.msk [tilespmem:v13+s26+$0x0], $0xffff;
	v18 =	vmul.f32 v22, v18  }
0x2e0: {  	v31 =	vld.idx.msk [tilespmem:v4+s31+$0x0], $0xffff  }
0x2e1: {  	[tilespmem:v26+s5+$0x0] =	vst.idx.add.f32.msk $0xffff, v18  }
0x2e2: {  	v39 =	vor.u32 $0x2, v8;
	v18 =	vld.idx.msk [tilespmem:v27+s26+$0x0], $0xffff  }
0x2e3: {  	v27 =	vor.u32 $0x2, v10;
	v63 =	vld.idx.msk [tilespmem:v2+s31+$0x0], $0xffff  }
0x2e4: {  	v47 =	vor.u32 $0x1, v26;
	v48 =	vld.idx.msk [tilespmem:v14+s26+$0x0], $0xffff  }
0x2e5: {  	v49 =	vadd.s32 $0x5000, v24;
	v20 =	vmul.f32 v29, v6;
	v45 =	vld.idx.msk [tilespmem:v3+s31+$0x0], $0xffff;
	v23 =	vmul.f32 v17, v23  }
0x2e6: {  	v19 =	vmul.f32 v19, v16;
	v40 =	vld.idx.msk [tilespmem:v12+s26+$0x0], $0xffff;
	v17 =	vshll.u32 v4, $0x2;
	v21 =	vmul.f32 v28, v21  }
0x2e7: {  	[tilespmem:v39+s5+$0x0] =	vst.idx.add.f32.msk $0xffff, v20;
	v4 =	vmul.f32 v31, v23;
	v28 =	vmul.f32 v18, v22;
	v18 =	vshll.u32 v2, $0x2  }
0x2e8: {  	v15 =	vadd.s32 $0x7800, v15;
	v25 =	vmul.f32 v30, v25;
	[tilespmem:v27+s5+$0x0] =	vst.idx.add.f32.msk $0xffff, v19;
	v2 =	vmul.f32 v63, v21  }
0x2e9: {  	v23 =	vmul.f32 v4, v46;
	v19 =	vshll.u32 v3, $0x2;
	[tilespmem:v47+s5+$0x0] =	vst.idx.add.f32.msk $0xffff, v28  }
0x2ea: {  	v21 =	vadd.s32 $0x2800, v13;
	v3 =	vmul.f32 v45, v25;
	v28 =	vmul.f32 v2, v48;
	v25 =	vld.idx.msk [tilespmem:v49+s26+$0x0], $0xffff  }
0x2eb: {  	v27 =	vadd.s32 $0x2800, v14;
	[tilespmem:v17+s5+$0x0] =	vst.idx.add.f32.msk $0xffff, v23  }
0x2ec: {  	v23 =	vmul.f32 v3, v40;
	[tilespmem:v18+s5+$0x0] =	vst.idx.add.f32.msk $0xffff, v28;
	v28 =	vor.u32 $0x2, v26  }
0x2ed: {  	v15 =	vld.idx.msk [tilespmem:v15+s26+$0x0], $0xffff  }
0x2ee: {  	[tilespmem:v19+s5+$0x0] =	vst.idx.add.f32.msk $0xffff, v23  }
0x2ef: {  	v23 =	vadd.s32 $0x7800, v24;
	v21 =	vld.idx.msk [tilespmem:v21+s26+$0x0], $0xffff;
	v25 =	vmul.f32 v25, v22  }
0x2f0: {  	v20 =	vadd.s32 $0x2800, v12;
	v24 =	vld.idx.msk [tilespmem:v27+s26+$0x0], $0xffff  }
0x2f1: {  	s12 =	simm.s32 $0xA0;
	[tilespmem:v28+s5+$0x0] =	vst.idx.add.f32.msk $0xffff, v25  }
0x2f2: {  	v25 =	vld [tilespmem:s12+$0x10]  }
0x2f3: {  	v28 =	vld [tilespmem:s12+$0xFFFFFFF0]  }
0x2f4: {  	v23 =	vld.idx.msk [tilespmem:v23+s26+$0x0], $0xffff  }
0x2f5: {  	v20 =	vld.idx.msk [tilespmem:v20+s26+$0x0], $0xffff  }
0x2f6: {  	v11 =	vadd.s32 $0x7800, v11;
	v26 =	vor.u32 $0x3, v26;
	v27 =	vld [tilespmem:s9+$0x10]  }
0x2f7: {  	v53 =	vld [tilespmem:s9+$0xFFFFFFF0];
	v9 =	vadd.s32 $0x7800, v9;
	v15 =	vmul.f32 v15, v16;
	v21 =	vmul.f32 v21, v4  }
0x2f8: {  	v55 =	vld [tilespmem:s9+$0x0];
	v10 =	vor.u32 $0x3, v10;
	v30 =	vcvt.s32.f32 v25;
	v16 =	vcvt.s32.f32 v28  }
0x2f9: {  	v29 =	vld [tilespmem:s12+$0x0];
	v31 =	vor.u32 $0x1, v17;
	v24 =	vmul.f32 v24, v2;
	v22 =	vmul.f32 v23, v22  }
0x2fa: {  	v50 =	vld [tilespmem:s12+$0xFFFFFFE0];
	v23 =	vor.u32 $0x1, v18;
	v30 =	vmul.f32 $1.000000050e-03, v30;
	v16 =	vmul.f32 $1.000000050e-03, v16  }
0x2fb: {  	v52 =	vor.u32 $0x1, v19;
	v20 =	vmul.f32 v20, v3;
	[tilespmem:v26+s5+$0x0] =	vst.idx.add.f32.msk $0xffff, v22;
	v22 =	vcvt.s32.f32 v27  }
0x2fc: {  	v56 =	vadd.s32 $0x5000, v12;
	v57 =	vld.idx.msk [tilespmem:v11+s26+$0x0], $0xffff;
	v30 =	vtrunc.f32 v30;
	v16 =	vtrunc.f32 v16  }
0x2fd: {  	[tilespmem:v10+s5+$0x0] =	vst.idx.add.f32.msk $0xffff, v15;
	v26 =	vadd.s32 $0x5000, v13;
	v22 =	vmul.f32 $1.000000050e-03, v22;
	v30 =	vcvt.f32.s32 v30  }
0x2fe: {  	v54 =	vadd.s32 $0x5000, v14;
	[tilespmem:v31+s5+$0x0] =	vst.idx.add.f32.msk $0xffff, v21;
	v21 =	vcvt.s32.f32 v29;
	v16 =	vcvt.f32.s32 v16  }
0x2ff: {  	[tilespmem:v23+s5+$0x0] =	vst.idx.add.f32.msk $0xffff, v24;
	v24 =	vcvt.s32.f32 v50;
	v22 =	vtrunc.f32 v22;
	v23 =	vmul.u32 $0x18, v30  }
0x300: {  	v31 =	vcvt.s32.f32 v55;
	[tilespmem:v52+s5+$0x0] =	vst.idx.add.f32.msk $0xffff, v20;
	v20 =	vcvt.f32.s32 v22  }
0x301: {  	v34 =	vld.idx.msk [tilespmem:v56+s26+$0x0], $0xffff;
	v15 =	vmul.u32 $0x18, v16;
	v24 =	vmul.f32 $1.000000050e-03, v24;
	v23 =	vadd.s32 v25, v23  }
0x302: {  	v21 =	vmul.f32 $1.000000050e-03, v21;
	v22 =	vld.idx.msk [tilespmem:v26+s26+$0x0], $0xffff;
	v25 =	vcvt.s32.f32 v51;
	v20 =	vmul.u32 $0x18, v20  }
0x303: {  	v30 =	vcvt.s32.f32 v53;
	v26 =	vld.idx.msk [tilespmem:v54+s26+$0x0], $0xffff;
	v28 =	vadd.s32 v28, v15;
	v24 =	vtrunc.f32 v24  }
0x304: {  	s10 =	simm.s32 $0x20A0;
	v11 =	vadd.s32 v27, v20;
	v20 =	vmul.f32 $1.000000050e-03, v25;
	v25 =	vld.idx.msk [tilespmem:v9+s26+$0x0], $0xffff;
	v9 =	vcvt.f32.s32 v24  }
0x305: {  	v21 =	vtrunc.f32 v21;
	v16 =	vmul.f32 $1.000000050e-03, v31;
	v27 =	vld [tilespmem:s10+$0x10]  }
0x306: {  	v21 =	vcvt.f32.s32 v21;
	v30 =	vmul.f32 $1.000000050e-03, v30;
	v24 =	vld.idx.msk [tilespmem:v23+s31+$0x0], $0xffff;
	v9 =	vmul.u32 $0x18, v9  }
0x307: {  	v15 =	vtrunc.f32 v16;
	v20 =	vtrunc.f32 v20;
	v16 =	vld.idx.msk [tilespmem:v23+s26+$0x0], $0xffff  }
0x308: {  	v43 =	vld.idx.msk [tilespmem:v28+s26+$0x0], $0xffff;
	v10 =	vcvt.f32.s32 v20;
	v58 =	vadd.s32 v50, v9  }
0x309: {  	v15 =	vcvt.f32.s32 v15;
	v20 =	vmul.u32 $0x18, v21;
	v9 =	vtrunc.f32 v30;
	v30 =	vld [tilespmem:s10+$0xFFFFFFE0]  }
0x30a: {  	v31 =	vld.idx.msk [tilespmem:v11+s31+$0x0], $0xffff;
	v10 =	vmul.u32 $0x18, v10  }
0x30b: {  	v21 =	vshll.u32 v11, $0x2;
	v59 =	vadd.s32 v29, v20;
	v29 =	vld [tilespmem:s10+$0xFFFFFFF0];
	v11 =	vmul.u32 $0x18, v15  }
0x30c: {  	v9 =	vcvt.f32.s32 v9;
	v10 =	vadd.s32 v51, v10;
	v20 =	vmul.f32 v24, v27;
	v24 =	vld [tilespmem:s10+$0x0]  }
0x30d: {  	v11 =	vadd.s32 v55, v11;
	v15 =	vld.idx.msk [tilespmem:v58+s31+$0x0], $0xffff  }
0x30e: {  	v9 =	vmul.u32 $0x18, v9;
	v41 =	vld.idx.msk [tilespmem:v58+s26+$0x0], $0xffff  }
0x30f: {  	v27 =	vadd.s32 $0x2800, v23;
	v20 =	vmul.f32 v31, v20;
	v31 =	vld.idx.msk [tilespmem:v28+s31+$0x0], $0xffff  }
0x310: {  	v9 =	vadd.s32 v53, v9;
	v60 =	vld.idx.msk [tilespmem:v59+s31+$0x0], $0xffff  }
0x311: {  	v16 =	vmul.f32 v20, v16;
	v33 =	vld.idx.msk [tilespmem:v10+s31+$0x0], $0xffff  }
0x312: {  	v61 =	vor.u32 $0x2, v18;
	v37 =	vld.idx.msk [tilespmem:v11+s31+$0x0], $0xffff  }
0x313: {  	v45 =	vor.u32 $0x2, v19;
	[tilespmem:v21+s5+$0x0] =	vst.idx.add.f32.msk $0xffff, v16  }
0x314: {  	v44 =	vadd.s32 $0x5000, v23;
	v15 =	vmul.f32 v15, v30;
	v16 =	vld.idx.msk [tilespmem:v27+s26+$0x0], $0xffff;
	v27 =	vor.u32 $0x2, v17  }
0x315: {  	v26 =	vmul.f32 v26, v2;
	v42 =	vor.u32 $0x1, v21;
	v46 =	vshll.u32 v10, $0x2;
	v35 =	vld.idx.msk [tilespmem:v9+s31+$0x0], $0xffff  }
0x316: {  	v48 =	vshll.u32 v11, $0x2;
	v11 =	vmul.f32 v34, v3;
	v30 =	vld.idx.msk [tilespmem:v59+s26+$0x0], $0xffff;
	v33 =	vmul.f32 v33, v15  }
0x317: {  	v22 =	vmul.f32 v22, v4;
	[tilespmem:v61+s5+$0x0] =	vst.idx.add.f32.msk $0xffff, v26;
	v47 =	vshll.u32 v9, $0x2;
	v9 =	vmul.f32 v60, v24  }
0x318: {  	[tilespmem:v45+s5+$0x0] =	vst.idx.add.f32.msk $0xffff, v11;
	v10 =	vmul.f32 v31, v29;
	v15 =	vmul.f32 v33, v41  }
0x319: {  	v62 =	vadd.s32 $0x7800, v13;
	v9 =	vmul.f32 v37, v9;
	v16 =	vmul.f32 v16, v20;
	[tilespmem:v27+s5+$0x0] =	vst.idx.add.f32.msk $0xffff, v22  }
0x31a: {  	v7 =	vor.u32 $0x3, v7;
	v8 =	vor.u32 $0x3, v8;
	v13 =	vadd.s32 $0x7800, v14;
	[tilespmem:v46+s5+$0x0] =	vst.idx.add.f32.msk $0xffff, v15  }
0x31b: {  	v10 =	vmul.f32 v35, v10;
	v29 =	vmul.f32 v9, v30;
	[tilespmem:v42+s5+$0x0] =	vst.idx.add.f32.msk $0xffff, v16;
	v16 =	vadd.s32 $0x2800, v58  }
0x31c: {  	v14 =	vor.u32 $0x3, v17;
	v63 =	vadd.s32 $0x7800, v23;
	v24 =	vadd.s32 $0x2800, v28;
	v22 =	vld.idx.msk [tilespmem:v44+s26+$0x0], $0xffff  }
0x31d: {  	v6 =	vmul.f32 v25, v6;
	v27 =	vadd.s32 $0x2800, v59;
	v26 =	vmul.f32 v10, v43;
	[tilespmem:v48+s5+$0x0] =	vst.idx.add.f32.msk $0xffff, v29  }
0x31e: {  	v23 =	vadd.s32 $0x5000, v28;
	v32 =	vor.u32 $0x1, v48;
	v31 =	vor.u32 $0x2, v21;
	v37 =	vld.idx.msk [tilespmem:v62+s26+$0x0], $0xffff  }
0x31f: {  	v25 =	vor.u32 $0x3, v47;
	v11 =	vor.u32 $0x3, v19;
	v19 =	vadd.s32 $0x7800, v58;
	[tilespmem:v47+s5+$0x0] =	vst.idx.add.f32.msk $0xffff, v26  }
0x320: {  	v17 =	vor.u32 $0x2, v46;
	v28 =	vadd.s32 $0x7800, v28;
	v30 =	vor.u32 $0x1, v46;
	v34 =	vld.idx.msk [tilespmem:v16+s26+$0x0], $0xffff  }
0x321: {  	v15 =	vadd.s32 $0x7800, v12;
	v12 =	vor.u32 $0x3, v18;
	v35 =	vld.idx.msk [tilespmem:v24+s26+$0x0], $0xffff;
	v22 =	vmul.f32 v22, v20  }
0x322: {  	v29 =	vor.u32 $0x1, v47;
	v18 =	vor.u32 $0x2, v48;
	v26 =	vadd.s32 $0x5000, v58;
	v36 =	vld.idx.msk [tilespmem:v27+s26+$0x0], $0xffff  }
0x323: {  	v24 =	vadd.s32 $0x5000, v59;
	v27 =	vadd.s32 $0x7800, v59;
	v16 =	vor.u32 $0x2, v47;
	[tilespmem:v31+s5+$0x0] =	vst.idx.add.f32.msk $0xffff, v22  }
0x324: {  	s11 =	simm.s32 $0x8;
	s12 =	simm.s32 $0xE0;
	v22 =	vmul.f32 v57, v5;
	v31 =	vor.u32 $0x3, v46;
	v5 =	vor.u32 $0x3, v48;
	v38 =	vld.idx.msk [tilespmem:v63+s26+$0x0], $0xffff  }
.LBB2_8:
0x325: {  	v39 =	vld [tilespmem:s12+$0x10];
	s11 =	sadd.s32 $0x4, s11;
	v34 =	vmul.f32 v34, v33  }
0x326: {  	v35 =	vmul.f32 v35, v10;
	v21 =	vor.u32 $0x3, v21;
	s9 =	sadd.s32 $0x40, s9;
	v40 =	vld [tilespmem:s12+$0xFFFFFFF0];
	p1 =	slt.u32 s11, $0x78  }
0x327: {  	v36 =	vmul.f32 v36, v9;
	v41 =	vld [tilespmem:s9+$0x10]  }
0x328: {  	v42 =	vld [tilespmem:s12+$0x0]  }
0x329: {  	v20 =	vmul.f32 v38, v20;
	v43 =	vld [tilespmem:s12+$0xFFFFFFE0]  }
0x32a: {  	v37 =	vmul.f32 v37, v4;
	v4 =	vmov v33;
	v38 =	vld [tilespmem:s9+$0xFFFFFFE0];
	v44 =	vcvt.s32.f32 v39  }
0x32b: {  	v33 =	vcvt.s32.f32 v40;
	[tilespmem:v21+s5+$0x0] =	vst.idx.add.f32.msk $0xffff, v20  }
0x32c: {  	v20 =	vld [tilespmem:s9+$0xFFFFFFF0];
	v21 =	vmul.f32 $1.000000050e-03, v44;
	v44 =	vcvt.s32.f32 v41  }
0x32d: {  	v33 =	vmul.f32 $1.000000050e-03, v33;
	v45 =	vcvt.s32.f32 v42;
	v46 =	vld [tilespmem:s9+$0x0]  }
0x32e: {  	v21 =	vtrunc.f32 v21;
	v44 =	vmul.f32 $1.000000050e-03, v44;
	[tilespmem:v30+s5+$0x0] =	vst.idx.add.f32.msk $0xffff, v34  }
0x32f: {  	v30 =	vcvt.s32.f32 v43;
	v21 =	vcvt.f32.s32 v21;
	[tilespmem:v29+s5+$0x0] =	vst.idx.add.f32.msk $0xffff, v35  }
0x330: {  	v29 =	vmul.f32 $1.000000050e-03, v45;
	v34 =	vtrunc.f32 v44;
	[tilespmem:v32+s5+$0x0] =	vst.idx.add.f32.msk $0xffff, v36  }
0x331: {  	v30 =	vmul.f32 $1.000000050e-03, v30;
	v21 =	vmul.u32 $0x18, v21;
	v32 =	vcvt.f32.s32 v34;
	v35 =	vld.idx.msk [tilespmem:v26+s26+$0x0], $0xffff  }
0x332: {  	v26 =	vcvt.s32.f32 v38;
	v36 =	vcvt.s32.f32 v20;
	v44 =	vld.idx.msk [tilespmem:v23+s26+$0x0], $0xffff  }
0x333: {  	v23 =	vcvt.s32.f32 v46;
	v34 =	vadd.s32 v39, v21;
	v21 =	vmul.u32 $0x18, v32;
	v39 =	vld.idx.msk [tilespmem:v24+s26+$0x0], $0xffff  }
0x334: {  	v24 =	vtrunc.f32 v30;
	v30 =	vtrunc.f32 v33;
	v33 =	vld.idx.msk [tilespmem:v13+s26+$0x0], $0xffff;
	v13 =	vmov v28  }
0x335: {  	v26 =	vmul.f32 $1.000000050e-03, v26;
	v28 =	vtrunc.f32 v29;
	v21 =	vadd.s32 v41, v21;
	v41 =	vld.idx.msk [tilespmem:v15+s26+$0x0], $0xffff;
	v15 =	vmovc v27  }
0x336: {  	v23 =	vmul.f32 $1.000000050e-03, v23;
	v27 =	vmul.f32 $1.000000050e-03, v36;
	[tilespmem:v14+s5+$0x0] =	vst.idx.add.f32.msk $0xffff, v37;
	v14 =	vmov v31  }
0x337: {  	v24 =	vcvt.f32.s32 v24;
	v29 =	vcvt.f32.s32 v30;
	[tilespmem:v7+s5+$0x0] =	vst.idx.add.f32.msk $0xffff, v22;
	v7 =	vmovc v12;
	v12 =	vmov v25  }
0x338: {  	s10 =	sadd.s32 $0x40, s10;
	v22 =	vtrunc.f32 v26;
	v25 =	vcvt.f32.s32 v28;
	v26 =	vld.idx.msk [tilespmem:v34+s31+$0x0], $0xffff  }
0x339: {  	v24 =	vmul.u32 $0x18, v24;
	v23 =	vtrunc.f32 v23;
	v27 =	vtrunc.f32 v27;
	v28 =	vld [tilespmem:s10+$0x10]  }
0x33a: {  	v29 =	vmul.u32 $0x18, v29;
	v22 =	vcvt.f32.s32 v22;
	v25 =	vmul.u32 $0x18, v25;
	v30 =	vld.idx.msk [tilespmem:v21+s31+$0x0], $0xffff  }
0x33b: {  	v23 =	vcvt.f32.s32 v23;
	v31 =	vadd.s32 v43, v24;
	v24 =	vcvt.f32.s32 v27;
	v36 =	vld [tilespmem:s10+$0xFFFFFFE0]  }
0x33c: {  	v37 =	vadd.s32 v40, v29;
	v22 =	vmul.u32 $0x18, v22;
	v40 =	vadd.s32 v42, v25;
	v25 =	vld.idx.msk [tilespmem:v34+s26+$0x0], $0xffff  }
0x33d: {  	v23 =	vmul.u32 $0x18, v23;
	v24 =	vmul.u32 $0x18, v24;
	v42 =	vadd.s32 $0x2800, v31;
	v27 =	vld [tilespmem:s10+$0xFFFFFFF0]  }
0x33e: {  	v22 =	vadd.s32 v38, v22;
	v38 =	vadd.s32 $0x2800, v37;
	v43 =	vld [tilespmem:s10+$0x0];
	v26 =	vmul.f32 v26, v28  }
0x33f: {  	v21 =	vshll.u32 v21, $0x2;
	v45 =	vadd.s32 v46, v23;
	v28 =	vadd.s32 v20, v24;
	[tilespmem:v8+s5+$0x0] =	vst.idx.add.f32.msk $0xffff, v6  }
0x340: {  	v47 =	vadd.s32 $0x2800, v34;
	v46 =	vshll.u32 v22, $0x2;
	v8 =	vmovc v11;
	v11 =	vmovc v5;
	v6 =	vld.idx.msk [tilespmem:v31+s31+$0x0], $0xffff;
	v20 =	vmul.f32 v30, v26  }
0x341: {  	v49 =	vshll.u32 v45, $0x2;
	v50 =	vadd.s32 $0x2800, v40;
	v48 =	vshll.u32 v28, $0x2;
	v5 =	vld.idx.msk [tilespmem:v37+s31+$0x0], $0xffff  }
0x342: {  	v30 =	vor.u32 $0x1, v46;
	v29 =	vor.u32 $0x1, v48;
	v51 =	vld.idx.msk [tilespmem:v40+s31+$0x0], $0xffff;
	v25 =	vmul.f32 v20, v25  }
0x343: {  	v23 =	vadd.s32 $0x5000, v37;
	v32 =	vor.u32 $0x1, v49;
	v26 =	vadd.s32 $0x5000, v31;
	v52 =	vld.idx.msk [tilespmem:v22+s31+$0x0], $0xffff  }
0x344: {  	v35 =	vmul.f32 v35, v4;
	v44 =	vmul.f32 v44, v10;
	v24 =	vadd.s32 $0x5000, v40;
	[tilespmem:v21+s5+$0x0] =	vst.idx.add.f32.msk $0xffff, v25  }
0x345: {  	v39 =	vmul.f32 v39, v9;
	v53 =	vor.u32 $0x2, v46;
	v54 =	vor.u32 $0x2, v48;
	v47 =	vld.idx.msk [tilespmem:v47+s26+$0x0], $0xffff  }
0x346: {  	v55 =	vadd.s32 $0x7800, v31;
	v56 =	vor.u32 $0x2, v49;
	v6 =	vmul.f32 v6, v36;
	v36 =	vld.idx.msk [tilespmem:v28+s31+$0x0], $0xffff  }
0x347: {  	v57 =	vmul.f32 v5, v27;
	v28 =	vadd.s32 $0x7800, v37;
	v27 =	vadd.s32 $0x7800, v40;
	v45 =	vld.idx.msk [tilespmem:v45+s31+$0x0], $0xffff  }
0x348: {  	v22 =	vmul.f32 v33, v2;
	v2 =	vmovc v10;
	v43 =	vmul.f32 v51, v43;
	v51 =	vor.u32 $0x1, v21;
	v58 =	vld.idx.msk [tilespmem:v31+s26+$0x0], $0xffff  }
0x349: {  	v33 =	vmul.f32 v52, v6;
	v52 =	vadd.s32 $0x5000, v34;
	v6 =	vmul.f32 v41, v3;
	v3 =	vmovc v9;
	v37 =	vld.idx.msk [tilespmem:v37+s26+$0x0], $0xffff  }
0x34a: {  	v25 =	vor.u32 $0x3, v48;
	v5 =	vor.u32 $0x3, v49;
	v31 =	vor.u32 $0x3, v46;
	v40 =	vld.idx.msk [tilespmem:v40+s26+$0x0], $0xffff  }
0x34b: {  	v41 =	vmul.f32 v47, v20;
	[tilespmem:v17+s5+$0x0] =	vst.idx.add.f32.msk $0xffff, v35;
	v17 =	vmov v53  }
0x34c: {  	v10 =	vmul.f32 v36, v57;
	[tilespmem:v16+s5+$0x0] =	vst.idx.add.f32.msk $0xffff, v44;
	v16 =	vmov v54  }
0x34d: {  	v9 =	vmul.f32 v45, v43;
	[tilespmem:v51+s5+$0x0] =	vst.idx.add.f32.msk $0xffff, v41  }
0x34e: {  	v35 =	vmul.f32 v33, v58;
	v36 =	vld.idx.msk [tilespmem:v52+s26+$0x0], $0xffff  }
0x34f: {  	v37 =	vmul.f32 v10, v37;
	[tilespmem:v18+s5+$0x0] =	vst.idx.add.f32.msk $0xffff, v39;
	v18 =	vmov v56  }
0x350: {  	[tilespmem:v46+s5+$0x0] =	vst.idx.add.f32.msk $0xffff, v35;
	v35 =	vmul.f32 v9, v40  }
0x351: {  	[tilespmem:v48+s5+$0x0] =	vst.idx.add.f32.msk $0xffff, v37;
	v37 =	vor.u32 $0x2, v21  }
0x352: {  	v39 =	vadd.s32 $0x7800, v34;
	[tilespmem:v49+s5+$0x0] =	vst.idx.add.f32.msk $0xffff, v35  }
0x353: {  	v34 =	vld.idx.msk [tilespmem:v42+s26+$0x0], $0xffff  }
.Ltmp5:
0x354: {  	v35 =	vld.idx.msk [tilespmem:v38+s26+$0x0], $0xffff;
	v38 =	vmul.f32 v36, v20;
	(pc) =	sbr.rel @p1 .LBB2_8-.Ltmp5, $4  }
0x355: {  	v36 =	vld.idx.msk [tilespmem:v50+s26+$0x0], $0xffff  }
0x356: {  	[tilespmem:v37+s5+$0x0] =	vst.idx.add.f32.msk $0xffff, v38  }
0x357: {  	v38 =	vld.idx.msk [tilespmem:v39+s26+$0x0], $0xffff  }
0x358: {  	s12 =	sadd.s32 $0x40, s12;
	v37 =	vld.idx.msk [tilespmem:v19+s26+$0x0], $0xffff;
	v19 =	vmov v55  }
0x359: {  	_ = 	snop  }
0x35a: {  	v21 =	vor.u32 $0x3, v21  }
0x35b: {  	v34 =	vmul.f32 v34, v33  }
0x35c: {  	v35 =	vmul.f32 v35, v10  }
0x35d: {  	[tilespmem:v30+s5+$0x0] =	vst.idx.add.f32.msk $0xffff, v34;
	v20 =	vmul.f32 v38, v20  }
0x35e: {  	[tilespmem:v29+s5+$0x0] =	vst.idx.add.f32.msk $0xffff, v35  }
0x35f: {  	[tilespmem:v21+s5+$0x0] =	vst.idx.add.f32.msk $0xffff, v20;
	v20 =	vmul.f32 v36, v9  }
0x360: {  	v21 =	vld.idx.msk [tilespmem:v26+s26+$0x0], $0xffff  }
0x361: {  	[tilespmem:v32+s5+$0x0] =	vst.idx.add.f32.msk $0xffff, v20  }
0x362: {  	v20 =	vld.idx.msk [tilespmem:v23+s26+$0x0], $0xffff  }
0x363: {  	v23 =	vld.idx.msk [tilespmem:v24+s26+$0x0], $0xffff  }
0x364: {  	v13 =	vld.idx.msk [tilespmem:v13+s26+$0x0], $0xffff;
	v4 =	vmul.f32 v37, v4  }
0x365: {  	v15 =	vld.idx.msk [tilespmem:v15+s26+$0x0], $0xffff;
	v21 =	vmul.f32 v21, v33  }
0x366: {  	[tilespmem:v14+s5+$0x0] =	vst.idx.add.f32.msk $0xffff, v4  }
0x367: {  	v4 =	vmul.f32 v20, v10;
	[tilespmem:v17+s5+$0x0] =	vst.idx.add.f32.msk $0xffff, v21  }
0x368: {  	v14 =	vmul.f32 v23, v9;
	v17 =	vld.idx.msk [tilespmem:v19+s26+$0x0], $0xffff  }
0x369: {  	[tilespmem:v16+s5+$0x0] =	vst.idx.add.f32.msk $0xffff, v4  }
0x36a: {  	[tilespmem:v18+s5+$0x0] =	vst.idx.add.f32.msk $0xffff, v14  }
0x36b: {  	v4 =	vld.idx.msk [tilespmem:v28+s26+$0x0], $0xffff  }
0x36c: {  	v14 =	vld.idx.msk [tilespmem:v27+s26+$0x0], $0xffff  }
0x36d: {  	[tilespmem:v7+s5+$0x0] =	vst.idx.add.f32.msk $0xffff, v22;
	v2 =	vmul.f32 v13, v2  }
0x36e: {  	[tilespmem:v8+s5+$0x0] =	vst.idx.add.f32.msk $0xffff, v6;
	v3 =	vmul.f32 v15, v3  }
0x36f: {  	[tilespmem:v12+s5+$0x0] =	vst.idx.add.f32.msk $0xffff, v2;
	v7 =	vmul.f32 v17, v33  }
0x370: {  	[tilespmem:v11+s5+$0x0] =	vst.idx.add.f32.msk $0xffff, v3;
	v2 =	vmul.f32 v4, v10  }
0x371: {  	[tilespmem:v31+s5+$0x0] =	vst.idx.add.f32.msk $0xffff, v7;
	v3 =	vmul.f32 v14, v9  }
0x372: {  	[tilespmem:v25+s5+$0x0] =	vst.idx.add.f32.msk $0xffff, v2  }
0x373: {  	[tilespmem:v5+s5+$0x0] =	vst.idx.add.f32.msk $0xffff, v3  }
0x374: {  	v2 =	vld [tilespmem:$0x7C0];
	_ =	sdelay $0x1  }
0x375: {  	v3 =	vld [tilespmem:$0x17C0];
	_ =	sdelay $0x2  }
0x376: {  	v4 =	vcvt.s32.f32 v2;
	_ =	sdelay $0x1  }
0x377: {  	v5 =	vcvt.s32.f32 v3;
	v4 =	vmul.f32 $1.000000050e-03, v4;
	_ =	sdelay $0x1  }
0x378: {  	v5 =	vmul.f32 $1.000000050e-03, v5;
	v4 =	vtrunc.f32 v4  }
0x379: {  	v4 =	vcvt.f32.s32 v4  }
0x37a: {  	v5 =	vtrunc.f32 v5  }
0x37b: {  	v5 =	vcvt.f32.s32 v5;
	v4 =	vmul.u32 $0x18, v4;
	_ =	sdelay $0x1  }
0x37c: {  	v2 =	vadd.s32 v2, v4;
	v4 =	vmul.u32 $0x18, v5;
	_ =	sdelay $0x1  }
0x37d: {  	v3 =	vadd.s32 v3, v4;
	_ =	sdelay $0x1  }
0x37e: {  	v4 =	vld [tilespmem:$0x27C0]  }
0x37f: {  	v5 =	vld.idx.msk [tilespmem:v2+s31+$0x0], $0xffff;
	_ =	sdelay $0x1  }
0x380: {  	v6 =	vld.idx.msk [tilespmem:v3+s31+$0x0], $0xffff;
	_ =	sdelay $0x1  }
0x381: {  	v7 =	vld.idx.msk [tilespmem:v2+s26+$0x0], $0xffff  }
0x382: {  	v4 =	vmul.f32 v5, v4  }
0x383: {  	v3 =	vshll.u32 v3, $0x2  }
0x384: {  	v5 =	vadd.s32 $0x2800, v2;
	v4 =	vmul.f32 v6, v4;
	_ =	sdelay $0x1  }
0x385: {  	v6 =	vmul.f32 v4, v7;
	_ =	sdelay $0x1  }
0x386: {  	[tilespmem:v3+s5+$0x0] =	vst.idx.add.f32.msk $0xffff, v6  }
0x387: {  	v5 =	vld.idx.msk [tilespmem:v5+s26+$0x0], $0xffff;
	_ =	sdelay $0x1  }
0x388: {  	v6 =	vor.u32 $0x1, v3  }
0x389: {  	v7 =	vadd.s32 $0x5000, v2;
	_ =	sdelay $0x1  }
0x38a: {  	v5 =	vmul.f32 v5, v4;
	_ =	sdelay $0x1  }
0x38b: {  	[tilespmem:v6+s5+$0x0] =	vst.idx.add.f32.msk $0xffff, v5  }
0x38c: {  	v5 =	vld.idx.msk [tilespmem:v7+s26+$0x0], $0xffff;
	_ =	sdelay $0x1  }
0x38d: {  	v6 =	vor.u32 $0x2, v3  }
0x38e: {  	v2 =	vadd.s32 $0x7800, v2;
	_ =	sdelay $0x1  }
0x38f: {  	v5 =	vmul.f32 v5, v4;
	_ =	sdelay $0x1  }
0x390: {  	[tilespmem:v6+s5+$0x0] =	vst.idx.add.f32.msk $0xffff, v5  }
0x391: {  	v2 =	vld.idx.msk [tilespmem:v2+s26+$0x0], $0xffff;
	_ =	sdelay $0x1  }
0x392: {  	v3 =	vor.u32 $0x3, v3;
	_ =	sdelay $0x2  }
0x393: {  	v2 =	vmul.f32 v2, v4;
	_ =	sdelay $0x1  }
0x394: {  	s0 =	simm.s32 $0x1;
	[tilespmem:v3+s5+$0x0] =	vst.idx.add.f32.msk $0xffff, v2  }
0x395: {  	_ =	swait.ge [sflag:s0], $0x7D0  }
0x396: {  	[sflag:s0] =	ssyncset.done $0x0  }
0x397: {  	s10 =	simm.s32 $0x2;
	[sflag:s0] =	ssyncadd.s32 $0xFFFFF830  }
0x398: {  	_ =	swait.ge [sflag:s10], $0x7D0  }
0x399: {  	[sflag:s10] =	ssyncset.done $0x0  }
0x39a: {  	s11 =	simm.s32 $0x3;
	[sflag:s10] =	ssyncadd.s32 $0xFFFFF830  }
0x39b: {  	_ =	swait.ge [sflag:s11], $0x7D0  }
0x39c: {  	[sflag:s11] =	ssyncset.done $0x0  }
0x39d: {  	s12 =	rddreg [dreg:$0x7];
	[sflag:s11] =	ssyncadd.s32 $0xFFFFF830  }
0x39e: {  	[tilespmem:s2], [sflag:$0x1] =	stream.linear.gather [hbm4b:s12+s2], $0x7D0, $0x38;
	[tilespmem:$0x19800] =	vst v63  }
0x39f: {  	s9 =	simm.s32 $0x1000  }
0x3a0: {  	[tilespmem:s9], [sflag:$0x2] =	stream.linear.gather [hbm4b:s4+s2], $0x7D0, $0x38;
	[tilespmem:$0x19800] =	vst v63  }
0x3a1: {  	s10 =	simm.s32 $0x2000;
	s9 =	simm.s32 $0x820  }
0x3a2: {  	[tilespmem:s10], [sflag:$0x3] =	stream.linear.gather [hbm4b:s1+s2], $0x7D0, $0x38;
	[tilespmem:$0x19800] =	vst v63  }
0x3a3: {  	s10 =	simm.s32 $0x1820;
	v2 =	vld [tilespmem:s9+$0x10]  }
0x3a4: {  	v3 =	vld [tilespmem:s10+$0x10]  }
0x3a5: {  	v5 =	vld [tilespmem:s9+$0xFFFFFFF0]  }
0x3a6: {  	v6 =	vld [tilespmem:s9+$0x0]  }
0x3a7: {  	v7 =	vld [tilespmem:s9+$0xFFFFFFE0]  }
0x3a8: {  	v12 =	vld [tilespmem:s10+$0xFFFFFFF0]  }
0x3a9: {  	v13 =	vld [tilespmem:s10+$0x0];
	_ =	sdelay $0x1  }
0x3aa: {  	v4 =	vcvt.s32.f32 v2;
	v8 =	vcvt.s32.f32 v3  }
0x3ab: {  	v9 =	vcvt.s32.f32 v5;
	v11 =	vcvt.s32.f32 v6  }
0x3ac: {  	v14 =	vcvt.s32.f32 v7;
	v4 =	vmul.f32 $1.000000050e-03, v4  }
0x3ad: {  	v15 =	vcvt.s32.f32 v12;
	v16 =	vcvt.s32.f32 v13  }
0x3ae: {  	v8 =	vmul.f32 $1.000000050e-03, v8;
	v4 =	vtrunc.f32 v4  }
0x3af: {  	v10 =	vld [tilespmem:s10+$0xFFFFFFE0];
	v9 =	vmul.f32 $1.000000050e-03, v9;
	v4 =	vcvt.f32.s32 v4  }
0x3b0: {  	v11 =	vmul.f32 $1.000000050e-03, v11;
	v8 =	vtrunc.f32 v8  }
0x3b1: {  	v9 =	vtrunc.f32 v9;
	v8 =	vcvt.f32.s32 v8;
	v4 =	vmul.u32 $0x18, v4  }
0x3b2: {  	v11 =	vtrunc.f32 v11;
	v9 =	vcvt.f32.s32 v9  }
0x3b3: {  	v11 =	vcvt.f32.s32 v11;
	v8 =	vmul.u32 $0x18, v8;
	v2 =	vadd.s32 v2, v4  }
0x3b4: {  	v4 =	vmul.f32 $1.000000050e-03, v14;
	v14 =	vcvt.s32.f32 v10  }
0x3b5: {  	v16 =	vmul.f32 $1.000000050e-03, v16;
	v9 =	vmul.u32 $0x18, v9;
	v3 =	vadd.s32 v3, v8  }
0x3b6: {  	s11 =	simm.s32 $0x2820;
	v19 =	vmul.u32 $0x18, v11;
	v4 =	vtrunc.f32 v4;
	v8 =	vmul.f32 $1.000000050e-03, v14  }
0x3b7: {  	v17 =	vld [tilespmem:s11+$0x10];
	v11 =	vadd.s32 v5, v9;
	v5 =	vtrunc.f32 v16;
	v4 =	vcvt.f32.s32 v4  }
0x3b8: {  	v9 =	vadd.s32 v6, v19;
	v5 =	vcvt.f32.s32 v5;
	v8 =	vtrunc.f32 v8;
	v14 =	vld.idx.msk [tilespmem:v2+s31+$0x0], $0xffff  }
0x3b9: {  	v18 =	vmul.f32 $1.000000050e-03, v15;
	v4 =	vmul.u32 $0x18, v4;
	v8 =	vcvt.f32.s32 v8  }
0x3ba: {  	v5 =	vmul.u32 $0x18, v5;
	v20 =	vld.idx.msk [tilespmem:v3+s31+$0x0], $0xffff  }
0x3bb: {  	v16 =	vld [tilespmem:s11+$0xFFFFFFF0];
	v15 =	vadd.s32 v7, v4;
	v4 =	vtrunc.f32 v18;
	v8 =	vmul.u32 $0x18, v8  }
0x3bc: {  	v6 =	vld.idx.msk [tilespmem:v2+s26+$0x0], $0xffff;
	v4 =	vcvt.f32.s32 v4  }
0x3bd: {  	v5 =	vadd.s32 v13, v5;
	v13 =	vld.idx.msk [tilespmem:v9+s31+$0x0], $0xffff;
	v8 =	vadd.s32 v10, v8;
	v10 =	vmul.f32 v14, v17  }
0x3be: {  	v3 =	vshll.u32 v3, $0x2;
	v7 =	vld [tilespmem:s11+$0xFFFFFFE0];
	v4 =	vmul.u32 $0x18, v4  }
0x3bf: {  	v14 =	vld [tilespmem:s11+$0x0];
	v18 =	vmul.f32 v20, v10;
	v10 =	vadd.s32 $0x2800, v2  }
0x3c0: {  	v17 =	vld.idx.msk [tilespmem:v15+s31+$0x0], $0xffff;
	v4 =	vadd.s32 v12, v4  }
0x3c1: {  	v12 =	vld.idx.msk [tilespmem:v11+s31+$0x0], $0xffff;
	v6 =	vmul.f32 v18, v6  }
0x3c2: {  	v19 =	vld.idx.msk [tilespmem:v8+s31+$0x0], $0xffff  }
0x3c3: {  	[tilespmem:v3+s5+$0x0] =	vst.idx.add.f32.msk $0xffff, v6  }
0x3c4: {  	v6 =	vld.idx.msk [tilespmem:v10+s26+$0x0], $0xffff  }
0x3c5: {  	v20 =	vld.idx.msk [tilespmem:v4+s31+$0x0], $0xffff  }
0x3c6: {  	v23 =	vor.u32 $0x1, v3;
	v21 =	vld.idx.msk [tilespmem:v5+s31+$0x0], $0xffff  }
0x3c7: {  	v22 =	vld.idx.msk [tilespmem:v15+s26+$0x0], $0xffff;
	v13 =	vmul.f32 v13, v14  }
0x3c8: {  	v25 =	vadd.s32 $0x5000, v2;
	v24 =	vld.idx.msk [tilespmem:v11+s26+$0x0], $0xffff;
	v17 =	vmul.f32 v17, v7;
	v12 =	vmul.f32 v12, v16  }
0x3c9: {  	s0 =	simm.s32 $0x1860;
	v14 =	vld.idx.msk [tilespmem:v9+s26+$0x0], $0xffff;
	v10 =	vshll.u32 v8, $0x2;
	v7 =	vshll.u32 v4, $0x2;
	v4 =	vmul.f32 v6, v18  }
0x3ca: {  	v8 =	vshll.u32 v5, $0x2;
	v16 =	vmul.f32 v19, v17;
	v5 =	vmul.f32 v20, v12;
	v20 =	vld [tilespmem:s0+$0x10]  }
0x3cb: {  	s12 =	simm.s32 $0x860;
	[tilespmem:v23+s5+$0x0] =	vst.idx.add.f32.msk $0xffff, v4  }
0x3cc: {  	v6 =	vmul.f32 v21, v13;
	v4 =	vmul.f32 v16, v22;
	v22 =	vld [tilespmem:s12+$0x0]  }
0x3cd: {  	v12 =	vadd.s32 $0x2800, v15;
	v17 =	vmul.f32 v5, v24;
	v13 =	vld.idx.msk [tilespmem:v25+s26+$0x0], $0xffff  }
0x3ce: {  	v19 =	vadd.s32 $0x2800, v11;
	[tilespmem:v10+s5+$0x0] =	vst.idx.add.f32.msk $0xffff, v4;
	v4 =	vmul.f32 v6, v14  }
0x3cf: {  	v14 =	vadd.s32 $0x2800, v9;
	[tilespmem:v7+s5+$0x0] =	vst.idx.add.f32.msk $0xffff, v17  }
0x3d0: {  	[tilespmem:v8+s5+$0x0] =	vst.idx.add.f32.msk $0xffff, v4;
	v4 =	vor.u32 $0x2, v3  }
0x3d1: {  	v2 =	vadd.s32 $0x7800, v2;
	v17 =	vld [tilespmem:s12+$0x10]  }
0x3d2: {  	v12 =	vld.idx.msk [tilespmem:v12+s26+$0x0], $0xffff  }
0x3d3: {  	v19 =	vld.idx.msk [tilespmem:v19+s26+$0x0], $0xffff;
	v13 =	vmul.f32 v13, v18  }
0x3d4: {  	v24 =	vcvt.s32.f32 v20;
	v14 =	vld.idx.msk [tilespmem:v14+s26+$0x0], $0xffff  }
0x3d5: {  	[tilespmem:v4+s5+$0x0] =	vst.idx.add.f32.msk $0xffff, v13  }
0x3d6: {  	v24 =	vmul.f32 $1.000000050e-03, v24;
	v2 =	vld.idx.msk [tilespmem:v2+s26+$0x0], $0xffff  }
0x3d7: {  	v28 =	vld [tilespmem:s0+$0xFFFFFFF0];
	v4 =	vcvt.s32.f32 v17;
	v13 =	vor.u32 $0x1, v10  }
0x3d8: {  	v21 =	vld [tilespmem:s12+$0xFFFFFFF0];
	v3 =	vor.u32 $0x3, v3;
	v31 =	vcvt.s32.f32 v22;
	v24 =	vtrunc.f32 v24  }
0x3d9: {  	v29 =	vor.u32 $0x1, v8;
	v23 =	vld [tilespmem:s12+$0xFFFFFFE0];
	v12 =	vmul.f32 v12, v16;
	v4 =	vmul.f32 $1.000000050e-03, v4  }
0x3da: {  	v26 =	vld [tilespmem:s0+$0xFFFFFFE0];
	v62 =	vadd.s32 $0x5000, v11;
	v19 =	vmul.f32 v19, v5;
	v14 =	vmul.f32 v14, v6  }
0x3db: {  	v30 =	vld [tilespmem:s0+$0x0];
	v25 =	vor.u32 $0x1, v7;
	v4 =	vtrunc.f32 v4;
	v2 =	vmul.f32 v2, v18  }
0x3dc: {  	v27 =	vadd.s32 $0x5000, v15;
	v4 =	vcvt.f32.s32 v4;
	[tilespmem:v13+s5+$0x0] =	vst.idx.add.f32.msk $0xffff, v12;
	v12 =	vmul.f32 $1.000000050e-03, v31  }
0x3dd: {  	v13 =	vadd.s32 $0x5000, v9;
	v18 =	vcvt.s32.f32 v21;
	[tilespmem:v3+s5+$0x0] =	vst.idx.add.f32.msk $0xffff, v2;
	v3 =	vcvt.f32.s32 v24  }
0x3de: {  	s9 =	simm.s32 $0x18A0;
	[tilespmem:v29+s5+$0x0] =	vst.idx.add.f32.msk $0xffff, v14;
	v14 =	vcvt.s32.f32 v28;
	v4 =	vmul.u32 $0x18, v4;
	v2 =	vcvt.s32.f32 v23  }
0x3df: {  	v51 =	vld [tilespmem:s9+$0xFFFFFFE0];
	v12 =	vtrunc.f32 v12;
	v18 =	vmul.f32 $1.000000050e-03, v18;
	v3 =	vmul.u32 $0x18, v3  }
0x3e0: {  	[tilespmem:v25+s5+$0x0] =	vst.idx.add.f32.msk $0xffff, v19;
	v24 =	vadd.s32 v17, v4;
	v4 =	vcvt.s32.f32 v26;
	v2 =	vmul.f32 $1.000000050e-03, v2  }
0x3e1: {  	s11 =	simm.s32 $0x2860;
	v19 =	vld.idx.msk [tilespmem:v27+s26+$0x0], $0xffff;
	v12 =	vcvt.f32.s32 v12;
	v17 =	vcvt.s32.f32 v30;
	v3 =	vadd.s32 v20, v3  }
0x3e2: {  	v27 =	vld [tilespmem:s11+$0x10];
	v4 =	vmul.f32 $1.000000050e-03, v4;
	v2 =	vtrunc.f32 v2  }
0x3e3: {  	v44 =	vor.u32 $0x2, v7;
	v18 =	vtrunc.f32 v18;
	v29 =	vld.idx.msk [tilespmem:v13+s26+$0x0], $0xffff;
	v2 =	vcvt.f32.s32 v2  }
0x3e4: {  	v12 =	vmul.u32 $0x18, v12;
	v18 =	vcvt.f32.s32 v18;
	v20 =	vld.idx.msk [tilespmem:v62+s26+$0x0], $0xffff;
	v4 =	vtrunc.f32 v4  }
0x3e5: {  	v17 =	vmul.f32 $1.000000050e-03, v17;
	v25 =	vld.idx.msk [tilespmem:v24+s31+$0x0], $0xffff;
	v4 =	vcvt.f32.s32 v4;
	v2 =	vmul.u32 $0x18, v2  }
0x3e6: {  	v14 =	vmul.f32 $1.000000050e-03, v14;
	v12 =	vadd.s32 v22, v12;
	v18 =	vmul.u32 $0x18, v18;
	v31 =	vld.idx.msk [tilespmem:v3+s31+$0x0], $0xffff  }
0x3e7: {  	v17 =	vtrunc.f32 v17;
	v4 =	vmul.u32 $0x18, v4;
	v13 =	vadd.s32 v23, v2;
	v23 =	vld [tilespmem:s11+$0xFFFFFFE0]  }
0x3e8: {  	v17 =	vcvt.f32.s32 v17;
	v2 =	vtrunc.f32 v14;
	v14 =	vadd.s32 v21, v18;
	v18 =	vld.idx.msk [tilespmem:v24+s26+$0x0], $0xffff  }
0x3e9: {  	v21 =	vld [tilespmem:s11+$0xFFFFFFF0];
	v20 =	vmul.f32 v20, v5;
	v2 =	vcvt.f32.s32 v2;
	v4 =	vadd.s32 v26, v4  }
0x3ea: {  	v26 =	vshll.u32 v3, $0x2;
	v3 =	vmul.u32 $0x18, v17;
	v22 =	vmul.f32 v25, v27;
	v25 =	vld [tilespmem:s11+$0x0]  }
0x3eb: {  	[tilespmem:v44+s5+$0x0] =	vst.idx.add.f32.msk $0xffff, v20  }
0x3ec: {  	v2 =	vmul.u32 $0x18, v2;
	v3 =	vadd.s32 v30, v3;
	v30 =	vld.idx.msk [tilespmem:v12+s31+$0x0], $0xffff  }
0x3ed: {  	v27 =	vadd.s32 $0x2800, v24;
	v17 =	vld.idx.msk [tilespmem:v13+s31+$0x0], $0xffff;
	v22 =	vmul.f32 v31, v22  }
0x3ee: {  	v2 =	vadd.s32 v28, v2;
	v28 =	vld.idx.msk [tilespmem:v14+s31+$0x0], $0xffff  }
0x3ef: {  	v46 =	vld.idx.msk [tilespmem:v13+s26+$0x0], $0xffff;
	v18 =	vmul.f32 v22, v18  }
0x3f0: {  	v31 =	vld.idx.msk [tilespmem:v4+s31+$0x0], $0xffff  }
0x3f1: {  	[tilespmem:v26+s5+$0x0] =	vst.idx.add.f32.msk $0xffff, v18  }
0x3f2: {  	v39 =	vor.u32 $0x2, v8;
	v18 =	vld.idx.msk [tilespmem:v27+s26+$0x0], $0xffff  }
0x3f3: {  	v27 =	vor.u32 $0x2, v10;
	v63 =	vld.idx.msk [tilespmem:v2+s31+$0x0], $0xffff  }
0x3f4: {  	v47 =	vor.u32 $0x1, v26;
	v48 =	vld.idx.msk [tilespmem:v14+s26+$0x0], $0xffff  }
0x3f5: {  	v49 =	vadd.s32 $0x5000, v24;
	v20 =	vmul.f32 v29, v6;
	v45 =	vld.idx.msk [tilespmem:v3+s31+$0x0], $0xffff;
	v23 =	vmul.f32 v17, v23  }
0x3f6: {  	v19 =	vmul.f32 v19, v16;
	v40 =	vld.idx.msk [tilespmem:v12+s26+$0x0], $0xffff;
	v17 =	vshll.u32 v4, $0x2;
	v21 =	vmul.f32 v28, v21  }
0x3f7: {  	[tilespmem:v39+s5+$0x0] =	vst.idx.add.f32.msk $0xffff, v20;
	v4 =	vmul.f32 v31, v23;
	v28 =	vmul.f32 v18, v22;
	v18 =	vshll.u32 v2, $0x2  }
0x3f8: {  	v15 =	vadd.s32 $0x7800, v15;
	v25 =	vmul.f32 v30, v25;
	[tilespmem:v27+s5+$0x0] =	vst.idx.add.f32.msk $0xffff, v19;
	v2 =	vmul.f32 v63, v21  }
0x3f9: {  	v23 =	vmul.f32 v4, v46;
	v19 =	vshll.u32 v3, $0x2;
	[tilespmem:v47+s5+$0x0] =	vst.idx.add.f32.msk $0xffff, v28  }
0x3fa: {  	v21 =	vadd.s32 $0x2800, v13;
	v3 =	vmul.f32 v45, v25;
	v28 =	vmul.f32 v2, v48;
	v25 =	vld.idx.msk [tilespmem:v49+s26+$0x0], $0xffff  }
0x3fb: {  	v27 =	vadd.s32 $0x2800, v14;
	[tilespmem:v17+s5+$0x0] =	vst.idx.add.f32.msk $0xffff, v23  }
0x3fc: {  	v23 =	vmul.f32 v3, v40;
	[tilespmem:v18+s5+$0x0] =	vst.idx.add.f32.msk $0xffff, v28;
	v28 =	vor.u32 $0x2, v26  }
0x3fd: {  	v15 =	vld.idx.msk [tilespmem:v15+s26+$0x0], $0xffff  }
0x3fe: {  	[tilespmem:v19+s5+$0x0] =	vst.idx.add.f32.msk $0xffff, v23  }
0x3ff: {  	v23 =	vadd.s32 $0x7800, v24;
	v21 =	vld.idx.msk [tilespmem:v21+s26+$0x0], $0xffff;
	v25 =	vmul.f32 v25, v22  }
0x400: {  	v20 =	vadd.s32 $0x2800, v12;
	v24 =	vld.idx.msk [tilespmem:v27+s26+$0x0], $0xffff  }
0x401: {  	s12 =	simm.s32 $0x8A0;
	[tilespmem:v28+s5+$0x0] =	vst.idx.add.f32.msk $0xffff, v25  }
0x402: {  	v25 =	vld [tilespmem:s12+$0x10]  }
0x403: {  	v28 =	vld [tilespmem:s12+$0xFFFFFFF0]  }
0x404: {  	v23 =	vld.idx.msk [tilespmem:v23+s26+$0x0], $0xffff  }
0x405: {  	v20 =	vld.idx.msk [tilespmem:v20+s26+$0x0], $0xffff  }
0x406: {  	v11 =	vadd.s32 $0x7800, v11;
	v26 =	vor.u32 $0x3, v26;
	v27 =	vld [tilespmem:s9+$0x10]  }
0x407: {  	v53 =	vld [tilespmem:s9+$0xFFFFFFF0];
	v9 =	vadd.s32 $0x7800, v9;
	v15 =	vmul.f32 v15, v16;
	v21 =	vmul.f32 v21, v4  }
0x408: {  	v55 =	vld [tilespmem:s9+$0x0];
	v10 =	vor.u32 $0x3, v10;
	v30 =	vcvt.s32.f32 v25;
	v16 =	vcvt.s32.f32 v28  }
0x409: {  	v29 =	vld [tilespmem:s12+$0x0];
	v31 =	vor.u32 $0x1, v17;
	v24 =	vmul.f32 v24, v2;
	v22 =	vmul.f32 v23, v22  }
0x40a: {  	v50 =	vld [tilespmem:s12+$0xFFFFFFE0];
	v23 =	vor.u32 $0x1, v18;
	v30 =	vmul.f32 $1.000000050e-03, v30;
	v16 =	vmul.f32 $1.000000050e-03, v16  }
0x40b: {  	v52 =	vor.u32 $0x1, v19;
	v20 =	vmul.f32 v20, v3;
	[tilespmem:v26+s5+$0x0] =	vst.idx.add.f32.msk $0xffff, v22;
	v22 =	vcvt.s32.f32 v27  }
0x40c: {  	v56 =	vadd.s32 $0x5000, v12;
	v57 =	vld.idx.msk [tilespmem:v11+s26+$0x0], $0xffff;
	v30 =	vtrunc.f32 v30;
	v16 =	vtrunc.f32 v16  }
0x40d: {  	[tilespmem:v10+s5+$0x0] =	vst.idx.add.f32.msk $0xffff, v15;
	v26 =	vadd.s32 $0x5000, v13;
	v22 =	vmul.f32 $1.000000050e-03, v22;
	v30 =	vcvt.f32.s32 v30  }
0x40e: {  	v54 =	vadd.s32 $0x5000, v14;
	[tilespmem:v31+s5+$0x0] =	vst.idx.add.f32.msk $0xffff, v21;
	v21 =	vcvt.s32.f32 v29;
	v16 =	vcvt.f32.s32 v16  }
0x40f: {  	[tilespmem:v23+s5+$0x0] =	vst.idx.add.f32.msk $0xffff, v24;
	v24 =	vcvt.s32.f32 v50;
	v22 =	vtrunc.f32 v22;
	v23 =	vmul.u32 $0x18, v30  }
0x410: {  	v31 =	vcvt.s32.f32 v55;
	[tilespmem:v52+s5+$0x0] =	vst.idx.add.f32.msk $0xffff, v20;
	v20 =	vcvt.f32.s32 v22  }
0x411: {  	v34 =	vld.idx.msk [tilespmem:v56+s26+$0x0], $0xffff;
	v15 =	vmul.u32 $0x18, v16;
	v24 =	vmul.f32 $1.000000050e-03, v24;
	v23 =	vadd.s32 v25, v23  }
0x412: {  	v21 =	vmul.f32 $1.000000050e-03, v21;
	v22 =	vld.idx.msk [tilespmem:v26+s26+$0x0], $0xffff;
	v25 =	vcvt.s32.f32 v51;
	v20 =	vmul.u32 $0x18, v20  }
0x413: {  	v30 =	vcvt.s32.f32 v53;
	v26 =	vld.idx.msk [tilespmem:v54+s26+$0x0], $0xffff;
	v28 =	vadd.s32 v28, v15;
	v24 =	vtrunc.f32 v24  }
0x414: {  	s10 =	simm.s32 $0x28A0;
	v11 =	vadd.s32 v27, v20;
	v20 =	vmul.f32 $1.000000050e-03, v25;
	v25 =	vld.idx.msk [tilespmem:v9+s26+$0x0], $0xffff;
	v9 =	vcvt.f32.s32 v24  }
0x415: {  	v21 =	vtrunc.f32 v21;
	v16 =	vmul.f32 $1.000000050e-03, v31;
	v27 =	vld [tilespmem:s10+$0x10]  }
0x416: {  	v21 =	vcvt.f32.s32 v21;
	v30 =	vmul.f32 $1.000000050e-03, v30;
	v24 =	vld.idx.msk [tilespmem:v23+s31+$0x0], $0xffff;
	v9 =	vmul.u32 $0x18, v9  }
0x417: {  	v15 =	vtrunc.f32 v16;
	v20 =	vtrunc.f32 v20;
	v16 =	vld.idx.msk [tilespmem:v23+s26+$0x0], $0xffff  }
0x418: {  	v43 =	vld.idx.msk [tilespmem:v28+s26+$0x0], $0xffff;
	v10 =	vcvt.f32.s32 v20;
	v58 =	vadd.s32 v50, v9  }
0x419: {  	v15 =	vcvt.f32.s32 v15;
	v20 =	vmul.u32 $0x18, v21;
	v9 =	vtrunc.f32 v30;
	v30 =	vld [tilespmem:s10+$0xFFFFFFE0]  }
0x41a: {  	v31 =	vld.idx.msk [tilespmem:v11+s31+$0x0], $0xffff;
	v10 =	vmul.u32 $0x18, v10  }
0x41b: {  	v21 =	vshll.u32 v11, $0x2;
	v59 =	vadd.s32 v29, v20;
	v29 =	vld [tilespmem:s10+$0xFFFFFFF0];
	v11 =	vmul.u32 $0x18, v15  }
0x41c: {  	v9 =	vcvt.f32.s32 v9;
	v10 =	vadd.s32 v51, v10;
	v20 =	vmul.f32 v24, v27;
	v24 =	vld [tilespmem:s10+$0x0]  }
0x41d: {  	v11 =	vadd.s32 v55, v11;
	v15 =	vld.idx.msk [tilespmem:v58+s31+$0x0], $0xffff  }
0x41e: {  	v9 =	vmul.u32 $0x18, v9;
	v41 =	vld.idx.msk [tilespmem:v58+s26+$0x0], $0xffff  }
0x41f: {  	v27 =	vadd.s32 $0x2800, v23;
	v20 =	vmul.f32 v31, v20;
	v31 =	vld.idx.msk [tilespmem:v28+s31+$0x0], $0xffff  }
0x420: {  	v9 =	vadd.s32 v53, v9;
	v60 =	vld.idx.msk [tilespmem:v59+s31+$0x0], $0xffff  }
0x421: {  	v16 =	vmul.f32 v20, v16;
	v33 =	vld.idx.msk [tilespmem:v10+s31+$0x0], $0xffff  }
0x422: {  	v61 =	vor.u32 $0x2, v18;
	v37 =	vld.idx.msk [tilespmem:v11+s31+$0x0], $0xffff  }
0x423: {  	v45 =	vor.u32 $0x2, v19;
	[tilespmem:v21+s5+$0x0] =	vst.idx.add.f32.msk $0xffff, v16  }
0x424: {  	v44 =	vadd.s32 $0x5000, v23;
	v15 =	vmul.f32 v15, v30;
	v16 =	vld.idx.msk [tilespmem:v27+s26+$0x0], $0xffff;
	v27 =	vor.u32 $0x2, v17  }
0x425: {  	v26 =	vmul.f32 v26, v2;
	v42 =	vor.u32 $0x1, v21;
	v46 =	vshll.u32 v10, $0x2;
	v35 =	vld.idx.msk [tilespmem:v9+s31+$0x0], $0xffff  }
0x426: {  	v48 =	vshll.u32 v11, $0x2;
	v11 =	vmul.f32 v34, v3;
	v30 =	vld.idx.msk [tilespmem:v59+s26+$0x0], $0xffff;
	v33 =	vmul.f32 v33, v15  }
0x427: {  	v22 =	vmul.f32 v22, v4;
	[tilespmem:v61+s5+$0x0] =	vst.idx.add.f32.msk $0xffff, v26;
	v47 =	vshll.u32 v9, $0x2;
	v9 =	vmul.f32 v60, v24  }
0x428: {  	[tilespmem:v45+s5+$0x0] =	vst.idx.add.f32.msk $0xffff, v11;
	v10 =	vmul.f32 v31, v29;
	v15 =	vmul.f32 v33, v41  }
0x429: {  	v62 =	vadd.s32 $0x7800, v13;
	v9 =	vmul.f32 v37, v9;
	v16 =	vmul.f32 v16, v20;
	[tilespmem:v27+s5+$0x0] =	vst.idx.add.f32.msk $0xffff, v22  }
0x42a: {  	v7 =	vor.u32 $0x3, v7;
	v8 =	vor.u32 $0x3, v8;
	v13 =	vadd.s32 $0x7800, v14;
	[tilespmem:v46+s5+$0x0] =	vst.idx.add.f32.msk $0xffff, v15  }
0x42b: {  	v10 =	vmul.f32 v35, v10;
	v29 =	vmul.f32 v9, v30;
	[tilespmem:v42+s5+$0x0] =	vst.idx.add.f32.msk $0xffff, v16;
	v16 =	vadd.s32 $0x2800, v58  }
0x42c: {  	v14 =	vor.u32 $0x3, v17;
	v63 =	vadd.s32 $0x7800, v23;
	v24 =	vadd.s32 $0x2800, v28;
	v22 =	vld.idx.msk [tilespmem:v44+s26+$0x0], $0xffff  }
0x42d: {  	v6 =	vmul.f32 v25, v6;
	v27 =	vadd.s32 $0x2800, v59;
	v26 =	vmul.f32 v10, v43;
	[tilespmem:v48+s5+$0x0] =	vst.idx.add.f32.msk $0xffff, v29  }
0x42e: {  	v23 =	vadd.s32 $0x5000, v28;
	v32 =	vor.u32 $0x1, v48;
	v31 =	vor.u32 $0x2, v21;
	v37 =	vld.idx.msk [tilespmem:v62+s26+$0x0], $0xffff  }
0x42f: {  	v25 =	vor.u32 $0x3, v47;
	v11 =	vor.u32 $0x3, v19;
	v19 =	vadd.s32 $0x7800, v58;
	[tilespmem:v47+s5+$0x0] =	vst.idx.add.f32.msk $0xffff, v26  }
0x430: {  	v17 =	vor.u32 $0x2, v46;
	v28 =	vadd.s32 $0x7800, v28;
	v30 =	vor.u32 $0x1, v46;
	v34 =	vld.idx.msk [tilespmem:v16+s26+$0x0], $0xffff  }
0x431: {  	v15 =	vadd.s32 $0x7800, v12;
	v12 =	vor.u32 $0x3, v18;
	v35 =	vld.idx.msk [tilespmem:v24+s26+$0x0], $0xffff;
	v22 =	vmul.f32 v22, v20  }
0x432: {  	v29 =	vor.u32 $0x1, v47;
	v18 =	vor.u32 $0x2, v48;
	v26 =	vadd.s32 $0x5000, v58;
	v36 =	vld.idx.msk [tilespmem:v27+s26+$0x0], $0xffff  }
0x433: {  	v24 =	vadd.s32 $0x5000, v59;
	v27 =	vadd.s32 $0x7800, v59;
	v16 =	vor.u32 $0x2, v47;
	[tilespmem:v31+s5+$0x0] =	vst.idx.add.f32.msk $0xffff, v22  }
0x434: {  	s11 =	simm.s32 $0x8;
	s12 =	simm.s32 $0x8E0;
	v22 =	vmul.f32 v57, v5;
	v31 =	vor.u32 $0x3, v46;
	v5 =	vor.u32 $0x3, v48;
	v38 =	vld.idx.msk [tilespmem:v63+s26+$0x0], $0xffff  }
.LBB2_10:
0x435: {  	v39 =	vld [tilespmem:s12+$0x10];
	s11 =	sadd.s32 $0x4, s11;
	v34 =	vmul.f32 v34, v33  }
0x436: {  	v35 =	vmul.f32 v35, v10;
	v21 =	vor.u32 $0x3, v21;
	s9 =	sadd.s32 $0x40, s9;
	v40 =	vld [tilespmem:s12+$0xFFFFFFF0];
	p1 =	slt.u32 s11, $0x78  }
0x437: {  	v36 =	vmul.f32 v36, v9;
	v41 =	vld [tilespmem:s9+$0x10]  }
0x438: {  	v42 =	vld [tilespmem:s12+$0x0]  }
0x439: {  	v20 =	vmul.f32 v38, v20;
	v43 =	vld [tilespmem:s12+$0xFFFFFFE0]  }
0x43a: {  	v37 =	vmul.f32 v37, v4;
	v4 =	vmov v33;
	v38 =	vld [tilespmem:s9+$0xFFFFFFE0];
	v44 =	vcvt.s32.f32 v39  }
0x43b: {  	v33 =	vcvt.s32.f32 v40;
	[tilespmem:v21+s5+$0x0] =	vst.idx.add.f32.msk $0xffff, v20  }
0x43c: {  	v20 =	vld [tilespmem:s9+$0xFFFFFFF0];
	v21 =	vmul.f32 $1.000000050e-03, v44;
	v44 =	vcvt.s32.f32 v41  }
0x43d: {  	v33 =	vmul.f32 $1.000000050e-03, v33;
	v45 =	vcvt.s32.f32 v42;
	v46 =	vld [tilespmem:s9+$0x0]  }
0x43e: {  	v21 =	vtrunc.f32 v21;
	v44 =	vmul.f32 $1.000000050e-03, v44;
	[tilespmem:v30+s5+$0x0] =	vst.idx.add.f32.msk $0xffff, v34  }
0x43f: {  	v30 =	vcvt.s32.f32 v43;
	v21 =	vcvt.f32.s32 v21;
	[tilespmem:v29+s5+$0x0] =	vst.idx.add.f32.msk $0xffff, v35  }
0x440: {  	v29 =	vmul.f32 $1.000000050e-03, v45;
	v34 =	vtrunc.f32 v44;
	[tilespmem:v32+s5+$0x0] =	vst.idx.add.f32.msk $0xffff, v36  }
0x441: {  	v30 =	vmul.f32 $1.000000050e-03, v30;
	v21 =	vmul.u32 $0x18, v21;
	v32 =	vcvt.f32.s32 v34;
	v35 =	vld.idx.msk [tilespmem:v26+s26+$0x0], $0xffff  }
0x442: {  	v26 =	vcvt.s32.f32 v38;
	v36 =	vcvt.s32.f32 v20;
	v44 =	vld.idx.msk [tilespmem:v23+s26+$0x0], $0xffff  }
0x443: {  	v23 =	vcvt.s32.f32 v46;
	v34 =	vadd.s32 v39, v21;
	v21 =	vmul.u32 $0x18, v32;
	v39 =	vld.idx.msk [tilespmem:v24+s26+$0x0], $0xffff  }
0x444: {  	v24 =	vtrunc.f32 v30;
	v30 =	vtrunc.f32 v33;
	v33 =	vld.idx.msk [tilespmem:v13+s26+$0x0], $0xffff;
	v13 =	vmov v28  }
0x445: {  	v26 =	vmul.f32 $1.000000050e-03, v26;
	v28 =	vtrunc.f32 v29;
	v21 =	vadd.s32 v41, v21;
	v41 =	vld.idx.msk [tilespmem:v15+s26+$0x0], $0xffff;
	v15 =	vmovc v27  }
0x446: {  	v23 =	vmul.f32 $1.000000050e-03, v23;
	v27 =	vmul.f32 $1.000000050e-03, v36;
	[tilespmem:v14+s5+$0x0] =	vst.idx.add.f32.msk $0xffff, v37;
	v14 =	vmov v31  }
0x447: {  	v24 =	vcvt.f32.s32 v24;
	v29 =	vcvt.f32.s32 v30;
	[tilespmem:v7+s5+$0x0] =	vst.idx.add.f32.msk $0xffff, v22;
	v7 =	vmovc v12;
	v12 =	vmov v25  }
0x448: {  	s10 =	sadd.s32 $0x40, s10;
	v22 =	vtrunc.f32 v26;
	v25 =	vcvt.f32.s32 v28;
	v26 =	vld.idx.msk [tilespmem:v34+s31+$0x0], $0xffff  }
0x449: {  	v24 =	vmul.u32 $0x18, v24;
	v23 =	vtrunc.f32 v23;
	v27 =	vtrunc.f32 v27;
	v28 =	vld [tilespmem:s10+$0x10]  }
0x44a: {  	v29 =	vmul.u32 $0x18, v29;
	v22 =	vcvt.f32.s32 v22;
	v25 =	vmul.u32 $0x18, v25;
	v30 =	vld.idx.msk [tilespmem:v21+s31+$0x0], $0xffff  }
0x44b: {  	v23 =	vcvt.f32.s32 v23;
	v31 =	vadd.s32 v43, v24;
	v24 =	vcvt.f32.s32 v27;
	v36 =	vld [tilespmem:s10+$0xFFFFFFE0]  }
0x44c: {  	v37 =	vadd.s32 v40, v29;
	v22 =	vmul.u32 $0x18, v22;
	v40 =	vadd.s32 v42, v25;
	v25 =	vld.idx.msk [tilespmem:v34+s26+$0x0], $0xffff  }
0x44d: {  	v23 =	vmul.u32 $0x18, v23;
	v24 =	vmul.u32 $0x18, v24;
	v42 =	vadd.s32 $0x2800, v31;
	v27 =	vld [tilespmem:s10+$0xFFFFFFF0]  }
0x44e: {  	v22 =	vadd.s32 v38, v22;
	v38 =	vadd.s32 $0x2800, v37;
	v43 =	vld [tilespmem:s10+$0x0];
	v26 =	vmul.f32 v26, v28  }
0x44f: {  	v21 =	vshll.u32 v21, $0x2;
	v45 =	vadd.s32 v46, v23;
	v28 =	vadd.s32 v20, v24;
	[tilespmem:v8+s5+$0x0] =	vst.idx.add.f32.msk $0xffff, v6  }
0x450: {  	v47 =	vadd.s32 $0x2800, v34;
	v46 =	vshll.u32 v22, $0x2;
	v8 =	vmovc v11;
	v11 =	vmovc v5;
	v6 =	vld.idx.msk [tilespmem:v31+s31+$0x0], $0xffff;
	v20 =	vmul.f32 v30, v26  }
0x451: {  	v49 =	vshll.u32 v45, $0x2;
	v50 =	vadd.s32 $0x2800, v40;
	v48 =	vshll.u32 v28, $0x2;
	v5 =	vld.idx.msk [tilespmem:v37+s31+$0x0], $0xffff  }
0x452: {  	v30 =	vor.u32 $0x1, v46;
	v29 =	vor.u32 $0x1, v48;
	v51 =	vld.idx.msk [tilespmem:v40+s31+$0x0], $0xffff;
	v25 =	vmul.f32 v20, v25  }
0x453: {  	v23 =	vadd.s32 $0x5000, v37;
	v32 =	vor.u32 $0x1, v49;
	v26 =	vadd.s32 $0x5000, v31;
	v52 =	vld.idx.msk [tilespmem:v22+s31+$0x0], $0xffff  }
0x454: {  	v35 =	vmul.f32 v35, v4;
	v44 =	vmul.f32 v44, v10;
	v24 =	vadd.s32 $0x5000, v40;
	[tilespmem:v21+s5+$0x0] =	vst.idx.add.f32.msk $0xffff, v25  }
0x455: {  	v39 =	vmul.f32 v39, v9;
	v53 =	vor.u32 $0x2, v46;
	v54 =	vor.u32 $0x2, v48;
	v47 =	vld.idx.msk [tilespmem:v47+s26+$0x0], $0xffff  }
0x456: {  	v55 =	vadd.s32 $0x7800, v31;
	v56 =	vor.u32 $0x2, v49;
	v6 =	vmul.f32 v6, v36;
	v36 =	vld.idx.msk [tilespmem:v28+s31+$0x0], $0xffff  }
0x457: {  	v57 =	vmul.f32 v5, v27;
	v28 =	vadd.s32 $0x7800, v37;
	v27 =	vadd.s32 $0x7800, v40;
	v45 =	vld.idx.msk [tilespmem:v45+s31+$0x0], $0xffff  }
0x458: {  	v22 =	vmul.f32 v33, v2;
	v2 =	vmovc v10;
	v43 =	vmul.f32 v51, v43;
	v51 =	vor.u32 $0x1, v21;
	v58 =	vld.idx.msk [tilespmem:v31+s26+$0x0], $0xffff  }
0x459: {  	v33 =	vmul.f32 v52, v6;
	v52 =	vadd.s32 $0x5000, v34;
	v6 =	vmul.f32 v41, v3;
	v3 =	vmovc v9;
	v37 =	vld.idx.msk [tilespmem:v37+s26+$0x0], $0xffff  }
0x45a: {  	v25 =	vor.u32 $0x3, v48;
	v5 =	vor.u32 $0x3, v49;
	v31 =	vor.u32 $0x3, v46;
	v40 =	vld.idx.msk [tilespmem:v40+s26+$0x0], $0xffff  }
0x45b: {  	v41 =	vmul.f32 v47, v20;
	[tilespmem:v17+s5+$0x0] =	vst.idx.add.f32.msk $0xffff, v35;
	v17 =	vmov v53  }
0x45c: {  	v10 =	vmul.f32 v36, v57;
	[tilespmem:v16+s5+$0x0] =	vst.idx.add.f32.msk $0xffff, v44;
	v16 =	vmov v54  }
0x45d: {  	v9 =	vmul.f32 v45, v43;
	[tilespmem:v51+s5+$0x0] =	vst.idx.add.f32.msk $0xffff, v41  }
0x45e: {  	v35 =	vmul.f32 v33, v58;
	v36 =	vld.idx.msk [tilespmem:v52+s26+$0x0], $0xffff  }
0x45f: {  	v37 =	vmul.f32 v10, v37;
	[tilespmem:v18+s5+$0x0] =	vst.idx.add.f32.msk $0xffff, v39;
	v18 =	vmov v56  }
0x460: {  	[tilespmem:v46+s5+$0x0] =	vst.idx.add.f32.msk $0xffff, v35;
	v35 =	vmul.f32 v9, v40  }
0x461: {  	[tilespmem:v48+s5+$0x0] =	vst.idx.add.f32.msk $0xffff, v37;
	v37 =	vor.u32 $0x2, v21  }
0x462: {  	v39 =	vadd.s32 $0x7800, v34;
	[tilespmem:v49+s5+$0x0] =	vst.idx.add.f32.msk $0xffff, v35  }
0x463: {  	v34 =	vld.idx.msk [tilespmem:v42+s26+$0x0], $0xffff  }
.Ltmp6:
0x464: {  	v35 =	vld.idx.msk [tilespmem:v38+s26+$0x0], $0xffff;
	v38 =	vmul.f32 v36, v20;
	(pc) =	sbr.rel @p1 .LBB2_10-.Ltmp6, $4  }
0x465: {  	v36 =	vld.idx.msk [tilespmem:v50+s26+$0x0], $0xffff  }
0x466: {  	[tilespmem:v37+s5+$0x0] =	vst.idx.add.f32.msk $0xffff, v38  }
0x467: {  	v38 =	vld.idx.msk [tilespmem:v39+s26+$0x0], $0xffff  }
0x468: {  	s12 =	sadd.s32 $0x40, s12;
	v37 =	vld.idx.msk [tilespmem:v19+s26+$0x0], $0xffff;
	v19 =	vmov v55  }
0x469: {  	_ = 	snop  }
0x46a: {  	v21 =	vor.u32 $0x3, v21  }
0x46b: {  	v34 =	vmul.f32 v34, v33  }
0x46c: {  	v35 =	vmul.f32 v35, v10  }
0x46d: {  	[tilespmem:v30+s5+$0x0] =	vst.idx.add.f32.msk $0xffff, v34;
	v20 =	vmul.f32 v38, v20  }
0x46e: {  	[tilespmem:v29+s5+$0x0] =	vst.idx.add.f32.msk $0xffff, v35  }
0x46f: {  	[tilespmem:v21+s5+$0x0] =	vst.idx.add.f32.msk $0xffff, v20;
	v20 =	vmul.f32 v36, v9  }
0x470: {  	v21 =	vld.idx.msk [tilespmem:v26+s26+$0x0], $0xffff  }
0x471: {  	[tilespmem:v32+s5+$0x0] =	vst.idx.add.f32.msk $0xffff, v20  }
0x472: {  	v20 =	vld.idx.msk [tilespmem:v23+s26+$0x0], $0xffff  }
0x473: {  	v23 =	vld.idx.msk [tilespmem:v24+s26+$0x0], $0xffff  }
0x474: {  	v13 =	vld.idx.msk [tilespmem:v13+s26+$0x0], $0xffff;
	v4 =	vmul.f32 v37, v4  }
0x475: {  	v15 =	vld.idx.msk [tilespmem:v15+s26+$0x0], $0xffff;
	v21 =	vmul.f32 v21, v33  }
0x476: {  	[tilespmem:v14+s5+$0x0] =	vst.idx.add.f32.msk $0xffff, v4  }
0x477: {  	v4 =	vmul.f32 v20, v10;
	[tilespmem:v17+s5+$0x0] =	vst.idx.add.f32.msk $0xffff, v21  }
0x478: {  	v14 =	vmul.f32 v23, v9;
	v17 =	vld.idx.msk [tilespmem:v19+s26+$0x0], $0xffff  }
0x479: {  	[tilespmem:v16+s5+$0x0] =	vst.idx.add.f32.msk $0xffff, v4  }
0x47a: {  	[tilespmem:v18+s5+$0x0] =	vst.idx.add.f32.msk $0xffff, v14  }
0x47b: {  	v4 =	vld.idx.msk [tilespmem:v28+s26+$0x0], $0xffff  }
0x47c: {  	v14 =	vld.idx.msk [tilespmem:v27+s26+$0x0], $0xffff  }
0x47d: {  	[tilespmem:v7+s5+$0x0] =	vst.idx.add.f32.msk $0xffff, v22;
	v2 =	vmul.f32 v13, v2  }
0x47e: {  	[tilespmem:v8+s5+$0x0] =	vst.idx.add.f32.msk $0xffff, v6;
	v3 =	vmul.f32 v15, v3  }
0x47f: {  	[tilespmem:v12+s5+$0x0] =	vst.idx.add.f32.msk $0xffff, v2;
	v7 =	vmul.f32 v17, v33  }
0x480: {  	[tilespmem:v11+s5+$0x0] =	vst.idx.add.f32.msk $0xffff, v3;
	v2 =	vmul.f32 v4, v10  }
0x481: {  	[tilespmem:v31+s5+$0x0] =	vst.idx.add.f32.msk $0xffff, v7;
	v3 =	vmul.f32 v14, v9  }
0x482: {  	[tilespmem:v25+s5+$0x0] =	vst.idx.add.f32.msk $0xffff, v2  }
0x483: {  	[tilespmem:v5+s5+$0x0] =	vst.idx.add.f32.msk $0xffff, v3  }
0x484: {  	v2 =	vld [tilespmem:$0xFC0];
	_ =	sdelay $0x1  }
0x485: {  	v3 =	vld [tilespmem:$0x1FC0];
	_ =	sdelay $0x2  }
0x486: {  	v4 =	vcvt.s32.f32 v2;
	_ =	sdelay $0x1  }
0x487: {  	v5 =	vcvt.s32.f32 v3;
	v4 =	vmul.f32 $1.000000050e-03, v4;
	_ =	sdelay $0x1  }
0x488: {  	v5 =	vmul.f32 $1.000000050e-03, v5;
	v4 =	vtrunc.f32 v4  }
0x489: {  	v4 =	vcvt.f32.s32 v4  }
0x48a: {  	v5 =	vtrunc.f32 v5  }
0x48b: {  	v5 =	vcvt.f32.s32 v5;
	v4 =	vmul.u32 $0x18, v4;
	_ =	sdelay $0x1  }
0x48c: {  	v2 =	vadd.s32 v2, v4;
	v4 =	vmul.u32 $0x18, v5;
	_ =	sdelay $0x1  }
0x48d: {  	v3 =	vadd.s32 v3, v4;
	_ =	sdelay $0x1  }
0x48e: {  	v4 =	vld [tilespmem:$0x2FC0]  }
0x48f: {  	v5 =	vld.idx.msk [tilespmem:v2+s31+$0x0], $0xffff;
	_ =	sdelay $0x1  }
0x490: {  	v6 =	vld.idx.msk [tilespmem:v3+s31+$0x0], $0xffff;
	_ =	sdelay $0x1  }
0x491: {  	v7 =	vld.idx.msk [tilespmem:v2+s26+$0x0], $0xffff  }
0x492: {  	v4 =	vmul.f32 v5, v4  }
0x493: {  	v3 =	vshll.u32 v3, $0x2  }
0x494: {  	v5 =	vadd.s32 $0x2800, v2;
	v4 =	vmul.f32 v6, v4;
	_ =	sdelay $0x1  }
0x495: {  	v6 =	vmul.f32 v4, v7;
	_ =	sdelay $0x1  }
0x496: {  	[tilespmem:v3+s5+$0x0] =	vst.idx.add.f32.msk $0xffff, v6  }
0x497: {  	v5 =	vld.idx.msk [tilespmem:v5+s26+$0x0], $0xffff;
	_ =	sdelay $0x1  }
0x498: {  	v6 =	vor.u32 $0x1, v3  }
0x499: {  	v7 =	vadd.s32 $0x5000, v2;
	_ =	sdelay $0x1  }
0x49a: {  	v5 =	vmul.f32 v5, v4;
	_ =	sdelay $0x1  }
0x49b: {  	[tilespmem:v6+s5+$0x0] =	vst.idx.add.f32.msk $0xffff, v5  }
0x49c: {  	v5 =	vld.idx.msk [tilespmem:v7+s26+$0x0], $0xffff;
	_ =	sdelay $0x1  }
0x49d: {  	v6 =	vor.u32 $0x2, v3  }
0x49e: {  	v2 =	vadd.s32 $0x7800, v2;
	_ =	sdelay $0x1  }
0x49f: {  	v5 =	vmul.f32 v5, v4;
	_ =	sdelay $0x1  }
0x4a0: {  	[tilespmem:v6+s5+$0x0] =	vst.idx.add.f32.msk $0xffff, v5  }
0x4a1: {  	v2 =	vld.idx.msk [tilespmem:v2+s26+$0x0], $0xffff;
	_ =	sdelay $0x1  }
0x4a2: {  	v3 =	vor.u32 $0x3, v3;
	_ =	sdelay $0x2  }
0x4a3: {  	v2 =	vmul.f32 v2, v4;
	_ =	sdelay $0x1  }
0x4a4: {  	s0 =	simm.s32 $0x1;
	[tilespmem:v3+s5+$0x0] =	vst.idx.add.f32.msk $0xffff, v2  }
0x4a5: {  	_ =	swait.ge [sflag:s0], $0x7D0  }
0x4a6: {  	[sflag:s0] =	ssyncset.done $0x0  }
0x4a7: {  	s9 =	simm.s32 $0x2;
	[sflag:s0] =	ssyncadd.s32 $0xFFFFF830  }
0x4a8: {  	_ =	swait.ge [sflag:s9], $0x7D0  }
0x4a9: {  	[sflag:s9] =	ssyncset.done $0x0  }
0x4aa: {  	s10 =	simm.s32 $0x3;
	[sflag:s9] =	ssyncadd.s32 $0xFFFFF830  }
0x4ab: {  	_ =	swait.ge [sflag:s10], $0x7D0  }
0x4ac: {  	[sflag:s10] =	ssyncset.done $0x0  }
0x4ad: {  	s9 =	simm.s32 $0x20;
	[sflag:s10] =	ssyncadd.s32 $0xFFFFF830  }
0x4ae: {  	s10 =	simm.s32 $0x1020;
	v2 =	vld [tilespmem:s9+$0x10]  }
0x4af: {  	v3 =	vld [tilespmem:s10+$0x10]  }
0x4b0: {  	v5 =	vld [tilespmem:s9+$0xFFFFFFF0]  }
0x4b1: {  	v6 =	vld [tilespmem:s9+$0x0]  }
0x4b2: {  	v7 =	vld [tilespmem:s9+$0xFFFFFFE0]  }
0x4b3: {  	v12 =	vld [tilespmem:s10+$0xFFFFFFF0]  }
0x4b4: {  	v13 =	vld [tilespmem:s10+$0x0];
	_ =	sdelay $0x1  }
0x4b5: {  	v4 =	vcvt.s32.f32 v2;
	v8 =	vcvt.s32.f32 v3  }
0x4b6: {  	v9 =	vcvt.s32.f32 v5;
	v11 =	vcvt.s32.f32 v6  }
0x4b7: {  	v14 =	vcvt.s32.f32 v7;
	v4 =	vmul.f32 $1.000000050e-03, v4  }
0x4b8: {  	v15 =	vcvt.s32.f32 v12;
	v16 =	vcvt.s32.f32 v13  }
0x4b9: {  	v8 =	vmul.f32 $1.000000050e-03, v8;
	v4 =	vtrunc.f32 v4  }
0x4ba: {  	v10 =	vld [tilespmem:s10+$0xFFFFFFE0];
	v9 =	vmul.f32 $1.000000050e-03, v9;
	v4 =	vcvt.f32.s32 v4  }
0x4bb: {  	v11 =	vmul.f32 $1.000000050e-03, v11;
	v8 =	vtrunc.f32 v8  }
0x4bc: {  	v9 =	vtrunc.f32 v9;
	v8 =	vcvt.f32.s32 v8;
	v4 =	vmul.u32 $0x18, v4  }
0x4bd: {  	v11 =	vtrunc.f32 v11;
	v9 =	vcvt.f32.s32 v9  }
0x4be: {  	v11 =	vcvt.f32.s32 v11;
	v8 =	vmul.u32 $0x18, v8;
	v2 =	vadd.s32 v2, v4  }
0x4bf: {  	v4 =	vmul.f32 $1.000000050e-03, v14;
	v14 =	vcvt.s32.f32 v10  }
0x4c0: {  	v16 =	vmul.f32 $1.000000050e-03, v16;
	v9 =	vmul.u32 $0x18, v9;
	v3 =	vadd.s32 v3, v8  }
0x4c1: {  	s11 =	simm.s32 $0x2020;
	v19 =	vmul.u32 $0x18, v11;
	v4 =	vtrunc.f32 v4;
	v8 =	vmul.f32 $1.000000050e-03, v14  }
0x4c2: {  	v17 =	vld [tilespmem:s11+$0x10];
	v11 =	vadd.s32 v5, v9;
	v5 =	vtrunc.f32 v16;
	v4 =	vcvt.f32.s32 v4  }
0x4c3: {  	v9 =	vadd.s32 v6, v19;
	v5 =	vcvt.f32.s32 v5;
	v8 =	vtrunc.f32 v8;
	v14 =	vld.idx.msk [tilespmem:v2+s31+$0x0], $0xffff  }
0x4c4: {  	v18 =	vmul.f32 $1.000000050e-03, v15;
	v4 =	vmul.u32 $0x18, v4;
	v8 =	vcvt.f32.s32 v8  }
0x4c5: {  	v5 =	vmul.u32 $0x18, v5;
	v20 =	vld.idx.msk [tilespmem:v3+s31+$0x0], $0xffff  }
0x4c6: {  	v16 =	vld [tilespmem:s11+$0xFFFFFFF0];
	v15 =	vadd.s32 v7, v4;
	v4 =	vtrunc.f32 v18;
	v8 =	vmul.u32 $0x18, v8  }
0x4c7: {  	v6 =	vld.idx.msk [tilespmem:v2+s26+$0x0], $0xffff;
	v4 =	vcvt.f32.s32 v4  }
0x4c8: {  	v5 =	vadd.s32 v13, v5;
	v13 =	vld.idx.msk [tilespmem:v9+s31+$0x0], $0xffff;
	v8 =	vadd.s32 v10, v8;
	v10 =	vmul.f32 v14, v17  }
0x4c9: {  	v3 =	vshll.u32 v3, $0x2;
	v7 =	vld [tilespmem:s11+$0xFFFFFFE0];
	v4 =	vmul.u32 $0x18, v4  }
0x4ca: {  	v14 =	vld [tilespmem:s11+$0x0];
	v18 =	vmul.f32 v20, v10;
	v10 =	vadd.s32 $0x2800, v2  }
0x4cb: {  	v17 =	vld.idx.msk [tilespmem:v15+s31+$0x0], $0xffff;
	v4 =	vadd.s32 v12, v4  }
0x4cc: {  	v12 =	vld.idx.msk [tilespmem:v11+s31+$0x0], $0xffff;
	v6 =	vmul.f32 v18, v6  }
0x4cd: {  	v19 =	vld.idx.msk [tilespmem:v8+s31+$0x0], $0xffff  }
0x4ce: {  	[tilespmem:v3+s5+$0x0] =	vst.idx.add.f32.msk $0xffff, v6  }
0x4cf: {  	v6 =	vld.idx.msk [tilespmem:v10+s26+$0x0], $0xffff  }
0x4d0: {  	v20 =	vld.idx.msk [tilespmem:v4+s31+$0x0], $0xffff  }
0x4d1: {  	v23 =	vor.u32 $0x1, v3;
	v21 =	vld.idx.msk [tilespmem:v5+s31+$0x0], $0xffff  }
0x4d2: {  	v22 =	vld.idx.msk [tilespmem:v15+s26+$0x0], $0xffff;
	v13 =	vmul.f32 v13, v14  }
0x4d3: {  	v25 =	vadd.s32 $0x5000, v2;
	v24 =	vld.idx.msk [tilespmem:v11+s26+$0x0], $0xffff;
	v17 =	vmul.f32 v17, v7;
	v12 =	vmul.f32 v12, v16  }
0x4d4: {  	s0 =	simm.s32 $0x1060;
	v14 =	vld.idx.msk [tilespmem:v9+s26+$0x0], $0xffff;
	v10 =	vshll.u32 v8, $0x2;
	v7 =	vshll.u32 v4, $0x2;
	v4 =	vmul.f32 v6, v18  }
0x4d5: {  	v8 =	vshll.u32 v5, $0x2;
	v16 =	vmul.f32 v19, v17;
	v5 =	vmul.f32 v20, v12;
	v20 =	vld [tilespmem:s0+$0x10]  }
0x4d6: {  	s12 =	simm.s32 $0x60;
	[tilespmem:v23+s5+$0x0] =	vst.idx.add.f32.msk $0xffff, v4  }
0x4d7: {  	v6 =	vmul.f32 v21, v13;
	v4 =	vmul.f32 v16, v22;
	v22 =	vld [tilespmem:s12+$0x0]  }
0x4d8: {  	v12 =	vadd.s32 $0x2800, v15;
	v17 =	vmul.f32 v5, v24;
	v13 =	vld.idx.msk [tilespmem:v25+s26+$0x0], $0xffff  }
0x4d9: {  	v19 =	vadd.s32 $0x2800, v11;
	[tilespmem:v10+s5+$0x0] =	vst.idx.add.f32.msk $0xffff, v4;
	v4 =	vmul.f32 v6, v14  }
0x4da: {  	v14 =	vadd.s32 $0x2800, v9;
	[tilespmem:v7+s5+$0x0] =	vst.idx.add.f32.msk $0xffff, v17  }
0x4db: {  	[tilespmem:v8+s5+$0x0] =	vst.idx.add.f32.msk $0xffff, v4;
	v4 =	vor.u32 $0x2, v3  }
0x4dc: {  	v2 =	vadd.s32 $0x7800, v2;
	v17 =	vld [tilespmem:s12+$0x10]  }
0x4dd: {  	v12 =	vld.idx.msk [tilespmem:v12+s26+$0x0], $0xffff  }
0x4de: {  	v19 =	vld.idx.msk [tilespmem:v19+s26+$0x0], $0xffff;
	v13 =	vmul.f32 v13, v18  }
0x4df: {  	v24 =	vcvt.s32.f32 v20;
	v14 =	vld.idx.msk [tilespmem:v14+s26+$0x0], $0xffff  }
0x4e0: {  	[tilespmem:v4+s5+$0x0] =	vst.idx.add.f32.msk $0xffff, v13  }
0x4e1: {  	v24 =	vmul.f32 $1.000000050e-03, v24;
	v2 =	vld.idx.msk [tilespmem:v2+s26+$0x0], $0xffff  }
0x4e2: {  	v28 =	vld [tilespmem:s0+$0xFFFFFFF0];
	v4 =	vcvt.s32.f32 v17;
	v13 =	vor.u32 $0x1, v10  }
0x4e3: {  	v21 =	vld [tilespmem:s12+$0xFFFFFFF0];
	v3 =	vor.u32 $0x3, v3;
	v31 =	vcvt.s32.f32 v22;
	v24 =	vtrunc.f32 v24  }
0x4e4: {  	v29 =	vor.u32 $0x1, v8;
	v23 =	vld [tilespmem:s12+$0xFFFFFFE0];
	v12 =	vmul.f32 v12, v16;
	v4 =	vmul.f32 $1.000000050e-03, v4  }
0x4e5: {  	v26 =	vld [tilespmem:s0+$0xFFFFFFE0];
	v62 =	vadd.s32 $0x5000, v11;
	v19 =	vmul.f32 v19, v5;
	v14 =	vmul.f32 v14, v6  }
0x4e6: {  	v30 =	vld [tilespmem:s0+$0x0];
	v25 =	vor.u32 $0x1, v7;
	v4 =	vtrunc.f32 v4;
	v2 =	vmul.f32 v2, v18  }
0x4e7: {  	v27 =	vadd.s32 $0x5000, v15;
	v4 =	vcvt.f32.s32 v4;
	[tilespmem:v13+s5+$0x0] =	vst.idx.add.f32.msk $0xffff, v12;
	v12 =	vmul.f32 $1.000000050e-03, v31  }
0x4e8: {  	v13 =	vadd.s32 $0x5000, v9;
	v18 =	vcvt.s32.f32 v21;
	[tilespmem:v3+s5+$0x0] =	vst.idx.add.f32.msk $0xffff, v2;
	v3 =	vcvt.f32.s32 v24  }
0x4e9: {  	s9 =	simm.s32 $0x10A0;
	[tilespmem:v29+s5+$0x0] =	vst.idx.add.f32.msk $0xffff, v14;
	v14 =	vcvt.s32.f32 v28;
	v4 =	vmul.u32 $0x18, v4;
	v2 =	vcvt.s32.f32 v23  }
0x4ea: {  	v51 =	vld [tilespmem:s9+$0xFFFFFFE0];
	v12 =	vtrunc.f32 v12;
	v18 =	vmul.f32 $1.000000050e-03, v18;
	v3 =	vmul.u32 $0x18, v3  }
0x4eb: {  	[tilespmem:v25+s5+$0x0] =	vst.idx.add.f32.msk $0xffff, v19;
	v24 =	vadd.s32 v17, v4;
	v4 =	vcvt.s32.f32 v26;
	v2 =	vmul.f32 $1.000000050e-03, v2  }
0x4ec: {  	s11 =	simm.s32 $0x2060;
	v19 =	vld.idx.msk [tilespmem:v27+s26+$0x0], $0xffff;
	v12 =	vcvt.f32.s32 v12;
	v17 =	vcvt.s32.f32 v30;
	v3 =	vadd.s32 v20, v3  }
0x4ed: {  	v27 =	vld [tilespmem:s11+$0x10];
	v4 =	vmul.f32 $1.000000050e-03, v4;
	v2 =	vtrunc.f32 v2  }
0x4ee: {  	v44 =	vor.u32 $0x2, v7;
	v18 =	vtrunc.f32 v18;
	v29 =	vld.idx.msk [tilespmem:v13+s26+$0x0], $0xffff;
	v2 =	vcvt.f32.s32 v2  }
0x4ef: {  	v12 =	vmul.u32 $0x18, v12;
	v18 =	vcvt.f32.s32 v18;
	v20 =	vld.idx.msk [tilespmem:v62+s26+$0x0], $0xffff;
	v4 =	vtrunc.f32 v4  }
0x4f0: {  	v17 =	vmul.f32 $1.000000050e-03, v17;
	v25 =	vld.idx.msk [tilespmem:v24+s31+$0x0], $0xffff;
	v4 =	vcvt.f32.s32 v4;
	v2 =	vmul.u32 $0x18, v2  }
0x4f1: {  	v14 =	vmul.f32 $1.000000050e-03, v14;
	v12 =	vadd.s32 v22, v12;
	v18 =	vmul.u32 $0x18, v18;
	v31 =	vld.idx.msk [tilespmem:v3+s31+$0x0], $0xffff  }
0x4f2: {  	v17 =	vtrunc.f32 v17;
	v4 =	vmul.u32 $0x18, v4;
	v13 =	vadd.s32 v23, v2;
	v23 =	vld [tilespmem:s11+$0xFFFFFFE0]  }
0x4f3: {  	v17 =	vcvt.f32.s32 v17;
	v2 =	vtrunc.f32 v14;
	v14 =	vadd.s32 v21, v18;
	v18 =	vld.idx.msk [tilespmem:v24+s26+$0x0], $0xffff  }
0x4f4: {  	v21 =	vld [tilespmem:s11+$0xFFFFFFF0];
	v20 =	vmul.f32 v20, v5;
	v2 =	vcvt.f32.s32 v2;
	v4 =	vadd.s32 v26, v4  }
0x4f5: {  	v26 =	vshll.u32 v3, $0x2;
	v3 =	vmul.u32 $0x18, v17;
	v22 =	vmul.f32 v25, v27;
	v25 =	vld [tilespmem:s11+$0x0]  }
0x4f6: {  	[tilespmem:v44+s5+$0x0] =	vst.idx.add.f32.msk $0xffff, v20  }
0x4f7: {  	v2 =	vmul.u32 $0x18, v2;
	v3 =	vadd.s32 v30, v3;
	v30 =	vld.idx.msk [tilespmem:v12+s31+$0x0], $0xffff  }
0x4f8: {  	v27 =	vadd.s32 $0x2800, v24;
	v17 =	vld.idx.msk [tilespmem:v13+s31+$0x0], $0xffff;
	v22 =	vmul.f32 v31, v22  }
0x4f9: {  	v2 =	vadd.s32 v28, v2;
	v28 =	vld.idx.msk [tilespmem:v14+s31+$0x0], $0xffff  }
0x4fa: {  	v46 =	vld.idx.msk [tilespmem:v13+s26+$0x0], $0xffff;
	v18 =	vmul.f32 v22, v18  }
0x4fb: {  	v31 =	vld.idx.msk [tilespmem:v4+s31+$0x0], $0xffff  }
0x4fc: {  	[tilespmem:v26+s5+$0x0] =	vst.idx.add.f32.msk $0xffff, v18  }
0x4fd: {  	v39 =	vor.u32 $0x2, v8;
	v18 =	vld.idx.msk [tilespmem:v27+s26+$0x0], $0xffff  }
0x4fe: {  	v27 =	vor.u32 $0x2, v10;
	v63 =	vld.idx.msk [tilespmem:v2+s31+$0x0], $0xffff  }
0x4ff: {  	v47 =	vor.u32 $0x1, v26;
	v48 =	vld.idx.msk [tilespmem:v14+s26+$0x0], $0xffff  }
0x500: {  	v49 =	vadd.s32 $0x5000, v24;
	v20 =	vmul.f32 v29, v6;
	v45 =	vld.idx.msk [tilespmem:v3+s31+$0x0], $0xffff;
	v23 =	vmul.f32 v17, v23  }
0x501: {  	v19 =	vmul.f32 v19, v16;
	v40 =	vld.idx.msk [tilespmem:v12+s26+$0x0], $0xffff;
	v17 =	vshll.u32 v4, $0x2;
	v21 =	vmul.f32 v28, v21  }
0x502: {  	[tilespmem:v39+s5+$0x0] =	vst.idx.add.f32.msk $0xffff, v20;
	v4 =	vmul.f32 v31, v23;
	v28 =	vmul.f32 v18, v22;
	v18 =	vshll.u32 v2, $0x2  }
0x503: {  	v15 =	vadd.s32 $0x7800, v15;
	v25 =	vmul.f32 v30, v25;
	[tilespmem:v27+s5+$0x0] =	vst.idx.add.f32.msk $0xffff, v19;
	v2 =	vmul.f32 v63, v21  }
0x504: {  	v23 =	vmul.f32 v4, v46;
	v19 =	vshll.u32 v3, $0x2;
	[tilespmem:v47+s5+$0x0] =	vst.idx.add.f32.msk $0xffff, v28  }
0x505: {  	v21 =	vadd.s32 $0x2800, v13;
	v3 =	vmul.f32 v45, v25;
	v28 =	vmul.f32 v2, v48;
	v25 =	vld.idx.msk [tilespmem:v49+s26+$0x0], $0xffff  }
0x506: {  	v27 =	vadd.s32 $0x2800, v14;
	[tilespmem:v17+s5+$0x0] =	vst.idx.add.f32.msk $0xffff, v23  }
0x507: {  	v23 =	vmul.f32 v3, v40;
	[tilespmem:v18+s5+$0x0] =	vst.idx.add.f32.msk $0xffff, v28;
	v28 =	vor.u32 $0x2, v26  }
0x508: {  	v15 =	vld.idx.msk [tilespmem:v15+s26+$0x0], $0xffff  }
0x509: {  	[tilespmem:v19+s5+$0x0] =	vst.idx.add.f32.msk $0xffff, v23  }
0x50a: {  	v23 =	vadd.s32 $0x7800, v24;
	v21 =	vld.idx.msk [tilespmem:v21+s26+$0x0], $0xffff;
	v25 =	vmul.f32 v25, v22  }
0x50b: {  	v20 =	vadd.s32 $0x2800, v12;
	v24 =	vld.idx.msk [tilespmem:v27+s26+$0x0], $0xffff  }
0x50c: {  	s12 =	simm.s32 $0xA0;
	[tilespmem:v28+s5+$0x0] =	vst.idx.add.f32.msk $0xffff, v25  }
0x50d: {  	v25 =	vld [tilespmem:s12+$0x10]  }
0x50e: {  	v28 =	vld [tilespmem:s12+$0xFFFFFFF0]  }
0x50f: {  	v23 =	vld.idx.msk [tilespmem:v23+s26+$0x0], $0xffff  }
0x510: {  	v20 =	vld.idx.msk [tilespmem:v20+s26+$0x0], $0xffff  }
0x511: {  	v11 =	vadd.s32 $0x7800, v11;
	v26 =	vor.u32 $0x3, v26;
	v27 =	vld [tilespmem:s9+$0x10]  }
0x512: {  	v53 =	vld [tilespmem:s9+$0xFFFFFFF0];
	v9 =	vadd.s32 $0x7800, v9;
	v15 =	vmul.f32 v15, v16;
	v21 =	vmul.f32 v21, v4  }
0x513: {  	v55 =	vld [tilespmem:s9+$0x0];
	v10 =	vor.u32 $0x3, v10;
	v30 =	vcvt.s32.f32 v25;
	v16 =	vcvt.s32.f32 v28  }
0x514: {  	v29 =	vld [tilespmem:s12+$0x0];
	v31 =	vor.u32 $0x1, v17;
	v24 =	vmul.f32 v24, v2;
	v22 =	vmul.f32 v23, v22  }
0x515: {  	v50 =	vld [tilespmem:s12+$0xFFFFFFE0];
	v23 =	vor.u32 $0x1, v18;
	v30 =	vmul.f32 $1.000000050e-03, v30;
	v16 =	vmul.f32 $1.000000050e-03, v16  }
0x516: {  	v52 =	vor.u32 $0x1, v19;
	v20 =	vmul.f32 v20, v3;
	[tilespmem:v26+s5+$0x0] =	vst.idx.add.f32.msk $0xffff, v22;
	v22 =	vcvt.s32.f32 v27  }
0x517: {  	v56 =	vadd.s32 $0x5000, v12;
	v57 =	vld.idx.msk [tilespmem:v11+s26+$0x0], $0xffff;
	v30 =	vtrunc.f32 v30;
	v16 =	vtrunc.f32 v16  }
0x518: {  	[tilespmem:v10+s5+$0x0] =	vst.idx.add.f32.msk $0xffff, v15;
	v26 =	vadd.s32 $0x5000, v13;
	v22 =	vmul.f32 $1.000000050e-03, v22;
	v30 =	vcvt.f32.s32 v30  }
0x519: {  	v54 =	vadd.s32 $0x5000, v14;
	[tilespmem:v31+s5+$0x0] =	vst.idx.add.f32.msk $0xffff, v21;
	v21 =	vcvt.s32.f32 v29;
	v16 =	vcvt.f32.s32 v16  }
0x51a: {  	[tilespmem:v23+s5+$0x0] =	vst.idx.add.f32.msk $0xffff, v24;
	v24 =	vcvt.s32.f32 v50;
	v22 =	vtrunc.f32 v22;
	v23 =	vmul.u32 $0x18, v30  }
0x51b: {  	v31 =	vcvt.s32.f32 v55;
	[tilespmem:v52+s5+$0x0] =	vst.idx.add.f32.msk $0xffff, v20;
	v20 =	vcvt.f32.s32 v22  }
0x51c: {  	v34 =	vld.idx.msk [tilespmem:v56+s26+$0x0], $0xffff;
	v15 =	vmul.u32 $0x18, v16;
	v24 =	vmul.f32 $1.000000050e-03, v24;
	v23 =	vadd.s32 v25, v23  }
0x51d: {  	v21 =	vmul.f32 $1.000000050e-03, v21;
	v22 =	vld.idx.msk [tilespmem:v26+s26+$0x0], $0xffff;
	v25 =	vcvt.s32.f32 v51;
	v20 =	vmul.u32 $0x18, v20  }
0x51e: {  	v30 =	vcvt.s32.f32 v53;
	v26 =	vld.idx.msk [tilespmem:v54+s26+$0x0], $0xffff;
	v28 =	vadd.s32 v28, v15;
	v24 =	vtrunc.f32 v24  }
0x51f: {  	s10 =	simm.s32 $0x20A0;
	v11 =	vadd.s32 v27, v20;
	v20 =	vmul.f32 $1.000000050e-03, v25;
	v25 =	vld.idx.msk [tilespmem:v9+s26+$0x0], $0xffff;
	v9 =	vcvt.f32.s32 v24  }
0x520: {  	v21 =	vtrunc.f32 v21;
	v16 =	vmul.f32 $1.000000050e-03, v31;
	v27 =	vld [tilespmem:s10+$0x10]  }
0x521: {  	v21 =	vcvt.f32.s32 v21;
	v30 =	vmul.f32 $1.000000050e-03, v30;
	v24 =	vld.idx.msk [tilespmem:v23+s31+$0x0], $0xffff;
	v9 =	vmul.u32 $0x18, v9  }
0x522: {  	v15 =	vtrunc.f32 v16;
	v20 =	vtrunc.f32 v20;
	v16 =	vld.idx.msk [tilespmem:v23+s26+$0x0], $0xffff  }
0x523: {  	v43 =	vld.idx.msk [tilespmem:v28+s26+$0x0], $0xffff;
	v10 =	vcvt.f32.s32 v20;
	v58 =	vadd.s32 v50, v9  }
0x524: {  	v15 =	vcvt.f32.s32 v15;
	v20 =	vmul.u32 $0x18, v21;
	v9 =	vtrunc.f32 v30;
	v30 =	vld [tilespmem:s10+$0xFFFFFFE0]  }
0x525: {  	v31 =	vld.idx.msk [tilespmem:v11+s31+$0x0], $0xffff;
	v10 =	vmul.u32 $0x18, v10  }
0x526: {  	v21 =	vshll.u32 v11, $0x2;
	v59 =	vadd.s32 v29, v20;
	v29 =	vld [tilespmem:s10+$0xFFFFFFF0];
	v11 =	vmul.u32 $0x18, v15  }
0x527: {  	v9 =	vcvt.f32.s32 v9;
	v10 =	vadd.s32 v51, v10;
	v20 =	vmul.f32 v24, v27;
	v24 =	vld [tilespmem:s10+$0x0]  }
0x528: {  	v11 =	vadd.s32 v55, v11;
	v15 =	vld.idx.msk [tilespmem:v58+s31+$0x0], $0xffff  }
0x529: {  	v9 =	vmul.u32 $0x18, v9;
	v41 =	vld.idx.msk [tilespmem:v58+s26+$0x0], $0xffff  }
0x52a: {  	v27 =	vadd.s32 $0x2800, v23;
	v20 =	vmul.f32 v31, v20;
	v31 =	vld.idx.msk [tilespmem:v28+s31+$0x0], $0xffff  }
0x52b: {  	v9 =	vadd.s32 v53, v9;
	v60 =	vld.idx.msk [tilespmem:v59+s31+$0x0], $0xffff  }
0x52c: {  	v16 =	vmul.f32 v20, v16;
	v33 =	vld.idx.msk [tilespmem:v10+s31+$0x0], $0xffff  }
0x52d: {  	v61 =	vor.u32 $0x2, v18;
	v37 =	vld.idx.msk [tilespmem:v11+s31+$0x0], $0xffff  }
0x52e: {  	v45 =	vor.u32 $0x2, v19;
	[tilespmem:v21+s5+$0x0] =	vst.idx.add.f32.msk $0xffff, v16  }
0x52f: {  	v44 =	vadd.s32 $0x5000, v23;
	v15 =	vmul.f32 v15, v30;
	v16 =	vld.idx.msk [tilespmem:v27+s26+$0x0], $0xffff;
	v27 =	vor.u32 $0x2, v17  }
0x530: {  	v26 =	vmul.f32 v26, v2;
	v42 =	vor.u32 $0x1, v21;
	v46 =	vshll.u32 v10, $0x2;
	v35 =	vld.idx.msk [tilespmem:v9+s31+$0x0], $0xffff  }
0x531: {  	v48 =	vshll.u32 v11, $0x2;
	v11 =	vmul.f32 v34, v3;
	v30 =	vld.idx.msk [tilespmem:v59+s26+$0x0], $0xffff;
	v33 =	vmul.f32 v33, v15  }
0x532: {  	v22 =	vmul.f32 v22, v4;
	[tilespmem:v61+s5+$0x0] =	vst.idx.add.f32.msk $0xffff, v26;
	v47 =	vshll.u32 v9, $0x2;
	v9 =	vmul.f32 v60, v24  }
0x533: {  	[tilespmem:v45+s5+$0x0] =	vst.idx.add.f32.msk $0xffff, v11;
	v10 =	vmul.f32 v31, v29;
	v15 =	vmul.f32 v33, v41  }
0x534: {  	v62 =	vadd.s32 $0x7800, v13;
	v9 =	vmul.f32 v37, v9;
	v16 =	vmul.f32 v16, v20;
	[tilespmem:v27+s5+$0x0] =	vst.idx.add.f32.msk $0xffff, v22  }
0x535: {  	v7 =	vor.u32 $0x3, v7;
	v8 =	vor.u32 $0x3, v8;
	v13 =	vadd.s32 $0x7800, v14;
	[tilespmem:v46+s5+$0x0] =	vst.idx.add.f32.msk $0xffff, v15  }
0x536: {  	v10 =	vmul.f32 v35, v10;
	v29 =	vmul.f32 v9, v30;
	[tilespmem:v42+s5+$0x0] =	vst.idx.add.f32.msk $0xffff, v16;
	v16 =	vadd.s32 $0x2800, v58  }
0x537: {  	v14 =	vor.u32 $0x3, v17;
	v63 =	vadd.s32 $0x7800, v23;
	v24 =	vadd.s32 $0x2800, v28;
	v22 =	vld.idx.msk [tilespmem:v44+s26+$0x0], $0xffff  }
0x538: {  	v6 =	vmul.f32 v25, v6;
	v27 =	vadd.s32 $0x2800, v59;
	v26 =	vmul.f32 v10, v43;
	[tilespmem:v48+s5+$0x0] =	vst.idx.add.f32.msk $0xffff, v29  }
0x539: {  	v23 =	vadd.s32 $0x5000, v28;
	v32 =	vor.u32 $0x1, v48;
	v31 =	vor.u32 $0x2, v21;
	v37 =	vld.idx.msk [tilespmem:v62+s26+$0x0], $0xffff  }
0x53a: {  	v25 =	vor.u32 $0x3, v47;
	v11 =	vor.u32 $0x3, v19;
	v19 =	vadd.s32 $0x7800, v58;
	[tilespmem:v47+s5+$0x0] =	vst.idx.add.f32.msk $0xffff, v26  }
0x53b: {  	v17 =	vor.u32 $0x2, v46;
	v28 =	vadd.s32 $0x7800, v28;
	v30 =	vor.u32 $0x1, v46;
	v34 =	vld.idx.msk [tilespmem:v16+s26+$0x0], $0xffff  }
0x53c: {  	v15 =	vadd.s32 $0x7800, v12;
	v12 =	vor.u32 $0x3, v18;
	v35 =	vld.idx.msk [tilespmem:v24+s26+$0x0], $0xffff;
	v22 =	vmul.f32 v22, v20  }
0x53d: {  	v29 =	vor.u32 $0x1, v47;
	v18 =	vor.u32 $0x2, v48;
	v26 =	vadd.s32 $0x5000, v58;
	v36 =	vld.idx.msk [tilespmem:v27+s26+$0x0], $0xffff  }
0x53e: {  	v24 =	vadd.s32 $0x5000, v59;
	v27 =	vadd.s32 $0x7800, v59;
	v16 =	vor.u32 $0x2, v47;
	[tilespmem:v31+s5+$0x0] =	vst.idx.add.f32.msk $0xffff, v22  }
0x53f: {  	s11 =	simm.s32 $0x8;
	s12 =	simm.s32 $0xE0;
	v22 =	vmul.f32 v57, v5;
	v31 =	vor.u32 $0x3, v46;
	v5 =	vor.u32 $0x3, v48;
	v38 =	vld.idx.msk [tilespmem:v63+s26+$0x0], $0xffff  }
.LBB2_12:
0x540: {  	v39 =	vld [tilespmem:s12+$0x10];
	s11 =	sadd.s32 $0x4, s11;
	v34 =	vmul.f32 v34, v33  }
0x541: {  	v35 =	vmul.f32 v35, v10;
	v21 =	vor.u32 $0x3, v21;
	s9 =	sadd.s32 $0x40, s9;
	v40 =	vld [tilespmem:s12+$0xFFFFFFF0];
	p1 =	slt.u32 s11, $0x78  }
0x542: {  	v36 =	vmul.f32 v36, v9;
	v41 =	vld [tilespmem:s9+$0x10]  }
0x543: {  	v42 =	vld [tilespmem:s12+$0x0]  }
0x544: {  	v20 =	vmul.f32 v38, v20;
	v43 =	vld [tilespmem:s12+$0xFFFFFFE0]  }
0x545: {  	v37 =	vmul.f32 v37, v4;
	v4 =	vmov v33;
	v38 =	vld [tilespmem:s9+$0xFFFFFFE0];
	v44 =	vcvt.s32.f32 v39  }
0x546: {  	v33 =	vcvt.s32.f32 v40;
	[tilespmem:v21+s5+$0x0] =	vst.idx.add.f32.msk $0xffff, v20  }
0x547: {  	v20 =	vld [tilespmem:s9+$0xFFFFFFF0];
	v21 =	vmul.f32 $1.000000050e-03, v44;
	v44 =	vcvt.s32.f32 v41  }
0x548: {  	v33 =	vmul.f32 $1.000000050e-03, v33;
	v45 =	vcvt.s32.f32 v42;
	v46 =	vld [tilespmem:s9+$0x0]  }
0x549: {  	v21 =	vtrunc.f32 v21;
	v44 =	vmul.f32 $1.000000050e-03, v44;
	[tilespmem:v30+s5+$0x0] =	vst.idx.add.f32.msk $0xffff, v34  }
0x54a: {  	v30 =	vcvt.s32.f32 v43;
	v21 =	vcvt.f32.s32 v21;
	[tilespmem:v29+s5+$0x0] =	vst.idx.add.f32.msk $0xffff, v35  }
0x54b: {  	v29 =	vmul.f32 $1.000000050e-03, v45;
	v34 =	vtrunc.f32 v44;
	[tilespmem:v32+s5+$0x0] =	vst.idx.add.f32.msk $0xffff, v36  }
0x54c: {  	v30 =	vmul.f32 $1.000000050e-03, v30;
	v21 =	vmul.u32 $0x18, v21;
	v32 =	vcvt.f32.s32 v34;
	v35 =	vld.idx.msk [tilespmem:v26+s26+$0x0], $0xffff  }
0x54d: {  	v26 =	vcvt.s32.f32 v38;
	v36 =	vcvt.s32.f32 v20;
	v44 =	vld.idx.msk [tilespmem:v23+s26+$0x0], $0xffff  }
0x54e: {  	v23 =	vcvt.s32.f32 v46;
	v34 =	vadd.s32 v39, v21;
	v21 =	vmul.u32 $0x18, v32;
	v39 =	vld.idx.msk [tilespmem:v24+s26+$0x0], $0xffff  }
0x54f: {  	v24 =	vtrunc.f32 v30;
	v30 =	vtrunc.f32 v33;
	v33 =	vld.idx.msk [tilespmem:v13+s26+$0x0], $0xffff;
	v13 =	vmov v28  }
0x550: {  	v26 =	vmul.f32 $1.000000050e-03, v26;
	v28 =	vtrunc.f32 v29;
	v21 =	vadd.s32 v41, v21;
	v41 =	vld.idx.msk [tilespmem:v15+s26+$0x0], $0xffff;
	v15 =	vmovc v27  }
0x551: {  	v23 =	vmul.f32 $1.000000050e-03, v23;
	v27 =	vmul.f32 $1.000000050e-03, v36;
	[tilespmem:v14+s5+$0x0] =	vst.idx.add.f32.msk $0xffff, v37;
	v14 =	vmov v31  }
0x552: {  	v24 =	vcvt.f32.s32 v24;
	v29 =	vcvt.f32.s32 v30;
	[tilespmem:v7+s5+$0x0] =	vst.idx.add.f32.msk $0xffff, v22;
	v7 =	vmovc v12;
	v12 =	vmov v25  }
0x553: {  	s10 =	sadd.s32 $0x40, s10;
	v22 =	vtrunc.f32 v26;
	v25 =	vcvt.f32.s32 v28;
	v26 =	vld.idx.msk [tilespmem:v34+s31+$0x0], $0xffff  }
0x554: {  	v24 =	vmul.u32 $0x18, v24;
	v23 =	vtrunc.f32 v23;
	v27 =	vtrunc.f32 v27;
	v28 =	vld [tilespmem:s10+$0x10]  }
0x555: {  	v29 =	vmul.u32 $0x18, v29;
	v22 =	vcvt.f32.s32 v22;
	v25 =	vmul.u32 $0x18, v25;
	v30 =	vld.idx.msk [tilespmem:v21+s31+$0x0], $0xffff  }
0x556: {  	v23 =	vcvt.f32.s32 v23;
	v31 =	vadd.s32 v43, v24;
	v24 =	vcvt.f32.s32 v27;
	v36 =	vld [tilespmem:s10+$0xFFFFFFE0]  }
0x557: {  	v37 =	vadd.s32 v40, v29;
	v22 =	vmul.u32 $0x18, v22;
	v40 =	vadd.s32 v42, v25;
	v25 =	vld.idx.msk [tilespmem:v34+s26+$0x0], $0xffff  }
0x558: {  	v23 =	vmul.u32 $0x18, v23;
	v24 =	vmul.u32 $0x18, v24;
	v42 =	vadd.s32 $0x2800, v31;
	v27 =	vld [tilespmem:s10+$0xFFFFFFF0]  }
0x559: {  	v22 =	vadd.s32 v38, v22;
	v38 =	vadd.s32 $0x2800, v37;
	v43 =	vld [tilespmem:s10+$0x0];
	v26 =	vmul.f32 v26, v28  }
0x55a: {  	v21 =	vshll.u32 v21, $0x2;
	v45 =	vadd.s32 v46, v23;
	v28 =	vadd.s32 v20, v24;
	[tilespmem:v8+s5+$0x0] =	vst.idx.add.f32.msk $0xffff, v6  }
0x55b: {  	v47 =	vadd.s32 $0x2800, v34;
	v46 =	vshll.u32 v22, $0x2;
	v8 =	vmovc v11;
	v11 =	vmovc v5;
	v6 =	vld.idx.msk [tilespmem:v31+s31+$0x0], $0xffff;
	v20 =	vmul.f32 v30, v26  }
0x55c: {  	v49 =	vshll.u32 v45, $0x2;
	v50 =	vadd.s32 $0x2800, v40;
	v48 =	vshll.u32 v28, $0x2;
	v5 =	vld.idx.msk [tilespmem:v37+s31+$0x0], $0xffff  }
0x55d: {  	v30 =	vor.u32 $0x1, v46;
	v29 =	vor.u32 $0x1, v48;
	v51 =	vld.idx.msk [tilespmem:v40+s31+$0x0], $0xffff;
	v25 =	vmul.f32 v20, v25  }
0x55e: {  	v23 =	vadd.s32 $0x5000, v37;
	v32 =	vor.u32 $0x1, v49;
	v26 =	vadd.s32 $0x5000, v31;
	v52 =	vld.idx.msk [tilespmem:v22+s31+$0x0], $0xffff  }
0x55f: {  	v35 =	vmul.f32 v35, v4;
	v44 =	vmul.f32 v44, v10;
	v24 =	vadd.s32 $0x5000, v40;
	[tilespmem:v21+s5+$0x0] =	vst.idx.add.f32.msk $0xffff, v25  }
0x560: {  	v39 =	vmul.f32 v39, v9;
	v53 =	vor.u32 $0x2, v46;
	v54 =	vor.u32 $0x2, v48;
	v47 =	vld.idx.msk [tilespmem:v47+s26+$0x0], $0xffff  }
0x561: {  	v55 =	vadd.s32 $0x7800, v31;
	v56 =	vor.u32 $0x2, v49;
	v6 =	vmul.f32 v6, v36;
	v36 =	vld.idx.msk [tilespmem:v28+s31+$0x0], $0xffff  }
0x562: {  	v57 =	vmul.f32 v5, v27;
	v28 =	vadd.s32 $0x7800, v37;
	v27 =	vadd.s32 $0x7800, v40;
	v45 =	vld.idx.msk [tilespmem:v45+s31+$0x0], $0xffff  }
0x563: {  	v22 =	vmul.f32 v33, v2;
	v2 =	vmovc v10;
	v43 =	vmul.f32 v51, v43;
	v51 =	vor.u32 $0x1, v21;
	v58 =	vld.idx.msk [tilespmem:v31+s26+$0x0], $0xffff  }
0x564: {  	v33 =	vmul.f32 v52, v6;
	v52 =	vadd.s32 $0x5000, v34;
	v6 =	vmul.f32 v41, v3;
	v3 =	vmovc v9;
	v37 =	vld.idx.msk [tilespmem:v37+s26+$0x0], $0xffff  }
0x565: {  	v25 =	vor.u32 $0x3, v48;
	v5 =	vor.u32 $0x3, v49;
	v31 =	vor.u32 $0x3, v46;
	v40 =	vld.idx.msk [tilespmem:v40+s26+$0x0], $0xffff  }
0x566: {  	v41 =	vmul.f32 v47, v20;
	[tilespmem:v17+s5+$0x0] =	vst.idx.add.f32.msk $0xffff, v35;
	v17 =	vmov v53  }
0x567: {  	v10 =	vmul.f32 v36, v57;
	[tilespmem:v16+s5+$0x0] =	vst.idx.add.f32.msk $0xffff, v44;
	v16 =	vmov v54  }
0x568: {  	v9 =	vmul.f32 v45, v43;
	[tilespmem:v51+s5+$0x0] =	vst.idx.add.f32.msk $0xffff, v41  }
0x569: {  	v35 =	vmul.f32 v33, v58;
	v36 =	vld.idx.msk [tilespmem:v52+s26+$0x0], $0xffff  }
0x56a: {  	v37 =	vmul.f32 v10, v37;
	[tilespmem:v18+s5+$0x0] =	vst.idx.add.f32.msk $0xffff, v39;
	v18 =	vmov v56  }
0x56b: {  	[tilespmem:v46+s5+$0x0] =	vst.idx.add.f32.msk $0xffff, v35;
	v35 =	vmul.f32 v9, v40  }
0x56c: {  	[tilespmem:v48+s5+$0x0] =	vst.idx.add.f32.msk $0xffff, v37;
	v37 =	vor.u32 $0x2, v21  }
0x56d: {  	v39 =	vadd.s32 $0x7800, v34;
	[tilespmem:v49+s5+$0x0] =	vst.idx.add.f32.msk $0xffff, v35  }
0x56e: {  	v34 =	vld.idx.msk [tilespmem:v42+s26+$0x0], $0xffff  }
.Ltmp7:
0x56f: {  	v35 =	vld.idx.msk [tilespmem:v38+s26+$0x0], $0xffff;
	v38 =	vmul.f32 v36, v20;
	(pc) =	sbr.rel @p1 .LBB2_12-.Ltmp7, $4  }
0x570: {  	v36 =	vld.idx.msk [tilespmem:v50+s26+$0x0], $0xffff  }
0x571: {  	[tilespmem:v37+s5+$0x0] =	vst.idx.add.f32.msk $0xffff, v38  }
0x572: {  	v38 =	vld.idx.msk [tilespmem:v39+s26+$0x0], $0xffff  }
0x573: {  	s12 =	sadd.s32 $0x40, s12;
	v37 =	vld.idx.msk [tilespmem:v19+s26+$0x0], $0xffff;
	v19 =	vmov v55  }
0x574: {  	_ =	sdelay $0x2  }
0x575: {  	v34 =	vmul.f32 v34, v33  }
0x576: {  	v35 =	vmul.f32 v35, v10;
	v13 =	vld.idx.msk [tilespmem:v13+s26+$0x0], $0xffff  }
0x577: {  	[tilespmem:v30+s5+$0x0] =	vst.idx.add.f32.msk $0xffff, v34  }
0x578: {  	[tilespmem:v29+s5+$0x0] =	vst.idx.add.f32.msk $0xffff, v35  }
0x579: {  	v21 =	vor.u32 $0x3, v21;
	v48 =	vmul.f32 v36, v9;
	v49 =	vld.idx.msk [tilespmem:v26+s26+$0x0], $0xffff  }
0x57a: {  	v50 =	vld.idx.msk [tilespmem:v23+s26+$0x0], $0xffff  }
0x57b: {  	[tilespmem:v32+s5+$0x0] =	vst.idx.add.f32.msk $0xffff, v48  }
0x57c: {  	v20 =	vmul.f32 v38, v20;
	v51 =	vld.idx.msk [tilespmem:v24+s26+$0x0], $0xffff  }
0x57d: {  	v15 =	vld.idx.msk [tilespmem:v15+s26+$0x0], $0xffff;
	v4 =	vmul.f32 v37, v4  }
0x57e: {  	[tilespmem:v21+s5+$0x0] =	vst.idx.add.f32.msk $0xffff, v20;
	v21 =	vmul.f32 v49, v33  }
0x57f: {  	[tilespmem:v14+s5+$0x0] =	vst.idx.add.f32.msk $0xffff, v4;
	v52 =	vmul.f32 v50, v10  }
0x580: {  	[tilespmem:v17+s5+$0x0] =	vst.idx.add.f32.msk $0xffff, v21  }
0x581: {  	v53 =	vmul.f32 v51, v9;
	[tilespmem:v16+s5+$0x0] =	vst.idx.add.f32.msk $0xffff, v52  }
0x582: {  	v17 =	vld.idx.msk [tilespmem:v19+s26+$0x0], $0xffff  }
0x583: {  	[tilespmem:v18+s5+$0x0] =	vst.idx.add.f32.msk $0xffff, v53  }
0x584: {  	v4 =	vld.idx.msk [tilespmem:v28+s26+$0x0], $0xffff  }
0x585: {  	v14 =	vld.idx.msk [tilespmem:v27+s26+$0x0], $0xffff  }
0x586: {  	[tilespmem:v7+s5+$0x0] =	vst.idx.add.f32.msk $0xffff, v22;
	v2 =	vmul.f32 v13, v2  }
0x587: {  	[tilespmem:v8+s5+$0x0] =	vst.idx.add.f32.msk $0xffff, v6;
	v3 =	vmul.f32 v15, v3  }
0x588: {  	[tilespmem:v12+s5+$0x0] =	vst.idx.add.f32.msk $0xffff, v2;
	v54 =	vmul.f32 v17, v33  }
0x589: {  	[tilespmem:v11+s5+$0x0] =	vst.idx.add.f32.msk $0xffff, v3;
	v2 =	vmul.f32 v4, v10  }
0x58a: {  	v3 =	vmul.f32 v14, v9;
	[tilespmem:v31+s5+$0x0] =	vst.idx.add.f32.msk $0xffff, v54  }
0x58b: {  	[tilespmem:v25+s5+$0x0] =	vst.idx.add.f32.msk $0xffff, v2  }
0x58c: {  	[tilespmem:v5+s5+$0x0] =	vst.idx.add.f32.msk $0xffff, v3  }
0x58d: {  	v2 =	vld [tilespmem:$0x7C0];
	_ =	sdelay $0x1  }
0x58e: {  	v3 =	vld [tilespmem:$0x17C0];
	_ =	sdelay $0x2  }
0x58f: {  	v55 =	vcvt.s32.f32 v2;
	_ =	sdelay $0x1  }
0x590: {  	v56 =	vcvt.s32.f32 v3;
	v4 =	vmul.f32 $1.000000050e-03, v55;
	_ =	sdelay $0x1  }
0x591: {  	v5 =	vmul.f32 $1.000000050e-03, v56;
	v4 =	vtrunc.f32 v4  }
0x592: {  	v4 =	vcvt.f32.s32 v4  }
0x593: {  	v5 =	vtrunc.f32 v5  }
0x594: {  	v5 =	vcvt.f32.s32 v5;
	v4 =	vmul.u32 $0x18, v4;
	_ =	sdelay $0x1  }
0x595: {  	v57 =	vmul.u32 $0x18, v5;
	v2 =	vadd.s32 v2, v4;
	_ =	sdelay $0x1  }
0x596: {  	v3 =	vadd.s32 v3, v57;
	_ =	sdelay $0x1  }
0x597: {  	v58 =	vld [tilespmem:$0x27C0]  }
0x598: {  	v59 =	vld.idx.msk [tilespmem:v2+s31+$0x0], $0xffff;
	_ =	sdelay $0x1  }
0x599: {  	v6 =	vld.idx.msk [tilespmem:v3+s31+$0x0], $0xffff;
	_ =	sdelay $0x1  }
0x59a: {  	v7 =	vld.idx.msk [tilespmem:v2+s26+$0x0], $0xffff  }
0x59b: {  	v4 =	vmul.f32 v59, v58  }
0x59c: {  	v3 =	vshll.u32 v3, $0x2  }
0x59d: {  	v60 =	vadd.s32 $0x2800, v2;
	v4 =	vmul.f32 v6, v4;
	_ =	sdelay $0x1  }
0x59e: {  	v6 =	vmul.f32 v4, v7;
	_ =	sdelay $0x1  }
0x59f: {  	[tilespmem:v3+s5+$0x0] =	vst.idx.add.f32.msk $0xffff, v6  }
0x5a0: {  	v5 =	vld.idx.msk [tilespmem:v60+s26+$0x0], $0xffff;
	_ =	sdelay $0x1  }
0x5a1: {  	v61 =	vor.u32 $0x1, v3  }
0x5a2: {  	v62 =	vadd.s32 $0x5000, v2;
	_ =	sdelay $0x1  }
0x5a3: {  	v5 =	vmul.f32 v5, v4;
	_ =	sdelay $0x1  }
0x5a4: {  	[tilespmem:v61+s5+$0x0] =	vst.idx.add.f32.msk $0xffff, v5  }
0x5a5: {  	v5 =	vld.idx.msk [tilespmem:v62+s26+$0x0], $0xffff;
	_ =	sdelay $0x1  }
0x5a6: {  	v63 =	vor.u32 $0x2, v3  }
0x5a7: {  	v2 =	vadd.s32 $0x7800, v2;
	_ =	sdelay $0x1  }
0x5a8: {  	v5 =	vmul.f32 v5, v4;
	_ =	sdelay $0x1  }
0x5a9: {  	[tilespmem:v63+s5+$0x0] =	vst.idx.add.f32.msk $0xffff, v5  }
0x5aa: {  	v2 =	vld.idx.msk [tilespmem:v2+s26+$0x0], $0xffff;
	_ =	sdelay $0x1  }
0x5ab: {  	v3 =	vor.u32 $0x3, v3  }
.Ltmp8:
0x5ac: {  	_ = 	snop;
	(pc) =	sbr.rel @p0 .LBB2_17-.Ltmp8, $3  }
0x5ad: {  	_ = 	snop  }
0x5ae: {  	v2 =	vmul.f32 v2, v4;
	_ =	sdelay $0x1  }
0x5af: {  	s10 =	rddreg [dreg:$0xc];
	[tilespmem:v3+s5+$0x0] =	vst.idx.add.f32.msk $0xffff, v2  }
0x5b0: {  	s2 =	smov.u32 s25  }
0x5b1: {  	s4 =	smov.u32 s24;
	s3 =	smov.u32 s22;
	s30 =	smov.u32 s21  }
0x5b2: {  	s7 =	smov.u32 s20;
	s25 =	smov.u32 s14;
	s24 =	smov.u32 s13  }
0x5b3: {  	s10 =	sadd.s32 $0x30, s23;
	s11 =	simm.s32 $0x0;
	s20 =	simm.s32 $0x10  }
0x5b4: {  	s14 =	simm.s32 $0x20;
	s12 =	sadd.s32 $0xFFFFFFF0, s10;
	s9 =	sadd.s32 $0xFFFFFFD0, s10;
	v7 =	vor.u32 s10, v1  }
0x5b5: {  	s21 =	sadd.s32 $0xFFFFFFE0, s10;
	s11 =	sand.u32 $0x40, s11;
	v3 =	vor.u32 s12, v1;
	v4 =	vor.u32 s9, v1;
	s9 =	sand.u32 $0x1FF80, s9;
	v7 =	vshrl.u32 v7, $0x2  }
0x5b6: {  	v2 =	vand.u32 $0x3, v1;
	s13 =	sand.u32 $0x50, s20;
	s22 =	sand.u32 $0x1FF80, s21;
	v3 =	vshrl.u32 v3, $0x2;
	s11 =	sor.u32 s11, s9  }
0x5b7: {  	v2 =	vmul.u32 $0x2800, v2;
	v5 =	vor.u32 s21, v1;
	s12 =	sand.u32 $0x1FF80, s12;
	v4 =	vshrl.u32 v4, $0x2;
	s9 =	sor.u32 s13, s22;
	s13 =	sand.u32 $0x60, s14;
	v14 =	vld [tilespmem:s11+$0xF800]  }
0x5b8: {  	s0 =	smov.u32 s16;
	v5 =	vshrl.u32 v5, $0x2;
	v17 =	vld [tilespmem:s9+$0xF800];
	s16 =	sor.u32 s13, s12  }
0x5b9: {  	v10 =	vadd.s32 v2, v7;
	v12 =	vld [tilespmem:s16+$0xF800]  }
0x5ba: {  	v6 =	vadd.s32 v2, v3;
	v7 =	vld.idx.msk [tilespmem:v7+s31+$0x0], $0xffff  }
0x5bb: {  	s14 =	sadd.s32 $0x70, s23;
	v8 =	vadd.s32 v2, v4;
	v3 =	vld.idx.msk [tilespmem:v3+s31+$0x0], $0xffff  }
0x5bc: {  	s6 =	smov.u32 s18;
	v9 =	vadd.s32 v2, v5;
	s18 =	sadd.s32 $0xFFFFFFD0, s14;
	v4 =	vld.idx.msk [tilespmem:v4+s31+$0x0], $0xffff  }
0x5bd: {  	v13 =	vor.u32 s18, v1;
	v11 =	vld.idx.msk [tilespmem:v5+s31+$0x0], $0xffff  }
0x5be: {  	s29 =	smov.u32 s8;
	s1 =	smov.u32 s17;
	v13 =	vshrl.u32 v13, $0x2;
	v16 =	vld.idx.msk [tilespmem:v10+s26+$0x0], $0xffff  }
0x5bf: {  	s8 =	smov.u32 s15;
	s15 =	simm.s32 $0x30;
	s17 =	sadd.s32 $0xFFFFFFF0, s14;
	v6 =	vld.idx.msk [tilespmem:v6+s26+$0x0], $0xffff  }
0x5c0: {  	s28 =	smov.u32 s19;
	s10 =	sand.u32 $0x1FF80, s10;
	s12 =	sand.u32 $0x70, s15;
	v5 =	vor.u32 s17, v1;
	v8 =	vld.idx.msk [tilespmem:v8+s26+$0x0], $0xffff  }
0x5c1: {  	s20 =	simm.s32 $0x50;
	s21 =	sadd.s32 $0xFFFFFFE0, s14;
	s13 =	sor.u32 s12, s10;
	v15 =	vshrl.u32 v5, $0x2;
	v9 =	vld.idx.msk [tilespmem:v9+s26+$0x0], $0xffff  }
0x5c2: {  	s19 =	simm.s32 $0x40;
	s22 =	sand.u32 $0x1FF80, s21;
	s12 =	sand.u32 $0x50, s20;
	v10 =	vor.u32 s21, v1;
	v5 =	vld [tilespmem:s13+$0xF800];
	v18 =	vadd.s32 v2, v15;
	v3 =	vmul.f32 v3, v3  }
0x5c3: {  	s15 =	sand.u32 $0x1FF80, s18;
	s10 =	sand.u32 $0x40, s19;
	s12 =	sor.u32 s12, s22;
	v20 =	vshrl.u32 v10, $0x2;
	v10 =	vor.u32 s14, v1;
	v21 =	vmul.f32 v4, v4;
	v4 =	vld.idx.msk [tilespmem:v13+s31+$0x0], $0xffff  }
0x5c4: {  	s10 =	sor.u32 s10, s15;
	v22 =	vmul.f32 v11, v11;
	v11 =	vshrl.u32 v10, $0x2;
	v19 =	vmul.f32 v6, v3;
	v6 =	vld [tilespmem:s12+$0xF800]  }
0x5c5: {  	v7 =	vmul.f32 v7, v7;
	v10 =	vadd.s32 v2, v13;
	v3 =	vld [tilespmem:s10+$0xF800]  }
0x5c6: {  	s20 =	simm.s32 $0x70;
	s15 =	simm.s32 $0x4;
	s22 =	simm.s32 $0x60;
	v21 =	vmul.f32 v8, v21;
	v22 =	vmul.f32 v9, v22;
	v19 =	vadd.f32 v19, v12;
	v12 =	vld.idx.msk [tilespmem:v15+s31+$0x0], $0xffff  }
0x5c7: {  	s18 =	sand.u32 $0x60, s22;
	s21 =	sand.u32 $0x70, s20;
	s14 =	sand.u32 $0x1FF80, s14;
	v9 =	vadd.s32 v2, v20;
	v8 =	vadd.s32 v2, v11;
	v13 =	vld.idx.msk [tilespmem:v18+s26+$0x0], $0xffff;
	v15 =	vmul.f32 v16, v7  }
0x5c8: {  	s17 =	sand.u32 $0x1FF80, s17;
	s14 =	sor.u32 s21, s14;
	v7 =	vld.idx.msk [tilespmem:v20+s31+$0x0], $0xffff;
	v16 =	vadd.f32 v21, v14;
	v14 =	vadd.f32 v22, v17;
	[tilespmem:s16+$0xF800] =	vst v19;
	s16 =	simm.s32 $0xB0  }
.LBB2_15:
0x5c9: {  	s19 =	sadd.s32 s16, s23;
	s15 =	sadd.s32 $0x4, s15;
	s18 =	sor.u32 s18, s17;
	v17 =	vld.idx.msk [tilespmem:v11+s31+$0x0], $0xffff;
	v5 =	vadd.f32 v15, v5;
	v18 =	vmov v6  }
0x5ca: {  	s20 =	sadd.s32 $0xFFFFFFD0, s19;
	s17 =	sadd.s32 $0xFFFFFFF0, s19;
	v6 =	vor.u32 s19, v1;
	p1 =	slt.u32 s15, $0x9C;
	v15 =	vld [tilespmem:s18+$0xF800];
	[tilespmem:s11+$0xF800] =	vst v16  }
0x5cb: {  	s21 =	sadd.s32 $0xFFFFFFE0, s16;
	s11 =	sadd.s32 $0xFFFFFFD0, s16;
	s22 =	sadd.s32 $0xFFFFFFE0, s19;
	v11 =	vor.u32 s17, v1;
	v16 =	vld.idx.msk [tilespmem:v10+s26+$0x0], $0xffff;
	v10 =	vmul.f32 v12, v12;
	[tilespmem:s9+$0xF800] =	vst v14  }
0x5cc: {  	v12 =	vor.u32 s20, v1;
	s9 =	sand.u32 $0x1FF80, s20;
	s11 =	sand.u32 $0x40, s11;
	s20 =	sand.u32 $0x1FF80, s22;
	v14 =	vshrl.u32 v11, $0x2;
	v19 =	vld.idx.msk [tilespmem:v9+s26+$0x0], $0xffff;
	[tilespmem:s13+$0xF800] =	vst v5  }
0x5cd: {  	s19 =	sand.u32 $0x1FF80, s19;
	v20 =	vshrl.u32 v12, $0x2;
	v5 =	vor.u32 s22, v1;
	s13 =	sand.u32 $0x50, s21;
	s21 =	sand.u32 $0x70, s16;
	v12 =	vmul.f32 v13, v10;
	v21 =	vld.idx.msk [tilespmem:v8+s26+$0x0], $0xffff  }
0x5ce: {  	s9 =	sor.u32 s11, s9;
	v11 =	vshrl.u32 v6, $0x2;
	v22 =	vshrl.u32 v5, $0x2;
	s13 =	sor.u32 s13, s20;
	v13 =	vadd.s32 v2, v14;
	s19 =	sor.u32 s21, s19;
	v5 =	vld [tilespmem:s14+$0xF800]  }
0x5cf: {  	s11 =	smov.u32 s10;
	v10 =	vadd.s32 v2, v20;
	s10 =	smov.u32 s9;
	v9 =	vadd.s32 v2, v22;
	v23 =	vld [tilespmem:s9+$0xF800];
	v15 =	vadd.f32 v12, v15;
	s9 =	smov.u32 s12  }
.Ltmp9:
0x5d0: {  	v24 =	vmul.f32 v4, v4;
	v7 =	vmul.f32 v7, v7;
	v8 =	vadd.s32 v2, v11;
	s12 =	smov.u32 s13;
	v6 =	vld [tilespmem:s13+$0xF800];
	s13 =	smov.u32 s14;
	(pc) =	sbr.rel @p1 .LBB2_15-.Ltmp9, $4  }
0x5d1: {  	s14 =	smov.u32 s19;
	v12 =	vld.idx.msk [tilespmem:v14+s31+$0x0], $0xffff;
	[tilespmem:s18+$0xF800] =	vst v15;
	v14 =	vmul.f32 v17, v17  }
0x5d2: {  	v16 =	vmul.f32 v16, v24;
	v17 =	vmul.f32 v19, v7;
	v4 =	vld.idx.msk [tilespmem:v20+s31+$0x0], $0xffff  }
0x5d3: {  	s18 =	sadd.s32 $0xFFFFFFF0, s16;
	v13 =	vld.idx.msk [tilespmem:v13+s26+$0x0], $0xffff;
	v15 =	vmul.f32 v21, v14  }
0x5d4: {  	s17 =	sand.u32 $0x1FF80, s17;
	s16 =	sadd.s32 $0x40, s16;
	s18 =	sand.u32 $0x60, s18;
	v16 =	vadd.f32 v16, v3;
	v14 =	vadd.f32 v17, v18;
	v7 =	vld.idx.msk [tilespmem:v22+s31+$0x0], $0xffff;
	v3 =	vmov v23  }
.Ltmp10:
0x5d5: {  	_ = 	snop;
	(pc) =	sbr.rel .LBB2_16-.Ltmp10, $1  }
0x5d6: {  	_ =	sdelay $0x3  }
.LBB2_18:
0x5d7: {  	_ =	sfence.sel $0x180000  }
0x5d8: {  	[bflag:$0x0] =	sbarrier.arrive $0xFFFF  }
0x5d9: {  	_ =	strace $0x9000004A  }
0x5da: {  	s0 =	stileid.u32;
	[bflag:$0x2] =	sbarrier.arrive $0xFFFF  }
0x5db: {  	p0 =	sne.s32 s0, $0x0;
	s0 =	rddreg [dreg:$0x2]  }
0x5dc: {  	s0 =	sadd.s32 @!p0 $0x100000, s0  }
0x5dd: {  	[sflag:s0] =	ssyncadd.tile.s32 @!p0 $0x1;
	_ =	shalt  }
.Lfunc_end2:
_tile_overlayer_lowered:
.L_overlay_start_2:
0x5de: {  	(tag) =	ssettag $0x2  }
0x5df: {  	s0 =	rddreg [dreg:$0x0];
	s2 =	stileid.u32  }
0x5e0: {  	s1 =	rddreg [dreg:$0x1];
	p0 =	sne.s32 s2, $0x0  }
0x5e1: {  	s3 =	rddreg [dreg:$0x2];
	[bflag:$0x3] =	sbarrier.arrive $0xFFFF;
	s2 =	simm.s32 @!p0 $0x1C06  }
0x5e2: {  	[timem:s3], [sflag:s2] =	dma.local @!p0 [hbm:s0], s1  }
0x5e3: {  	s0 =	simm.s32 @!p0 $0x6  }
0x5e4: {  	_ =	swait.ge @!p0 [sflag:s0], s1  }
0x5e5: {  	s1 =	ssub.s32 @!p0 $0x0, s1;
	[sflag:s0] =	ssyncset.done @!p0 $0x0  }
0x5e6: {  	[sflag:s0] =	ssyncadd.s32 @!p0 s1  }
0x5e7: {  	[bflag:$0x3] =	sbarrier.arrive $0xFFFF  }
0x5e8: {  	_ =	shalt  }

// kernel: kernel.7.cloned.1.call-start
scs
__scs_entry_jumppad:
0x0: {  	(pc) =	sbr.rel $0x88, $3  }
0x1: {  	(tag) =	ssettag $0x0;
	lr =	simm.s32 $0x1  }
0x2: {  	[smem:$0x3F98] =	sst lr;
	_ =	strace $0xD0000000  }
0x3: {  	_ = 	snop  }
0x4: {  	_ = 	snop  }
0x5: {  	_ = 	snop  }
0x6: {  	_ = 	snop  }
0x7: {  	_ = 	snop  }
__scs_overlays_trampoline_lowered:
0x8: {  	[smem:$0x3FA7] =	sst s0  }
0x9: {  	[smem:$0x3FA8] =	sst s1  }
0xa: {  	[smem:$0x3FA9] =	sst s2  }
0xb: {  	[smem:$0x3FAA] =	sst s3  }
0xc: {  	[smem:$0x3FAB] =	sst s4  }
0xd: {  	[smem:$0x3FAC] =	sst s5  }
0xe: {  	[smem:$0x3FAD] =	sst s6  }
0xf: {  	[smem:$0x3FAE] =	sst s7  }
0x10: {  	[smem:$0x3FAF] =	sst s8  }
0x11: {  	[smem:$0x3FB0] =	sst s9;
	s0 =	simm.s32 @!p0 $0x0  }
0x12: {  	s1 =	sld [smem:$0x3F96];
	s0 =	simm.s32 @p0 $0x1  }
0x13: {  	[smem:$0x3FB1] =	sst s0;
	s0 =	simm.s32 @!p1 $0x0  }
0x14: {  	s2 =	sld [smem:$0x3F95];
	s0 =	simm.s32 @p1 $0x1  }
0x15: {  	[smem:$0x3FB2] =	sst s0;
	s0 =	simm.s32 @!p2 $0x0  }
0x16: {  	s3 =	sld [smem:$0x3FDB];
	s0 =	simm.s32 @p2 $0x1  }
0x17: {  	s4 =	simm.s32 $0x1BF5;
	[smem:$0x3FB4] =	sst s0  }
0x18: {  	s0 =	sld [smem:$0x3F97];
	_ =	swait.ge [sflag:s4], $0x0  }
0x19: {  	s7 =	sld [smem:$0x3F98]  }
0x1a: {  	s8 =	sadd.s32 $0xFFFFE003, lr  }
0x1b: {  	s9 =	sadd.s32 $0xFFFFFEF7, lr;
	s5 =	simm.s32 $0xFFFFFFFF;
	p2 =	slt.u32 s8, $0xFFFFF086  }
0x1c: {  	p1 =	slt.u32 s9, $0xF7A;
	s5 =	simm.s32 @!p2 $0x0  }
0x1d: {  	s5 =	simm.s32 @p1 $0x1;
	p0 =	seq.s32 s7, s2  }
0x1e: {  	s7 =	smul.u32 @!p0 $0xF7A, s2;
	p2 =	seq.s32 @!p0 s5, $0x0  }
0x1f: {  	s9 =	smul.u32 $0xF7A, s1;
	s8 =	simm.s32 @!p0 $0x1BF5;
	p2 =	por !p2, p0  }
0x20: {  	[sflag:s8] =	ssyncset.s32 @!p0 $0xFFFFF086;
	s6 =	sadd.s32 @!p0 s3, s7;
	s7 =	simm.s32 @!p0 $0x108  }
0x21: {  	s3 =	sadd.s32 s3, s9;
	s6 =	sadd.s32 @!p0 $0x88, s6;
	s7 =	simm.s32 @p2 $0x1082  }
0x22: {  	[simem:s7], [sflag:s8] =	dma.local @!p0 [hbm:s6], $0xF7A  }
0x23: {  	s9 =	sor.u32 $0xD0000000, s2;
	s6 =	simm.s32 $0x108;
	_ =	swait.ge @!p0 [sflag:s8], $0x0  }
0x24: {  	s3 =	sadd.s32 $0x88, s3;
	s6 =	simm.s32 @!p1 $0x1082;
	[sflag:s4] =	ssyncset.s32 $0xFFFFF086  }
0x25: {  	[simem:s6], [sflag:s4] =	dma.local [hbm:s3], $0xF7A  }
0x26: {  	[smem:$0x3F98] =	sst s1;
	(tag) =	ssettag s2;
	_ =	strace s9  }
0x27: {  	s1 =	sld [smem:$0x3FA8]  }
0x28: {  	s2 =	sld [smem:$0x3FA9]  }
0x29: {  	s4 =	sld [smem:$0x3FAB]  }
0x2a: {  	p0 =	seq.s32 s5, $0x0;
	s5 =	sld [smem:$0x3FAC]  }
0x2b: {  	s6 =	sld [smem:$0x3FAD]  }
0x2c: {  	s7 =	sld [smem:$0x3FAE]  }
0x2d: {  	s3 =	simm.s32 $0x108;
	s8 =	sld [smem:$0x3FAF]  }
0x2e: {  	s3 =	simm.s32 @!p0 $0x1082;
	s9 =	sld [smem:$0x3FB0]  }
0x2f: {  	lr =	sadd.s32 s0, s3;
	s0 =	sld [smem:$0x3FA7]  }
0x30: {  	s3 =	sld [smem:$0x3FAA]  }
0x31: {  	[smem:$0x3FB3] =	sst s10  }
0x32: {  	s10 =	sld [smem:$0x3FB1];
	_ =	sdelay $0x3  }
0x33: {  	p0 =	seq.s32 s10, $0x1;
	s10 =	sld [smem:$0x3FB3];
	_ =	sdelay $0x3  }
0x34: {  	[smem:$0x3FB3] =	sst s10  }
0x35: {  	s10 =	sld [smem:$0x3FB2];
	_ =	sdelay $0x3  }
0x36: {  	p1 =	seq.s32 s10, $0x1;
	s10 =	sld [smem:$0x3FB3];
	_ =	sdelay $0x3  }
0x37: {  	[smem:$0x3FB3] =	sst s10  }
0x38: {  	s10 =	sld [smem:$0x3FB4]  }
0x39: {  	_ = 	snop;
	(pc) =	sbr.ind lr, $3  }
0x3a: {  	_ = 	snop  }
0x3b: {  	_ = 	snop  }
0x3c: {  	p2 =	seq.s32 s10, $0x1;
	s10 =	sld [smem:$0x3FB3]  }
0x3d: {  	_ =	shalt  }
0x3e: {  	_ =	shalt  }
0x3f: {  	_ =	shalt  }
0x40: {  	_ =	shalt  }
0x41: {  	_ =	shalt  }
0x42: {  	_ =	shalt  }
0x43: {  	_ =	shalt  }
0x44: {  	_ =	shalt  }
0x45: {  	_ =	shalt  }
0x46: {  	_ =	shalt  }
0x47: {  	_ =	shalt  }
0x48: {  	_ =	shalt  }
0x49: {  	_ =	shalt  }
0x4a: {  	_ =	shalt  }
0x4b: {  	_ =	shalt  }
0x4c: {  	_ =	shalt  }
0x4d: {  	_ =	shalt  }
0x4e: {  	_ =	shalt  }
0x4f: {  	_ =	shalt  }
0x50: {  	_ =	shalt  }
0x51: {  	_ =	shalt  }
0x52: {  	_ =	shalt  }
0x53: {  	_ =	shalt  }
0x54: {  	_ =	shalt  }
0x55: {  	_ =	shalt  }
0x56: {  	_ =	shalt  }
0x57: {  	_ =	shalt  }
0x58: {  	_ =	shalt  }
0x59: {  	_ =	shalt  }
0x5a: {  	_ =	shalt  }
0x5b: {  	_ =	shalt  }
0x5c: {  	_ =	shalt  }
0x5d: {  	_ =	shalt  }
0x5e: {  	_ =	shalt  }
0x5f: {  	_ =	shalt  }
0x60: {  	_ =	shalt  }
0x61: {  	_ =	shalt  }
0x62: {  	_ =	shalt  }
0x63: {  	_ =	shalt  }
0x64: {  	_ =	shalt  }
0x65: {  	_ =	shalt  }
0x66: {  	_ =	shalt  }
0x67: {  	_ =	shalt  }
0x68: {  	_ =	shalt  }
0x69: {  	_ =	shalt  }
0x6a: {  	_ =	shalt  }
0x6b: {  	_ =	shalt  }
0x6c: {  	_ =	shalt  }
0x6d: {  	_ =	shalt  }
0x6e: {  	_ =	shalt  }
0x6f: {  	_ =	shalt  }
0x70: {  	_ =	shalt  }
0x71: {  	_ =	shalt  }
0x72: {  	_ =	shalt  }
0x73: {  	_ =	shalt  }
0x74: {  	_ =	shalt  }
0x75: {  	_ =	shalt  }
0x76: {  	_ =	shalt  }
0x77: {  	_ =	shalt  }
0x78: {  	_ =	shalt  }
0x79: {  	_ =	shalt  }
0x7a: {  	_ =	shalt  }
0x7b: {  	_ =	shalt  }
0x7c: {  	_ =	shalt  }
0x7d: {  	_ =	shalt  }
0x7e: {  	_ =	shalt  }
0x7f: {  	_ =	shalt  }
0x80: {  	_ =	shalt  }
0x81: {  	_ =	shalt  }
0x82: {  	_ =	shalt  }
0x83: {  	_ =	shalt  }
0x84: {  	_ =	shalt  }
0x85: {  	_ =	shalt  }
0x86: {  	_ =	shalt  }
0x87: {  	_ =	shalt  }
.Lfunc_end0:
.L_simem_size_0:
called_computation_lowered:
.L_overlay_start_0:
0x88: {  	s2 =	sld [smem:$0x3FD9]  }
0x89: {  	s3 =	sld [smem:$0x3FFE];
	_ =	sdelay $0x1  }
0x8a: {  	s1 =	srdreg.scid  }
0x8b: {  	s0 =	sand.u32 $0x1, s1  }
0x8c: {  	s17 =	sshll.u32 s0, $0xA;
	s2 =	sadd.s32 s3, s2  }
0x8d: {  	s2 =	sadd.s32 s2, s17  }
0x8e: {  	[smem:$0x3FBF] =	sst s2  }
0x8f: {  	_ = 	snop  }
0x90: {  	s2 =	sld [smem:$0x3FC7];
	(tm) =	ssettm $0x1  }
0x91: {  	s18 =	sld [smem:$0x3FFB];
	_ =	sdelay $0x3  }
0x92: {  	_ =	strace s18  }
0x93: {  	s3 =	sld [smem:$0x3FFC];
	_ =	sdelay $0x3  }
0x94: {  	_ =	strace s3  }
0x95: {  	s3 =	sld [smem:$0x3FFD];
	_ =	sdelay $0x3  }
0x96: {  	_ =	strace s3  }
0x97: {  	_ =	strace $0x8FFFFFFF  }
0x98: {  	s19 =	sld [smem:$0x3FDB];
	_ =	sdelay $0x1  }
0x99: {  	s4 =	simm.s32 $_scs_section_size  }
0x9a: {  	s5 =	simm.s32 $_size__tile_overlayer_lowered;
	s6 =	simm.s32 $_tile_overlayer_lowered  }
0x9b: {  	s22 =	simm.s32 $0x1BFF;
	s21 =	sshll.u32 s6, $0x1;
	s3 =	sadd.s32 s4, s19  }
0x9c: {  	s7 =	simm.s32 $0x0;
	s20 =	sshll.u32 s5, $0x1;
	s5 =	sadd.s32 s21, s3  }
0x9d: {  	[timem:s7], [sflag:s22] =	dma.local [hbm:s5], s20  }
0x9e: {  	_ =	swait.ge [sflag:s22], s20  }
0x9f: {  	s4 =	ssub.s32 $0x0, s20;
	[sflag:s22] =	ssyncset.done $0x0  }
0xa0: {  	[sflag:s22] =	ssyncadd.s32 s4;
	_ =	sdelay $0x1  }
0xa1: {  	s23 =	simm.s32 $0x1B8B  }
0xa2: {  	_ =	swait.ge [sflag:s23], $0x1  }
0xa3: {  	[sflag:s23] =	ssyncset.done $0x0  }
0xa4: {  	s25 =	simm.s32 $0x1B8E;
	s24 =	sld [smem:$0x3FFE];
	[sflag:s23] =	ssyncadd.s32 $0xFFFFFFFF  }
0xa5: {  	s26 =	simm.s32 $execute0_lowered;
	[smem:$0x3FD2] =	sst s25  }
0xa6: {  	s5 =	sshll.u32 s26, $0x1;
	_ =	strace $0x80000046;
	[dreg:$0x1] =	wrdreg $0xFFFFFFFF  }
0xa7: {  	s28 =	simm.s32 $_size_execute0_lowered;
	s3 =	sadd.s32 s3, s5;
	[dreg:$0x0] =	wrdreg $0x0  }
0xa8: {  	s5 =	sshll.u32 s28, $0x1;
	[dreg:$0x2] =	wrdreg s3  }
0xa9: {  	[dreg:$0x3] =	wrdreg s5  }
0xaa: {  	[dreg:$0x4] =	wrdreg $0xC0  }
0xab: {  	_ =	task [dreg:s7], $0x5FFFF  }
0xac: {  	[dreg:$0x1] =	wrdreg $0xFFFFFFFF  }
0xad: {  	[dreg:$0x0] =	wrdreg $0x60  }
0xae: {  	[dreg:$0x2] =	wrdreg s24  }
0xaf: {  	[dreg:$0x3] =	wrdreg s2  }
0xb0: {  	[dreg:$0x4] =	wrdreg $0x9  }
0xb1: {  	_ =	task.clear_ibuf [dreg:s7], $0x5FFFF;
	_ =	strace $0x90000046  }
0xb2: {  	s29 =	simm.s32 $0x9;
	_ =	strace $0x80000048  }
0xb3: {  	_ =	swait.ge [sflag:s29], $0x1  }
0xb4: {  	[sflag:s29] =	ssyncadd.s32 $0xFFFFFFFF  }
0xb5: {  	_ =	strace $0x90000048  }
0xb6: {  	_ =	sfence  }
0xb7: {  	s30 =	sld [smem:$0x0];
	_ =	sdelay $0x2  }
0xb8: {  	s31 =	sshll.u32 s1, $0xD;
	s1 =	sshrl.u32 s1, $0x2  }
0xb9: {  	s3 =	sand.u32 $0x4000, s31;
	s1 =	sadd.s32 s1, s30  }
0xba: {  	s0 =	sor.u32 s3, s0;
	s1 =	sshll.u32 s1, $0x11  }
0xbb: {  	s0 =	sor.u32 s1, s0  }
0xbc: {  	s0 =	sadd.s32 $0x8F2B, s0  }
0xbd: {  	[sflag:s0] =	ssyncadd.remote.s32 $0x1  }
0xbe: {  	_ =	sfence.sel $0xFFFF  }
0xbf: {  	[dreg:$0x0] =	wrdreg $0xFFFFFFFF;
	(pc) =	sbr.abs _section_cstart, $3  }
0xc0: {  	[dreg:$0x1] =	wrdreg $0xFFFFFFFF  }
0xc1: {  	_ =	task.clear_ibuf [dreg:s7], $0x2FFFF;
	_ =	strace $0x9FFFFFFF  }
0xc2: {  	(tm) =	ssettm $0x7FFFFFFF  }
0xc3: {  	_ =	shalt  }
tec
execute0_lowered:
.L_overlay_start_1:
0x0: {  	(tag) =	ssettag $0x1  }
0x1: {  	s4 =	rddreg [dreg:$0x0]  }
0x2: {  	s0 =	srdreg.scid;
	s5 =	rddreg [dreg:$0x1]  }
0x3: {  	s2 =	simm.s32 $0x0;
	s9 =	simm.s32 $0x2;
	s10 =	simm.s32 $0x4F00  }
0x4: {  	s11 =	simm.s32 $0x80;
	s12 =	simm.s32 $0x400;
	s3 =	sand.u32 $0x1, s0  }
0x5: {  	s13 =	simm.s32 $0x3;
	s0 =	stileid.u32;
	s1 =	sshll.u32 s3, $0x4  }
0x6: {  	s14 =	simm.s32 $0x0;
	[smem:$0x7FF] =	sst s2;
	s6 =	sor.u32 s0, s1  }
0x7: {  	s8 =	sshll.u32 s0, $0x7;
	s7 =	sshrl.u32 s6, $0x3;
	s6 =	smul.u32 $0x2710, s6  }
0x8: {  	s3 =	ssub.s32 $0x2, s3;
	s1 =	rddreg [dreg:$0x2];
	s7 =	smul.u32 $0x14000, s7  }
0x9: {  	s8 =	sand.u32 $0x380, s8;
	_ =	strace $0x80000047;
	s6 =	sshrl.u32 s6, $0x3  }
0xa: {  	s30 =	sshrl.u32 s3, $0x1;
	s7 =	sor.u32 s8, s7;
	s31 =	sadd.s32 s4, s6  }
0xb: {  	s8 =	ssub.s32 s3, s30;
	s7 =	sshrl.u32 s7, $0x3;
	s3 =	sadd.s32 $0xC840, s31  }
0xc: {  	s7 =	sadd.s32 s7, s4;
	s4 =	sadd.s32 s5, s6;
	s6 =	smax.u32 s8, $0x1  }
0xd: {  	v0 =	vimm.f32 $0.0e+00;
	s8 =	simm.s32 $0x1;
	s5 =	sadd.s32 $0x16600, s7;
	s7 =	simm.s32 $0x2780  }
.LBB2_1:
0xe: {  	[tilespmem:s2], [sflag:$0x1] =	stream.linear.gather [hbm4b:s3+s2], $0x2710, $0x38;
	[tilespmem:$0x7700] =	vst v63  }
0xf: {  	s15 =	simm.s32 $0x4F40  }
0x10: {  	[tilespmem:s7], [sflag:$0x2] =	stream.linear.gather [hbm4b:s4+s2], $0x2710, $0x38;
	[tilespmem:$0x7700] =	vst v63  }
0x11: {  	[tilespmem:s15+$0xFFFFFFC0] =	vst v0  }
0x12: {  	[tilespmem:s15+$0x30] =	vst v0  }
0x13: {  	[tilespmem:s15+$0x20] =	vst v0  }
0x14: {  	[tilespmem:s15+$0x10] =	vst v0  }
0x15: {  	[tilespmem:s15+$0x0] =	vst v0  }
0x16: {  	[tilespmem:s15+$0xFFFFFFF0] =	vst v0  }
0x17: {  	s16 =	simm.s32 $0x0;
	[tilespmem:s15+$0xFFFFFFE0] =	vst v0  }
.LBB2_2:
0x18: {  	s16 =	sadd.s32 $0x8, s16;
	[tilespmem:s15+$0xFFFFFFD0] =	vst v0;
	s15 =	sadd.s32 $0x80, s15  }
0x19: {  	[tilespmem:s15+$0xFFFFFFC0] =	vst v0;
	p0 =	slt.u32 s16, $0x278  }
0x1a: {  	[tilespmem:s15+$0x30] =	vst v0  }
.Ltmp0:
0x1b: {  	[tilespmem:s15+$0x20] =	vst v0;
	(pc) =	sbr.rel @p0 .LBB2_2-.Ltmp0, $4  }
0x1c: {  	[tilespmem:s15+$0x10] =	vst v0  }
0x1d: {  	[tilespmem:s15+$0x0] =	vst v0  }
0x1e: {  	[tilespmem:s15+$0xFFFFFFF0] =	vst v0  }
0x1f: {  	[tilespmem:s15+$0xFFFFFFE0] =	vst v0  }
0x20: {  	[tilespmem:s15+$0xFFFFFFD0] =	vst v0  }
0x21: {  	_ =	swait.ge [sflag:s8], $0x2710  }
0x22: {  	[sflag:s8] =	ssyncset.done $0x0  }
0x23: {  	[sflag:s8] =	ssyncadd.s32 $0xFFFFD8F0  }
0x24: {  	_ =	swait.ge [sflag:s9], $0x2710  }
0x25: {  	[sflag:s9] =	ssyncset.done $0x0  }
0x26: {  	s31 =	simm.s32 $0x20;
	[sflag:s9] =	ssyncadd.s32 $0xFFFFD8F0  }
0x27: {  	v2 =	vld [tilespmem:s31+$0x10];
	_ =	sdelay $0x2  }
0x28: {  	v4 =	vld [tilespmem:s31+$0xFFFFFFE0]  }
0x29: {  	v6 =	vld [tilespmem:s31+$0xFFFFFFF0]  }
0x2a: {  	v1 =	vcvt.s32.f32 v2;
	_ =	sdelay $0x1  }
0x2b: {  	v11 =	vld [tilespmem:s31+$0x0];
	v1 =	vmul.f32 $1.000000050e-03, v1  }
0x2c: {  	v3 =	vcvt.s32.f32 v4  }
0x2d: {  	v5 =	vcvt.s32.f32 v6;
	v1 =	vtrunc.f32 v1  }
0x2e: {  	s15 =	simm.s32 $0x27A0;
	v1 =	vcvt.f32.s32 v1  }
0x2f: {  	s16 =	simm.s32 $0x60;
	v10 =	vld [tilespmem:s15+$0x10];
	v7 =	vmul.f32 $1.000000050e-03, v3;
	v5 =	vmul.f32 $1.000000050e-03, v5  }
0x30: {  	v9 =	vcvt.s32.f32 v11;
	v3 =	vld [tilespmem:s16+$0x10];
	v8 =	vmul.u32 $0x18, v1  }
0x31: {  	v7 =	vtrunc.f32 v7;
	v12 =	vtrunc.f32 v5;
	v5 =	vld [tilespmem:s16+$0xFFFFFFE0]  }
0x32: {  	v7 =	vcvt.f32.s32 v7;
	v1 =	vld [tilespmem:s16+$0xFFFFFFF0];
	v8 =	vadd.s32 v2, v8  }
0x33: {  	v9 =	vmul.f32 $1.000000050e-03, v9;
	v2 =	vld [tilespmem:s16+$0x0]  }
0x34: {  	v7 =	vmul.u32 $0x18, v7  }
0x35: {  	v9 =	vtrunc.f32 v9;
	v13 =	vcvt.s32.f32 v3  }
0x36: {  	v14 =	vld [tilespmem:s15+$0xFFFFFFE0];
	v12 =	vcvt.f32.s32 v12;
	v16 =	vadd.s32 v4, v7;
	v4 =	vcvt.f32.s32 v9  }
0x37: {  	v9 =	vmul.f32 $1.000000050e-03, v13;
	v15 =	vcvt.s32.f32 v1;
	[tilespmem:v8+s10+$0x0] =	vst.idx.add.f32.msk $0xffff, v10  }
0x38: {  	v12 =	vmul.u32 $0x18, v12;
	v17 =	vcvt.s32.f32 v5;
	v10 =	vcvt.s32.f32 v2;
	v8 =	vld [tilespmem:s15+$0x0]  }
0x39: {  	v18 =	vtrunc.f32 v9;
	v13 =	vmul.f32 $1.000000050e-03, v15;
	v15 =	vmul.u32 $0x18, v4  }
0x3a: {  	v7 =	vld [tilespmem:s15+$0xFFFFFFF0];
	v4 =	vadd.s32 v6, v12;
	v9 =	vmul.f32 $1.000000050e-03, v10;
	v10 =	vcvt.f32.s32 v18  }
0x3b: {  	s17 =	simm.s32 $0xA0;
	s16 =	simm.s32 $0x4;
	[tilespmem:v16+s10+$0x0] =	vst.idx.add.f32.msk $0xffff, v14;
	v6 =	vadd.s32 v11, v15;
	v11 =	vmul.f32 $1.000000050e-03, v17;
	v12 =	vtrunc.f32 v13  }
.LBB2_4:
0x3c: {  	v13 =	vld [tilespmem:s17+$0x10];
	s16 =	sadd.s32 $0x4, s16;
	v12 =	vcvt.f32.s32 v12;
	v9 =	vtrunc.f32 v9;
	v10 =	vmul.u32 $0x18, v10  }
0x3d: {  	s15 =	sadd.s32 $0x40, s15;
	v14 =	vld [tilespmem:s17+$0xFFFFFFF0];
	p0 =	slt.u32 s16, $0x26C;
	v11 =	vtrunc.f32 v11;
	v9 =	vcvt.f32.s32 v9;
	v15 =	vmov v8  }
0x3e: {  	v8 =	vcvt.f32.s32 v11;
	v11 =	vmul.u32 $0x18, v12;
	v10 =	vadd.s32 v3, v10;
	v12 =	vld [tilespmem:s15+$0x10]  }
0x3f: {  	v16 =	vld [tilespmem:s17+$0x0];
	v20 =	vmul.u32 $0x18, v9  }
0x40: {  	v9 =	vld [tilespmem:s17+$0xFFFFFFE0];
	v8 =	vmul.u32 $0x18, v8;
	v11 =	vadd.s32 v1, v11  }
0x41: {  	v17 =	vcvt.s32.f32 v13;
	v18 =	vld [tilespmem:s15+$0xFFFFFFE0];
	v19 =	vadd.s32 v2, v20;
	v3 =	vmov v13  }
0x42: {  	v21 =	vcvt.s32.f32 v14;
	v13 =	vadd.s32 v5, v8;
	v20 =	vld [tilespmem:s15+$0xFFFFFFF0];
	v1 =	vmov v14  }
.Ltmp1:
0x43: {  	v17 =	vmul.f32 $1.000000050e-03, v17;
	[tilespmem:v10+s10+$0x0] =	vst.idx.add.f32.msk $0xffff, v12;
	(pc) =	sbr.rel @p0 .LBB2_4-.Ltmp1, $4  }
0x44: {  	v12 =	vmul.f32 $1.000000050e-03, v21;
	v10 =	vcvt.s32.f32 v16;
	v8 =	vld [tilespmem:s15+$0x0];
	v2 =	vmov v16  }
0x45: {  	v14 =	vcvt.s32.f32 v9;
	v16 =	vtrunc.f32 v17;
	[tilespmem:v4+s10+$0x0] =	vst.idx.add.f32.msk $0xffff, v7;
	v5 =	vmovc v9;
	v4 =	vmov v11  }
0x46: {  	v9 =	vmul.f32 $1.000000050e-03, v10;
	v10 =	vcvt.f32.s32 v16;
	[tilespmem:v6+s10+$0x0] =	vst.idx.add.f32.msk $0xffff, v15;
	v6 =	vmov v19  }
0x47: {  	s17 =	sadd.s32 $0x40, s17;
	v12 =	vtrunc.f32 v12;
	v11 =	vmul.f32 $1.000000050e-03, v14;
	[tilespmem:v13+s10+$0x0] =	vst.idx.add.f32.msk $0xffff, v18;
	v7 =	vmov v20  }
0x48: {  	v10 =	vmul.u32 $0x18, v10  }
0x49: {  	s15 =	sadd.s32 $0x40, s15  }
0x4a: {  	v12 =	vcvt.f32.s32 v12;
	v11 =	vtrunc.f32 v11;
	v62 =	vld [tilespmem:s15+$0x10];
	v3 =	vadd.s32 v3, v10  }
0x4b: {  	v9 =	vtrunc.f32 v9;
	v11 =	vcvt.f32.s32 v11  }
0x4c: {  	v9 =	vcvt.f32.s32 v9;
	v12 =	vmul.u32 $0x18, v12  }
0x4d: {  	v13 =	vld [tilespmem:s15+$0xFFFFFFE0];
	v11 =	vmul.u32 $0x18, v11  }
0x4e: {  	v63 =	vld [tilespmem:s15+$0xFFFFFFF0];
	v9 =	vmul.u32 $0x18, v9;
	v1 =	vadd.s32 v1, v12  }
0x4f: {  	v5 =	vadd.s32 v5, v11;
	[tilespmem:v3+s10+$0x0] =	vst.idx.add.f32.msk $0xffff, v62  }
0x50: {  	v2 =	vadd.s32 v2, v9;
	v3 =	vld [tilespmem:s15+$0x0]  }
0x51: {  	[tilespmem:v4+s10+$0x0] =	vst.idx.add.f32.msk $0xffff, v7  }
0x52: {  	[tilespmem:v6+s10+$0x0] =	vst.idx.add.f32.msk $0xffff, v8  }
0x53: {  	[tilespmem:v1+s10+$0x0] =	vst.idx.add.f32.msk $0xffff, v63  }
0x54: {  	[tilespmem:v5+s10+$0x0] =	vst.idx.add.f32.msk $0xffff, v13  }
0x55: {  	[tilespmem:v2+s10+$0x0] =	vst.idx.add.f32.msk $0xffff, v3  }
0x56: {  	v1 =	vld [tilespmem:$0x2700];
	_ =	sdelay $0x4  }
0x57: {  	v2 =	vcvt.s32.f32 v1;
	_ =	sdelay $0x1  }
0x58: {  	v2 =	vmul.f32 $1.000000050e-03, v2;
	_ =	sdelay $0x1  }
0x59: {  	v2 =	vtrunc.f32 v2  }
0x5a: {  	v2 =	vcvt.f32.s32 v2;
	_ =	sdelay $0x1  }
0x5b: {  	v2 =	vmul.u32 $0x18, v2;
	_ =	sdelay $0x1  }
0x5c: {  	v1 =	vadd.s32 v1, v2;
	v2 =	vld [tilespmem:$0x4E80];
	_ =	sdelay $0x2  }
0x5d: {  	s14 =	sadd.s32 $0x1, s14  }
0x5e: {  	p0 =	sne.s32 s14, s6  }
.Ltmp2:
0x5f: {  	[tilespmem:v1+s10+$0x0] =	vst.idx.add.f32.msk $0xffff, v2;
	(pc) =	sbr.rel @p0 .LBB2_1-.Ltmp2, $4  }
0x60: {  	[hbm4b:s5+s11] =	stream.strided.scatter [tilespmem:s10], [sflag:$0x3], $0x2800, s12, s11, $0x38;
	[tilespmem:$0x7700] =	vst v63  }
0x61: {  	_ =	swait.ge [sflag:s13], $0x2800  }
0x62: {  	[sflag:s13] =	ssyncset.done $0x0  }
0x63: {  	[sflag:s13] =	ssyncadd.s32 $0xFFFFD800  }
0x64: {  	_ =	sfence.sel $0x180000  }
0x65: {  	[bflag:$0x0] =	sbarrier.arrive $0xFFFF  }
0x66: {  	p0 =	sne.s32 s0, $0x0;
	_ =	strace $0x90000047  }
0x67: {  	s0 =	sadd.s32 @!p0 $0x100000, s1;
	[bflag:$0x2] =	sbarrier.arrive $0xFFFF  }
0x68: {  	[sflag:s0] =	ssyncadd.tile.s32 @!p0 $0x1;
	_ =	shalt  }
.Lfunc_end2:
_tile_overlayer_lowered:
.L_overlay_start_2:
0x69: {  	(tag) =	ssettag $0x2  }
0x6a: {  	s0 =	rddreg [dreg:$0x0];
	s2 =	stileid.u32  }
0x6b: {  	s1 =	rddreg [dreg:$0x1];
	p0 =	sne.s32 s2, $0x0  }
0x6c: {  	s3 =	rddreg [dreg:$0x2];
	[bflag:$0x3] =	sbarrier.arrive $0xFFFF;
	s2 =	simm.s32 @!p0 $0x1C03  }
0x6d: {  	[timem:s3], [sflag:s2] =	dma.local @!p0 [hbm:s0], s1  }
0x6e: {  	s0 =	simm.s32 @!p0 $0x3  }
0x6f: {  	_ =	swait.ge @!p0 [sflag:s0], s1  }
0x70: {  	s1 =	ssub.s32 @!p0 $0x0, s1;
	[sflag:s0] =	ssyncset.done @!p0 $0x0  }
0x71: {  	[sflag:s0] =	ssyncadd.s32 @!p0 s1  }
0x72: {  	[bflag:$0x3] =	sbarrier.arrive $0xFFFF  }
0x73: {  	_ =	shalt  }

</sc_bundles>
